<compile_context>
chip_gen: v7x
topology: tpu7x:2x2x1
jax: 0.10.2.dev20260603
libtpu: 0.0.44.dev20260713+nightly
codegen_flags: <defaults>
</compile_context>

<pallas_src>
import jax
import jax.numpy as jnp
from jax import lax
from jax.experimental import pallas as pl
from jax.experimental.pallas import tpu as pltpu
from jax.experimental.pallas import tpu_sc as plsc

D_SINGLE = 384
D_PAIR = 128
NUM_AA = 21
MAX_REL = 32
N_RES = 1024

PAD_ROWS = 2 * N_RES + 2 * MAX_REL
_G = 8
_BIG_ROWS = PAD_ROWS + _G
_N_SEM = 8

_N_SC_CORES = 2
_N_SC_WORKERS = 16 * _N_SC_CORES
_ROWS_PER_W = N_RES // _N_SC_WORKERS


def _single_sc_kernel(table_hbm, idx_hbm, out_hbm, idx_v, rows_v, sem):
    wid = lax.axis_index("s") * _N_SC_CORES + lax.axis_index("c")
    base = wid * _ROWS_PER_W
    pltpu.sync_copy(idx_hbm.at[pl.ds(base, _ROWS_PER_W)], idx_v)
    pltpu.async_copy(table_hbm.at[idx_v], rows_v, sem).wait()
    pltpu.sync_copy(rows_v, out_hbm.at[pl.ds(base, _ROWS_PER_W)])


def _pair_bigdma_kernel(table_ref, out_hbm, big_ref, sems):
    hi = table_ref[2 * MAX_REL, :]
    lo = table_ref[0, :]
    big_ref[0, pl.ds(0, N_RES), :] = jnp.broadcast_to(hi, (N_RES, D_PAIR))
    for r in range(2 * MAX_REL + 1):
        big_ref[0, N_RES + r, :] = table_ref[2 * MAX_REL - r, :]
    tail = PAD_ROWS - N_RES - 2 * MAX_REL - 1
    big_ref[0, pl.ds(N_RES + 2 * MAX_REL + 1, tail), :] = jnp.broadcast_to(
        lo, (tail, D_PAIR)
    )
    for g in range(1, _G):
        big_ref[g, pl.ds(g, PAD_ROWS), :] = big_ref[0, pl.ds(0, PAD_ROWS), :]

    pending = [None] * _N_SEM
    for blk in range(N_RES // _G):
        i = blk * _G
        slot = blk % _N_SEM
        if pending[slot] is not None:
            pending[slot].wait()
        d = pltpu.make_async_copy(
            big_ref.at[:, pl.ds((N_RES + MAX_REL) - i, N_RES), :],
            out_hbm.at[pl.ds(i, _G)],
            sems.at[slot],
        )
        d.start()
        pending[slot] = d
    for d in pending:
        if d is not None:
            d.wait()


def kernel(target_seq, W_dense, b_dense, relpos_table):
    table_wb = W_dense + b_dense[None, :]
    single = pl.kernel(
        _single_sc_kernel,
        mesh=plsc.VectorSubcoreMesh(
            core_axis_name="c", subcore_axis_name="s", num_cores=_N_SC_CORES
        ),
        out_type=jax.ShapeDtypeStruct((N_RES, D_SINGLE), jnp.float32),
        scratch_types=[
            pltpu.VMEM((_ROWS_PER_W,), jnp.int32),
            pltpu.VMEM((_ROWS_PER_W, D_SINGLE), jnp.float32),
            pltpu.SemaphoreType.DMA,
        ],
    )(table_wb, target_seq.astype(jnp.int32))

    pair = pl.pallas_call(
        _pair_bigdma_kernel,
        in_specs=[pl.BlockSpec((2 * MAX_REL + 1, D_PAIR), lambda: (0, 0))],
        out_specs=pl.BlockSpec(memory_space=pl.ANY),
        out_shape=jax.ShapeDtypeStruct((N_RES, N_RES, D_PAIR), jnp.float32),
        scratch_shapes=[
            pltpu.VMEM((_G, _BIG_ROWS, D_PAIR), jnp.float32),
            pltpu.SemaphoreType.DMA((_N_SEM,)),
        ],
    )(relpos_table)

    return (single, pair)

# --- scband reference (transcript-rebuilt; emitter-appended) ---
"""Pipeline reference for scband-input-embedder-32744830664930 (READ-ONLY COPY).

The authoritative reference and input builder live on the scoring server;
editing this copy changes nothing except your own understanding.
"""

import jax, jax.numpy as jnp
import numpy as np

D_SINGLE = 384
D_PAIR = 128
NUM_AA = 21
MAX_REL = 32
N_RES = 1024

def setup_inputs(seed: int = 0) -> dict:
    key = jax.random.key(seed)
    k1, k2, k3, k4 = jax.random.split(key, 4)
    target_seq = jax.random.randint(k1, (N_RES,), 0, NUM_AA, dtype=jnp.int64 if jax.config.jax_enable_x64 else jnp.int32)
    # Dense layer params (flax Dense: kernel [in, out], bias [out])
    W_dense = jax.random.normal(k2, (NUM_AA, D_SINGLE), dtype=jnp.float32) * (1.0 / np.sqrt(NUM_AA))
    b_dense = jnp.zeros((D_SINGLE,), dtype=jnp.float32)
    # Relative-position embedding table: 2*max_rel+1 rows
    relpos_table = jax.random.normal(k3, (2 * MAX_REL + 1, D_PAIR), dtype=jnp.float32) * 0.02
    return {"target_seq": target_seq, "W_dense": W_dense, "b_dense": b_dense, "relpos_table": relpos_table}

def reference(target_seq, W_dense, b_dense, relpos_table):
    # single representation: one-hot -> Dense
    one_hot = jax.nn.one_hot(target_seq, NUM_AA, dtype=jnp.float32)
    single_repr = jnp.dot(one_hot, W_dense) + b_dense
    # pair representation: relative position embedding lookup
    n_res = target_seq.shape[0]
    residue_indices = jnp.arange(n_res)
    relative_positions = jnp.expand_dims(residue_indices, 1) - jnp.expand_dims(residue_indices, 0)
    relative_positions = jnp.clip(relative_positions, -MAX_REL, MAX_REL)
    relative_positions = (relative_positions + MAX_REL).astype(jnp.int32)
    pair_repr = jnp.take(relpos_table, relative_positions, axis=0)
    return (single_repr, pair_repr)

if __name__ == "__main__":
    import jax
    _d = setup_inputs()
    print(jax.jit(kernel)(*tuple(_d.values())))

</pallas_src>

<mosaic_0001>
#map = affine_map<(d0, d1) -> (0, 0)>
#map1 = affine_map<(d0, d1) -> (0)>
module attributes {stable_mosaic.version = 14 : i64} {
  func.func @_single_sc_kernel(%arg0: i32, %arg1: i32, %arg2: memref<21x384xf32, #tpu.memory_space<hbm>>, %arg3: memref<1024xi32, #tpu.memory_space<hbm>>, %arg4: memref<1024x384xf32, #tpu.memory_space<hbm>>, %arg5: memref<32xi32, #tpu.memory_space<vmem>>, %arg6: memref<32x384xf32, #tpu.memory_space<vmem>>, %arg7: memref<!tpu.dma_semaphore, #tpu.memory_space<semaphore_mem>>) attributes {dimension_semantics = [#tpu.dimension_semantics<core_parallel>, #tpu.dimension_semantics<subcore_parallel>], iteration_bounds = array<i64: 2, 16>, scalar_prefetch = 0 : i64, scratch_operands = 3 : i64, tpu.core_type = #tpu.core_type<sc_vector_subcore>, window_params = [{transform_indices = #map}, {transform_indices = #map1}, {transform_indices = #map}]} {
    %mul3A = arith.constant 2 : i32
    %mul3A_0 = arith.muli %arg1, %mul3A : i32
    %add3A = arith.addi %mul3A_0, %arg0 : i32
    %mul3A_1 = arith.constant 32 : i32
    %mul3A_2 = arith.muli %add3A, %mul3A_1 : i32
    "tpu.region"() ({
      %run_scoped3A = tpu.sem_alloc : memref<!tpu.dma_semaphore, #tpu.memory_space<semaphore_mem>>
      %dma_start3A_7 = tpu.memref_slice %arg3[%mul3A_2] : memref<1024xi32, #tpu.memory_space<hbm>> -> memref<32xi32, #tpu.memory_space<hbm>>
      %dma_start3A_8 = tpu.memref_slice %arg3[%mul3A_2] : memref<1024xi32, #tpu.memory_space<hbm>> -> memref<32xi32, #tpu.memory_space<hbm>>
      tpu.enqueue_dma source(%dma_start3A_8 : memref<32xi32, #tpu.memory_space<hbm>>) target(%arg5 : memref<32xi32, #tpu.memory_space<vmem>>) target_semaphore(%run_scoped3A : memref<!tpu.dma_semaphore, #tpu.memory_space<semaphore_mem>>)
      %dma_wait3A_9 = tpu.memref_slice %arg3[%mul3A_2] : memref<1024xi32, #tpu.memory_space<hbm>> -> memref<32xi32, #tpu.memory_space<hbm>>
      %dma_wait3A_10 = tpu.memref_slice %arg3[%mul3A_2] : memref<1024xi32, #tpu.memory_space<hbm>> -> memref<32xi32, #tpu.memory_space<hbm>>
      tpu.wait_dma2 semaphore(%run_scoped3A : memref<!tpu.dma_semaphore, #tpu.memory_space<semaphore_mem>>) src(%dma_wait3A_10 : memref<32xi32, #tpu.memory_space<hbm>>) dst(%arg5 : memref<32xi32, #tpu.memory_space<vmem>>)
      tpu.yield
    }) : () -> ()
    %dma_start3A = arith.constant 0 : i32
    %dma_start3A_3 = arith.constant 0 : i32
    %dma_start3A_4 = tpu.memref_slice %arg2[%dma_start3A, %dma_start3A_3] : memref<21x384xf32, #tpu.memory_space<hbm>> -> memref<21x384xf32, #tpu.memory_space<hbm>>
    tpu.enqueue_indirect_dma source(%dma_start3A_4 : memref<21x384xf32, #tpu.memory_space<hbm>>) target(%arg6 : memref<32x384xf32, #tpu.memory_space<vmem>>) offsets(%arg5 : memref<32xi32, #tpu.memory_space<vmem>>) semaphore(%arg7 : memref<!tpu.dma_semaphore, #tpu.memory_space<semaphore_mem>>)
    %dma_wait3A = arith.constant 0 : i32
    %dma_wait3A_5 = arith.constant 0 : i32
    %dma_wait3A_6 = tpu.memref_slice %arg2[%dma_wait3A, %dma_wait3A_5] : memref<21x384xf32, #tpu.memory_space<hbm>> -> memref<21x384xf32, #tpu.memory_space<hbm>>
    tpu.wait_indirect_dma semaphore(%arg7 : memref<!tpu.dma_semaphore, #tpu.memory_space<semaphore_mem>>) src(%dma_wait3A_6 : memref<21x384xf32, #tpu.memory_space<hbm>>) dst(%arg6 : memref<32x384xf32, #tpu.memory_space<vmem>>)
    "tpu.region"() ({
      %run_scoped3A = tpu.sem_alloc : memref<!tpu.dma_semaphore, #tpu.memory_space<semaphore_mem>>
      %dma_start3A_7 = arith.constant 0 : i32
      %dma_start3A_8 = tpu.memref_slice %arg4[%mul3A_2, %dma_start3A_7] : memref<1024x384xf32, #tpu.memory_space<hbm>> -> memref<32x384xf32, #tpu.memory_space<hbm>>
      %dma_start3A_9 = arith.constant 0 : i32
      %dma_start3A_10 = tpu.memref_slice %arg4[%mul3A_2, %dma_start3A_9] : memref<1024x384xf32, #tpu.memory_space<hbm>> -> memref<32x384xf32, #tpu.memory_space<hbm>>
      tpu.enqueue_dma source(%arg6 : memref<32x384xf32, #tpu.memory_space<vmem>>) target(%dma_start3A_10 : memref<32x384xf32, #tpu.memory_space<hbm>>) target_semaphore(%run_scoped3A : memref<!tpu.dma_semaphore, #tpu.memory_space<semaphore_mem>>)
      %dma_wait3A_11 = arith.constant 0 : i32
      %dma_wait3A_12 = tpu.memref_slice %arg4[%mul3A_2, %dma_wait3A_11] : memref<1024x384xf32, #tpu.memory_space<hbm>> -> memref<32x384xf32, #tpu.memory_space<hbm>>
      %dma_wait3A_13 = arith.constant 0 : i32
      %dma_wait3A_14 = tpu.memref_slice %arg4[%mul3A_2, %dma_wait3A_13] : memref<1024x384xf32, #tpu.memory_space<hbm>> -> memref<32x384xf32, #tpu.memory_space<hbm>>
      tpu.wait_dma2 semaphore(%run_scoped3A : memref<!tpu.dma_semaphore, #tpu.memory_space<semaphore_mem>>) src(%arg6 : memref<32x384xf32, #tpu.memory_space<vmem>>) dst(%dma_wait3A_14 : memref<32x384xf32, #tpu.memory_space<hbm>>)
      tpu.yield
    }) : () -> ()
    return
  }
}

module attributes {stable_mosaic.version = 14 : i64} {
  func.func @_pair_bigdma_kernel(%arg0: memref<65x128xf32, #tpu.memory_space<vmem>>, %arg1: memref<1024x1024x128xf32, #tpu.memory_space<any>>, %arg2: memref<8x2120x128xf32, #tpu.memory_space<vmem>>, %arg3: memref<8x!tpu.dma_semaphore, #tpu.memory_space<semaphore_mem>>) attributes {dimension_semantics = [], scalar_prefetch = 0 : i64, scratch_operands = 2 : i64, tpu.core_type = #tpu.core_type<tc>} {
    %get3A = arith.constant 64 : index
    %get3A_0 = arith.constant 0 : index
    %get3A_1 = vector.load %arg0[%get3A, %get3A_0] : memref<65x128xf32, #tpu.memory_space<vmem>>, vector<1x128xf32>
    %get3A_2 = vector.shape_cast %get3A_1 : vector<1x128xf32> to vector<128xf32>
    %get3A_3 = arith.constant 0 : index
    %get3A_4 = arith.constant 0 : index
    %get3A_5 = vector.load %arg0[%get3A_3, %get3A_4] : memref<65x128xf32, #tpu.memory_space<vmem>>, vector<1x128xf32>
    %get3A_6 = vector.shape_cast %get3A_5 : vector<1x128xf32> to vector<128xf32>
    %broadcast_in_dim3A = vector.shape_cast %get3A_2 : vector<128xf32> to vector<1x128xf32>
    %broadcast_in_dim3A_7 = vector.broadcast %broadcast_in_dim3A : vector<1x128xf32> to vector<1024x128xf32>
    %swap3A = arith.constant 0 : index
    %swap3A_8 = arith.constant 0 : index
    %swap3A_9 = arith.constant 0 : index
    %swap3A_10 = vector.load %arg2[%swap3A, %swap3A_8, %swap3A_9] : memref<8x2120x128xf32, #tpu.memory_space<vmem>>, vector<1x1024x128xf32>
    %swap3A_11 = vector.shape_cast %swap3A_10 : vector<1x1024x128xf32> to vector<1024x128xf32>
    %swap3A_12 = vector.shape_cast %broadcast_in_dim3A_7 : vector<1024x128xf32> to vector<1x1024x128xf32>
    tpu.vector_store %arg2[%swap3A, %swap3A_8, %swap3A_9], %swap3A_12 {strides = array<i32>} : memref<8x2120x128xf32, #tpu.memory_space<vmem>>, vector<1x1024x128xf32>,
    %get3A_13 = arith.constant 64 : index
    %get3A_14 = arith.constant 0 : index
    %get3A_15 = vector.load %arg0[%get3A_13, %get3A_14] : memref<65x128xf32, #tpu.memory_space<vmem>>, vector<1x128xf32>
    %get3A_16 = vector.shape_cast %get3A_15 : vector<1x128xf32> to vector<128xf32>
    %swap3A_17 = arith.constant 0 : index
    %swap3A_18 = arith.constant 1024 : index
    %swap3A_19 = arith.constant 0 : index
    %swap3A_20 = vector.load %arg2[%swap3A_17, %swap3A_18, %swap3A_19] : memref<8x2120x128xf32, #tpu.memory_space<vmem>>, vector<1x1x128xf32>
    %swap3A_21 = vector.shape_cast %swap3A_20 : vector<1x1x128xf32> to vector<128xf32>
    %swap3A_22 = vector.shape_cast %get3A_16 : vector<128xf32> to vector<1x1x128xf32>
    tpu.vector_store %arg2[%swap3A_17, %swap3A_18, %swap3A_19], %swap3A_22 {strides = array<i32>} : memref<8x2120x128xf32, #tpu.memory_space<vmem>>, vector<1x1x128xf32>,
    %get3A_23 = arith.constant 63 : index
    %get3A_24 = arith.constant 0 : index
    %get3A_25 = vector.load %arg0[%get3A_23, %get3A_24] : memref<65x128xf32, #tpu.memory_space<vmem>>, vector<1x128xf32>
    %get3A_26 = vector.shape_cast %get3A_25 : vector<1x128xf32> to vector<128xf32>
    %swap3A_27 = arith.constant 0 : index
    %swap3A_28 = arith.constant 1025 : index
    %swap3A_29 = arith.constant 0 : index
    %swap3A_30 = vector.load %arg2[%swap3A_27, %swap3A_28, %swap3A_29] : memref<8x2120x128xf32, #tpu.memory_space<vmem>>, vector<1x1x128xf32>
    %swap3A_31 = vector.shape_cast %swap3A_30 : vector<1x1x128xf32> to vector<128xf32>
    %swap3A_32 = vector.shape_cast %get3A_26 : vector<128xf32> to vector<1x1x128xf32>
    tpu.vector_store %arg2[%swap3A_27, %swap3A_28, %swap3A_29], %swap3A_32 {strides = array<i32>} : memref<8x2120x128xf32, #tpu.memory_space<vmem>>, vector<1x1x128xf32>,
    %get3A_33 = arith.constant 62 : index
    %get3A_34 = arith.constant 0 : index
    %get3A_35 = vector.load %arg0[%get3A_33, %get3A_34] : memref<65x128xf32, #tpu.memory_space<vmem>>, vector<1x128xf32>
    %get3A_36 = vector.shape_cast %get3A_35 : vector<1x128xf32> to vector<128xf32>
    %swap3A_37 = arith.constant 0 : index
    %swap3A_38 = arith.constant 1026 : index
    %swap3A_39 = arith.constant 0 : index
    %swap3A_40 = vector.load %arg2[%swap3A_37, %swap3A_38, %swap3A_39] : memref<8x2120x128xf32, #tpu.memory_space<vmem>>, vector<1x1x128xf32>
    %swap3A_41 = vector.shape_cast %swap3A_40 : vector<1x1x128xf32> to vector<128xf32>
    %swap3A_42 = vector.shape_cast %get3A_36 : vector<128xf32> to vector<1x1x128xf32>
    tpu.vector_store %arg2[%swap3A_37, %swap3A_38, %swap3A_39], %swap3A_42 {strides = array<i32>} : memref<8x2120x128xf32, #tpu.memory_space<vmem>>, vector<1x1x128xf32>,
    %get3A_43 = arith.constant 61 : index
    %get3A_44 = arith.constant 0 : index
    %get3A_45 = vector.load %arg0[%get3A_43, %get3A_44] : memref<65x128xf32, #tpu.memory_space<vmem>>, vector<1x128xf32>
    %get3A_46 = vector.shape_cast %get3A_45 : vector<1x128xf32> to vector<128xf32>
    %swap3A_47 = arith.constant 0 : index
    %swap3A_48 = arith.constant 1027 : index
    %swap3A_49 = arith.constant 0 : index
    %swap3A_50 = vector.load %arg2[%swap3A_47, %swap3A_48, %swap3A_49] : memref<8x2120x128xf32, #tpu.memory_space<vmem>>, vector<1x1x128xf32>
    %swap3A_51 = vector.shape_cast %swap3A_50 : vector<1x1x128xf32> to vector<128xf32>
    %swap3A_52 = vector.shape_cast %get3A_46 : vector<128xf32> to vector<1x1x128xf32>
    tpu.vector_store %arg2[%swap3A_47, %swap3A_48, %swap3A_49], %swap3A_52 {strides = array<i32>} : memref<8x2120x128xf32, #tpu.memory_space<vmem>>, vector<1x1x128xf32>,
    %get3A_53 = arith.constant 60 : index
    %get3A_54 = arith.constant 0 : index
    %get3A_55 = vector.load %arg0[%get3A_53, %get3A_54] : memref<65x128xf32, #tpu.memory_space<vmem>>, vector<1x128xf32>
    %get3A_56 = vector.shape_cast %get3A_55 : vector<1x128xf32> to vector<128xf32>
    %swap3A_57 = arith.constant 0 : index
    %swap3A_58 = arith.constant 1028 : index
    %swap3A_59 = arith.constant 0 : index
    %swap3A_60 = vector.load %arg2[%swap3A_57, %swap3A_58, %swap3A_59] : memref<8x2120x128xf32, #tpu.memory_space<vmem>>, vector<1x1x128xf32>
    %swap3A_61 = vector.shape_cast %swap3A_60 : vector<1x1x128xf32> to vector<128xf32>
    %swap3A_62 = vector.shape_cast %get3A_56 : vector<128xf32> to vector<1x1x128xf32>
    tpu.vector_store %arg2[%swap3A_57, %swap3A_58, %swap3A_59], %swap3A_62 {strides = array<i32>} : memref<8x2120x128xf32, #tpu.memory_space<vmem>>, vector<1x1x128xf32>,
    %get3A_63 = arith.constant 59 : index
    %get3A_64 = arith.constant 0 : index
    %get3A_65 = vector.load %arg0[%get3A_63, %get3A_64] : memref<65x128xf32, #tpu.memory_space<vmem>>, vector<1x128xf32>
    %get3A_66 = vector.shape_cast %get3A_65 : vector<1x128xf32> to vector<128xf32>
    %swap3A_67 = arith.constant 0 : index
    %swap3A_68 = arith.constant 1029 : index
    %swap3A_69 = arith.constant 0 : index
    %swap3A_70 = vector.load %arg2[%swap3A_67, %swap3A_68, %swap3A_69] : memref<8x2120x128xf32, #tpu.memory_space<vmem>>, vector<1x1x128xf32>
    %swap3A_71 = vector.shape_cast %swap3A_70 : vector<1x1x128xf32> to vector<128xf32>
    %swap3A_72 = vector.shape_cast %get3A_66 : vector<128xf32> to vector<1x1x128xf32>
    tpu.vector_store %arg2[%swap3A_67, %swap3A_68, %swap3A_69], %swap3A_72 {strides = array<i32>} : memref<8x2120x128xf32, #tpu.memory_space<vmem>>, vector<1x1x128xf32>,
    %get3A_73 = arith.constant 58 : index
    %get3A_74 = arith.constant 0 : index
    %get3A_75 = vector.load %arg0[%get3A_73, %get3A_74] : memref<65x128xf32, #tpu.memory_space<vmem>>, vector<1x128xf32>
    %get3A_76 = vector.shape_cast %get3A_75 : vector<1x128xf32> to vector<128xf32>
    %swap3A_77 = arith.constant 0 : index
    %swap3A_78 = arith.constant 1030 : index
    %swap3A_79 = arith.constant 0 : index
    %swap3A_80 = vector.load %arg2[%swap3A_77, %swap3A_78, %swap3A_79] : memref<8x2120x128xf32, #tpu.memory_space<vmem>>, vector<1x1x128xf32>
    %swap3A_81 = vector.shape_cast %swap3A_80 : vector<1x1x128xf32> to vector<128xf32>
    %swap3A_82 = vector.shape_cast %get3A_76 : vector<128xf32> to vector<1x1x128xf32>
    tpu.vector_store %arg2[%swap3A_77, %swap3A_78, %swap3A_79], %swap3A_82 {strides = array<i32>} : memref<8x2120x128xf32, #tpu.memory_space<vmem>>, vector<1x1x128xf32>,
    %get3A_83 = arith.constant 57 : index
    %get3A_84 = arith.constant 0 : index
    %get3A_85 = vector.load %arg0[%get3A_83, %get3A_84] : memref<65x128xf32, #tpu.memory_space<vmem>>, vector<1x128xf32>
    %get3A_86 = vector.shape_cast %get3A_85 : vector<1x128xf32> to vector<128xf32>
    %swap3A_87 = arith.constant 0 : index
    %swap3A_88 = arith.constant 1031 : index
    %swap3A_89 = arith.constant 0 : index
    %swap3A_90 = vector.load %arg2[%swap3A_87, %swap3A_88, %swap3A_89] : memref<8x2120x128xf32, #tpu.memory_space<vmem>>, vector<1x1x128xf32>
    %swap3A_91 = vector.shape_cast %swap3A_90 : vector<1x1x128xf32> to vector<128xf32>
    %swap3A_92 = vector.shape_cast %get3A_86 : vector<128xf32> to vector<1x1x128xf32>
    tpu.vector_store %arg2[%swap3A_87, %swap3A_88, %swap3A_89], %swap3A_92 {strides = array<i32>} : memref<8x2120x128xf32, #tpu.memory_space<vmem>>, vector<1x1x128xf32>,
    %get3A_93 = arith.constant 56 : index
    %get3A_94 = arith.constant 0 : index
    %get3A_95 = vector.load %arg0[%get3A_93, %get3A_94] : memref<65x128xf32, #tpu.memory_space<vmem>>, vector<1x128xf32>
    %get3A_96 = vector.shape_cast %get3A_95 : vector<1x128xf32> to vector<128xf32>
    %swap3A_97 = arith.constant 0 : index
    %swap3A_98 = arith.constant 1032 : index
    %swap3A_99 = arith.constant 0 : index
    %swap3A_100 = vector.load %arg2[%swap3A_97, %swap3A_98, %swap3A_99] : memref<8x2120x128xf32, #tpu.memory_space<vmem>>, vector<1x1x128xf32>
    %swap3A_101 = vector.shape_cast %swap3A_100 : vector<1x1x128xf32> to vector<128xf32>
    %swap3A_102 = vector.shape_cast %get3A_96 : vector<128xf32> to vector<1x1x128xf32>
    tpu.vector_store %arg2[%swap3A_97, %swap3A_98, %swap3A_99], %swap3A_102 {strides = array<i32>} : memref<8x2120x128xf32, #tpu.memory_space<vmem>>, vector<1x1x128xf32>,
    %get3A_103 = arith.constant 55 : index
    %get3A_104 = arith.constant 0 : index
    %get3A_105 = vector.load %arg0[%get3A_103, %get3A_104] : memref<65x128xf32, #tpu.memory_space<vmem>>, vector<1x128xf32>
    %get3A_106 = vector.shape_cast %get3A_105 : vector<1x128xf32> to vector<128xf32>
    %swap3A_107 = arith.constant 0 : index
    %swap3A_108 = arith.constant 1033 : index
    %swap3A_109 = arith.constant 0 : index
    %swap3A_110 = vector.load %arg2[%swap3A_107, %swap3A_108, %swap3A_109] : memref<8x2120x128xf32, #tpu.memory_space<vmem>>, vector<1x1x128xf32>
    %swap3A_111 = vector.shape_cast %swap3A_110 : vector<1x1x128xf32> to vector<128xf32>
    %swap3A_112 = vector.shape_cast %get3A_106 : vector<128xf32> to vector<1x1x128xf32>
    tpu.vector_store %arg2[%swap3A_107, %swap3A_108, %swap3A_109], %swap3A_112 {strides = array<i32>} : memref<8x2120x128xf32, #tpu.memory_space<vmem>>, vector<1x1x128xf32>,
    %get3A_113 = arith.constant 54 : index
    %get3A_114 = arith.constant 0 : index
    %get3A_115 = vector.load %arg0[%get3A_113, %get3A_114] : memref<65x128xf32, #tpu.memory_space<vmem>>, vector<1x128xf32>
    %get3A_116 = vector.shape_cast %get3A_115 : vector<1x128xf32> to vector<128xf32>
    %swap3A_117 = arith.constant 0 : index
    %swap3A_118 = arith.constant 1034 : index
    %swap3A_119 = arith.constant 0 : index
    %swap3A_120 = vector.load %arg2[%swap3A_117, %swap3A_118, %swap3A_119] : memref<8x2120x128xf32, #tpu.memory_space<vmem>>, vector<1x1x128xf32>
    %swap3A_121 = vector.shape_cast %swap3A_120 : vector<1x1x128xf32> to vector<128xf32>
    %swap3A_122 = vector.shape_cast %get3A_116 : vector<128xf32> to vector<1x1x128xf32>
    tpu.vector_store %arg2[%swap3A_117, %swap3A_118, %swap3A_119], %swap3A_122 {strides = array<i32>} : memref<8x2120x128xf32, #tpu.memory_space<vmem>>, vector<1x1x128xf32>,
    %get3A_123 = arith.constant 53 : index
    %get3A_124 = arith.constant 0 : index
    %get3A_125 = vector.load %arg0[%get3A_123, %get3A_124] : memref<65x128xf32, #tpu.memory_space<vmem>>, vector<1x128xf32>
    %get3A_126 = vector.shape_cast %get3A_125 : vector<1x128xf32> to vector<128xf32>
    %swap3A_127 = arith.constant 0 : index
    %swap3A_128 = arith.constant 1035 : index
    %swap3A_129 = arith.constant 0 : index
    %swap3A_130 = vector.load %arg2[%swap3A_127, %swap3A_128, %swap3A_129] : memref<8x2120x128xf32, #tpu.memory_space<vmem>>, vector<1x1x128xf32>
    %swap3A_131 = vector.shape_cast %swap3A_130 : vector<1x1x128xf32> to vector<128xf32>
    %swap3A_132 = vector.shape_cast %get3A_126 : vector<128xf32> to vector<1x1x128xf32>
    tpu.vector_store %arg2[%swap3A_127, %swap3A_128, %swap3A_129], %swap3A_132 {strides = array<i32>} : memref<8x2120x128xf32, #tpu.memory_space<vmem>>, vector<1x1x128xf32>,
    %get3A_133 = arith.constant 52 : index
    %get3A_134 = arith.constant 0 : index
    %get3A_135 = vector.load %arg0[%get3A_133, %get3A_134] : memref<65x128xf32, #tpu.memory_space<vmem>>, vector<1x128xf32>
    %get3A_136 = vector.shape_cast %get3A_135 : vector<1x128xf32> to vector<128xf32>
    %swap3A_137 = arith.constant 0 : index
    %swap3A_138 = arith.constant 1036 : index
    %swap3A_139 = arith.constant 0 : index
    %swap3A_140 = vector.load %arg2[%swap3A_137, %swap3A_138, %swap3A_139] : memref<8x2120x128xf32, #tpu.memory_space<vmem>>, vector<1x1x128xf32>
    %swap3A_141 = vector.shape_cast %swap3A_140 : vector<1x1x128xf32> to vector<128xf32>
    %swap3A_142 = vector.shape_cast %get3A_136 : vector<128xf32> to vector<1x1x128xf32>
    tpu.vector_store %arg2[%swap3A_137, %swap3A_138, %swap3A_139], %swap3A_142 {strides = array<i32>} : memref<8x2120x128xf32, #tpu.memory_space<vmem>>, vector<1x1x128xf32>,
    %get3A_143 = arith.constant 51 : index
    %get3A_144 = arith.constant 0 : index
    %get3A_145 = vector.load %arg0[%get3A_143, %get3A_144] : memref<65x128xf32, #tpu.memory_space<vmem>>, vector<1x128xf32>
    %get3A_146 = vector.shape_cast %get3A_145 : vector<1x128xf32> to vector<128xf32>
    %swap3A_147 = arith.constant 0 : index
    %swap3A_148 = arith.constant 1037 : index
    %swap3A_149 = arith.constant 0 : index
    %swap3A_150 = vector.load %arg2[%swap3A_147, %swap3A_148, %swap3A_149] : memref<8x2120x128xf32, #tpu.memory_space<vmem>>, vector<1x1x128xf32>
    %swap3A_151 = vector.shape_cast %swap3A_150 : vector<1x1x128xf32> to vector<128xf32>
    %swap3A_152 = vector.shape_cast %get3A_146 : vector<128xf32> to vector<1x1x128xf32>
    tpu.vector_store %arg2[%swap3A_147, %swap3A_148, %swap3A_149], %swap3A_152 {strides = array<i32>} : memref<8x2120x128xf32, #tpu.memory_space<vmem>>, vector<1x1x128xf32>,
    %get3A_153 = arith.constant 50 : index
    %get3A_154 = arith.constant 0 : index
    %get3A_155 = vector.load %arg0[%get3A_153, %get3A_154] : memref<65x128xf32, #tpu.memory_space<vmem>>, vector<1x128xf32>
    %get3A_156 = vector.shape_cast %get3A_155 : vector<1x128xf32> to vector<128xf32>
    %swap3A_157 = arith.constant 0 : index
    %swap3A_158 = arith.constant 1038 : index
    %swap3A_159 = arith.constant 0 : index
    %swap3A_160 = vector.load %arg2[%swap3A_157, %swap3A_158, %swap3A_159] : memref<8x2120x128xf32, #tpu.memory_space<vmem>>, vector<1x1x128xf32>
    %swap3A_161 = vector.shape_cast %swap3A_160 : vector<1x1x128xf32> to vector<128xf32>
    %swap3A_162 = vector.shape_cast %get3A_156 : vector<128xf32> to vector<1x1x128xf32>
    tpu.vector_store %arg2[%swap3A_157, %swap3A_158, %swap3A_159], %swap3A_162 {strides = array<i32>} : memref<8x2120x128xf32, #tpu.memory_space<vmem>>, vector<1x1x128xf32>,
    %get3A_163 = arith.constant 49 : index
    %get3A_164 = arith.constant 0 : index
    %get3A_165 = vector.load %arg0[%get3A_163, %get3A_164] : memref<65x128xf32, #tpu.memory_space<vmem>>, vector<1x128xf32>
    %get3A_166 = vector.shape_cast %get3A_165 : vector<1x128xf32> to vector<128xf32>
    %swap3A_167 = arith.constant 0 : index
    %swap3A_168 = arith.constant 1039 : index
    %swap3A_169 = arith.constant 0 : index
    %swap3A_170 = vector.load %arg2[%swap3A_167, %swap3A_168, %swap3A_169] : memref<8x2120x128xf32, #tpu.memory_space<vmem>>, vector<1x1x128xf32>
    %swap3A_171 = vector.shape_cast %swap3A_170 : vector<1x1x128xf32> to vector<128xf32>
    %swap3A_172 = vector.shape_cast %get3A_166 : vector<128xf32> to vector<1x1x128xf32>
    tpu.vector_store %arg2[%swap3A_167, %swap3A_168, %swap3A_169], %swap3A_172 {strides = array<i32>} : memref<8x2120x128xf32, #tpu.memory_space<vmem>>, vector<1x1x128xf32>,
    %get3A_173 = arith.constant 48 : index
    %get3A_174 = arith.constant 0 : index
    %get3A_175 = vector.load %arg0[%get3A_173, %get3A_174] : memref<65x128xf32, #tpu.memory_space<vmem>>, vector<1x128xf32>
    %get3A_176 = vector.shape_cast %get3A_175 : vector<1x128xf32> to vector<128xf32>
    %swap3A_177 = arith.constant 0 : index
    %swap3A_178 = arith.constant 1040 : index
    %swap3A_179 = arith.constant 0 : index
    %swap3A_180 = vector.load %arg2[%swap3A_177, %swap3A_178, %swap3A_179] : memref<8x2120x128xf32, #tpu.memory_space<vmem>>, vector<1x1x128xf32>
    %swap3A_181 = vector.shape_cast %swap3A_180 : vector<1x1x128xf32> to vector<128xf32>
    %swap3A_182 = vector.shape_cast %get3A_176 : vector<128xf32> to vector<1x1x128xf32>
    tpu.vector_store %arg2[%swap3A_177, %swap3A_178, %swap3A_179], %swap3A_182 {strides = array<i32>} : memref<8x2120x128xf32, #tpu.memory_space<vmem>>, vector<1x1x128xf32>,
    %get3A_183 = arith.constant 47 : index
    %get3A_184 = arith.constant 0 : index
    %get3A_185 = vector.load %arg0[%get3A_183, %get3A_184] : memref<65x128xf32, #tpu.memory_space<vmem>>, vector<1x128xf32>
    %get3A_186 = vector.shape_cast %get3A_185 : vector<1x128xf32> to vector<128xf32>
    %swap3A_187 = arith.constant 0 : index
    %swap3A_188 = arith.constant 1041 : index
    %swap3A_189 = arith.constant 0 : index
    %swap3A_190 = vector.load %arg2[%swap3A_187, %swap3A_188, %swap3A_189] : memref<8x2120x128xf32, #tpu.memory_space<vmem>>, vector<1x1x128xf32>
    %swap3A_191 = vector.shape_cast %swap3A_190 : vector<1x1x128xf32> to vector<128xf32>
    %swap3A_192 = vector.shape_cast %get3A_186 : vector<128xf32> to vector<1x1x128xf32>
    tpu.vector_store %arg2[%swap3A_187, %swap3A_188, %swap3A_189], %swap3A_192 {strides = array<i32>} : memref<8x2120x128xf32, #tpu.memory_space<vmem>>, vector<1x1x128xf32>,
    %get3A_193 = arith.constant 46 : index
    %get3A_194 = arith.constant 0 : index
    %get3A_195 = vector.load %arg0[%get3A_193, %get3A_194] : memref<65x128xf32, #tpu.memory_space<vmem>>, vector<1x128xf32>
    %get3A_196 = vector.shape_cast %get3A_195 : vector<1x128xf32> to vector<128xf32>
    %swap3A_197 = arith.constant 0 : index
    %swap3A_198 = arith.constant 1042 : index
    %swap3A_199 = arith.constant 0 : index
    %swap3A_200 = vector.load %arg2[%swap3A_197, %swap3A_198, %swap3A_199] : memref<8x2120x128xf32, #tpu.memory_space<vmem>>, vector<1x1x128xf32>
    %swap3A_201 = vector.shape_cast %swap3A_200 : vector<1x1x128xf32> to vector<128xf32>
    %swap3A_202 = vector.shape_cast %get3A_196 : vector<128xf32> to vector<1x1x128xf32>
    tpu.vector_store %arg2[%swap3A_197, %swap3A_198, %swap3A_199], %swap3A_202 {strides = array<i32>} : memref<8x2120x128xf32, #tpu.memory_space<vmem>>, vector<1x1x128xf32>,
    %get3A_203 = arith.constant 45 : index
    %get3A_204 = arith.constant 0 : index
    %get3A_205 = vector.load %arg0[%get3A_203, %get3A_204] : memref<65x128xf32, #tpu.memory_space<vmem>>, vector<1x128xf32>
    %get3A_206 = vector.shape_cast %get3A_205 : vector<1x128xf32> to vector<128xf32>
    %swap3A_207 = arith.constant 0 : index
    %swap3A_208 = arith.constant 1043 : index
    %swap3A_209 = arith.constant 0 : index
    %swap3A_210 = vector.load %arg2[%swap3A_207, %swap3A_208, %swap3A_209] : memref<8x2120x128xf32, #tpu.memory_space<vmem>>, vector<1x1x128xf32>
    %swap3A_211 = vector.shape_cast %swap3A_210 : vector<1x1x128xf32> to vector<128xf32>
    %swap3A_212 = vector.shape_cast %get3A_206 : vector<128xf32> to vector<1x1x128xf32>
    tpu.vector_store %arg2[%swap3A_207, %swap3A_208, %swap3A_209], %swap3A_212 {strides = array<i32>} : memref<8x2120x128xf32, #tpu.memory_space<vmem>>, vector<1x1x128xf32>,
    %get3A_213 = arith.constant 44 : index
    %get3A_214 = arith.constant 0 : index
    %get3A_215 = vector.load %arg0[%get3A_213, %get3A_214] : memref<65x128xf32, #tpu.memory_space<vmem>>, vector<1x128xf32>
    %get3A_216 = vector.shape_cast %get3A_215 : vector<1x128xf32> to vector<128xf32>
    %swap3A_217 = arith.constant 0 : index
    %swap3A_218 = arith.constant 1044 : index
    %swap3A_219 = arith.constant 0 : index
    %swap3A_220 = vector.load %arg2[%swap3A_217, %swap3A_218, %swap3A_219] : memref<8x2120x128xf32, #tpu.memory_space<vmem>>, vector<1x1x128xf32>
    %swap3A_221 = vector.shape_cast %swap3A_220 : vector<1x1x128xf32> to vector<128xf32>
    %swap3A_222 = vector.shape_cast %get3A_216 : vector<128xf32> to vector<1x1x128xf32>
    tpu.vector_store %arg2[%swap3A_217, %swap3A_218, %swap3A_219], %swap3A_222 {strides = array<i32>} : memref<8x2120x128xf32, #tpu.memory_space<vmem>>, vector<1x1x128xf32>,
    %get3A_223 = arith.constant 43 : index
    %get3A_224 = arith.constant 0 : index
    %get3A_225 = vector.load %arg0[%get3A_223, %get3A_224] : memref<65x128xf32, #tpu.memory_space<vmem>>, vector<1x128xf32>
    %get3A_226 = vector.shape_cast %get3A_225 : vector<1x128xf32> to vector<128xf32>
    %swap3A_227 = arith.constant 0 : index
    %swap3A_228 = arith.constant 1045 : index
    %swap3A_229 = arith.constant 0 : index
    %swap3A_230 = vector.load %arg2[%swap3A_227, %swap3A_228, %swap3A_229] : memref<8x2120x128xf32, #tpu.memory_space<vmem>>, vector<1x1x128xf32>
    %swap3A_231 = vector.shape_cast %swap3A_230 : vector<1x1x128xf32> to vector<128xf32>
    %swap3A_232 = vector.shape_cast %get3A_226 : vector<128xf32> to vector<1x1x128xf32>
    tpu.vector_store %arg2[%swap3A_227, %swap3A_228, %swap3A_229], %swap3A_232 {strides = array<i32>} : memref<8x2120x128xf32, #tpu.memory_space<vmem>>, vector<1x1x128xf32>,
    %get3A_233 = arith.constant 42 : index
    %get3A_234 = arith.constant 0 : index
    %get3A_235 = vector.load %arg0[%get3A_233, %get3A_234] : memref<65x128xf32, #tpu.memory_space<vmem>>, vector<1x128xf32>
    %get3A_236 = vector.shape_cast %get3A_235 : vector<1x128xf32> to vector<128xf32>
    %swap3A_237 = arith.constant 0 : index
    %swap3A_238 = arith.constant 1046 : index
    %swap3A_239 = arith.constant 0 : index
    %swap3A_240 = vector.load %arg2[%swap3A_237, %swap3A_238, %swap3A_239] : memref<8x2120x128xf32, #tpu.memory_space<vmem>>, vector<1x1x128xf32>
    %swap3A_241 = vector.shape_cast %swap3A_240 : vector<1x1x128xf32> to vector<128xf32>
    %swap3A_242 = vector.shape_cast %get3A_236 : vector<128xf32> to vector<1x1x128xf32>
    tpu.vector_store %arg2[%swap3A_237, %swap3A_238, %swap3A_239], %swap3A_242 {strides = array<i32>} : memref<8x2120x128xf32, #tpu.memory_space<vmem>>, vector<1x1x128xf32>,
    %get3A_243 = arith.constant 41 : index
    %get3A_244 = arith.constant 0 : index
    %get3A_245 = vector.load %arg0[%get3A_243, %get3A_244] : memref<65x128xf32, #tpu.memory_space<vmem>>, vector<1x128xf32>
    %get3A_246 = vector.shape_cast %get3A_245 : vector<1x128xf32> to vector<128xf32>
    %swap3A_247 = arith.constant 0 : index
    %swap3A_248 = arith.constant 1047 : index
    %swap3A_249 = arith.constant 0 : index
    %swap3A_250 = vector.load %arg2[%swap3A_247, %swap3A_248, %swap3A_249] : memref<8x2120x128xf32, #tpu.memory_space<vmem>>, vector<1x1x128xf32>
    %swap3A_251 = vector.shape_cast %swap3A_250 : vector<1x1x128xf32> to vector<128xf32>
    %swap3A_252 = vector.shape_cast %get3A_246 : vector<128xf32> to vector<1x1x128xf32>
    tpu.vector_store %arg2[%swap3A_247, %swap3A_248, %swap3A_249], %swap3A_252 {strides = array<i32>} : memref<8x2120x128xf32, #tpu.memory_space<vmem>>, vector<1x1x128xf32>,
    %get3A_253 = arith.constant 40 : index
    %get3A_254 = arith.constant 0 : index
    %get3A_255 = vector.load %arg0[%get3A_253, %get3A_254] : memref<65x128xf32, #tpu.memory_space<vmem>>, vector<1x128xf32>
    %get3A_256 = vector.shape_cast %get3A_255 : vector<1x128xf32> to vector<128xf32>
    %swap3A_257 = arith.constant 0 : index
    %swap3A_258 = arith.constant 1048 : index
    %swap3A_259 = arith.constant 0 : index
    %swap3A_260 = vector.load %arg2[%swap3A_257, %swap3A_258, %swap3A_259] : memref<8x2120x128xf32, #tpu.memory_space<vmem>>, vector<1x1x128xf32>
    %swap3A_261 = vector.shape_cast %swap3A_260 : vector<1x1x128xf32> to vector<128xf32>
    %swap3A_262 = vector.shape_cast %get3A_256 : vector<128xf32> to vector<1x1x128xf32>
    tpu.vector_store %arg2[%swap3A_257, %swap3A_258, %swap3A_259], %swap3A_262 {strides = array<i32>} : memref<8x2120x128xf32, #tpu.memory_space<vmem>>, vector<1x1x128xf32>,
    %get3A_263 = arith.constant 39 : index
    %get3A_264 = arith.constant 0 : index
    %get3A_265 = vector.load %arg0[%get3A_263, %get3A_264] : memref<65x128xf32, #tpu.memory_space<vmem>>, vector<1x128xf32>
    %get3A_266 = vector.shape_cast %get3A_265 : vector<1x128xf32> to vector<128xf32>
    %swap3A_267 = arith.constant 0 : index
    %swap3A_268 = arith.constant 1049 : index
    %swap3A_269 = arith.constant 0 : index
    %swap3A_270 = vector.load %arg2[%swap3A_267, %swap3A_268, %swap3A_269] : memref<8x2120x128xf32, #tpu.memory_space<vmem>>, vector<1x1x128xf32>
    %swap3A_271 = vector.shape_cast %swap3A_270 : vector<1x1x128xf32> to vector<128xf32>
    %swap3A_272 = vector.shape_cast %get3A_266 : vector<128xf32> to vector<1x1x128xf32>
    tpu.vector_store %arg2[%swap3A_267, %swap3A_268, %swap3A_269], %swap3A_272 {strides = array<i32>} : memref<8x2120x128xf32, #tpu.memory_space<vmem>>, vector<1x1x128xf32>,
    %get3A_273 = arith.constant 38 : index
    %get3A_274 = arith.constant 0 : index
    %get3A_275 = vector.load %arg0[%get3A_273, %get3A_274] : memref<65x128xf32, #tpu.memory_space<vmem>>, vector<1x128xf32>
    %get3A_276 = vector.shape_cast %get3A_275 : vector<1x128xf32> to vector<128xf32>
    %swap3A_277 = arith.constant 0 : index
    %swap3A_278 = arith.constant 1050 : index
    %swap3A_279 = arith.constant 0 : index
    %swap3A_280 = vector.load %arg2[%swap3A_277, %swap3A_278, %swap3A_279] : memref<8x2120x128xf32, #tpu.memory_space<vmem>>, vector<1x1x128xf32>
    %swap3A_281 = vector.shape_cast %swap3A_280 : vector<1x1x128xf32> to vector<128xf32>
    %swap3A_282 = vector.shape_cast %get3A_276 : vector<128xf32> to vector<1x1x128xf32>
    tpu.vector_store %arg2[%swap3A_277, %swap3A_278, %swap3A_279], %swap3A_282 {strides = array<i32>} : memref<8x2120x128xf32, #tpu.memory_space<vmem>>, vector<1x1x128xf32>,
    %get3A_283 = arith.constant 37 : index
    %get3A_284 = arith.constant 0 : index
    %get3A_285 = vector.load %arg0[%get3A_283, %get3A_284] : memref<65x128xf32, #tpu.memory_space<vmem>>, vector<1x128xf32>
    %get3A_286 = vector.shape_cast %get3A_285 : vector<1x128xf32> to vector<128xf32>
    %swap3A_287 = arith.constant 0 : index
    %swap3A_288 = arith.constant 1051 : index
    %swap3A_289 = arith.constant 0 : index
    %swap3A_290 = vector.load %arg2[%swap3A_287, %swap3A_288, %swap3A_289] : memref<8x2120x128xf32, #tpu.memory_space<vmem>>, vector<1x1x128xf32>
    %swap3A_291 = vector.shape_cast %swap3A_290 : vector<1x1x128xf32> to vector<128xf32>
    %swap3A_292 = vector.shape_cast %get3A_286 : vector<128xf32> to vector<1x1x128xf32>
    tpu.vector_store %arg2[%swap3A_287, %swap3A_288, %swap3A_289], %swap3A_292 {strides = array<i32>} : memref<8x2120x128xf32, #tpu.memory_space<vmem>>, vector<1x1x128xf32>,
    %get3A_293 = arith.constant 36 : index
    %get3A_294 = arith.constant 0 : index
    %get3A_295 = vector.load %arg0[%get3A_293, %get3A_294] : memref<65x128xf32, #tpu.memory_space<vmem>>, vector<1x128xf32>
    %get3A_296 = vector.shape_cast %get3A_295 : vector<1x128xf32> to vector<128xf32>
    %swap3A_297 = arith.constant 0 : index
    %swap3A_298 = arith.constant 1052 : index
    %swap3A_299 = arith.constant 0 : index
    %swap3A_300 = vector.load %arg2[%swap3A_297, %swap3A_298, %swap3A_299] : memref<8x2120x128xf32, #tpu.memory_space<vmem>>, vector<1x1x128xf32>
    %swap3A_301 = vector.shape_cast %swap3A_300 : vector<1x1x128xf32> to vector<128xf32>
    %swap3A_302 = vector.shape_cast %get3A_296 : vector<128xf32> to vector<1x1x128xf32>
    tpu.vector_store %arg2[%swap3A_297, %swap3A_298, %swap3A_299], %swap3A_302 {strides = array<i32>} : memref<8x2120x128xf32, #tpu.memory_space<vmem>>, vector<1x1x128xf32>,
    %get3A_303 = arith.constant 35 : index
    %get3A_304 = arith.constant 0 : index
    %get3A_305 = vector.load %arg0[%get3A_303, %get3A_304] : memref<65x128xf32, #tpu.memory_space<vmem>>, vector<1x128xf32>
    %get3A_306 = vector.shape_cast %get3A_305 : vector<1x128xf32> to vector<128xf32>
    %swap3A_307 = arith.constant 0 : index
    %swap3A_308 = arith.constant 1053 : index
    %swap3A_309 = arith.constant 0 : index
    %swap3A_310 = vector.load %arg2[%swap3A_307, %swap3A_308, %swap3A_309] : memref<8x2120x128xf32, #tpu.memory_space<vmem>>, vector<1x1x128xf32>
    %swap3A_311 = vector.shape_cast %swap3A_310 : vector<1x1x128xf32> to vector<128xf32>
    %swap3A_312 = vector.shape_cast %get3A_306 : vector<128xf32> to vector<1x1x128xf32>
    tpu.vector_store %arg2[%swap3A_307, %swap3A_308, %swap3A_309], %swap3A_312 {strides = array<i32>} : memref<8x2120x128xf32, #tpu.memory_space<vmem>>, vector<1x1x128xf32>,
    %get3A_313 = arith.constant 34 : index
    %get3A_314 = arith.constant 0 : index
    %get3A_315 = vector.load %arg0[%get3A_313, %get3A_314] : memref<65x128xf32, #tpu.memory_space<vmem>>, vector<1x128xf32>
    %get3A_316 = vector.shape_cast %get3A_315 : vector<1x128xf32> to vector<128xf32>
    %swap3A_317 = arith.constant 0 : index
    %swap3A_318 = arith.constant 1054 : index
    %swap3A_319 = arith.constant 0 : index
    %swap3A_320 = vector.load %arg2[%swap3A_317, %swap3A_318, %swap3A_319] : memref<8x2120x128xf32, #tpu.memory_space<vmem>>, vector<1x1x128xf32>
    %swap3A_321 = vector.shape_cast %swap3A_320 : vector<1x1x128xf32> to vector<128xf32>
    %swap3A_322 = vector.shape_cast %get3A_316 : vector<128xf32> to vector<1x1x128xf32>
    tpu.vector_store %arg2[%swap3A_317, %swap3A_318, %swap3A_319], %swap3A_322 {strides = array<i32>} : memref<8x2120x128xf32, #tpu.memory_space<vmem>>, vector<1x1x128xf32>,
    %get3A_323 = arith.constant 33 : index
    %get3A_324 = arith.constant 0 : index
    %get3A_325 = vector.load %arg0[%get3A_323, %get3A_324] : memref<65x128xf32, #tpu.memory_space<vmem>>, vector<1x128xf32>
    %get3A_326 = vector.shape_cast %get3A_325 : vector<1x128xf32> to vector<128xf32>
    %swap3A_327 = arith.constant 0 : index
    %swap3A_328 = arith.constant 1055 : index
    %swap3A_329 = arith.constant 0 : index
    %swap3A_330 = vector.load %arg2[%swap3A_327, %swap3A_328, %swap3A_329] : memref<8x2120x128xf32, #tpu.memory_space<vmem>>, vector<1x1x128xf32>
    %swap3A_331 = vector.shape_cast %swap3A_330 : vector<1x1x128xf32> to vector<128xf32>
    %swap3A_332 = vector.shape_cast %get3A_326 : vector<128xf32> to vector<1x1x128xf32>
    tpu.vector_store %arg2[%swap3A_327, %swap3A_328, %swap3A_329], %swap3A_332 {strides = array<i32>} : memref<8x2120x128xf32, #tpu.memory_space<vmem>>, vector<1x1x128xf32>,
    %get3A_333 = arith.constant 32 : index
    %get3A_334 = arith.constant 0 : index
    %get3A_335 = vector.load %arg0[%get3A_333, %get3A_334] : memref<65x128xf32, #tpu.memory_space<vmem>>, vector<1x128xf32>
    %get3A_336 = vector.shape_cast %get3A_335 : vector<1x128xf32> to vector<128xf32>
    %swap3A_337 = arith.constant 0 : index
    %swap3A_338 = arith.constant 1056 : index
    %swap3A_339 = arith.constant 0 : index
    %swap3A_340 = vector.load %arg2[%swap3A_337, %swap3A_338, %swap3A_339] : memref<8x2120x128xf32, #tpu.memory_space<vmem>>, vector<1x1x128xf32>
    %swap3A_341 = vector.shape_cast %swap3A_340 : vector<1x1x128xf32> to vector<128xf32>
    %swap3A_342 = vector.shape_cast %get3A_336 : vector<128xf32> to vector<1x1x128xf32>
    tpu.vector_store %arg2[%swap3A_337, %swap3A_338, %swap3A_339], %swap3A_342 {strides = array<i32>} : memref<8x2120x128xf32, #tpu.memory_space<vmem>>, vector<1x1x128xf32>,
    %get3A_343 = arith.constant 31 : index
    %get3A_344 = arith.constant 0 : index
    %get3A_345 = vector.load %arg0[%get3A_343, %get3A_344] : memref<65x128xf32, #tpu.memory_space<vmem>>, vector<1x128xf32>
    %get3A_346 = vector.shape_cast %get3A_345 : vector<1x128xf32> to vector<128xf32>
    %swap3A_347 = arith.constant 0 : index
    %swap3A_348 = arith.constant 1057 : index
    %swap3A_349 = arith.constant 0 : index
    %swap3A_350 = vector.load %arg2[%swap3A_347, %swap3A_348, %swap3A_349] : memref<8x2120x128xf32, #tpu.memory_space<vmem>>, vector<1x1x128xf32>
    %swap3A_351 = vector.shape_cast %swap3A_350 : vector<1x1x128xf32> to vector<128xf32>
    %swap3A_352 = vector.shape_cast %get3A_346 : vector<128xf32> to vector<1x1x128xf32>
    tpu.vector_store %arg2[%swap3A_347, %swap3A_348, %swap3A_349], %swap3A_352 {strides = array<i32>} : memref<8x2120x128xf32, #tpu.memory_space<vmem>>, vector<1x1x128xf32>,
    %get3A_353 = arith.constant 30 : index
    %get3A_354 = arith.constant 0 : index
    %get3A_355 = vector.load %arg0[%get3A_353, %get3A_354] : memref<65x128xf32, #tpu.memory_space<vmem>>, vector<1x128xf32>
    %get3A_356 = vector.shape_cast %get3A_355 : vector<1x128xf32> to vector<128xf32>
    %swap3A_357 = arith.constant 0 : index
    %swap3A_358 = arith.constant 1058 : index
    %swap3A_359 = arith.constant 0 : index
    %swap3A_360 = vector.load %arg2[%swap3A_357, %swap3A_358, %swap3A_359] : memref<8x2120x128xf32, #tpu.memory_space<vmem>>, vector<1x1x128xf32>
    %swap3A_361 = vector.shape_cast %swap3A_360 : vector<1x1x128xf32> to vector<128xf32>
    %swap3A_362 = vector.shape_cast %get3A_356 : vector<128xf32> to vector<1x1x128xf32>
    tpu.vector_store %arg2[%swap3A_357, %swap3A_358, %swap3A_359], %swap3A_362 {strides = array<i32>} : memref<8x2120x128xf32, #tpu.memory_space<vmem>>, vector<1x1x128xf32>,
    %get3A_363 = arith.constant 29 : index
    %get3A_364 = arith.constant 0 : index
    %get3A_365 = vector.load %arg0[%get3A_363, %get3A_364] : memref<65x128xf32, #tpu.memory_space<vmem>>, vector<1x128xf32>
    %get3A_366 = vector.shape_cast %get3A_365 : vector<1x128xf32> to vector<128xf32>
    %swap3A_367 = arith.constant 0 : index
    %swap3A_368 = arith.constant 1059 : index
    %swap3A_369 = arith.constant 0 : index
    %swap3A_370 = vector.load %arg2[%swap3A_367, %swap3A_368, %swap3A_369] : memref<8x2120x128xf32, #tpu.memory_space<vmem>>, vector<1x1x128xf32>
    %swap3A_371 = vector.shape_cast %swap3A_370 : vector<1x1x128xf32> to vector<128xf32>
    %swap3A_372 = vector.shape_cast %get3A_366 : vector<128xf32> to vector<1x1x128xf32>
    tpu.vector_store %arg2[%swap3A_367, %swap3A_368, %swap3A_369], %swap3A_372 {strides = array<i32>} : memref<8x2120x128xf32, #tpu.memory_space<vmem>>, vector<1x1x128xf32>,
    %get3A_373 = arith.constant 28 : index
    %get3A_374 = arith.constant 0 : index
    %get3A_375 = vector.load %arg0[%get3A_373, %get3A_374] : memref<65x128xf32, #tpu.memory_space<vmem>>, vector<1x128xf32>
    %get3A_376 = vector.shape_cast %get3A_375 : vector<1x128xf32> to vector<128xf32>
    %swap3A_377 = arith.constant 0 : index
    %swap3A_378 = arith.constant 1060 : index
    %swap3A_379 = arith.constant 0 : index
    %swap3A_380 = vector.load %arg2[%swap3A_377, %swap3A_378, %swap3A_379] : memref<8x2120x128xf32, #tpu.memory_space<vmem>>, vector<1x1x128xf32>
    %swap3A_381 = vector.shape_cast %swap3A_380 : vector<1x1x128xf32> to vector<128xf32>
    %swap3A_382 = vector.shape_cast %get3A_376 : vector<128xf32> to vector<1x1x128xf32>
    tpu.vector_store %arg2[%swap3A_377, %swap3A_378, %swap3A_379], %swap3A_382 {strides = array<i32>} : memref<8x2120x128xf32, #tpu.memory_space<vmem>>, vector<1x1x128xf32>,
    %get3A_383 = arith.constant 27 : index
    %get3A_384 = arith.constant 0 : index
    %get3A_385 = vector.load %arg0[%get3A_383, %get3A_384] : memref<65x128xf32, #tpu.memory_space<vmem>>, vector<1x128xf32>
    %get3A_386 = vector.shape_cast %get3A_385 : vector<1x128xf32> to vector<128xf32>
    %swap3A_387 = arith.constant 0 : index
    %swap3A_388 = arith.constant 1061 : index
    %swap3A_389 = arith.constant 0 : index
    %swap3A_390 = vector.load %arg2[%swap3A_387, %swap3A_388, %swap3A_389] : memref<8x2120x128xf32, #tpu.memory_space<vmem>>, vector<1x1x128xf32>
    %swap3A_391 = vector.shape_cast %swap3A_390 : vector<1x1x128xf32> to vector<128xf32>
    %swap3A_392 = vector.shape_cast %get3A_386 : vector<128xf32> to vector<1x1x128xf32>
    tpu.vector_store %arg2[%swap3A_387, %swap3A_388, %swap3A_389], %swap3A_392 {strides = array<i32>} : memref<8x2120x128xf32, #tpu.memory_space<vmem>>, vector<1x1x128xf32>,
    %get3A_393 = arith.constant 26 : index
    %get3A_394 = arith.constant 0 : index
    %get3A_395 = vector.load %arg0[%get3A_393, %get3A_394] : memref<65x128xf32, #tpu.memory_space<vmem>>, vector<1x128xf32>
    %get3A_396 = vector.shape_cast %get3A_395 : vector<1x128xf32> to vector<128xf32>
    %swap3A_397 = arith.constant 0 : index
    %swap3A_398 = arith.constant 1062 : index
    %swap3A_399 = arith.constant 0 : index
    %swap3A_400 = vector.load %arg2[%swap3A_397, %swap3A_398, %swap3A_399] : memref<8x2120x128xf32, #tpu.memory_space<vmem>>, vector<1x1x128xf32>
    %swap3A_401 = vector.shape_cast %swap3A_400 : vector<1x1x128xf32> to vector<128xf32>
    %swap3A_402 = vector.shape_cast %get3A_396 : vector<128xf32> to vector<1x1x128xf32>
    tpu.vector_store %arg2[%swap3A_397, %swap3A_398, %swap3A_399], %swap3A_402 {strides = array<i32>} : memref<8x2120x128xf32, #tpu.memory_space<vmem>>, vector<1x1x128xf32>,
    %get3A_403 = arith.constant 25 : index
    %get3A_404 = arith.constant 0 : index
    %get3A_405 = vector.load %arg0[%get3A_403, %get3A_404] : memref<65x128xf32, #tpu.memory_space<vmem>>, vector<1x128xf32>
    %get3A_406 = vector.shape_cast %get3A_405 : vector<1x128xf32> to vector<128xf32>
    %swap3A_407 = arith.constant 0 : index
    %swap3A_408 = arith.constant 1063 : index
    %swap3A_409 = arith.constant 0 : index
    %swap3A_410 = vector.load %arg2[%swap3A_407, %swap3A_408, %swap3A_409] : memref<8x2120x128xf32, #tpu.memory_space<vmem>>, vector<1x1x128xf32>
    %swap3A_411 = vector.shape_cast %swap3A_410 : vector<1x1x128xf32> to vector<128xf32>
    %swap3A_412 = vector.shape_cast %get3A_406 : vector<128xf32> to vector<1x1x128xf32>
    tpu.vector_store %arg2[%swap3A_407, %swap3A_408, %swap3A_409], %swap3A_412 {strides = array<i32>} : memref<8x2120x128xf32, #tpu.memory_space<vmem>>, vector<1x1x128xf32>,
    %get3A_413 = arith.constant 24 : index
    %get3A_414 = arith.constant 0 : index
    %get3A_415 = vector.load %arg0[%get3A_413, %get3A_414] : memref<65x128xf32, #tpu.memory_space<vmem>>, vector<1x128xf32>
    %get3A_416 = vector.shape_cast %get3A_415 : vector<1x128xf32> to vector<128xf32>
    %swap3A_417 = arith.constant 0 : index
    %swap3A_418 = arith.constant 1064 : index
    %swap3A_419 = arith.constant 0 : index
    %swap3A_420 = vector.load %arg2[%swap3A_417, %swap3A_418, %swap3A_419] : memref<8x2120x128xf32, #tpu.memory_space<vmem>>, vector<1x1x128xf32>
    %swap3A_421 = vector.shape_cast %swap3A_420 : vector<1x1x128xf32> to vector<128xf32>
    %swap3A_422 = vector.shape_cast %get3A_416 : vector<128xf32> to vector<1x1x128xf32>
    tpu.vector_store %arg2[%swap3A_417, %swap3A_418, %swap3A_419], %swap3A_422 {strides = array<i32>} : memref<8x2120x128xf32, #tpu.memory_space<vmem>>, vector<1x1x128xf32>,
    %get3A_423 = arith.constant 23 : index
    %get3A_424 = arith.constant 0 : index
    %get3A_425 = vector.load %arg0[%get3A_423, %get3A_424] : memref<65x128xf32, #tpu.memory_space<vmem>>, vector<1x128xf32>
    %get3A_426 = vector.shape_cast %get3A_425 : vector<1x128xf32> to vector<128xf32>
    %swap3A_427 = arith.constant 0 : index
    %swap3A_428 = arith.constant 1065 : index
    %swap3A_429 = arith.constant 0 : index
    %swap3A_430 = vector.load %arg2[%swap3A_427, %swap3A_428, %swap3A_429] : memref<8x2120x128xf32, #tpu.memory_space<vmem>>, vector<1x1x128xf32>
    %swap3A_431 = vector.shape_cast %swap3A_430 : vector<1x1x128xf32> to vector<128xf32>
    %swap3A_432 = vector.shape_cast %get3A_426 : vector<128xf32> to vector<1x1x128xf32>
    tpu.vector_store %arg2[%swap3A_427, %swap3A_428, %swap3A_429], %swap3A_432 {strides = array<i32>} : memref<8x2120x128xf32, #tpu.memory_space<vmem>>, vector<1x1x128xf32>,
    %get3A_433 = arith.constant 22 : index
    %get3A_434 = arith.constant 0 : index
    %get3A_435 = vector.load %arg0[%get3A_433, %get3A_434] : memref<65x128xf32, #tpu.memory_space<vmem>>, vector<1x128xf32>
    %get3A_436 = vector.shape_cast %get3A_435 : vector<1x128xf32> to vector<128xf32>
    %swap3A_437 = arith.constant 0 : index
    %swap3A_438 = arith.constant 1066 : index
    %swap3A_439 = arith.constant 0 : index
    %swap3A_440 = vector.load %arg2[%swap3A_437, %swap3A_438, %swap3A_439] : memref<8x2120x128xf32, #tpu.memory_space<vmem>>, vector<1x1x128xf32>
    %swap3A_441 = vector.shape_cast %swap3A_440 : vector<1x1x128xf32> to vector<128xf32>
    %swap3A_442 = vector.shape_cast %get3A_436 : vector<128xf32> to vector<1x1x128xf32>
    tpu.vector_store %arg2[%swap3A_437, %swap3A_438, %swap3A_439], %swap3A_442 {strides = array<i32>} : memref<8x2120x128xf32, #tpu.memory_space<vmem>>, vector<1x1x128xf32>,
    %get3A_443 = arith.constant 21 : index
    %get3A_444 = arith.constant 0 : index
    %get3A_445 = vector.load %arg0[%get3A_443, %get3A_444] : memref<65x128xf32, #tpu.memory_space<vmem>>, vector<1x128xf32>
    %get3A_446 = vector.shape_cast %get3A_445 : vector<1x128xf32> to vector<128xf32>
    %swap3A_447 = arith.constant 0 : index
    %swap3A_448 = arith.constant 1067 : index
    %swap3A_449 = arith.constant 0 : index
    %swap3A_450 = vector.load %arg2[%swap3A_447, %swap3A_448, %swap3A_449] : memref<8x2120x128xf32, #tpu.memory_space<vmem>>, vector<1x1x128xf32>
    %swap3A_451 = vector.shape_cast %swap3A_450 : vector<1x1x128xf32> to vector<128xf32>
    %swap3A_452 = vector.shape_cast %get3A_446 : vector<128xf32> to vector<1x1x128xf32>
    tpu.vector_store %arg2[%swap3A_447, %swap3A_448, %swap3A_449], %swap3A_452 {strides = array<i32>} : memref<8x2120x128xf32, #tpu.memory_space<vmem>>, vector<1x1x128xf32>,
    %get3A_453 = arith.constant 20 : index
    %get3A_454 = arith.constant 0 : index
    %get3A_455 = vector.load %arg0[%get3A_453, %get3A_454] : memref<65x128xf32, #tpu.memory_space<vmem>>, vector<1x128xf32>
    %get3A_456 = vector.shape_cast %get3A_455 : vector<1x128xf32> to vector<128xf32>
    %swap3A_457 = arith.constant 0 : index
    %swap3A_458 = arith.constant 1068 : index
    %swap3A_459 = arith.constant 0 : index
    %swap3A_460 = vector.load %arg2[%swap3A_457, %swap3A_458, %swap3A_459] : memref<8x2120x128xf32, #tpu.memory_space<vmem>>, vector<1x1x128xf32>
    %swap3A_461 = vector.shape_cast %swap3A_460 : vector<1x1x128xf32> to vector<128xf32>
    %swap3A_462 = vector.shape_cast %get3A_456 : vector<128xf32> to vector<1x1x128xf32>
    tpu.vector_store %arg2[%swap3A_457, %swap3A_458, %swap3A_459], %swap3A_462 {strides = array<i32>} : memref<8x2120x128xf32, #tpu.memory_space<vmem>>, vector<1x1x128xf32>,
    %get3A_463 = arith.constant 19 : index
    %get3A_464 = arith.constant 0 : index
    %get3A_465 = vector.load %arg0[%get3A_463, %get3A_464] : memref<65x128xf32, #tpu.memory_space<vmem>>, vector<1x128xf32>
    %get3A_466 = vector.shape_cast %get3A_465 : vector<1x128xf32> to vector<128xf32>
    %swap3A_467 = arith.constant 0 : index
    %swap3A_468 = arith.constant 1069 : index
    %swap3A_469 = arith.constant 0 : index
    %swap3A_470 = vector.load %arg2[%swap3A_467, %swap3A_468, %swap3A_469] : memref<8x2120x128xf32, #tpu.memory_space<vmem>>, vector<1x1x128xf32>
    %swap3A_471 = vector.shape_cast %swap3A_470 : vector<1x1x128xf32> to vector<128xf32>
    %swap3A_472 = vector.shape_cast %get3A_466 : vector<128xf32> to vector<1x1x128xf32>
    tpu.vector_store %arg2[%swap3A_467, %swap3A_468, %swap3A_469], %swap3A_472 {strides = array<i32>} : memref<8x2120x128xf32, #tpu.memory_space<vmem>>, vector<1x1x128xf32>,
    %get3A_473 = arith.constant 18 : index
    %get3A_474 = arith.constant 0 : index
    %get3A_475 = vector.load %arg0[%get3A_473, %get3A_474] : memref<65x128xf32, #tpu.memory_space<vmem>>, vector<1x128xf32>
    %get3A_476 = vector.shape_cast %get3A_475 : vector<1x128xf32> to vector<128xf32>
    %swap3A_477 = arith.constant 0 : index
    %swap3A_478 = arith.constant 1070 : index
    %swap3A_479 = arith.constant 0 : index
    %swap3A_480 = vector.load %arg2[%swap3A_477, %swap3A_478, %swap3A_479] : memref<8x2120x128xf32, #tpu.memory_space<vmem>>, vector<1x1x128xf32>
    %swap3A_481 = vector.shape_cast %swap3A_480 : vector<1x1x128xf32> to vector<128xf32>
    %swap3A_482 = vector.shape_cast %get3A_476 : vector<128xf32> to vector<1x1x128xf32>
    tpu.vector_store %arg2[%swap3A_477, %swap3A_478, %swap3A_479], %swap3A_482 {strides = array<i32>} : memref<8x2120x128xf32, #tpu.memory_space<vmem>>, vector<1x1x128xf32>,
    %get3A_483 = arith.constant 17 : index
    %get3A_484 = arith.constant 0 : index
    %get3A_485 = vector.load %arg0[%get3A_483, %get3A_484] : memref<65x128xf32, #tpu.memory_space<vmem>>, vector<1x128xf32>
    %get3A_486 = vector.shape_cast %get3A_485 : vector<1x128xf32> to vector<128xf32>
    %swap3A_487 = arith.constant 0 : index
    %swap3A_488 = arith.constant 1071 : index
    %swap3A_489 = arith.constant 0 : index
    %swap3A_490 = vector.load %arg2[%swap3A_487, %swap3A_488, %swap3A_489] : memref<8x2120x128xf32, #tpu.memory_space<vmem>>, vector<1x1x128xf32>
    %swap3A_491 = vector.shape_cast %swap3A_490 : vector<1x1x128xf32> to vector<128xf32>
    %swap3A_492 = vector.shape_cast %get3A_486 : vector<128xf32> to vector<1x1x128xf32>
    tpu.vector_store %arg2[%swap3A_487, %swap3A_488, %swap3A_489], %swap3A_492 {strides = array<i32>} : memref<8x2120x128xf32, #tpu.memory_space<vmem>>, vector<1x1x128xf32>,
    %get3A_493 = arith.constant 16 : index
    %get3A_494 = arith.constant 0 : index
    %get3A_495 = vector.load %arg0[%get3A_493, %get3A_494] : memref<65x128xf32, #tpu.memory_space<vmem>>, vector<1x128xf32>
    %get3A_496 = vector.shape_cast %get3A_495 : vector<1x128xf32> to vector<128xf32>
    %swap3A_497 = arith.constant 0 : index
    %swap3A_498 = arith.constant 1072 : index
    %swap3A_499 = arith.constant 0 : index
    %swap3A_500 = vector.load %arg2[%swap3A_497, %swap3A_498, %swap3A_499] : memref<8x2120x128xf32, #tpu.memory_space<vmem>>, vector<1x1x128xf32>
    %swap3A_501 = vector.shape_cast %swap3A_500 : vector<1x1x128xf32> to vector<128xf32>
    %swap3A_502 = vector.shape_cast %get3A_496 : vector<128xf32> to vector<1x1x128xf32>
    tpu.vector_store %arg2[%swap3A_497, %swap3A_498, %swap3A_499], %swap3A_502 {strides = array<i32>} : memref<8x2120x128xf32, #tpu.memory_space<vmem>>, vector<1x1x128xf32>,
    %get3A_503 = arith.constant 15 : index
    %get3A_504 = arith.constant 0 : index
    %get3A_505 = vector.load %arg0[%get3A_503, %get3A_504] : memref<65x128xf32, #tpu.memory_space<vmem>>, vector<1x128xf32>
    %get3A_506 = vector.shape_cast %get3A_505 : vector<1x128xf32> to vector<128xf32>
    %swap3A_507 = arith.constant 0 : index
    %swap3A_508 = arith.constant 1073 : index
    %swap3A_509 = arith.constant 0 : index
    %swap3A_510 = vector.load %arg2[%swap3A_507, %swap3A_508, %swap3A_509] : memref<8x2120x128xf32, #tpu.memory_space<vmem>>, vector<1x1x128xf32>
    %swap3A_511 = vector.shape_cast %swap3A_510 : vector<1x1x128xf32> to vector<128xf32>
    %swap3A_512 = vector.shape_cast %get3A_506 : vector<128xf32> to vector<1x1x128xf32>
    tpu.vector_store %arg2[%swap3A_507, %swap3A_508, %swap3A_509], %swap3A_512 {strides = array<i32>} : memref<8x2120x128xf32, #tpu.memory_space<vmem>>, vector<1x1x128xf32>,
    %get3A_513 = arith.constant 14 : index
    %get3A_514 = arith.constant 0 : index
    %get3A_515 = vector.load %arg0[%get3A_513, %get3A_514] : memref<65x128xf32, #tpu.memory_space<vmem>>, vector<1x128xf32>
    %get3A_516 = vector.shape_cast %get3A_515 : vector<1x128xf32> to vector<128xf32>
    %swap3A_517 = arith.constant 0 : index
    %swap3A_518 = arith.constant 1074 : index
    %swap3A_519 = arith.constant 0 : index
    %swap3A_520 = vector.load %arg2[%swap3A_517, %swap3A_518, %swap3A_519] : memref<8x2120x128xf32, #tpu.memory_space<vmem>>, vector<1x1x128xf32>
    %swap3A_521 = vector.shape_cast %swap3A_520 : vector<1x1x128xf32> to vector<128xf32>
    %swap3A_522 = vector.shape_cast %get3A_516 : vector<128xf32> to vector<1x1x128xf32>
    tpu.vector_store %arg2[%swap3A_517, %swap3A_518, %swap3A_519], %swap3A_522 {strides = array<i32>} : memref<8x2120x128xf32, #tpu.memory_space<vmem>>, vector<1x1x128xf32>,
    %get3A_523 = arith.constant 13 : index
    %get3A_524 = arith.constant 0 : index
    %get3A_525 = vector.load %arg0[%get3A_523, %get3A_524] : memref<65x128xf32, #tpu.memory_space<vmem>>, vector<1x128xf32>
    %get3A_526 = vector.shape_cast %get3A_525 : vector<1x128xf32> to vector<128xf32>
    %swap3A_527 = arith.constant 0 : index
    %swap3A_528 = arith.constant 1075 : index
    %swap3A_529 = arith.constant 0 : index
    %swap3A_530 = vector.load %arg2[%swap3A_527, %swap3A_528, %swap3A_529] : memref<8x2120x128xf32, #tpu.memory_space<vmem>>, vector<1x1x128xf32>
    %swap3A_531 = vector.shape_cast %swap3A_530 : vector<1x1x128xf32> to vector<128xf32>
    %swap3A_532 = vector.shape_cast %get3A_526 : vector<128xf32> to vector<1x1x128xf32>
    tpu.vector_store %arg2[%swap3A_527, %swap3A_528, %swap3A_529], %swap3A_532 {strides = array<i32>} : memref<8x2120x128xf32, #tpu.memory_space<vmem>>, vector<1x1x128xf32>,
    %get3A_533 = arith.constant 12 : index
    %get3A_534 = arith.constant 0 : index
    %get3A_535 = vector.load %arg0[%get3A_533, %get3A_534] : memref<65x128xf32, #tpu.memory_space<vmem>>, vector<1x128xf32>
    %get3A_536 = vector.shape_cast %get3A_535 : vector<1x128xf32> to vector<128xf32>
    %swap3A_537 = arith.constant 0 : index
    %swap3A_538 = arith.constant 1076 : index
    %swap3A_539 = arith.constant 0 : index
    %swap3A_540 = vector.load %arg2[%swap3A_537, %swap3A_538, %swap3A_539] : memref<8x2120x128xf32, #tpu.memory_space<vmem>>, vector<1x1x128xf32>
    %swap3A_541 = vector.shape_cast %swap3A_540 : vector<1x1x128xf32> to vector<128xf32>
    %swap3A_542 = vector.shape_cast %get3A_536 : vector<128xf32> to vector<1x1x128xf32>
    tpu.vector_store %arg2[%swap3A_537, %swap3A_538, %swap3A_539], %swap3A_542 {strides = array<i32>} : memref<8x2120x128xf32, #tpu.memory_space<vmem>>, vector<1x1x128xf32>,
    %get3A_543 = arith.constant 11 : index
    %get3A_544 = arith.constant 0 : index
    %get3A_545 = vector.load %arg0[%get3A_543, %get3A_544] : memref<65x128xf32, #tpu.memory_space<vmem>>, vector<1x128xf32>
    %get3A_546 = vector.shape_cast %get3A_545 : vector<1x128xf32> to vector<128xf32>
    %swap3A_547 = arith.constant 0 : index
    %swap3A_548 = arith.constant 1077 : index
    %swap3A_549 = arith.constant 0 : index
    %swap3A_550 = vector.load %arg2[%swap3A_547, %swap3A_548, %swap3A_549] : memref<8x2120x128xf32, #tpu.memory_space<vmem>>, vector<1x1x128xf32>
    %swap3A_551 = vector.shape_cast %swap3A_550 : vector<1x1x128xf32> to vector<128xf32>
    %swap3A_552 = vector.shape_cast %get3A_546 : vector<128xf32> to vector<1x1x128xf32>
    tpu.vector_store %arg2[%swap3A_547, %swap3A_548, %swap3A_549], %swap3A_552 {strides = array<i32>} : memref<8x2120x128xf32, #tpu.memory_space<vmem>>, vector<1x1x128xf32>,
    %get3A_553 = arith.constant 10 : index
    %get3A_554 = arith.constant 0 : index
    %get3A_555 = vector.load %arg0[%get3A_553, %get3A_554] : memref<65x128xf32, #tpu.memory_space<vmem>>, vector<1x128xf32>
    %get3A_556 = vector.shape_cast %get3A_555 : vector<1x128xf32> to vector<128xf32>
    %swap3A_557 = arith.constant 0 : index
    %swap3A_558 = arith.constant 1078 : index
    %swap3A_559 = arith.constant 0 : index
    %swap3A_560 = vector.load %arg2[%swap3A_557, %swap3A_558, %swap3A_559] : memref<8x2120x128xf32, #tpu.memory_space<vmem>>, vector<1x1x128xf32>
    %swap3A_561 = vector.shape_cast %swap3A_560 : vector<1x1x128xf32> to vector<128xf32>
    %swap3A_562 = vector.shape_cast %get3A_556 : vector<128xf32> to vector<1x1x128xf32>
    tpu.vector_store %arg2[%swap3A_557, %swap3A_558, %swap3A_559], %swap3A_562 {strides = array<i32>} : memref<8x2120x128xf32, #tpu.memory_space<vmem>>, vector<1x1x128xf32>,
    %get3A_563 = arith.constant 9 : index
    %get3A_564 = arith.constant 0 : index
    %get3A_565 = vector.load %arg0[%get3A_563, %get3A_564] : memref<65x128xf32, #tpu.memory_space<vmem>>, vector<1x128xf32>
    %get3A_566 = vector.shape_cast %get3A_565 : vector<1x128xf32> to vector<128xf32>
    %swap3A_567 = arith.constant 0 : index
    %swap3A_568 = arith.constant 1079 : index
    %swap3A_569 = arith.constant 0 : index
    %swap3A_570 = vector.load %arg2[%swap3A_567, %swap3A_568, %swap3A_569] : memref<8x2120x128xf32, #tpu.memory_space<vmem>>, vector<1x1x128xf32>
    %swap3A_571 = vector.shape_cast %swap3A_570 : vector<1x1x128xf32> to vector<128xf32>
    %swap3A_572 = vector.shape_cast %get3A_566 : vector<128xf32> to vector<1x1x128xf32>
    tpu.vector_store %arg2[%swap3A_567, %swap3A_568, %swap3A_569], %swap3A_572 {strides = array<i32>} : memref<8x2120x128xf32, #tpu.memory_space<vmem>>, vector<1x1x128xf32>,
    %get3A_573 = arith.constant 8 : index
    %get3A_574 = arith.constant 0 : index
    %get3A_575 = vector.load %arg0[%get3A_573, %get3A_574] : memref<65x128xf32, #tpu.memory_space<vmem>>, vector<1x128xf32>
    %get3A_576 = vector.shape_cast %get3A_575 : vector<1x128xf32> to vector<128xf32>
    %swap3A_577 = arith.constant 0 : index
    %swap3A_578 = arith.constant 1080 : index
    %swap3A_579 = arith.constant 0 : index
    %swap3A_580 = vector.load %arg2[%swap3A_577, %swap3A_578, %swap3A_579] : memref<8x2120x128xf32, #tpu.memory_space<vmem>>, vector<1x1x128xf32>
    %swap3A_581 = vector.shape_cast %swap3A_580 : vector<1x1x128xf32> to vector<128xf32>
    %swap3A_582 = vector.shape_cast %get3A_576 : vector<128xf32> to vector<1x1x128xf32>
    tpu.vector_store %arg2[%swap3A_577, %swap3A_578, %swap3A_579], %swap3A_582 {strides = array<i32>} : memref<8x2120x128xf32, #tpu.memory_space<vmem>>, vector<1x1x128xf32>,
    %get3A_583 = arith.constant 7 : index
    %get3A_584 = arith.constant 0 : index
    %get3A_585 = vector.load %arg0[%get3A_583, %get3A_584] : memref<65x128xf32, #tpu.memory_space<vmem>>, vector<1x128xf32>
    %get3A_586 = vector.shape_cast %get3A_585 : vector<1x128xf32> to vector<128xf32>
    %swap3A_587 = arith.constant 0 : index
    %swap3A_588 = arith.constant 1081 : index
    %swap3A_589 = arith.constant 0 : index
    %swap3A_590 = vector.load %arg2[%swap3A_587, %swap3A_588, %swap3A_589] : memref<8x2120x128xf32, #tpu.memory_space<vmem>>, vector<1x1x128xf32>
    %swap3A_591 = vector.shape_cast %swap3A_590 : vector<1x1x128xf32> to vector<128xf32>
    %swap3A_592 = vector.shape_cast %get3A_586 : vector<128xf32> to vector<1x1x128xf32>
    tpu.vector_store %arg2[%swap3A_587, %swap3A_588, %swap3A_589], %swap3A_592 {strides = array<i32>} : memref<8x2120x128xf32, #tpu.memory_space<vmem>>, vector<1x1x128xf32>,
    %get3A_593 = arith.constant 6 : index
    %get3A_594 = arith.constant 0 : index
    %get3A_595 = vector.load %arg0[%get3A_593, %get3A_594] : memref<65x128xf32, #tpu.memory_space<vmem>>, vector<1x128xf32>
    %get3A_596 = vector.shape_cast %get3A_595 : vector<1x128xf32> to vector<128xf32>
    %swap3A_597 = arith.constant 0 : index
    %swap3A_598 = arith.constant 1082 : index
    %swap3A_599 = arith.constant 0 : index
    %swap3A_600 = vector.load %arg2[%swap3A_597, %swap3A_598, %swap3A_599] : memref<8x2120x128xf32, #tpu.memory_space<vmem>>, vector<1x1x128xf32>
    %swap3A_601 = vector.shape_cast %swap3A_600 : vector<1x1x128xf32> to vector<128xf32>
    %swap3A_602 = vector.shape_cast %get3A_596 : vector<128xf32> to vector<1x1x128xf32>
    tpu.vector_store %arg2[%swap3A_597, %swap3A_598, %swap3A_599], %swap3A_602 {strides = array<i32>} : memref<8x2120x128xf32, #tpu.memory_space<vmem>>, vector<1x1x128xf32>,
    %get3A_603 = arith.constant 5 : index
    %get3A_604 = arith.constant 0 : index
    %get3A_605 = vector.load %arg0[%get3A_603, %get3A_604] : memref<65x128xf32, #tpu.memory_space<vmem>>, vector<1x128xf32>
    %get3A_606 = vector.shape_cast %get3A_605 : vector<1x128xf32> to vector<128xf32>
    %swap3A_607 = arith.constant 0 : index
    %swap3A_608 = arith.constant 1083 : index
    %swap3A_609 = arith.constant 0 : index
    %swap3A_610 = vector.load %arg2[%swap3A_607, %swap3A_608, %swap3A_609] : memref<8x2120x128xf32, #tpu.memory_space<vmem>>, vector<1x1x128xf32>
    %swap3A_611 = vector.shape_cast %swap3A_610 : vector<1x1x128xf32> to vector<128xf32>
    %swap3A_612 = vector.shape_cast %get3A_606 : vector<128xf32> to vector<1x1x128xf32>
    tpu.vector_store %arg2[%swap3A_607, %swap3A_608, %swap3A_609], %swap3A_612 {strides = array<i32>} : memref<8x2120x128xf32, #tpu.memory_space<vmem>>, vector<1x1x128xf32>,
    %get3A_613 = arith.constant 4 : index
    %get3A_614 = arith.constant 0 : index
    %get3A_615 = vector.load %arg0[%get3A_613, %get3A_614] : memref<65x128xf32, #tpu.memory_space<vmem>>, vector<1x128xf32>
    %get3A_616 = vector.shape_cast %get3A_615 : vector<1x128xf32> to vector<128xf32>
    %swap3A_617 = arith.constant 0 : index
    %swap3A_618 = arith.constant 1084 : index
    %swap3A_619 = arith.constant 0 : index
    %swap3A_620 = vector.load %arg2[%swap3A_617, %swap3A_618, %swap3A_619] : memref<8x2120x128xf32, #tpu.memory_space<vmem>>, vector<1x1x128xf32>
    %swap3A_621 = vector.shape_cast %swap3A_620 : vector<1x1x128xf32> to vector<128xf32>
    %swap3A_622 = vector.shape_cast %get3A_616 : vector<128xf32> to vector<1x1x128xf32>
    tpu.vector_store %arg2[%swap3A_617, %swap3A_618, %swap3A_619], %swap3A_622 {strides = array<i32>} : memref<8x2120x128xf32, #tpu.memory_space<vmem>>, vector<1x1x128xf32>,
    %get3A_623 = arith.constant 3 : index
    %get3A_624 = arith.constant 0 : index
    %get3A_625 = vector.load %arg0[%get3A_623, %get3A_624] : memref<65x128xf32, #tpu.memory_space<vmem>>, vector<1x128xf32>
    %get3A_626 = vector.shape_cast %get3A_625 : vector<1x128xf32> to vector<128xf32>
    %swap3A_627 = arith.constant 0 : index
    %swap3A_628 = arith.constant 1085 : index
    %swap3A_629 = arith.constant 0 : index
    %swap3A_630 = vector.load %arg2[%swap3A_627, %swap3A_628, %swap3A_629] : memref<8x2120x128xf32, #tpu.memory_space<vmem>>, vector<1x1x128xf32>
    %swap3A_631 = vector.shape_cast %swap3A_630 : vector<1x1x128xf32> to vector<128xf32>
    %swap3A_632 = vector.shape_cast %get3A_626 : vector<128xf32> to vector<1x1x128xf32>
    tpu.vector_store %arg2[%swap3A_627, %swap3A_628, %swap3A_629], %swap3A_632 {strides = array<i32>} : memref<8x2120x128xf32, #tpu.memory_space<vmem>>, vector<1x1x128xf32>,
    %get3A_633 = arith.constant 2 : index
    %get3A_634 = arith.constant 0 : index
    %get3A_635 = vector.load %arg0[%get3A_633, %get3A_634] : memref<65x128xf32, #tpu.memory_space<vmem>>, vector<1x128xf32>
    %get3A_636 = vector.shape_cast %get3A_635 : vector<1x128xf32> to vector<128xf32>
    %swap3A_637 = arith.constant 0 : index
    %swap3A_638 = arith.constant 1086 : index
    %swap3A_639 = arith.constant 0 : index
    %swap3A_640 = vector.load %arg2[%swap3A_637, %swap3A_638, %swap3A_639] : memref<8x2120x128xf32, #tpu.memory_space<vmem>>, vector<1x1x128xf32>
    %swap3A_641 = vector.shape_cast %swap3A_640 : vector<1x1x128xf32> to vector<128xf32>
    %swap3A_642 = vector.shape_cast %get3A_636 : vector<128xf32> to vector<1x1x128xf32>
    tpu.vector_store %arg2[%swap3A_637, %swap3A_638, %swap3A_639], %swap3A_642 {strides = array<i32>} : memref<8x2120x128xf32, #tpu.memory_space<vmem>>, vector<1x1x128xf32>,
    %get3A_643 = arith.constant 1 : index
    %get3A_644 = arith.constant 0 : index
    %get3A_645 = vector.load %arg0[%get3A_643, %get3A_644] : memref<65x128xf32, #tpu.memory_space<vmem>>, vector<1x128xf32>
    %get3A_646 = vector.shape_cast %get3A_645 : vector<1x128xf32> to vector<128xf32>
    %swap3A_647 = arith.constant 0 : index
    %swap3A_648 = arith.constant 1087 : index
    %swap3A_649 = arith.constant 0 : index
    %swap3A_650 = vector.load %arg2[%swap3A_647, %swap3A_648, %swap3A_649] : memref<8x2120x128xf32, #tpu.memory_space<vmem>>, vector<1x1x128xf32>
    %swap3A_651 = vector.shape_cast %swap3A_650 : vector<1x1x128xf32> to vector<128xf32>
    %swap3A_652 = vector.shape_cast %get3A_646 : vector<128xf32> to vector<1x1x128xf32>
    tpu.vector_store %arg2[%swap3A_647, %swap3A_648, %swap3A_649], %swap3A_652 {strides = array<i32>} : memref<8x2120x128xf32, #tpu.memory_space<vmem>>, vector<1x1x128xf32>,
    %get3A_653 = arith.constant 0 : index
    %get3A_654 = arith.constant 0 : index
    %get3A_655 = vector.load %arg0[%get3A_653, %get3A_654] : memref<65x128xf32, #tpu.memory_space<vmem>>, vector<1x128xf32>
    %get3A_656 = vector.shape_cast %get3A_655 : vector<1x128xf32> to vector<128xf32>
    %swap3A_657 = arith.constant 0 : index
    %swap3A_658 = arith.constant 1088 : index
    %swap3A_659 = arith.constant 0 : index
    %swap3A_660 = vector.load %arg2[%swap3A_657, %swap3A_658, %swap3A_659] : memref<8x2120x128xf32, #tpu.memory_space<vmem>>, vector<1x1x128xf32>
    %swap3A_661 = vector.shape_cast %swap3A_660 : vector<1x1x128xf32> to vector<128xf32>
    %swap3A_662 = vector.shape_cast %get3A_656 : vector<128xf32> to vector<1x1x128xf32>
    tpu.vector_store %arg2[%swap3A_657, %swap3A_658, %swap3A_659], %swap3A_662 {strides = array<i32>} : memref<8x2120x128xf32, #tpu.memory_space<vmem>>, vector<1x1x128xf32>,
    %broadcast_in_dim3A_663 = vector.shape_cast %get3A_6 : vector<128xf32> to vector<1x128xf32>
    %broadcast_in_dim3A_664 = vector.broadcast %broadcast_in_dim3A_663 : vector<1x128xf32> to vector<1023x128xf32>
    %swap3A_665 = arith.constant 0 : index
    %swap3A_666 = arith.constant 1089 : index
    %swap3A_667 = arith.constant 0 : index
    %swap3A_668 = vector.load %arg2[%swap3A_665, %swap3A_666, %swap3A_667] : memref<8x2120x128xf32, #tpu.memory_space<vmem>>, vector<1x1023x128xf32>
    %swap3A_669 = vector.shape_cast %swap3A_668 : vector<1x1023x128xf32> to vector<1023x128xf32>
    %swap3A_670 = vector.shape_cast %broadcast_in_dim3A_664 : vector<1023x128xf32> to vector<1x1023x128xf32>
    tpu.vector_store %arg2[%swap3A_665, %swap3A_666, %swap3A_667], %swap3A_670 {strides = array<i32>} : memref<8x2120x128xf32, #tpu.memory_space<vmem>>, vector<1x1023x128xf32>,
    %get3A_671 = arith.constant 0 : index
    %get3A_672 = arith.constant 0 : index
    %get3A_673 = arith.constant 0 : index
    %get3A_674 = vector.load %arg2[%get3A_671, %get3A_672, %get3A_673] : memref<8x2120x128xf32, #tpu.memory_space<vmem>>, vector<1x2112x128xf32>
    %get3A_675 = vector.shape_cast %get3A_674 : vector<1x2112x128xf32> to vector<2112x128xf32>
    %swap3A_676 = arith.constant 1 : index
    %swap3A_677 = arith.constant 1 : index
    %swap3A_678 = arith.constant 0 : index
    %swap3A_679 = vector.load %arg2[%swap3A_676, %swap3A_677, %swap3A_678] : memref<8x2120x128xf32, #tpu.memory_space<vmem>>, vector<1x2112x128xf32>
    %swap3A_680 = vector.shape_cast %swap3A_679 : vector<1x2112x128xf32> to vector<2112x128xf32>
    %swap3A_681 = vector.shape_cast %get3A_675 : vector<2112x128xf32> to vector<1x2112x128xf32>
    tpu.vector_store %arg2[%swap3A_676, %swap3A_677, %swap3A_678], %swap3A_681 {strides = array<i32>} : memref<8x2120x128xf32, #tpu.memory_space<vmem>>, vector<1x2112x128xf32>,
    %get3A_682 = arith.constant 0 : index
    %get3A_683 = arith.constant 0 : index
    %get3A_684 = arith.constant 0 : index
    %get3A_685 = vector.load %arg2[%get3A_682, %get3A_683, %get3A_684] : memref<8x2120x128xf32, #tpu.memory_space<vmem>>, vector<1x2112x128xf32>
    %get3A_686 = vector.shape_cast %get3A_685 : vector<1x2112x128xf32> to vector<2112x128xf32>
    %swap3A_687 = arith.constant 2 : index
    %swap3A_688 = arith.constant 2 : index
    %swap3A_689 = arith.constant 0 : index
    %swap3A_690 = vector.load %arg2[%swap3A_687, %swap3A_688, %swap3A_689] : memref<8x2120x128xf32, #tpu.memory_space<vmem>>, vector<1x2112x128xf32>
    %swap3A_691 = vector.shape_cast %swap3A_690 : vector<1x2112x128xf32> to vector<2112x128xf32>
    %swap3A_692 = vector.shape_cast %get3A_686 : vector<2112x128xf32> to vector<1x2112x128xf32>
    tpu.vector_store %arg2[%swap3A_687, %swap3A_688, %swap3A_689], %swap3A_692 {strides = array<i32>} : memref<8x2120x128xf32, #tpu.memory_space<vmem>>, vector<1x2112x128xf32>,
    %get3A_693 = arith.constant 0 : index
    %get3A_694 = arith.constant 0 : index
    %get3A_695 = arith.constant 0 : index
    %get3A_696 = vector.load %arg2[%get3A_693, %get3A_694, %get3A_695] : memref<8x2120x128xf32, #tpu.memory_space<vmem>>, vector<1x2112x128xf32>
    %get3A_697 = vector.shape_cast %get3A_696 : vector<1x2112x128xf32> to vector<2112x128xf32>
    %swap3A_698 = arith.constant 3 : index
    %swap3A_699 = arith.constant 3 : index
    %swap3A_700 = arith.constant 0 : index
    %swap3A_701 = vector.load %arg2[%swap3A_698, %swap3A_699, %swap3A_700] : memref<8x2120x128xf32, #tpu.memory_space<vmem>>, vector<1x2112x128xf32>
    %swap3A_702 = vector.shape_cast %swap3A_701 : vector<1x2112x128xf32> to vector<2112x128xf32>
    %swap3A_703 = vector.shape_cast %get3A_697 : vector<2112x128xf32> to vector<1x2112x128xf32>
    tpu.vector_store %arg2[%swap3A_698, %swap3A_699, %swap3A_700], %swap3A_703 {strides = array<i32>} : memref<8x2120x128xf32, #tpu.memory_space<vmem>>, vector<1x2112x128xf32>,
    %get3A_704 = arith.constant 0 : index
    %get3A_705 = arith.constant 0 : index
    %get3A_706 = arith.constant 0 : index
    %get3A_707 = vector.load %arg2[%get3A_704, %get3A_705, %get3A_706] : memref<8x2120x128xf32, #tpu.memory_space<vmem>>, vector<1x2112x128xf32>
    %get3A_708 = vector.shape_cast %get3A_707 : vector<1x2112x128xf32> to vector<2112x128xf32>
    %swap3A_709 = arith.constant 4 : index
    %swap3A_710 = arith.constant 4 : index
    %swap3A_711 = arith.constant 0 : index
    %swap3A_712 = vector.load %arg2[%swap3A_709, %swap3A_710, %swap3A_711] : memref<8x2120x128xf32, #tpu.memory_space<vmem>>, vector<1x2112x128xf32>
    %swap3A_713 = vector.shape_cast %swap3A_712 : vector<1x2112x128xf32> to vector<2112x128xf32>
    %swap3A_714 = vector.shape_cast %get3A_708 : vector<2112x128xf32> to vector<1x2112x128xf32>
    tpu.vector_store %arg2[%swap3A_709, %swap3A_710, %swap3A_711], %swap3A_714 {strides = array<i32>} : memref<8x2120x128xf32, #tpu.memory_space<vmem>>, vector<1x2112x128xf32>,
    %get3A_715 = arith.constant 0 : index
    %get3A_716 = arith.constant 0 : index
    %get3A_717 = arith.constant 0 : index
    %get3A_718 = vector.load %arg2[%get3A_715, %get3A_716, %get3A_717] : memref<8x2120x128xf32, #tpu.memory_space<vmem>>, vector<1x2112x128xf32>
    %get3A_719 = vector.shape_cast %get3A_718 : vector<1x2112x128xf32> to vector<2112x128xf32>
    %swap3A_720 = arith.constant 5 : index
    %swap3A_721 = arith.constant 5 : index
    %swap3A_722 = arith.constant 0 : index
    %swap3A_723 = vector.load %arg2[%swap3A_720, %swap3A_721, %swap3A_722] : memref<8x2120x128xf32, #tpu.memory_space<vmem>>, vector<1x2112x128xf32>
    %swap3A_724 = vector.shape_cast %swap3A_723 : vector<1x2112x128xf32> to vector<2112x128xf32>
    %swap3A_725 = vector.shape_cast %get3A_719 : vector<2112x128xf32> to vector<1x2112x128xf32>
    tpu.vector_store %arg2[%swap3A_720, %swap3A_721, %swap3A_722], %swap3A_725 {strides = array<i32>} : memref<8x2120x128xf32, #tpu.memory_space<vmem>>, vector<1x2112x128xf32>,
    %get3A_726 = arith.constant 0 : index
    %get3A_727 = arith.constant 0 : index
    %get3A_728 = arith.constant 0 : index
    %get3A_729 = vector.load %arg2[%get3A_726, %get3A_727, %get3A_728] : memref<8x2120x128xf32, #tpu.memory_space<vmem>>, vector<1x2112x128xf32>
    %get3A_730 = vector.shape_cast %get3A_729 : vector<1x2112x128xf32> to vector<2112x128xf32>
    %swap3A_731 = arith.constant 6 : index
    %swap3A_732 = arith.constant 6 : index
    %swap3A_733 = arith.constant 0 : index
    %swap3A_734 = vector.load %arg2[%swap3A_731, %swap3A_732, %swap3A_733] : memref<8x2120x128xf32, #tpu.memory_space<vmem>>, vector<1x2112x128xf32>
    %swap3A_735 = vector.shape_cast %swap3A_734 : vector<1x2112x128xf32> to vector<2112x128xf32>
    %swap3A_736 = vector.shape_cast %get3A_730 : vector<2112x128xf32> to vector<1x2112x128xf32>
    tpu.vector_store %arg2[%swap3A_731, %swap3A_732, %swap3A_733], %swap3A_736 {strides = array<i32>} : memref<8x2120x128xf32, #tpu.memory_space<vmem>>, vector<1x2112x128xf32>,
    %get3A_737 = arith.constant 0 : index
    %get3A_738 = arith.constant 0 : index
    %get3A_739 = arith.constant 0 : index
    %get3A_740 = vector.load %arg2[%get3A_737, %get3A_738, %get3A_739] : memref<8x2120x128xf32, #tpu.memory_space<vmem>>, vector<1x2112x128xf32>
    %get3A_741 = vector.shape_cast %get3A_740 : vector<1x2112x128xf32> to vector<2112x128xf32>
    %swap3A_742 = arith.constant 7 : index
    %swap3A_743 = arith.constant 7 : index
    %swap3A_744 = arith.constant 0 : index
    %swap3A_745 = vector.load %arg2[%swap3A_742, %swap3A_743, %swap3A_744] : memref<8x2120x128xf32, #tpu.memory_space<vmem>>, vector<1x2112x128xf32>
    %swap3A_746 = vector.shape_cast %swap3A_745 : vector<1x2112x128xf32> to vector<2112x128xf32>
    %swap3A_747 = vector.shape_cast %get3A_741 : vector<2112x128xf32> to vector<1x2112x128xf32>
    tpu.vector_store %arg2[%swap3A_742, %swap3A_743, %swap3A_744], %swap3A_747 {strides = array<i32>} : memref<8x2120x128xf32, #tpu.memory_space<vmem>>, vector<1x2112x128xf32>,
    %dma_start3A = arith.constant 0 : i32
    %dma_start3A_748 = tpu.memref_slice %arg3[%dma_start3A] : memref<8x!tpu.dma_semaphore, #tpu.memory_space<semaphore_mem>> -> memref<1x!tpu.dma_semaphore, #tpu.memory_space<semaphore_mem>>
    %dma_start3A_749 = tpu.memref_squeeze %dma_start3A_748 : memref<1x!tpu.dma_semaphore, #tpu.memory_space<semaphore_mem>> -> memref<!tpu.dma_semaphore, #tpu.memory_space<semaphore_mem>>
    %dma_start3A_750 = arith.constant 0 : i32
    %dma_start3A_751 = arith.constant 0 : i32
    %dma_start3A_752 = arith.constant 0 : i32
    %dma_start3A_753 = tpu.memref_slice %arg1[%dma_start3A_750, %dma_start3A_751, %dma_start3A_752] : memref<1024x1024x128xf32, #tpu.memory_space<any>> -> memref<8x1024x128xf32, #tpu.memory_space<any>>
    %dma_start3A_754 = arith.constant 0 : i32
    %dma_start3A_755 = arith.constant 1056 : i32
    %dma_start3A_756 = arith.constant 0 : i32
    %dma_start3A_757 = tpu.memref_slice %arg2[%dma_start3A_754, %dma_start3A_755, %dma_start3A_756] : memref<8x2120x128xf32, #tpu.memory_space<vmem>> -> memref<8x1024x128xf32, #tpu.memory_space<vmem>>
    tpu.enqueue_dma source(%dma_start3A_757 : memref<8x1024x128xf32, #tpu.memory_space<vmem>>) target(%dma_start3A_753 : memref<8x1024x128xf32, #tpu.memory_space<any>>) target_semaphore(%dma_start3A_749 : memref<!tpu.dma_semaphore, #tpu.memory_space<semaphore_mem>>)
    %dma_start3A_758 = arith.constant 1 : i32
    %dma_start3A_759 = tpu.memref_slice %arg3[%dma_start3A_758] : memref<8x!tpu.dma_semaphore, #tpu.memory_space<semaphore_mem>> -> memref<1x!tpu.dma_semaphore, #tpu.memory_space<semaphore_mem>>
    %dma_start3A_760 = tpu.memref_squeeze %dma_start3A_759 : memref<1x!tpu.dma_semaphore, #tpu.memory_space<semaphore_mem>> -> memref<!tpu.dma_semaphore, #tpu.memory_space<semaphore_mem>>
    %dma_start3A_761 = arith.constant 8 : i32
    %dma_start3A_762 = arith.constant 0 : i32
    %dma_start3A_763 = arith.constant 0 : i32
    %dma_start3A_764 = tpu.memref_slice %arg1[%dma_start3A_761, %dma_start3A_762, %dma_start3A_763] : memref<1024x1024x128xf32, #tpu.memory_space<any>> -> memref<8x1024x128xf32, #tpu.memory_space<any>>
    %dma_start3A_765 = arith.constant 0 : i32
    %dma_start3A_766 = arith.constant 1048 : i32
    %dma_start3A_767 = arith.constant 0 : i32
    %dma_start3A_768 = tpu.memref_slice %arg2[%dma_start3A_765, %dma_start3A_766, %dma_start3A_767] : memref<8x2120x128xf32, #tpu.memory_space<vmem>> -> memref<8x1024x128xf32, #tpu.memory_space<vmem>>
    tpu.enqueue_dma source(%dma_start3A_768 : memref<8x1024x128xf32, #tpu.memory_space<vmem>>) target(%dma_start3A_764 : memref<8x1024x128xf32, #tpu.memory_space<any>>) target_semaphore(%dma_start3A_760 : memref<!tpu.dma_semaphore, #tpu.memory_space<semaphore_mem>>)
    %dma_start3A_769 = arith.constant 2 : i32
    %dma_start3A_770 = tpu.memref_slice %arg3[%dma_start3A_769] : memref<8x!tpu.dma_semaphore, #tpu.memory_space<semaphore_mem>> -> memref<1x!tpu.dma_semaphore, #tpu.memory_space<semaphore_mem>>
    %dma_start3A_771 = tpu.memref_squeeze %dma_start3A_770 : memref<1x!tpu.dma_semaphore, #tpu.memory_space<semaphore_mem>> -> memref<!tpu.dma_semaphore, #tpu.memory_space<semaphore_mem>>
    %dma_start3A_772 = arith.constant 16 : i32
    %dma_start3A_773 = arith.constant 0 : i32
    %dma_start3A_774 = arith.constant 0 : i32
    %dma_start3A_775 = tpu.memref_slice %arg1[%dma_start3A_772, %dma_start3A_773, %dma_start3A_774] : memref<1024x1024x128xf32, #tpu.memory_space<any>> -> memref<8x1024x128xf32, #tpu.memory_space<any>>
    %dma_start3A_776 = arith.constant 0 : i32
    %dma_start3A_777 = arith.constant 1040 : i32
    %dma_start3A_778 = arith.constant 0 : i32
    %dma_start3A_779 = tpu.memref_slice %arg2[%dma_start3A_776, %dma_start3A_777, %dma_start3A_778] : memref<8x2120x128xf32, #tpu.memory_space<vmem>> -> memref<8x1024x128xf32, #tpu.memory_space<vmem>>
    tpu.enqueue_dma source(%dma_start3A_779 : memref<8x1024x128xf32, #tpu.memory_space<vmem>>) target(%dma_start3A_775 : memref<8x1024x128xf32, #tpu.memory_space<any>>) target_semaphore(%dma_start3A_771 : memref<!tpu.dma_semaphore, #tpu.memory_space<semaphore_mem>>)
    %dma_start3A_780 = arith.constant 3 : i32
    %dma_start3A_781 = tpu.memref_slice %arg3[%dma_start3A_780] : memref<8x!tpu.dma_semaphore, #tpu.memory_space<semaphore_mem>> -> memref<1x!tpu.dma_semaphore, #tpu.memory_space<semaphore_mem>>
    %dma_start3A_782 = tpu.memref_squeeze %dma_start3A_781 : memref<1x!tpu.dma_semaphore, #tpu.memory_space<semaphore_mem>> -> memref<!tpu.dma_semaphore, #tpu.memory_space<semaphore_mem>>
    %dma_start3A_783 = arith.constant 24 : i32
    %dma_start3A_784 = arith.constant 0 : i32
    %dma_start3A_785 = arith.constant 0 : i32
    %dma_start3A_786 = tpu.memref_slice %arg1[%dma_start3A_783, %dma_start3A_784, %dma_start3A_785] : memref<1024x1024x128xf32, #tpu.memory_space<any>> -> memref<8x1024x128xf32, #tpu.memory_space<any>>
    %dma_start3A_787 = arith.constant 0 : i32
    %dma_start3A_788 = arith.constant 1032 : i32
    %dma_start3A_789 = arith.constant 0 : i32
    %dma_start3A_790 = tpu.memref_slice %arg2[%dma_start3A_787, %dma_start3A_788, %dma_start3A_789] : memref<8x2120x128xf32, #tpu.memory_space<vmem>> -> memref<8x1024x128xf32, #tpu.memory_space<vmem>>
    tpu.enqueue_dma source(%dma_start3A_790 : memref<8x1024x128xf32, #tpu.memory_space<vmem>>) target(%dma_start3A_786 : memref<8x1024x128xf32, #tpu.memory_space<any>>) target_semaphore(%dma_start3A_782 : memref<!tpu.dma_semaphore, #tpu.memory_space<semaphore_mem>>)
    %dma_start3A_791 = arith.constant 4 : i32
    %dma_start3A_792 = tpu.memref_slice %arg3[%dma_start3A_791] : memref<8x!tpu.dma_semaphore, #tpu.memory_space<semaphore_mem>> -> memref<1x!tpu.dma_semaphore, #tpu.memory_space<semaphore_mem>>
    %dma_start3A_793 = tpu.memref_squeeze %dma_start3A_792 : memref<1x!tpu.dma_semaphore, #tpu.memory_space<semaphore_mem>> -> memref<!tpu.dma_semaphore, #tpu.memory_space<semaphore_mem>>
    %dma_start3A_794 = arith.constant 32 : i32
    %dma_start3A_795 = arith.constant 0 : i32
    %dma_start3A_796 = arith.constant 0 : i32
    %dma_start3A_797 = tpu.memref_slice %arg1[%dma_start3A_794, %dma_start3A_795, %dma_start3A_796] : memref<1024x1024x128xf32, #tpu.memory_space<any>> -> memref<8x1024x128xf32, #tpu.memory_space<any>>
    %dma_start3A_798 = arith.constant 0 : i32
    %dma_start3A_799 = arith.constant 1024 : i32
    %dma_start3A_800 = arith.constant 0 : i32
    %dma_start3A_801 = tpu.memref_slice %arg2[%dma_start3A_798, %dma_start3A_799, %dma_start3A_800] : memref<8x2120x128xf32, #tpu.memory_space<vmem>> -> memref<8x1024x128xf32, #tpu.memory_space<vmem>>
    tpu.enqueue_dma source(%dma_start3A_801 : memref<8x1024x128xf32, #tpu.memory_space<vmem>>) target(%dma_start3A_797 : memref<8x1024x128xf32, #tpu.memory_space<any>>) target_semaphore(%dma_start3A_793 : memref<!tpu.dma_semaphore, #tpu.memory_space<semaphore_mem>>)
    %dma_start3A_802 = arith.constant 5 : i32
    %dma_start3A_803 = tpu.memref_slice %arg3[%dma_start3A_802] : memref<8x!tpu.dma_semaphore, #tpu.memory_space<semaphore_mem>> -> memref<1x!tpu.dma_semaphore, #tpu.memory_space<semaphore_mem>>
    %dma_start3A_804 = tpu.memref_squeeze %dma_start3A_803 : memref<1x!tpu.dma_semaphore, #tpu.memory_space<semaphore_mem>> -> memref<!tpu.dma_semaphore, #tpu.memory_space<semaphore_mem>>
    %dma_start3A_805 = arith.constant 40 : i32
    %dma_start3A_806 = arith.constant 0 : i32
    %dma_start3A_807 = arith.constant 0 : i32
    %dma_start3A_808 = tpu.memref_slice %arg1[%dma_start3A_805, %dma_start3A_806, %dma_start3A_807] : memref<1024x1024x128xf32, #tpu.memory_space<any>> -> memref<8x1024x128xf32, #tpu.memory_space<any>>
    %dma_start3A_809 = arith.constant 0 : i32
    %dma_start3A_810 = arith.constant 1016 : i32
    %dma_start3A_811 = arith.constant 0 : i32
    %dma_start3A_812 = tpu.memref_slice %arg2[%dma_start3A_809, %dma_start3A_810, %dma_start3A_811] : memref<8x2120x128xf32, #tpu.memory_space<vmem>> -> memref<8x1024x128xf32, #tpu.memory_space<vmem>>
    tpu.enqueue_dma source(%dma_start3A_812 : memref<8x1024x128xf32, #tpu.memory_space<vmem>>) target(%dma_start3A_808 : memref<8x1024x128xf32, #tpu.memory_space<any>>) target_semaphore(%dma_start3A_804 : memref<!tpu.dma_semaphore, #tpu.memory_space<semaphore_mem>>)
    %dma_start3A_813 = arith.constant 6 : i32
    %dma_start3A_814 = tpu.memref_slice %arg3[%dma_start3A_813] : memref<8x!tpu.dma_semaphore, #tpu.memory_space<semaphore_mem>> -> memref<1x!tpu.dma_semaphore, #tpu.memory_space<semaphore_mem>>
    %dma_start3A_815 = tpu.memref_squeeze %dma_start3A_814 : memref<1x!tpu.dma_semaphore, #tpu.memory_space<semaphore_mem>> -> memref<!tpu.dma_semaphore, #tpu.memory_space<semaphore_mem>>
    %dma_start3A_816 = arith.constant 48 : i32
    %dma_start3A_817 = arith.constant 0 : i32
    %dma_start3A_818 = arith.constant 0 : i32
    %dma_start3A_819 = tpu.memref_slice %arg1[%dma_start3A_816, %dma_start3A_817, %dma_start3A_818] : memref<1024x1024x128xf32, #tpu.memory_space<any>> -> memref<8x1024x128xf32, #tpu.memory_space<any>>
    %dma_start3A_820 = arith.constant 0 : i32
    %dma_start3A_821 = arith.constant 1008 : i32
    %dma_start3A_822 = arith.constant 0 : i32
    %dma_start3A_823 = tpu.memref_slice %arg2[%dma_start3A_820, %dma_start3A_821, %dma_start3A_822] : memref<8x2120x128xf32, #tpu.memory_space<vmem>> -> memref<8x1024x128xf32, #tpu.memory_space<vmem>>
    tpu.enqueue_dma source(%dma_start3A_823 : memref<8x1024x128xf32, #tpu.memory_space<vmem>>) target(%dma_start3A_819 : memref<8x1024x128xf32, #tpu.memory_space<any>>) target_semaphore(%dma_start3A_815 : memref<!tpu.dma_semaphore, #tpu.memory_space<semaphore_mem>>)
    %dma_start3A_824 = arith.constant 7 : i32
    %dma_start3A_825 = tpu.memref_slice %arg3[%dma_start3A_824] : memref<8x!tpu.dma_semaphore, #tpu.memory_space<semaphore_mem>> -> memref<1x!tpu.dma_semaphore, #tpu.memory_space<semaphore_mem>>
    %dma_start3A_826 = tpu.memref_squeeze %dma_start3A_825 : memref<1x!tpu.dma_semaphore, #tpu.memory_space<semaphore_mem>> -> memref<!tpu.dma_semaphore, #tpu.memory_space<semaphore_mem>>
    %dma_start3A_827 = arith.constant 56 : i32
    %dma_start3A_828 = arith.constant 0 : i32
    %dma_start3A_829 = arith.constant 0 : i32
    %dma_start3A_830 = tpu.memref_slice %arg1[%dma_start3A_827, %dma_start3A_828, %dma_start3A_829] : memref<1024x1024x128xf32, #tpu.memory_space<any>> -> memref<8x1024x128xf32, #tpu.memory_space<any>>
    %dma_start3A_831 = arith.constant 0 : i32
    %dma_start3A_832 = arith.constant 1000 : i32
    %dma_start3A_833 = arith.constant 0 : i32
    %dma_start3A_834 = tpu.memref_slice %arg2[%dma_start3A_831, %dma_start3A_832, %dma_start3A_833] : memref<8x2120x128xf32, #tpu.memory_space<vmem>> -> memref<8x1024x128xf32, #tpu.memory_space<vmem>>
    tpu.enqueue_dma source(%dma_start3A_834 : memref<8x1024x128xf32, #tpu.memory_space<vmem>>) target(%dma_start3A_830 : memref<8x1024x128xf32, #tpu.memory_space<any>>) target_semaphore(%dma_start3A_826 : memref<!tpu.dma_semaphore, #tpu.memory_space<semaphore_mem>>)
    %dma_wait3A = arith.constant 0 : i32
    %dma_wait3A_835 = tpu.memref_slice %arg3[%dma_wait3A] : memref<8x!tpu.dma_semaphore, #tpu.memory_space<semaphore_mem>> -> memref<1x!tpu.dma_semaphore, #tpu.memory_space<semaphore_mem>>
    %dma_wait3A_836 = tpu.memref_squeeze %dma_wait3A_835 : memref<1x!tpu.dma_semaphore, #tpu.memory_space<semaphore_mem>> -> memref<!tpu.dma_semaphore, #tpu.memory_space<semaphore_mem>>
    %dma_wait3A_837 = arith.constant 0 : i32
    %dma_wait3A_838 = arith.constant 0 : i32
    %dma_wait3A_839 = arith.constant 0 : i32
    %dma_wait3A_840 = tpu.memref_slice %arg1[%dma_wait3A_837, %dma_wait3A_838, %dma_wait3A_839] : memref<1024x1024x128xf32, #tpu.memory_space<any>> -> memref<8x1024x128xf32, #tpu.memory_space<any>>
    %dma_wait3A_841 = arith.constant 0 : i32
    %dma_wait3A_842 = arith.constant 1056 : i32
    %dma_wait3A_843 = arith.constant 0 : i32
    %dma_wait3A_844 = tpu.memref_slice %arg2[%dma_wait3A_841, %dma_wait3A_842, %dma_wait3A_843] : memref<8x2120x128xf32, #tpu.memory_space<vmem>> -> memref<8x1024x128xf32, #tpu.memory_space<vmem>>
    tpu.wait_dma2 semaphore(%dma_wait3A_836 : memref<!tpu.dma_semaphore, #tpu.memory_space<semaphore_mem>>) src(%dma_wait3A_844 : memref<8x1024x128xf32, #tpu.memory_space<vmem>>) dst(%dma_wait3A_840 : memref<8x1024x128xf32, #tpu.memory_space<any>>)
    %dma_start3A_845 = arith.constant 0 : i32
    %dma_start3A_846 = tpu.memref_slice %arg3[%dma_start3A_845] : memref<8x!tpu.dma_semaphore, #tpu.memory_space<semaphore_mem>> -> memref<1x!tpu.dma_semaphore, #tpu.memory_space<semaphore_mem>>
    %dma_start3A_847 = tpu.memref_squeeze %dma_start3A_846 : memref<1x!tpu.dma_semaphore, #tpu.memory_space<semaphore_mem>> -> memref<!tpu.dma_semaphore, #tpu.memory_space<semaphore_mem>>
    %dma_start3A_848 = arith.constant 64 : i32
    %dma_start3A_849 = arith.constant 0 : i32
    %dma_start3A_850 = arith.constant 0 : i32
    %dma_start3A_851 = tpu.memref_slice %arg1[%dma_start3A_848, %dma_start3A_849, %dma_start3A_850] : memref<1024x1024x128xf32, #tpu.memory_space<any>> -> memref<8x1024x128xf32, #tpu.memory_space<any>>
    %dma_start3A_852 = arith.constant 0 : i32
    %dma_start3A_853 = arith.constant 992 : i32
    %dma_start3A_854 = arith.constant 0 : i32
    %dma_start3A_855 = tpu.memref_slice %arg2[%dma_start3A_852, %dma_start3A_853, %dma_start3A_854] : memref<8x2120x128xf32, #tpu.memory_space<vmem>> -> memref<8x1024x128xf32, #tpu.memory_space<vmem>>
    tpu.enqueue_dma source(%dma_start3A_855 : memref<8x1024x128xf32, #tpu.memory_space<vmem>>) target(%dma_start3A_851 : memref<8x1024x128xf32, #tpu.memory_space<any>>) target_semaphore(%dma_start3A_847 : memref<!tpu.dma_semaphore, #tpu.memory_space<semaphore_mem>>)
    %dma_wait3A_856 = arith.constant 1 : i32
    %dma_wait3A_857 = tpu.memref_slice %arg3[%dma_wait3A_856] : memref<8x!tpu.dma_semaphore, #tpu.memory_space<semaphore_mem>> -> memref<1x!tpu.dma_semaphore, #tpu.memory_space<semaphore_mem>>
    %dma_wait3A_858 = tpu.memref_squeeze %dma_wait3A_857 : memref<1x!tpu.dma_semaphore, #tpu.memory_space<semaphore_mem>> -> memref<!tpu.dma_semaphore, #tpu.memory_space<semaphore_mem>>
    %dma_wait3A_859 = arith.constant 8 : i32
    %dma_wait3A_860 = arith.constant 0 : i32
    %dma_wait3A_861 = arith.constant 0 : i32
    %dma_wait3A_862 = tpu.memref_slice %arg1[%dma_wait3A_859, %dma_wait3A_860, %dma_wait3A_861] : memref<1024x1024x128xf32, #tpu.memory_space<any>> -> memref<8x1024x128xf32, #tpu.memory_space<any>>
    %dma_wait3A_863 = arith.constant 0 : i32
    %dma_wait3A_864 = arith.constant 1048 : i32
    %dma_wait3A_865 = arith.constant 0 : i32
    %dma_wait3A_866 = tpu.memref_slice %arg2[%dma_wait3A_863, %dma_wait3A_864, %dma_wait3A_865] : memref<8x2120x128xf32, #tpu.memory_space<vmem>> -> memref<8x1024x128xf32, #tpu.memory_space<vmem>>
    tpu.wait_dma2 semaphore(%dma_wait3A_858 : memref<!tpu.dma_semaphore, #tpu.memory_space<semaphore_mem>>) src(%dma_wait3A_866 : memref<8x1024x128xf32, #tpu.memory_space<vmem>>) dst(%dma_wait3A_862 : memref<8x1024x128xf32, #tpu.memory_space<any>>)
    %dma_start3A_867 = arith.constant 1 : i32
    %dma_start3A_868 = tpu.memref_slice %arg3[%dma_start3A_867] : memref<8x!tpu.dma_semaphore, #tpu.memory_space<semaphore_mem>> -> memref<1x!tpu.dma_semaphore, #tpu.memory_space<semaphore_mem>>
    %dma_start3A_869 = tpu.memref_squeeze %dma_start3A_868 : memref<1x!tpu.dma_semaphore, #tpu.memory_space<semaphore_mem>> -> memref<!tpu.dma_semaphore, #tpu.memory_space<semaphore_mem>>
    %dma_start3A_870 = arith.constant 72 : i32
    %dma_start3A_871 = arith.constant 0 : i32
    %dma_start3A_872 = arith.constant 0 : i32
    %dma_start3A_873 = tpu.memref_slice %arg1[%dma_start3A_870, %dma_start3A_871, %dma_start3A_872] : memref<1024x1024x128xf32, #tpu.memory_space<any>> -> memref<8x1024x128xf32, #tpu.memory_space<any>>
    %dma_start3A_874 = arith.constant 0 : i32
    %dma_start3A_875 = arith.constant 984 : i32
    %dma_start3A_876 = arith.constant 0 : i32
    %dma_start3A_877 = tpu.memref_slice %arg2[%dma_start3A_874, %dma_start3A_875, %dma_start3A_876] : memref<8x2120x128xf32, #tpu.memory_space<vmem>> -> memref<8x1024x128xf32, #tpu.memory_space<vmem>>
    tpu.enqueue_dma source(%dma_start3A_877 : memref<8x1024x128xf32, #tpu.memory_space<vmem>>) target(%dma_start3A_873 : memref<8x1024x128xf32, #tpu.memory_space<any>>) target_semaphore(%dma_start3A_869 : memref<!tpu.dma_semaphore, #tpu.memory_space<semaphore_mem>>)
    %dma_wait3A_878 = arith.constant 2 : i32
    %dma_wait3A_879 = tpu.memref_slice %arg3[%dma_wait3A_878] : memref<8x!tpu.dma_semaphore, #tpu.memory_space<semaphore_mem>> -> memref<1x!tpu.dma_semaphore, #tpu.memory_space<semaphore_mem>>
    %dma_wait3A_880 = tpu.memref_squeeze %dma_wait3A_879 : memref<1x!tpu.dma_semaphore, #tpu.memory_space<semaphore_mem>> -> memref<!tpu.dma_semaphore, #tpu.memory_space<semaphore_mem>>
    %dma_wait3A_881 = arith.constant 16 : i32
    %dma_wait3A_882 = arith.constant 0 : i32
    %dma_wait3A_883 = arith.constant 0 : i32
    %dma_wait3A_884 = tpu.memref_slice %arg1[%dma_wait3A_881, %dma_wait3A_882, %dma_wait3A_883] : memref<1024x1024x128xf32, #tpu.memory_space<any>> -> memref<8x1024x128xf32, #tpu.memory_space<any>>
    %dma_wait3A_885 = arith.constant 0 : i32
    %dma_wait3A_886 = arith.constant 1040 : i32
    %dma_wait3A_887 = arith.constant 0 : i32
    %dma_wait3A_888 = tpu.memref_slice %arg2[%dma_wait3A_885, %dma_wait3A_886, %dma_wait3A_887] : memref<8x2120x128xf32, #tpu.memory_space<vmem>> -> memref<8x1024x128xf32, #tpu.memory_space<vmem>>
    tpu.wait_dma2 semaphore(%dma_wait3A_880 : memref<!tpu.dma_semaphore, #tpu.memory_space<semaphore_mem>>) src(%dma_wait3A_888 : memref<8x1024x128xf32, #tpu.memory_space<vmem>>) dst(%dma_wait3A_884 : memref<8x1024x128xf32, #tpu.memory_space<any>>)
    %dma_start3A_889 = arith.constant 2 : i32
    %dma_start3A_890 = tpu.memref_slice %arg3[%dma_start3A_889] : memref<8x!tpu.dma_semaphore, #tpu.memory_space<semaphore_mem>> -> memref<1x!tpu.dma_semaphore, #tpu.memory_space<semaphore_mem>>
    %dma_start3A_891 = tpu.memref_squeeze %dma_start3A_890 : memref<1x!tpu.dma_semaphore, #tpu.memory_space<semaphore_mem>> -> memref<!tpu.dma_semaphore, #tpu.memory_space<semaphore_mem>>
    %dma_start3A_892 = arith.constant 80 : i32
    %dma_start3A_893 = arith.constant 0 : i32
    %dma_start3A_894 = arith.constant 0 : i32
    %dma_start3A_895 = tpu.memref_slice %arg1[%dma_start3A_892, %dma_start3A_893, %dma_start3A_894] : memref<1024x1024x128xf32, #tpu.memory_space<any>> -> memref<8x1024x128xf32, #tpu.memory_space<any>>
    %dma_start3A_896 = arith.constant 0 : i32
    %dma_start3A_897 = arith.constant 976 : i32
    %dma_start3A_898 = arith.constant 0 : i32
    %dma_start3A_899 = tpu.memref_slice %arg2[%dma_start3A_896, %dma_start3A_897, %dma_start3A_898] : memref<8x2120x128xf32, #tpu.memory_space<vmem>> -> memref<8x1024x128xf32, #tpu.memory_space<vmem>>
    tpu.enqueue_dma source(%dma_start3A_899 : memref<8x1024x128xf32, #tpu.memory_space<vmem>>) target(%dma_start3A_895 : memref<8x1024x128xf32, #tpu.memory_space<any>>) target_semaphore(%dma_start3A_891 : memref<!tpu.dma_semaphore, #tpu.memory_space<semaphore_mem>>)
    %dma_wait3A_900 = arith.constant 3 : i32
    %dma_wait3A_901 = tpu.memref_slice %arg3[%dma_wait3A_900] : memref<8x!tpu.dma_semaphore, #tpu.memory_space<semaphore_mem>> -> memref<1x!tpu.dma_semaphore, #tpu.memory_space<semaphore_mem>>
    %dma_wait3A_902 = tpu.memref_squeeze %dma_wait3A_901 : memref<1x!tpu.dma_semaphore, #tpu.memory_space<semaphore_mem>> -> memref<!tpu.dma_semaphore, #tpu.memory_space<semaphore_mem>>
    %dma_wait3A_903 = arith.constant 24 : i32
    %dma_wait3A_904 = arith.constant 0 : i32
    %dma_wait3A_905 = arith.constant 0 : i32
    %dma_wait3A_906 = tpu.memref_slice %arg1[%dma_wait3A_903, %dma_wait3A_904, %dma_wait3A_905] : memref<1024x1024x128xf32, #tpu.memory_space<any>> -> memref<8x1024x128xf32, #tpu.memory_space<any>>
    %dma_wait3A_907 = arith.constant 0 : i32
    %dma_wait3A_908 = arith.constant 1032 : i32
    %dma_wait3A_909 = arith.constant 0 : i32
    %dma_wait3A_910 = tpu.memref_slice %arg2[%dma_wait3A_907, %dma_wait3A_908, %dma_wait3A_909] : memref<8x2120x128xf32, #tpu.memory_space<vmem>> -> memref<8x1024x128xf32, #tpu.memory_space<vmem>>
    tpu.wait_dma2 semaphore(%dma_wait3A_902 : memref<!tpu.dma_semaphore, #tpu.memory_space<semaphore_mem>>) src(%dma_wait3A_910 : memref<8x1024x128xf32, #tpu.memory_space<vmem>>) dst(%dma_wait3A_906 : memref<8x1024x128xf32, #tpu.memory_space<any>>)
    %dma_start3A_911 = arith.constant 3 : i32
    %dma_start3A_912 = tpu.memref_slice %arg3[%dma_start3A_911] : memref<8x!tpu.dma_semaphore, #tpu.memory_space<semaphore_mem>> -> memref<1x!tpu.dma_semaphore, #tpu.memory_space<semaphore_mem>>
    %dma_start3A_913 = tpu.memref_squeeze %dma_start3A_912 : memref<1x!tpu.dma_semaphore, #tpu.memory_space<semaphore_mem>> -> memref<!tpu.dma_semaphore, #tpu.memory_space<semaphore_mem>>
    %dma_start3A_914 = arith.constant 88 : i32
    %dma_start3A_915 = arith.constant 0 : i32
    %dma_start3A_916 = arith.constant 0 : i32
    %dma_start3A_917 = tpu.memref_slice %arg1[%dma_start3A_914, %dma_start3A_915, %dma_start3A_916] : memref<1024x1024x128xf32, #tpu.memory_space<any>> -> memref<8x1024x128xf32, #tpu.memory_space<any>>
    %dma_start3A_918 = arith.constant 0 : i32
    %dma_start3A_919 = arith.constant 968 : i32
    %dma_start3A_920 = arith.constant 0 : i32
    %dma_start3A_921 = tpu.memref_slice %arg2[%dma_start3A_918, %dma_start3A_919, %dma_start3A_920] : memref<8x2120x128xf32, #tpu.memory_space<vmem>> -> memref<8x1024x128xf32, #tpu.memory_space<vmem>>
    tpu.enqueue_dma source(%dma_start3A_921 : memref<8x1024x128xf32, #tpu.memory_space<vmem>>) target(%dma_start3A_917 : memref<8x1024x128xf32, #tpu.memory_space<any>>) target_semaphore(%dma_start3A_913 : memref<!tpu.dma_semaphore, #tpu.memory_space<semaphore_mem>>)
    %dma_wait3A_922 = arith.constant 4 : i32
    %dma_wait3A_923 = tpu.memref_slice %arg3[%dma_wait3A_922] : memref<8x!tpu.dma_semaphore, #tpu.memory_space<semaphore_mem>> -> memref<1x!tpu.dma_semaphore, #tpu.memory_space<semaphore_mem>>
    %dma_wait3A_924 = tpu.memref_squeeze %dma_wait3A_923 : memref<1x!tpu.dma_semaphore, #tpu.memory_space<semaphore_mem>> -> memref<!tpu.dma_semaphore, #tpu.memory_space<semaphore_mem>>
    %dma_wait3A_925 = arith.constant 32 : i32
    %dma_wait3A_926 = arith.constant 0 : i32
    %dma_wait3A_927 = arith.constant 0 : i32
    %dma_wait3A_928 = tpu.memref_slice %arg1[%dma_wait3A_925, %dma_wait3A_926, %dma_wait3A_927] : memref<1024x1024x128xf32, #tpu.memory_space<any>> -> memref<8x1024x128xf32, #tpu.memory_space<any>>
    %dma_wait3A_929 = arith.constant 0 : i32
    %dma_wait3A_930 = arith.constant 1024 : i32
    %dma_wait3A_931 = arith.constant 0 : i32
    %dma_wait3A_932 = tpu.memref_slice %arg2[%dma_wait3A_929, %dma_wait3A_930, %dma_wait3A_931] : memref<8x2120x128xf32, #tpu.memory_space<vmem>> -> memref<8x1024x128xf32, #tpu.memory_space<vmem>>
    tpu.wait_dma2 semaphore(%dma_wait3A_924 : memref<!tpu.dma_semaphore, #tpu.memory_space<semaphore_mem>>) src(%dma_wait3A_932 : memref<8x1024x128xf32, #tpu.memory_space<vmem>>) dst(%dma_wait3A_928 : memref<8x1024x128xf32, #tpu.memory_space<any>>)
    %dma_start3A_933 = arith.constant 4 : i32
    %dma_start3A_934 = tpu.memref_slice %arg3[%dma_start3A_933] : memref<8x!tpu.dma_semaphore, #tpu.memory_space<semaphore_mem>> -> memref<1x!tpu.dma_semaphore, #tpu.memory_space<semaphore_mem>>
    %dma_start3A_935 = tpu.memref_squeeze %dma_start3A_934 : memref<1x!tpu.dma_semaphore, #tpu.memory_space<semaphore_mem>> -> memref<!tpu.dma_semaphore, #tpu.memory_space<semaphore_mem>>
    %dma_start3A_936 = arith.constant 96 : i32
    %dma_start3A_937 = arith.constant 0 : i32
    %dma_start3A_938 = arith.constant 0 : i32
    %dma_start3A_939 = tpu.memref_slice %arg1[%dma_start3A_936, %dma_start3A_937, %dma_start3A_938] : memref<1024x1024x128xf32, #tpu.memory_space<any>> -> memref<8x1024x128xf32, #tpu.memory_space<any>>
    %dma_start3A_940 = arith.constant 0 : i32
    %dma_start3A_941 = arith.constant 960 : i32
    %dma_start3A_942 = arith.constant 0 : i32
    %dma_start3A_943 = tpu.memref_slice %arg2[%dma_start3A_940, %dma_start3A_941, %dma_start3A_942] : memref<8x2120x128xf32, #tpu.memory_space<vmem>> -> memref<8x1024x128xf32, #tpu.memory_space<vmem>>
    tpu.enqueue_dma source(%dma_start3A_943 : memref<8x1024x128xf32, #tpu.memory_space<vmem>>) target(%dma_start3A_939 : memref<8x1024x128xf32, #tpu.memory_space<any>>) target_semaphore(%dma_start3A_935 : memref<!tpu.dma_semaphore, #tpu.memory_space<semaphore_mem>>)
    %dma_wait3A_944 = arith.constant 5 : i32
    %dma_wait3A_945 = tpu.memref_slice %arg3[%dma_wait3A_944] : memref<8x!tpu.dma_semaphore, #tpu.memory_space<semaphore_mem>> -> memref<1x!tpu.dma_semaphore, #tpu.memory_space<semaphore_mem>>
    %dma_wait3A_946 = tpu.memref_squeeze %dma_wait3A_945 : memref<1x!tpu.dma_semaphore, #tpu.memory_space<semaphore_mem>> -> memref<!tpu.dma_semaphore, #tpu.memory_space<semaphore_mem>>
    %dma_wait3A_947 = arith.constant 40 : i32
    %dma_wait3A_948 = arith.constant 0 : i32
    %dma_wait3A_949 = arith.constant 0 : i32
    %dma_wait3A_950 = tpu.memref_slice %arg1[%dma_wait3A_947, %dma_wait3A_948, %dma_wait3A_949] : memref<1024x1024x128xf32, #tpu.memory_space<any>> -> memref<8x1024x128xf32, #tpu.memory_space<any>>
    %dma_wait3A_951 = arith.constant 0 : i32
    %dma_wait3A_952 = arith.constant 1016 : i32
    %dma_wait3A_953 = arith.constant 0 : i32
    %dma_wait3A_954 = tpu.memref_slice %arg2[%dma_wait3A_951, %dma_wait3A_952, %dma_wait3A_953] : memref<8x2120x128xf32, #tpu.memory_space<vmem>> -> memref<8x1024x128xf32, #tpu.memory_space<vmem>>
    tpu.wait_dma2 semaphore(%dma_wait3A_946 : memref<!tpu.dma_semaphore, #tpu.memory_space<semaphore_mem>>) src(%dma_wait3A_954 : memref<8x1024x128xf32, #tpu.memory_space<vmem>>) dst(%dma_wait3A_950 : memref<8x1024x128xf32, #tpu.memory_space<any>>)
    %dma_start3A_955 = arith.constant 5 : i32
    %dma_start3A_956 = tpu.memref_slice %arg3[%dma_start3A_955] : memref<8x!tpu.dma_semaphore, #tpu.memory_space<semaphore_mem>> -> memref<1x!tpu.dma_semaphore, #tpu.memory_space<semaphore_mem>>
    %dma_start3A_957 = tpu.memref_squeeze %dma_start3A_956 : memref<1x!tpu.dma_semaphore, #tpu.memory_space<semaphore_mem>> -> memref<!tpu.dma_semaphore, #tpu.memory_space<semaphore_mem>>
    %dma_start3A_958 = arith.constant 104 : i32
    %dma_start3A_959 = arith.constant 0 : i32
    %dma_start3A_960 = arith.constant 0 : i32
    %dma_start3A_961 = tpu.memref_slice %arg1[%dma_start3A_958, %dma_start3A_959, %dma_start3A_960] : memref<1024x1024x128xf32, #tpu.memory_space<any>> -> memref<8x1024x128xf32, #tpu.memory_space<any>>
    %dma_start3A_962 = arith.constant 0 : i32
    %dma_start3A_963 = arith.constant 952 : i32
    %dma_start3A_964 = arith.constant 0 : i32
    %dma_start3A_965 = tpu.memref_slice %arg2[%dma_start3A_962, %dma_start3A_963, %dma_start3A_964] : memref<8x2120x128xf32, #tpu.memory_space<vmem>> -> memref<8x1024x128xf32, #tpu.memory_space<vmem>>
    tpu.enqueue_dma source(%dma_start3A_965 : memref<8x1024x128xf32, #tpu.memory_space<vmem>>) target(%dma_start3A_961 : memref<8x1024x128xf32, #tpu.memory_space<any>>) target_semaphore(%dma_start3A_957 : memref<!tpu.dma_semaphore, #tpu.memory_space<semaphore_mem>>)
    %dma_wait3A_966 = arith.constant 6 : i32
    %dma_wait3A_967 = tpu.memref_slice %arg3[%dma_wait3A_966] : memref<8x!tpu.dma_semaphore, #tpu.memory_space<semaphore_mem>> -> memref<1x!tpu.dma_semaphore, #tpu.memory_space<semaphore_mem>>
    %dma_wait3A_968 = tpu.memref_squeeze %dma_wait3A_967 : memref<1x!tpu.dma_semaphore, #tpu.memory_space<semaphore_mem>> -> memref<!tpu.dma_semaphore, #tpu.memory_space<semaphore_mem>>
    %dma_wait3A_969 = arith.constant 48 : i32
    %dma_wait3A_970 = arith.constant 0 : i32
    %dma_wait3A_971 = arith.constant 0 : i32
    %dma_wait3A_972 = tpu.memref_slice %arg1[%dma_wait3A_969, %dma_wait3A_970, %dma_wait3A_971] : memref<1024x1024x128xf32, #tpu.memory_space<any>> -> memref<8x1024x128xf32, #tpu.memory_space<any>>
    %dma_wait3A_973 = arith.constant 0 : i32
    %dma_wait3A_974 = arith.constant 1008 : i32
    %dma_wait3A_975 = arith.constant 0 : i32
    %dma_wait3A_976 = tpu.memref_slice %arg2[%dma_wait3A_973, %dma_wait3A_974, %dma_wait3A_975] : memref<8x2120x128xf32, #tpu.memory_space<vmem>> -> memref<8x1024x128xf32, #tpu.memory_space<vmem>>
    tpu.wait_dma2 semaphore(%dma_wait3A_968 : memref<!tpu.dma_semaphore, #tpu.memory_space<semaphore_mem>>) src(%dma_wait3A_976 : memref<8x1024x128xf32, #tpu.memory_space<vmem>>) dst(%dma_wait3A_972 : memref<8x1024x128xf32, #tpu.memory_space<any>>)
    %dma_start3A_977 = arith.constant 6 : i32
    %dma_start3A_978 = tpu.memref_slice %arg3[%dma_start3A_977] : memref<8x!tpu.dma_semaphore, #tpu.memory_space<semaphore_mem>> -> memref<1x!tpu.dma_semaphore, #tpu.memory_space<semaphore_mem>>
    %dma_start3A_979 = tpu.memref_squeeze %dma_start3A_978 : memref<1x!tpu.dma_semaphore, #tpu.memory_space<semaphore_mem>> -> memref<!tpu.dma_semaphore, #tpu.memory_space<semaphore_mem>>
    %dma_start3A_980 = arith.constant 112 : i32
    %dma_start3A_981 = arith.constant 0 : i32
    %dma_start3A_982 = arith.constant 0 : i32
    %dma_start3A_983 = tpu.memref_slice %arg1[%dma_start3A_980, %dma_start3A_981, %dma_start3A_982] : memref<1024x1024x128xf32, #tpu.memory_space<any>> -> memref<8x1024x128xf32, #tpu.memory_space<any>>
    %dma_start3A_984 = arith.constant 0 : i32
    %dma_start3A_985 = arith.constant 944 : i32
    %dma_start3A_986 = arith.constant 0 : i32
    %dma_start3A_987 = tpu.memref_slice %arg2[%dma_start3A_984, %dma_start3A_985, %dma_start3A_986] : memref<8x2120x128xf32, #tpu.memory_space<vmem>> -> memref<8x1024x128xf32, #tpu.memory_space<vmem>>
    tpu.enqueue_dma source(%dma_start3A_987 : memref<8x1024x128xf32, #tpu.memory_space<vmem>>) target(%dma_start3A_983 : memref<8x1024x128xf32, #tpu.memory_space<any>>) target_semaphore(%dma_start3A_979 : memref<!tpu.dma_semaphore, #tpu.memory_space<semaphore_mem>>)
    %dma_wait3A_988 = arith.constant 7 : i32
    %dma_wait3A_989 = tpu.memref_slice %arg3[%dma_wait3A_988] : memref<8x!tpu.dma_semaphore, #tpu.memory_space<semaphore_mem>> -> memref<1x!tpu.dma_semaphore, #tpu.memory_space<semaphore_mem>>
    %dma_wait3A_990 = tpu.memref_squeeze %dma_wait3A_989 : memref<1x!tpu.dma_semaphore, #tpu.memory_space<semaphore_mem>> -> memref<!tpu.dma_semaphore, #tpu.memory_space<semaphore_mem>>
    %dma_wait3A_991 = arith.constant 56 : i32
    %dma_wait3A_992 = arith.constant 0 : i32
    %dma_wait3A_993 = arith.constant 0 : i32
    %dma_wait3A_994 = tpu.memref_slice %arg1[%dma_wait3A_991, %dma_wait3A_992, %dma_wait3A_993] : memref<1024x1024x128xf32, #tpu.memory_space<any>> -> memref<8x1024x128xf32, #tpu.memory_space<any>>
    %dma_wait3A_995 = arith.constant 0 : i32
    %dma_wait3A_996 = arith.constant 1000 : i32
    %dma_wait3A_997 = arith.constant 0 : i32
    %dma_wait3A_998 = tpu.memref_slice %arg2[%dma_wait3A_995, %dma_wait3A_996, %dma_wait3A_997] : memref<8x2120x128xf32, #tpu.memory_space<vmem>> -> memref<8x1024x128xf32, #tpu.memory_space<vmem>>
    tpu.wait_dma2 semaphore(%dma_wait3A_990 : memref<!tpu.dma_semaphore, #tpu.memory_space<semaphore_mem>>) src(%dma_wait3A_998 : memref<8x1024x128xf32, #tpu.memory_space<vmem>>) dst(%dma_wait3A_994 : memref<8x1024x128xf32, #tpu.memory_space<any>>)
    %dma_start3A_999 = arith.constant 7 : i32
    %dma_start3A_1000 = tpu.memref_slice %arg3[%dma_start3A_999] : memref<8x!tpu.dma_semaphore, #tpu.memory_space<semaphore_mem>> -> memref<1x!tpu.dma_semaphore, #tpu.memory_space<semaphore_mem>>
    %dma_start3A_1001 = tpu.memref_squeeze %dma_start3A_1000 : memref<1x!tpu.dma_semaphore, #tpu.memory_space<semaphore_mem>> -> memref<!tpu.dma_semaphore, #tpu.memory_space<semaphore_mem>>
    %dma_start3A_1002 = arith.constant 120 : i32
    %dma_start3A_1003 = arith.constant 0 : i32
    %dma_start3A_1004 = arith.constant 0 : i32
    %dma_start3A_1005 = tpu.memref_slice %arg1[%dma_start3A_1002, %dma_start3A_1003, %dma_start3A_1004] : memref<1024x1024x128xf32, #tpu.memory_space<any>> -> memref<8x1024x128xf32, #tpu.memory_space<any>>
    %dma_start3A_1006 = arith.constant 0 : i32
    %dma_start3A_1007 = arith.constant 936 : i32
    %dma_start3A_1008 = arith.constant 0 : i32
    %dma_start3A_1009 = tpu.memref_slice %arg2[%dma_start3A_1006, %dma_start3A_1007, %dma_start3A_1008] : memref<8x2120x128xf32, #tpu.memory_space<vmem>> -> memref<8x1024x128xf32, #tpu.memory_space<vmem>>
    tpu.enqueue_dma source(%dma_start3A_1009 : memref<8x1024x128xf32, #tpu.memory_space<vmem>>) target(%dma_start3A_1005 : memref<8x1024x128xf32, #tpu.memory_space<any>>) target_semaphore(%dma_start3A_1001 : memref<!tpu.dma_semaphore, #tpu.memory_space<semaphore_mem>>)
    %dma_wait3A_1010 = arith.constant 0 : i32
    %dma_wait3A_1011 = tpu.memref_slice %arg3[%dma_wait3A_1010] : memref<8x!tpu.dma_semaphore, #tpu.memory_space<semaphore_mem>> -> memref<1x!tpu.dma_semaphore, #tpu.memory_space<semaphore_mem>>
    %dma_wait3A_1012 = tpu.memref_squeeze %dma_wait3A_1011 : memref<1x!tpu.dma_semaphore, #tpu.memory_space<semaphore_mem>> -> memref<!tpu.dma_semaphore, #tpu.memory_space<semaphore_mem>>
    %dma_wait3A_1013 = arith.constant 64 : i32
    %dma_wait3A_1014 = arith.constant 0 : i32
    %dma_wait3A_1015 = arith.constant 0 : i32
    %dma_wait3A_1016 = tpu.memref_slice %arg1[%dma_wait3A_1013, %dma_wait3A_1014, %dma_wait3A_1015] : memref<1024x1024x128xf32, #tpu.memory_space<any>> -> memref<8x1024x128xf32, #tpu.memory_space<any>>
    %dma_wait3A_1017 = arith.constant 0 : i32
    %dma_wait3A_1018 = arith.constant 992 : i32
    %dma_wait3A_1019 = arith.constant 0 : i32
    %dma_wait3A_1020 = tpu.memref_slice %arg2[%dma_wait3A_1017, %dma_wait3A_1018, %dma_wait3A_1019] : memref<8x2120x128xf32, #tpu.memory_space<vmem>> -> memref<8x1024x128xf32, #tpu.memory_space<vmem>>
    tpu.wait_dma2 semaphore(%dma_wait3A_1012 : memref<!tpu.dma_semaphore, #tpu.memory_space<semaphore_mem>>) src(%dma_wait3A_1020 : memref<8x1024x128xf32, #tpu.memory_space<vmem>>) dst(%dma_wait3A_1016 : memref<8x1024x128xf32, #tpu.memory_space<any>>)
    %dma_start3A_1021 = arith.constant 0 : i32
    %dma_start3A_1022 = tpu.memref_slice %arg3[%dma_start3A_1021] : memref<8x!tpu.dma_semaphore, #tpu.memory_space<semaphore_mem>> -> memref<1x!tpu.dma_semaphore, #tpu.memory_space<semaphore_mem>>
    %dma_start3A_1023 = tpu.memref_squeeze %dma_start3A_1022 : memref<1x!tpu.dma_semaphore, #tpu.memory_space<semaphore_mem>> -> memref<!tpu.dma_semaphore, #tpu.memory_space<semaphore_mem>>
    %dma_start3A_1024 = arith.constant 128 : i32
    %dma_start3A_1025 = arith.constant 0 : i32
    %dma_start3A_1026 = arith.constant 0 : i32
    %dma_start3A_1027 = tpu.memref_slice %arg1[%dma_start3A_1024, %dma_start3A_1025, %dma_start3A_1026] : memref<1024x1024x128xf32, #tpu.memory_space<any>> -> memref<8x1024x128xf32, #tpu.memory_space<any>>
    %dma_start3A_1028 = arith.constant 0 : i32
    %dma_start3A_1029 = arith.constant 928 : i32
    %dma_start3A_1030 = arith.constant 0 : i32
    %dma_start3A_1031 = tpu.memref_slice %arg2[%dma_start3A_1028, %dma_start3A_1029, %dma_start3A_1030] : memref<8x2120x128xf32, #tpu.memory_space<vmem>> -> memref<8x1024x128xf32, #tpu.memory_space<vmem>>
    tpu.enqueue_dma source(%dma_start3A_1031 : memref<8x1024x128xf32, #tpu.memory_space<vmem>>) target(%dma_start3A_1027 : memref<8x1024x128xf32, #tpu.memory_space<any>>) target_semaphore(%dma_start3A_1023 : memref<!tpu.dma_semaphore, #tpu.memory_space<semaphore_mem>>)
    %dma_wait3A_1032 = arith.constant 1 : i32
    %dma_wait3A_1033 = tpu.memref_slice %arg3[%dma_wait3A_1032] : memref<8x!tpu.dma_semaphore, #tpu.memory_space<semaphore_mem>> -> memref<1x!tpu.dma_semaphore, #tpu.memory_space<semaphore_mem>>
    %dma_wait3A_1034 = tpu.memref_squeeze %dma_wait3A_1033 : memref<1x!tpu.dma_semaphore, #tpu.memory_space<semaphore_mem>> -> memref<!tpu.dma_semaphore, #tpu.memory_space<semaphore_mem>>
    %dma_wait3A_1035 = arith.constant 72 : i32
    %dma_wait3A_1036 = arith.constant 0 : i32
    %dma_wait3A_1037 = arith.constant 0 : i32
    %dma_wait3A_1038 = tpu.memref_slice %arg1[%dma_wait3A_1035, %dma_wait3A_1036, %dma_wait3A_1037] : memref<1024x1024x128xf32, #tpu.memory_space<any>> -> memref<8x1024x128xf32, #tpu.memory_space<any>>
    %dma_wait3A_1039 = arith.constant 0 : i32
    %dma_wait3A_1040 = arith.constant 984 : i32
    %dma_wait3A_1041 = arith.constant 0 : i32
    %dma_wait3A_1042 = tpu.memref_slice %arg2[%dma_wait3A_1039, %dma_wait3A_1040, %dma_wait3A_1041] : memref<8x2120x128xf32, #tpu.memory_space<vmem>> -> memref<8x1024x128xf32, #tpu.memory_space<vmem>>
    tpu.wait_dma2 semaphore(%dma_wait3A_1034 : memref<!tpu.dma_semaphore, #tpu.memory_space<semaphore_mem>>) src(%dma_wait3A_1042 : memref<8x1024x128xf32, #tpu.memory_space<vmem>>) dst(%dma_wait3A_1038 : memref<8x1024x128xf32, #tpu.memory_space<any>>)
    %dma_start3A_1043 = arith.constant 1 : i32
    %dma_start3A_1044 = tpu.memref_slice %arg3[%dma_start3A_1043] : memref<8x!tpu.dma_semaphore, #tpu.memory_space<semaphore_mem>> -> memref<1x!tpu.dma_semaphore, #tpu.memory_space<semaphore_mem>>
    %dma_start3A_1045 = tpu.memref_squeeze %dma_start3A_1044 : memref<1x!tpu.dma_semaphore, #tpu.memory_space<semaphore_mem>> -> memref<!tpu.dma_semaphore, #tpu.memory_space<semaphore_mem>>
    %dma_start3A_1046 = arith.constant 136 : i32
    %dma_start3A_1047 = arith.constant 0 : i32
    %dma_start3A_1048 = arith.constant 0 : i32
    %dma_start3A_1049 = tpu.memref_slice %arg1[%dma_start3A_1046, %dma_start3A_1047, %dma_start3A_1048] : memref<1024x1024x128xf32, #tpu.memory_space<any>> -> memref<8x1024x128xf32, #tpu.memory_space<any>>
    %dma_start3A_1050 = arith.constant 0 : i32
    %dma_start3A_1051 = arith.constant 920 : i32
    %dma_start3A_1052 = arith.constant 0 : i32
    %dma_start3A_1053 = tpu.memref_slice %arg2[%dma_start3A_1050, %dma_start3A_1051, %dma_start3A_1052] : memref<8x2120x128xf32, #tpu.memory_space<vmem>> -> memref<8x1024x128xf32, #tpu.memory_space<vmem>>
    tpu.enqueue_dma source(%dma_start3A_1053 : memref<8x1024x128xf32, #tpu.memory_space<vmem>>) target(%dma_start3A_1049 : memref<8x1024x128xf32, #tpu.memory_space<any>>) target_semaphore(%dma_start3A_1045 : memref<!tpu.dma_semaphore, #tpu.memory_space<semaphore_mem>>)
    %dma_wait3A_1054 = arith.constant 2 : i32
    %dma_wait3A_1055 = tpu.memref_slice %arg3[%dma_wait3A_1054] : memref<8x!tpu.dma_semaphore, #tpu.memory_space<semaphore_mem>> -> memref<1x!tpu.dma_semaphore, #tpu.memory_space<semaphore_mem>>
    %dma_wait3A_1056 = tpu.memref_squeeze %dma_wait3A_1055 : memref<1x!tpu.dma_semaphore, #tpu.memory_space<semaphore_mem>> -> memref<!tpu.dma_semaphore, #tpu.memory_space<semaphore_mem>>
    %dma_wait3A_1057 = arith.constant 80 : i32
    %dma_wait3A_1058 = arith.constant 0 : i32
    %dma_wait3A_1059 = arith.constant 0 : i32
    %dma_wait3A_1060 = tpu.memref_slice %arg1[%dma_wait3A_1057, %dma_wait3A_1058, %dma_wait3A_1059] : memref<1024x1024x128xf32, #tpu.memory_space<any>> -> memref<8x1024x128xf32, #tpu.memory_space<any>>
    %dma_wait3A_1061 = arith.constant 0 : i32
    %dma_wait3A_1062 = arith.constant 976 : i32
    %dma_wait3A_1063 = arith.constant 0 : i32
    %dma_wait3A_1064 = tpu.memref_slice %arg2[%dma_wait3A_1061, %dma_wait3A_1062, %dma_wait3A_1063] : memref<8x2120x128xf32, #tpu.memory_space<vmem>> -> memref<8x1024x128xf32, #tpu.memory_space<vmem>>
    tpu.wait_dma2 semaphore(%dma_wait3A_1056 : memref<!tpu.dma_semaphore, #tpu.memory_space<semaphore_mem>>) src(%dma_wait3A_1064 : memref<8x1024x128xf32, #tpu.memory_space<vmem>>) dst(%dma_wait3A_1060 : memref<8x1024x128xf32, #tpu.memory_space<any>>)
    %dma_start3A_1065 = arith.constant 2 : i32
    %dma_start3A_1066 = tpu.memref_slice %arg3[%dma_start3A_1065] : memref<8x!tpu.dma_semaphore, #tpu.memory_space<semaphore_mem>> -> memref<1x!tpu.dma_semaphore, #tpu.memory_space<semaphore_mem>>
    %dma_start3A_1067 = tpu.memref_squeeze %dma_start3A_1066 : memref<1x!tpu.dma_semaphore, #tpu.memory_space<semaphore_mem>> -> memref<!tpu.dma_semaphore, #tpu.memory_space<semaphore_mem>>
    %dma_start3A_1068 = arith.constant 144 : i32
    %dma_start3A_1069 = arith.constant 0 : i32
    %dma_start3A_1070 = arith.constant 0 : i32
    %dma_start3A_1071 = tpu.memref_slice %arg1[%dma_start3A_1068, %dma_start3A_1069, %dma_start3A_1070] : memref<1024x1024x128xf32, #tpu.memory_space<any>> -> memref<8x1024x128xf32, #tpu.memory_space<any>>
    %dma_start3A_1072 = arith.constant 0 : i32
    %dma_start3A_1073 = arith.constant 912 : i32
    %dma_start3A_1074 = arith.constant 0 : i32
    %dma_start3A_1075 = tpu.memref_slice %arg2[%dma_start3A_1072, %dma_start3A_1073, %dma_start3A_1074] : memref<8x2120x128xf32, #tpu.memory_space<vmem>> -> memref<8x1024x128xf32, #tpu.memory_space<vmem>>
    tpu.enqueue_dma source(%dma_start3A_1075 : memref<8x1024x128xf32, #tpu.memory_space<vmem>>) target(%dma_start3A_1071 : memref<8x1024x128xf32, #tpu.memory_space<any>>) target_semaphore(%dma_start3A_1067 : memref<!tpu.dma_semaphore, #tpu.memory_space<semaphore_mem>>)
    %dma_wait3A_1076 = arith.constant 3 : i32
    %dma_wait3A_1077 = tpu.memref_slice %arg3[%dma_wait3A_1076] : memref<8x!tpu.dma_semaphore, #tpu.memory_space<semaphore_mem>> -> memref<1x!tpu.dma_semaphore, #tpu.memory_space<semaphore_mem>>
    %dma_wait3A_1078 = tpu.memref_squeeze %dma_wait3A_1077 : memref<1x!tpu.dma_semaphore, #tpu.memory_space<semaphore_mem>> -> memref<!tpu.dma_semaphore, #tpu.memory_space<semaphore_mem>>
    %dma_wait3A_1079 = arith.constant 88 : i32
    %dma_wait3A_1080 = arith.constant 0 : i32
    %dma_wait3A_1081 = arith.constant 0 : i32
    %dma_wait3A_1082 = tpu.memref_slice %arg1[%dma_wait3A_1079, %dma_wait3A_1080, %dma_wait3A_1081] : memref<1024x1024x128xf32, #tpu.memory_space<any>> -> memref<8x1024x128xf32, #tpu.memory_space<any>>
    %dma_wait3A_1083 = arith.constant 0 : i32
    %dma_wait3A_1084 = arith.constant 968 : i32
    %dma_wait3A_1085 = arith.constant 0 : i32
    %dma_wait3A_1086 = tpu.memref_slice %arg2[%dma_wait3A_1083, %dma_wait3A_1084, %dma_wait3A_1085] : memref<8x2120x128xf32, #tpu.memory_space<vmem>> -> memref<8x1024x128xf32, #tpu.memory_space<vmem>>
    tpu.wait_dma2 semaphore(%dma_wait3A_1078 : memref<!tpu.dma_semaphore, #tpu.memory_space<semaphore_mem>>) src(%dma_wait3A_1086 : memref<8x1024x128xf32, #tpu.memory_space<vmem>>) dst(%dma_wait3A_1082 : memref<8x1024x128xf32, #tpu.memory_space<any>>)
    %dma_start3A_1087 = arith.constant 3 : i32
    %dma_start3A_1088 = tpu.memref_slice %arg3[%dma_start3A_1087] : memref<8x!tpu.dma_semaphore, #tpu.memory_space<semaphore_mem>> -> memref<1x!tpu.dma_semaphore, #tpu.memory_space<semaphore_mem>>
    %dma_start3A_1089 = tpu.memref_squeeze %dma_start3A_1088 : memref<1x!tpu.dma_semaphore, #tpu.memory_space<semaphore_mem>> -> memref<!tpu.dma_semaphore, #tpu.memory_space<semaphore_mem>>
    %dma_start3A_1090 = arith.constant 152 : i32
    %dma_start3A_1091 = arith.constant 0 : i32
    %dma_start3A_1092 = arith.constant 0 : i32
    %dma_start3A_1093 = tpu.memref_slice %arg1[%dma_start3A_1090, %dma_start3A_1091, %dma_start3A_1092] : memref<1024x1024x128xf32, #tpu.memory_space<any>> -> memref<8x1024x128xf32, #tpu.memory_space<any>>
    %dma_start3A_1094 = arith.constant 0 : i32
    %dma_start3A_1095 = arith.constant 904 : i32
    %dma_start3A_1096 = arith.constant 0 : i32
    %dma_start3A_1097 = tpu.memref_slice %arg2[%dma_start3A_1094, %dma_start3A_1095, %dma_start3A_1096] : memref<8x2120x128xf32, #tpu.memory_space<vmem>> -> memref<8x1024x128xf32, #tpu.memory_space<vmem>>
    tpu.enqueue_dma source(%dma_start3A_1097 : memref<8x1024x128xf32, #tpu.memory_space<vmem>>) target(%dma_start3A_1093 : memref<8x1024x128xf32, #tpu.memory_space<any>>) target_semaphore(%dma_start3A_1089 : memref<!tpu.dma_semaphore, #tpu.memory_space<semaphore_mem>>)
    %dma_wait3A_1098 = arith.constant 4 : i32
    %dma_wait3A_1099 = tpu.memref_slice %arg3[%dma_wait3A_1098] : memref<8x!tpu.dma_semaphore, #tpu.memory_space<semaphore_mem>> -> memref<1x!tpu.dma_semaphore, #tpu.memory_space<semaphore_mem>>
    %dma_wait3A_1100 = tpu.memref_squeeze %dma_wait3A_1099 : memref<1x!tpu.dma_semaphore, #tpu.memory_space<semaphore_mem>> -> memref<!tpu.dma_semaphore, #tpu.memory_space<semaphore_mem>>
    %dma_wait3A_1101 = arith.constant 96 : i32
    %dma_wait3A_1102 = arith.constant 0 : i32
    %dma_wait3A_1103 = arith.constant 0 : i32
    %dma_wait3A_1104 = tpu.memref_slice %arg1[%dma_wait3A_1101, %dma_wait3A_1102, %dma_wait3A_1103] : memref<1024x1024x128xf32, #tpu.memory_space<any>> -> memref<8x1024x128xf32, #tpu.memory_space<any>>
    %dma_wait3A_1105 = arith.constant 0 : i32
    %dma_wait3A_1106 = arith.constant 960 : i32
    %dma_wait3A_1107 = arith.constant 0 : i32
    %dma_wait3A_1108 = tpu.memref_slice %arg2[%dma_wait3A_1105, %dma_wait3A_1106, %dma_wait3A_1107] : memref<8x2120x128xf32, #tpu.memory_space<vmem>> -> memref<8x1024x128xf32, #tpu.memory_space<vmem>>
    tpu.wait_dma2 semaphore(%dma_wait3A_1100 : memref<!tpu.dma_semaphore, #tpu.memory_space<semaphore_mem>>) src(%dma_wait3A_1108 : memref<8x1024x128xf32, #tpu.memory_space<vmem>>) dst(%dma_wait3A_1104 : memref<8x1024x128xf32, #tpu.memory_space<any>>)
    %dma_start3A_1109 = arith.constant 4 : i32
    %dma_start3A_1110 = tpu.memref_slice %arg3[%dma_start3A_1109] : memref<8x!tpu.dma_semaphore, #tpu.memory_space<semaphore_mem>> -> memref<1x!tpu.dma_semaphore, #tpu.memory_space<semaphore_mem>>
    %dma_start3A_1111 = tpu.memref_squeeze %dma_start3A_1110 : memref<1x!tpu.dma_semaphore, #tpu.memory_space<semaphore_mem>> -> memref<!tpu.dma_semaphore, #tpu.memory_space<semaphore_mem>>
    %dma_start3A_1112 = arith.constant 160 : i32
    %dma_start3A_1113 = arith.constant 0 : i32
    %dma_start3A_1114 = arith.constant 0 : i32
    %dma_start3A_1115 = tpu.memref_slice %arg1[%dma_start3A_1112, %dma_start3A_1113, %dma_start3A_1114] : memref<1024x1024x128xf32, #tpu.memory_space<any>> -> memref<8x1024x128xf32, #tpu.memory_space<any>>
    %dma_start3A_1116 = arith.constant 0 : i32
    %dma_start3A_1117 = arith.constant 896 : i32
    %dma_start3A_1118 = arith.constant 0 : i32
    %dma_start3A_1119 = tpu.memref_slice %arg2[%dma_start3A_1116, %dma_start3A_1117, %dma_start3A_1118] : memref<8x2120x128xf32, #tpu.memory_space<vmem>> -> memref<8x1024x128xf32, #tpu.memory_space<vmem>>
    tpu.enqueue_dma source(%dma_start3A_1119 : memref<8x1024x128xf32, #tpu.memory_space<vmem>>) target(%dma_start3A_1115 : memref<8x1024x128xf32, #tpu.memory_space<any>>) target_semaphore(%dma_start3A_1111 : memref<!tpu.dma_semaphore, #tpu.memory_space<semaphore_mem>>)
    %dma_wait3A_1120 = arith.constant 5 : i32
    %dma_wait3A_1121 = tpu.memref_slice %arg3[%dma_wait3A_1120] : memref<8x!tpu.dma_semaphore, #tpu.memory_space<semaphore_mem>> -> memref<1x!tpu.dma_semaphore, #tpu.memory_space<semaphore_mem>>
    %dma_wait3A_1122 = tpu.memref_squeeze %dma_wait3A_1121 : memref<1x!tpu.dma_semaphore, #tpu.memory_space<semaphore_mem>> -> memref<!tpu.dma_semaphore, #tpu.memory_space<semaphore_mem>>
    %dma_wait3A_1123 = arith.constant 104 : i32
    %dma_wait3A_1124 = arith.constant 0 : i32
    %dma_wait3A_1125 = arith.constant 0 : i32
    %dma_wait3A_1126 = tpu.memref_slice %arg1[%dma_wait3A_1123, %dma_wait3A_1124, %dma_wait3A_1125] : memref<1024x1024x128xf32, #tpu.memory_space<any>> -> memref<8x1024x128xf32, #tpu.memory_space<any>>
    %dma_wait3A_1127 = arith.constant 0 : i32
    %dma_wait3A_1128 = arith.constant 952 : i32
    %dma_wait3A_1129 = arith.constant 0 : i32
    %dma_wait3A_1130 = tpu.memref_slice %arg2[%dma_wait3A_1127, %dma_wait3A_1128, %dma_wait3A_1129] : memref<8x2120x128xf32, #tpu.memory_space<vmem>> -> memref<8x1024x128xf32, #tpu.memory_space<vmem>>
    tpu.wait_dma2 semaphore(%dma_wait3A_1122 : memref<!tpu.dma_semaphore, #tpu.memory_space<semaphore_mem>>) src(%dma_wait3A_1130 : memref<8x1024x128xf32, #tpu.memory_space<vmem>>) dst(%dma_wait3A_1126 : memref<8x1024x128xf32, #tpu.memory_space<any>>)
    %dma_start3A_1131 = arith.constant 5 : i32
    %dma_start3A_1132 = tpu.memref_slice %arg3[%dma_start3A_1131] : memref<8x!tpu.dma_semaphore, #tpu.memory_space<semaphore_mem>> -> memref<1x!tpu.dma_semaphore, #tpu.memory_space<semaphore_mem>>
    %dma_start3A_1133 = tpu.memref_squeeze %dma_start3A_1132 : memref<1x!tpu.dma_semaphore, #tpu.memory_space<semaphore_mem>> -> memref<!tpu.dma_semaphore, #tpu.memory_space<semaphore_mem>>
    %dma_start3A_1134 = arith.constant 168 : i32
    %dma_start3A_1135 = arith.constant 0 : i32
    %dma_start3A_1136 = arith.constant 0 : i32
    %dma_start3A_1137 = tpu.memref_slice %arg1[%dma_start3A_1134, %dma_start3A_1135, %dma_start3A_1136] : memref<1024x1024x128xf32, #tpu.memory_space<any>> -> memref<8x1024x128xf32, #tpu.memory_space<any>>
    %dma_start3A_1138 = arith.constant 0 : i32
    %dma_start3A_1139 = arith.constant 888 : i32
    %dma_start3A_1140 = arith.constant 0 : i32
    %dma_start3A_1141 = tpu.memref_slice %arg2[%dma_start3A_1138, %dma_start3A_1139, %dma_start3A_1140] : memref<8x2120x128xf32, #tpu.memory_space<vmem>> -> memref<8x1024x128xf32, #tpu.memory_space<vmem>>
    tpu.enqueue_dma source(%dma_start3A_1141 : memref<8x1024x128xf32, #tpu.memory_space<vmem>>) target(%dma_start3A_1137 : memref<8x1024x128xf32, #tpu.memory_space<any>>) target_semaphore(%dma_start3A_1133 : memref<!tpu.dma_semaphore, #tpu.memory_space<semaphore_mem>>)
    %dma_wait3A_1142 = arith.constant 6 : i32
    %dma_wait3A_1143 = tpu.memref_slice %arg3[%dma_wait3A_1142] : memref<8x!tpu.dma_semaphore, #tpu.memory_space<semaphore_mem>> -> memref<1x!tpu.dma_semaphore, #tpu.memory_space<semaphore_mem>>
    %dma_wait3A_1144 = tpu.memref_squeeze %dma_wait3A_1143 : memref<1x!tpu.dma_semaphore, #tpu.memory_space<semaphore_mem>> -> memref<!tpu.dma_semaphore, #tpu.memory_space<semaphore_mem>>
    %dma_wait3A_1145 = arith.constant 112 : i32
    %dma_wait3A_1146 = arith.constant 0 : i32
    %dma_wait3A_1147 = arith.constant 0 : i32
    %dma_wait3A_1148 = tpu.memref_slice %arg1[%dma_wait3A_1145, %dma_wait3A_1146, %dma_wait3A_1147] : memref<1024x1024x128xf32, #tpu.memory_space<any>> -> memref<8x1024x128xf32, #tpu.memory_space<any>>
    %dma_wait3A_1149 = arith.constant 0 : i32
    %dma_wait3A_1150 = arith.constant 944 : i32
    %dma_wait3A_1151 = arith.constant 0 : i32
    %dma_wait3A_1152 = tpu.memref_slice %arg2[%dma_wait3A_1149, %dma_wait3A_1150, %dma_wait3A_1151] : memref<8x2120x128xf32, #tpu.memory_space<vmem>> -> memref<8x1024x128xf32, #tpu.memory_space<vmem>>
    tpu.wait_dma2 semaphore(%dma_wait3A_1144 : memref<!tpu.dma_semaphore, #tpu.memory_space<semaphore_mem>>) src(%dma_wait3A_1152 : memref<8x1024x128xf32, #tpu.memory_space<vmem>>) dst(%dma_wait3A_1148 : memref<8x1024x128xf32, #tpu.memory_space<any>>)
    %dma_start3A_1153 = arith.constant 6 : i32
    %dma_start3A_1154 = tpu.memref_slice %arg3[%dma_start3A_1153] : memref<8x!tpu.dma_semaphore, #tpu.memory_space<semaphore_mem>> -> memref<1x!tpu.dma_semaphore, #tpu.memory_space<semaphore_mem>>
    %dma_start3A_1155 = tpu.memref_squeeze %dma_start3A_1154 : memref<1x!tpu.dma_semaphore, #tpu.memory_space<semaphore_mem>> -> memref<!tpu.dma_semaphore, #tpu.memory_space<semaphore_mem>>
    %dma_start3A_1156 = arith.constant 176 : i32
    %dma_start3A_1157 = arith.constant 0 : i32
    %dma_start3A_1158 = arith.constant 0 : i32
    %dma_start3A_1159 = tpu.memref_slice %arg1[%dma_start3A_1156, %dma_start3A_1157, %dma_start3A_1158] : memref<1024x1024x128xf32, #tpu.memory_space<any>> -> memref<8x1024x128xf32, #tpu.memory_space<any>>
    %dma_start3A_1160 = arith.constant 0 : i32
    %dma_start3A_1161 = arith.constant 880 : i32
    %dma_start3A_1162 = arith.constant 0 : i32
    %dma_start3A_1163 = tpu.memref_slice %arg2[%dma_start3A_1160, %dma_start3A_1161, %dma_start3A_1162] : memref<8x2120x128xf32, #tpu.memory_space<vmem>> -> memref<8x1024x128xf32, #tpu.memory_space<vmem>>
    tpu.enqueue_dma source(%dma_start3A_1163 : memref<8x1024x128xf32, #tpu.memory_space<vmem>>) target(%dma_start3A_1159 : memref<8x1024x128xf32, #tpu.memory_space<any>>) target_semaphore(%dma_start3A_1155 : memref<!tpu.dma_semaphore, #tpu.memory_space<semaphore_mem>>)
    %dma_wait3A_1164 = arith.constant 7 : i32
    %dma_wait3A_1165 = tpu.memref_slice %arg3[%dma_wait3A_1164] : memref<8x!tpu.dma_semaphore, #tpu.memory_space<semaphore_mem>> -> memref<1x!tpu.dma_semaphore, #tpu.memory_space<semaphore_mem>>
    %dma_wait3A_1166 = tpu.memref_squeeze %dma_wait3A_1165 : memref<1x!tpu.dma_semaphore, #tpu.memory_space<semaphore_mem>> -> memref<!tpu.dma_semaphore, #tpu.memory_space<semaphore_mem>>
    %dma_wait3A_1167 = arith.constant 120 : i32
    %dma_wait3A_1168 = arith.constant 0 : i32
    %dma_wait3A_1169 = arith.constant 0 : i32
    %dma_wait3A_1170 = tpu.memref_slice %arg1[%dma_wait3A_1167, %dma_wait3A_1168, %dma_wait3A_1169] : memref<1024x1024x128xf32, #tpu.memory_space<any>> -> memref<8x1024x128xf32, #tpu.memory_space<any>>
    %dma_wait3A_1171 = arith.constant 0 : i32
    %dma_wait3A_1172 = arith.constant 936 : i32
    %dma_wait3A_1173 = arith.constant 0 : i32
    %dma_wait3A_1174 = tpu.memref_slice %arg2[%dma_wait3A_1171, %dma_wait3A_1172, %dma_wait3A_1173] : memref<8x2120x128xf32, #tpu.memory_space<vmem>> -> memref<8x1024x128xf32, #tpu.memory_space<vmem>>
    tpu.wait_dma2 semaphore(%dma_wait3A_1166 : memref<!tpu.dma_semaphore, #tpu.memory_space<semaphore_mem>>) src(%dma_wait3A_1174 : memref<8x1024x128xf32, #tpu.memory_space<vmem>>) dst(%dma_wait3A_1170 : memref<8x1024x128xf32, #tpu.memory_space<any>>)
    %dma_start3A_1175 = arith.constant 7 : i32
    %dma_start3A_1176 = tpu.memref_slice %arg3[%dma_start3A_1175] : memref<8x!tpu.dma_semaphore, #tpu.memory_space<semaphore_mem>> -> memref<1x!tpu.dma_semaphore, #tpu.memory_space<semaphore_mem>>
    %dma_start3A_1177 = tpu.memref_squeeze %dma_start3A_1176 : memref<1x!tpu.dma_semaphore, #tpu.memory_space<semaphore_mem>> -> memref<!tpu.dma_semaphore, #tpu.memory_space<semaphore_mem>>
    %dma_start3A_1178 = arith.constant 184 : i32
    %dma_start3A_1179 = arith.constant 0 : i32
    %dma_start3A_1180 = arith.constant 0 : i32
    %dma_start3A_1181 = tpu.memref_slice %arg1[%dma_start3A_1178, %dma_start3A_1179, %dma_start3A_1180] : memref<1024x1024x128xf32, #tpu.memory_space<any>> -> memref<8x1024x128xf32, #tpu.memory_space<any>>
    %dma_start3A_1182 = arith.constant 0 : i32
    %dma_start3A_1183 = arith.constant 872 : i32
    %dma_start3A_1184 = arith.constant 0 : i32
    %dma_start3A_1185 = tpu.memref_slice %arg2[%dma_start3A_1182, %dma_start3A_1183, %dma_start3A_1184] : memref<8x2120x128xf32, #tpu.memory_space<vmem>> -> memref<8x1024x128xf32, #tpu.memory_space<vmem>>
    tpu.enqueue_dma source(%dma_start3A_1185 : memref<8x1024x128xf32, #tpu.memory_space<vmem>>) target(%dma_start3A_1181 : memref<8x1024x128xf32, #tpu.memory_space<any>>) target_semaphore(%dma_start3A_1177 : memref<!tpu.dma_semaphore, #tpu.memory_space<semaphore_mem>>)
    %dma_wait3A_1186 = arith.constant 0 : i32
    %dma_wait3A_1187 = tpu.memref_slice %arg3[%dma_wait3A_1186] : memref<8x!tpu.dma_semaphore, #tpu.memory_space<semaphore_mem>> -> memref<1x!tpu.dma_semaphore, #tpu.memory_space<semaphore_mem>>
    %dma_wait3A_1188 = tpu.memref_squeeze %dma_wait3A_1187 : memref<1x!tpu.dma_semaphore, #tpu.memory_space<semaphore_mem>> -> memref<!tpu.dma_semaphore, #tpu.memory_space<semaphore_mem>>
    %dma_wait3A_1189 = arith.constant 128 : i32
    %dma_wait3A_1190 = arith.constant 0 : i32
    %dma_wait3A_1191 = arith.constant 0 : i32
    %dma_wait3A_1192 = tpu.memref_slice %arg1[%dma_wait3A_1189, %dma_wait3A_1190, %dma_wait3A_1191] : memref<1024x1024x128xf32, #tpu.memory_space<any>> -> memref<8x1024x128xf32, #tpu.memory_space<any>>
    %dma_wait3A_1193 = arith.constant 0 : i32
    %dma_wait3A_1194 = arith.constant 928 : i32
    %dma_wait3A_1195 = arith.constant 0 : i32
    %dma_wait3A_1196 = tpu.memref_slice %arg2[%dma_wait3A_1193, %dma_wait3A_1194, %dma_wait3A_1195] : memref<8x2120x128xf32, #tpu.memory_space<vmem>> -> memref<8x1024x128xf32, #tpu.memory_space<vmem>>
    tpu.wait_dma2 semaphore(%dma_wait3A_1188 : memref<!tpu.dma_semaphore, #tpu.memory_space<semaphore_mem>>) src(%dma_wait3A_1196 : memref<8x1024x128xf32, #tpu.memory_space<vmem>>) dst(%dma_wait3A_1192 : memref<8x1024x128xf32, #tpu.memory_space<any>>)
    %dma_start3A_1197 = arith.constant 0 : i32
    %dma_start3A_1198 = tpu.memref_slice %arg3[%dma_start3A_1197] : memref<8x!tpu.dma_semaphore, #tpu.memory_space<semaphore_mem>> -> memref<1x!tpu.dma_semaphore, #tpu.memory_space<semaphore_mem>>
    %dma_start3A_1199 = tpu.memref_squeeze %dma_start3A_1198 : memref<1x!tpu.dma_semaphore, #tpu.memory_space<semaphore_mem>> -> memref<!tpu.dma_semaphore, #tpu.memory_space<semaphore_mem>>
    %dma_start3A_1200 = arith.constant 192 : i32
    %dma_start3A_1201 = arith.constant 0 : i32
    %dma_start3A_1202 = arith.constant 0 : i32
    %dma_start3A_1203 = tpu.memref_slice %arg1[%dma_start3A_1200, %dma_start3A_1201, %dma_start3A_1202] : memref<1024x1024x128xf32, #tpu.memory_space<any>> -> memref<8x1024x128xf32, #tpu.memory_space<any>>
    %dma_start3A_1204 = arith.constant 0 : i32
    %dma_start3A_1205 = arith.constant 864 : i32
    %dma_start3A_1206 = arith.constant 0 : i32
    %dma_start3A_1207 = tpu.memref_slice %arg2[%dma_start3A_1204, %dma_start3A_1205, %dma_start3A_1206] : memref<8x2120x128xf32, #tpu.memory_space<vmem>> -> memref<8x1024x128xf32, #tpu.memory_space<vmem>>
    tpu.enqueue_dma source(%dma_start3A_1207 : memref<8x1024x128xf32, #tpu.memory_space<vmem>>) target(%dma_start3A_1203 : memref<8x1024x128xf32, #tpu.memory_space<any>>) target_semaphore(%dma_start3A_1199 : memref<!tpu.dma_semaphore, #tpu.memory_space<semaphore_mem>>)
    %dma_wait3A_1208 = arith.constant 1 : i32
    %dma_wait3A_1209 = tpu.memref_slice %arg3[%dma_wait3A_1208] : memref<8x!tpu.dma_semaphore, #tpu.memory_space<semaphore_mem>> -> memref<1x!tpu.dma_semaphore, #tpu.memory_space<semaphore_mem>>
    %dma_wait3A_1210 = tpu.memref_squeeze %dma_wait3A_1209 : memref<1x!tpu.dma_semaphore, #tpu.memory_space<semaphore_mem>> -> memref<!tpu.dma_semaphore, #tpu.memory_space<semaphore_mem>>
    %dma_wait3A_1211 = arith.constant 136 : i32
    %dma_wait3A_1212 = arith.constant 0 : i32
    %dma_wait3A_1213 = arith.constant 0 : i32
    %dma_wait3A_1214 = tpu.memref_slice %arg1[%dma_wait3A_1211, %dma_wait3A_1212, %dma_wait3A_1213] : memref<1024x1024x128xf32, #tpu.memory_space<any>> -> memref<8x1024x128xf32, #tpu.memory_space<any>>
    %dma_wait3A_1215 = arith.constant 0 : i32
    %dma_wait3A_1216 = arith.constant 920 : i32
    %dma_wait3A_1217 = arith.constant 0 : i32
    %dma_wait3A_1218 = tpu.memref_slice %arg2[%dma_wait3A_1215, %dma_wait3A_1216, %dma_wait3A_1217] : memref<8x2120x128xf32, #tpu.memory_space<vmem>> -> memref<8x1024x128xf32, #tpu.memory_space<vmem>>
    tpu.wait_dma2 semaphore(%dma_wait3A_1210 : memref<!tpu.dma_semaphore, #tpu.memory_space<semaphore_mem>>) src(%dma_wait3A_1218 : memref<8x1024x128xf32, #tpu.memory_space<vmem>>) dst(%dma_wait3A_1214 : memref<8x1024x128xf32, #tpu.memory_space<any>>)
    %dma_start3A_1219 = arith.constant 1 : i32
    %dma_start3A_1220 = tpu.memref_slice %arg3[%dma_start3A_1219] : memref<8x!tpu.dma_semaphore, #tpu.memory_space<semaphore_mem>> -> memref<1x!tpu.dma_semaphore, #tpu.memory_space<semaphore_mem>>
    %dma_start3A_1221 = tpu.memref_squeeze %dma_start3A_1220 : memref<1x!tpu.dma_semaphore, #tpu.memory_space<semaphore_mem>> -> memref<!tpu.dma_semaphore, #tpu.memory_space<semaphore_mem>>
    %dma_start3A_1222 = arith.constant 200 : i32
    %dma_start3A_1223 = arith.constant 0 : i32
    %dma_start3A_1224 = arith.constant 0 : i32
    %dma_start3A_1225 = tpu.memref_slice %arg1[%dma_start3A_1222, %dma_start3A_1223, %dma_start3A_1224] : memref<1024x1024x128xf32, #tpu.memory_space<any>> -> memref<8x1024x128xf32, #tpu.memory_space<any>>
    %dma_start3A_1226 = arith.constant 0 : i32
    %dma_start3A_1227 = arith.constant 856 : i32
    %dma_start3A_1228 = arith.constant 0 : i32
    %dma_start3A_1229 = tpu.memref_slice %arg2[%dma_start3A_1226, %dma_start3A_1227, %dma_start3A_1228] : memref<8x2120x128xf32, #tpu.memory_space<vmem>> -> memref<8x1024x128xf32, #tpu.memory_space<vmem>>
    tpu.enqueue_dma source(%dma_start3A_1229 : memref<8x1024x128xf32, #tpu.memory_space<vmem>>) target(%dma_start3A_1225 : memref<8x1024x128xf32, #tpu.memory_space<any>>) target_semaphore(%dma_start3A_1221 : memref<!tpu.dma_semaphore, #tpu.memory_space<semaphore_mem>>)
    %dma_wait3A_1230 = arith.constant 2 : i32
    %dma_wait3A_1231 = tpu.memref_slice %arg3[%dma_wait3A_1230] : memref<8x!tpu.dma_semaphore, #tpu.memory_space<semaphore_mem>> -> memref<1x!tpu.dma_semaphore, #tpu.memory_space<semaphore_mem>>
    %dma_wait3A_1232 = tpu.memref_squeeze %dma_wait3A_1231 : memref<1x!tpu.dma_semaphore, #tpu.memory_space<semaphore_mem>> -> memref<!tpu.dma_semaphore, #tpu.memory_space<semaphore_mem>>
    %dma_wait3A_1233 = arith.constant 144 : i32
    %dma_wait3A_1234 = arith.constant 0 : i32
    %dma_wait3A_1235 = arith.constant 0 : i32
    %dma_wait3A_1236 = tpu.memref_slice %arg1[%dma_wait3A_1233, %dma_wait3A_1234, %dma_wait3A_1235] : memref<1024x1024x128xf32, #tpu.memory_space<any>> -> memref<8x1024x128xf32, #tpu.memory_space<any>>
    %dma_wait3A_1237 = arith.constant 0 : i32
    %dma_wait3A_1238 = arith.constant 912 : i32
    %dma_wait3A_1239 = arith.constant 0 : i32
    %dma_wait3A_1240 = tpu.memref_slice %arg2[%dma_wait3A_1237, %dma_wait3A_1238, %dma_wait3A_1239] : memref<8x2120x128xf32, #tpu.memory_space<vmem>> -> memref<8x1024x128xf32, #tpu.memory_space<vmem>>
    tpu.wait_dma2 semaphore(%dma_wait3A_1232 : memref<!tpu.dma_semaphore, #tpu.memory_space<semaphore_mem>>) src(%dma_wait3A_1240 : memref<8x1024x128xf32, #tpu.memory_space<vmem>>) dst(%dma_wait3A_1236 : memref<8x1024x128xf32, #tpu.memory_space<any>>)
    %dma_start3A_1241 = arith.constant 2 : i32
    %dma_start3A_1242 = tpu.memref_slice %arg3[%dma_start3A_1241] : memref<8x!tpu.dma_semaphore, #tpu.memory_space<semaphore_mem>> -> memref<1x!tpu.dma_semaphore, #tpu.memory_space<semaphore_mem>>
    %dma_start3A_1243 = tpu.memref_squeeze %dma_start3A_1242 : memref<1x!tpu.dma_semaphore, #tpu.memory_space<semaphore_mem>> -> memref<!tpu.dma_semaphore, #tpu.memory_space<semaphore_mem>>
    %dma_start3A_1244 = arith.constant 208 : i32
    %dma_start3A_1245 = arith.constant 0 : i32
    %dma_start3A_1246 = arith.constant 0 : i32
    %dma_start3A_1247 = tpu.memref_slice %arg1[%dma_start3A_1244, %dma_start3A_1245, %dma_start3A_1246] : memref<1024x1024x128xf32, #tpu.memory_space<any>> -> memref<8x1024x128xf32, #tpu.memory_space<any>>
    %dma_start3A_1248 = arith.constant 0 : i32
    %dma_start3A_1249 = arith.constant 848 : i32
    %dma_start3A_1250 = arith.constant 0 : i32
    %dma_start3A_1251 = tpu.memref_slice %arg2[%dma_start3A_1248, %dma_start3A_1249, %dma_start3A_1250] : memref<8x2120x128xf32, #tpu.memory_space<vmem>> -> memref<8x1024x128xf32, #tpu.memory_space<vmem>>
    tpu.enqueue_dma source(%dma_start3A_1251 : memref<8x1024x128xf32, #tpu.memory_space<vmem>>) target(%dma_start3A_1247 : memref<8x1024x128xf32, #tpu.memory_space<any>>) target_semaphore(%dma_start3A_1243 : memref<!tpu.dma_semaphore, #tpu.memory_space<semaphore_mem>>)
    %dma_wait3A_1252 = arith.constant 3 : i32
    %dma_wait3A_1253 = tpu.memref_slice %arg3[%dma_wait3A_1252] : memref<8x!tpu.dma_semaphore, #tpu.memory_space<semaphore_mem>> -> memref<1x!tpu.dma_semaphore, #tpu.memory_space<semaphore_mem>>
    %dma_wait3A_1254 = tpu.memref_squeeze %dma_wait3A_1253 : memref<1x!tpu.dma_semaphore, #tpu.memory_space<semaphore_mem>> -> memref<!tpu.dma_semaphore, #tpu.memory_space<semaphore_mem>>
    %dma_wait3A_1255 = arith.constant 152 : i32
    %dma_wait3A_1256 = arith.constant 0 : i32
    %dma_wait3A_1257 = arith.constant 0 : i32
    %dma_wait3A_1258 = tpu.memref_slice %arg1[%dma_wait3A_1255, %dma_wait3A_1256, %dma_wait3A_1257] : memref<1024x1024x128xf32, #tpu.memory_space<any>> -> memref<8x1024x128xf32, #tpu.memory_space<any>>
    %dma_wait3A_1259 = arith.constant 0 : i32
    %dma_wait3A_1260 = arith.constant 904 : i32
    %dma_wait3A_1261 = arith.constant 0 : i32
    %dma_wait3A_1262 = tpu.memref_slice %arg2[%dma_wait3A_1259, %dma_wait3A_1260, %dma_wait3A_1261] : memref<8x2120x128xf32, #tpu.memory_space<vmem>> -> memref<8x1024x128xf32, #tpu.memory_space<vmem>>
    tpu.wait_dma2 semaphore(%dma_wait3A_1254 : memref<!tpu.dma_semaphore, #tpu.memory_space<semaphore_mem>>) src(%dma_wait3A_1262 : memref<8x1024x128xf32, #tpu.memory_space<vmem>>) dst(%dma_wait3A_1258 : memref<8x1024x128xf32, #tpu.memory_space<any>>)
    %dma_start3A_1263 = arith.constant 3 : i32
    %dma_start3A_1264 = tpu.memref_slice %arg3[%dma_start3A_1263] : memref<8x!tpu.dma_semaphore, #tpu.memory_space<semaphore_mem>> -> memref<1x!tpu.dma_semaphore, #tpu.memory_space<semaphore_mem>>
    %dma_start3A_1265 = tpu.memref_squeeze %dma_start3A_1264 : memref<1x!tpu.dma_semaphore, #tpu.memory_space<semaphore_mem>> -> memref<!tpu.dma_semaphore, #tpu.memory_space<semaphore_mem>>
    %dma_start3A_1266 = arith.constant 216 : i32
    %dma_start3A_1267 = arith.constant 0 : i32
    %dma_start3A_1268 = arith.constant 0 : i32
    %dma_start3A_1269 = tpu.memref_slice %arg1[%dma_start3A_1266, %dma_start3A_1267, %dma_start3A_1268] : memref<1024x1024x128xf32, #tpu.memory_space<any>> -> memref<8x1024x128xf32, #tpu.memory_space<any>>
    %dma_start3A_1270 = arith.constant 0 : i32
    %dma_start3A_1271 = arith.constant 840 : i32
    %dma_start3A_1272 = arith.constant 0 : i32
    %dma_start3A_1273 = tpu.memref_slice %arg2[%dma_start3A_1270, %dma_start3A_1271, %dma_start3A_1272] : memref<8x2120x128xf32, #tpu.memory_space<vmem>> -> memref<8x1024x128xf32, #tpu.memory_space<vmem>>
    tpu.enqueue_dma source(%dma_start3A_1273 : memref<8x1024x128xf32, #tpu.memory_space<vmem>>) target(%dma_start3A_1269 : memref<8x1024x128xf32, #tpu.memory_space<any>>) target_semaphore(%dma_start3A_1265 : memref<!tpu.dma_semaphore, #tpu.memory_space<semaphore_mem>>)
    %dma_wait3A_1274 = arith.constant 4 : i32
    %dma_wait3A_1275 = tpu.memref_slice %arg3[%dma_wait3A_1274] : memref<8x!tpu.dma_semaphore, #tpu.memory_space<semaphore_mem>> -> memref<1x!tpu.dma_semaphore, #tpu.memory_space<semaphore_mem>>
    %dma_wait3A_1276 = tpu.memref_squeeze %dma_wait3A_1275 : memref<1x!tpu.dma_semaphore, #tpu.memory_space<semaphore_mem>> -> memref<!tpu.dma_semaphore, #tpu.memory_space<semaphore_mem>>
    %dma_wait3A_1277 = arith.constant 160 : i32
    %dma_wait3A_1278 = arith.constant 0 : i32
    %dma_wait3A_1279 = arith.constant 0 : i32
    %dma_wait3A_1280 = tpu.memref_slice %arg1[%dma_wait3A_1277, %dma_wait3A_1278, %dma_wait3A_1279] : memref<1024x1024x128xf32, #tpu.memory_space<any>> -> memref<8x1024x128xf32, #tpu.memory_space<any>>
    %dma_wait3A_1281 = arith.constant 0 : i32
    %dma_wait3A_1282 = arith.constant 896 : i32
    %dma_wait3A_1283 = arith.constant 0 : i32
    %dma_wait3A_1284 = tpu.memref_slice %arg2[%dma_wait3A_1281, %dma_wait3A_1282, %dma_wait3A_1283] : memref<8x2120x128xf32, #tpu.memory_space<vmem>> -> memref<8x1024x128xf32, #tpu.memory_space<vmem>>
    tpu.wait_dma2 semaphore(%dma_wait3A_1276 : memref<!tpu.dma_semaphore, #tpu.memory_space<semaphore_mem>>) src(%dma_wait3A_1284 : memref<8x1024x128xf32, #tpu.memory_space<vmem>>) dst(%dma_wait3A_1280 : memref<8x1024x128xf32, #tpu.memory_space<any>>)
    %dma_start3A_1285 = arith.constant 4 : i32
    %dma_start3A_1286 = tpu.memref_slice %arg3[%dma_start3A_1285] : memref<8x!tpu.dma_semaphore, #tpu.memory_space<semaphore_mem>> -> memref<1x!tpu.dma_semaphore, #tpu.memory_space<semaphore_mem>>
    %dma_start3A_1287 = tpu.memref_squeeze %dma_start3A_1286 : memref<1x!tpu.dma_semaphore, #tpu.memory_space<semaphore_mem>> -> memref<!tpu.dma_semaphore, #tpu.memory_space<semaphore_mem>>
    %dma_start3A_1288 = arith.constant 224 : i32
    %dma_start3A_1289 = arith.constant 0 : i32
    %dma_start3A_1290 = arith.constant 0 : i32
    %dma_start3A_1291 = tpu.memref_slice %arg1[%dma_start3A_1288, %dma_start3A_1289, %dma_start3A_1290] : memref<1024x1024x128xf32, #tpu.memory_space<any>> -> memref<8x1024x128xf32, #tpu.memory_space<any>>
    %dma_start3A_1292 = arith.constant 0 : i32
    %dma_start3A_1293 = arith.constant 832 : i32
    %dma_start3A_1294 = arith.constant 0 : i32
    %dma_start3A_1295 = tpu.memref_slice %arg2[%dma_start3A_1292, %dma_start3A_1293, %dma_start3A_1294] : memref<8x2120x128xf32, #tpu.memory_space<vmem>> -> memref<8x1024x128xf32, #tpu.memory_space<vmem>>
    tpu.enqueue_dma source(%dma_start3A_1295 : memref<8x1024x128xf32, #tpu.memory_space<vmem>>) target(%dma_start3A_1291 : memref<8x1024x128xf32, #tpu.memory_space<any>>) target_semaphore(%dma_start3A_1287 : memref<!tpu.dma_semaphore, #tpu.memory_space<semaphore_mem>>)
    %dma_wait3A_1296 = arith.constant 5 : i32
    %dma_wait3A_1297 = tpu.memref_slice %arg3[%dma_wait3A_1296] : memref<8x!tpu.dma_semaphore, #tpu.memory_space<semaphore_mem>> -> memref<1x!tpu.dma_semaphore, #tpu.memory_space<semaphore_mem>>
    %dma_wait3A_1298 = tpu.memref_squeeze %dma_wait3A_1297 : memref<1x!tpu.dma_semaphore, #tpu.memory_space<semaphore_mem>> -> memref<!tpu.dma_semaphore, #tpu.memory_space<semaphore_mem>>
    %dma_wait3A_1299 = arith.constant 168 : i32
    %dma_wait3A_1300 = arith.constant 0 : i32
    %dma_wait3A_1301 = arith.constant 0 : i32
    %dma_wait3A_1302 = tpu.memref_slice %arg1[%dma_wait3A_1299, %dma_wait3A_1300, %dma_wait3A_1301] : memref<1024x1024x128xf32, #tpu.memory_space<any>> -> memref<8x1024x128xf32, #tpu.memory_space<any>>
    %dma_wait3A_1303 = arith.constant 0 : i32
    %dma_wait3A_1304 = arith.constant 888 : i32
    %dma_wait3A_1305 = arith.constant 0 : i32
    %dma_wait3A_1306 = tpu.memref_slice %arg2[%dma_wait3A_1303, %dma_wait3A_1304, %dma_wait3A_1305] : memref<8x2120x128xf32, #tpu.memory_space<vmem>> -> memref<8x1024x128xf32, #tpu.memory_space<vmem>>
    tpu.wait_dma2 semaphore(%dma_wait3A_1298 : memref<!tpu.dma_semaphore, #tpu.memory_space<semaphore_mem>>) src(%dma_wait3A_1306 : memref<8x1024x128xf32, #tpu.memory_space<vmem>>) dst(%dma_wait3A_1302 : memref<8x1024x128xf32, #tpu.memory_space<any>>)
    %dma_start3A_1307 = arith.constant 5 : i32
    %dma_start3A_1308 = tpu.memref_slice %arg3[%dma_start3A_1307] : memref<8x!tpu.dma_semaphore, #tpu.memory_space<semaphore_mem>> -> memref<1x!tpu.dma_semaphore, #tpu.memory_space<semaphore_mem>>
    %dma_start3A_1309 = tpu.memref_squeeze %dma_start3A_1308 : memref<1x!tpu.dma_semaphore, #tpu.memory_space<semaphore_mem>> -> memref<!tpu.dma_semaphore, #tpu.memory_space<semaphore_mem>>
    %dma_start3A_1310 = arith.constant 232 : i32
    %dma_start3A_1311 = arith.constant 0 : i32
    %dma_start3A_1312 = arith.constant 0 : i32
    %dma_start3A_1313 = tpu.memref_slice %arg1[%dma_start3A_1310, %dma_start3A_1311, %dma_start3A_1312] : memref<1024x1024x128xf32, #tpu.memory_space<any>> -> memref<8x1024x128xf32, #tpu.memory_space<any>>
    %dma_start3A_1314 = arith.constant 0 : i32
    %dma_start3A_1315 = arith.constant 824 : i32
    %dma_start3A_1316 = arith.constant 0 : i32
    %dma_start3A_1317 = tpu.memref_slice %arg2[%dma_start3A_1314, %dma_start3A_1315, %dma_start3A_1316] : memref<8x2120x128xf32, #tpu.memory_space<vmem>> -> memref<8x1024x128xf32, #tpu.memory_space<vmem>>
    tpu.enqueue_dma source(%dma_start3A_1317 : memref<8x1024x128xf32, #tpu.memory_space<vmem>>) target(%dma_start3A_1313 : memref<8x1024x128xf32, #tpu.memory_space<any>>) target_semaphore(%dma_start3A_1309 : memref<!tpu.dma_semaphore, #tpu.memory_space<semaphore_mem>>)
    %dma_wait3A_1318 = arith.constant 6 : i32
    %dma_wait3A_1319 = tpu.memref_slice %arg3[%dma_wait3A_1318] : memref<8x!tpu.dma_semaphore, #tpu.memory_space<semaphore_mem>> -> memref<1x!tpu.dma_semaphore, #tpu.memory_space<semaphore_mem>>
    %dma_wait3A_1320 = tpu.memref_squeeze %dma_wait3A_1319 : memref<1x!tpu.dma_semaphore, #tpu.memory_space<semaphore_mem>> -> memref<!tpu.dma_semaphore, #tpu.memory_space<semaphore_mem>>
    %dma_wait3A_1321 = arith.constant 176 : i32
    %dma_wait3A_1322 = arith.constant 0 : i32
    %dma_wait3A_1323 = arith.constant 0 : i32
    %dma_wait3A_1324 = tpu.memref_slice %arg1[%dma_wait3A_1321, %dma_wait3A_1322, %dma_wait3A_1323] : memref<1024x1024x128xf32, #tpu.memory_space<any>> -> memref<8x1024x128xf32, #tpu.memory_space<any>>
    %dma_wait3A_1325 = arith.constant 0 : i32
    %dma_wait3A_1326 = arith.constant 880 : i32
    %dma_wait3A_1327 = arith.constant 0 : i32
    %dma_wait3A_1328 = tpu.memref_slice %arg2[%dma_wait3A_1325, %dma_wait3A_1326, %dma_wait3A_1327] : memref<8x2120x128xf32, #tpu.memory_space<vmem>> -> memref<8x1024x128xf32, #tpu.memory_space<vmem>>
    tpu.wait_dma2 semaphore(%dma_wait3A_1320 : memref<!tpu.dma_semaphore, #tpu.memory_space<semaphore_mem>>) src(%dma_wait3A_1328 : memref<8x1024x128xf32, #tpu.memory_space<vmem>>) dst(%dma_wait3A_1324 : memref<8x1024x128xf32, #tpu.memory_space<any>>)
    %dma_start3A_1329 = arith.constant 6 : i32
    %dma_start3A_1330 = tpu.memref_slice %arg3[%dma_start3A_1329] : memref<8x!tpu.dma_semaphore, #tpu.memory_space<semaphore_mem>> -> memref<1x!tpu.dma_semaphore, #tpu.memory_space<semaphore_mem>>
    %dma_start3A_1331 = tpu.memref_squeeze %dma_start3A_1330 : memref<1x!tpu.dma_semaphore, #tpu.memory_space<semaphore_mem>> -> memref<!tpu.dma_semaphore, #tpu.memory_space<semaphore_mem>>
    %dma_start3A_1332 = arith.constant 240 : i32
    %dma_start3A_1333 = arith.constant 0 : i32
    %dma_start3A_1334 = arith.constant 0 : i32
    %dma_start3A_1335 = tpu.memref_slice %arg1[%dma_start3A_1332, %dma_start3A_1333, %dma_start3A_1334] : memref<1024x1024x128xf32, #tpu.memory_space<any>> -> memref<8x1024x128xf32, #tpu.memory_space<any>>
    %dma_start3A_1336 = arith.constant 0 : i32
    %dma_start3A_1337 = arith.constant 816 : i32
    %dma_start3A_1338 = arith.constant 0 : i32
    %dma_start3A_1339 = tpu.memref_slice %arg2[%dma_start3A_1336, %dma_start3A_1337, %dma_start3A_1338] : memref<8x2120x128xf32, #tpu.memory_space<vmem>> -> memref<8x1024x128xf32, #tpu.memory_space<vmem>>
    tpu.enqueue_dma source(%dma_start3A_1339 : memref<8x1024x128xf32, #tpu.memory_space<vmem>>) target(%dma_start3A_1335 : memref<8x1024x128xf32, #tpu.memory_space<any>>) target_semaphore(%dma_start3A_1331 : memref<!tpu.dma_semaphore, #tpu.memory_space<semaphore_mem>>)
    %dma_wait3A_1340 = arith.constant 7 : i32
    %dma_wait3A_1341 = tpu.memref_slice %arg3[%dma_wait3A_1340] : memref<8x!tpu.dma_semaphore, #tpu.memory_space<semaphore_mem>> -> memref<1x!tpu.dma_semaphore, #tpu.memory_space<semaphore_mem>>
    %dma_wait3A_1342 = tpu.memref_squeeze %dma_wait3A_1341 : memref<1x!tpu.dma_semaphore, #tpu.memory_space<semaphore_mem>> -> memref<!tpu.dma_semaphore, #tpu.memory_space<semaphore_mem>>
    %dma_wait3A_1343 = arith.constant 184 : i32
    %dma_wait3A_1344 = arith.constant 0 : i32
    %dma_wait3A_1345 = arith.constant 0 : i32
    %dma_wait3A_1346 = tpu.memref_slice %arg1[%dma_wait3A_1343, %dma_wait3A_1344, %dma_wait3A_1345] : memref<1024x1024x128xf32, #tpu.memory_space<any>> -> memref<8x1024x128xf32, #tpu.memory_space<any>>
    %dma_wait3A_1347 = arith.constant 0 : i32
    %dma_wait3A_1348 = arith.constant 872 : i32
    %dma_wait3A_1349 = arith.constant 0 : i32
    %dma_wait3A_1350 = tpu.memref_slice %arg2[%dma_wait3A_1347, %dma_wait3A_1348, %dma_wait3A_1349] : memref<8x2120x128xf32, #tpu.memory_space<vmem>> -> memref<8x1024x128xf32, #tpu.memory_space<vmem>>
    tpu.wait_dma2 semaphore(%dma_wait3A_1342 : memref<!tpu.dma_semaphore, #tpu.memory_space<semaphore_mem>>) src(%dma_wait3A_1350 : memref<8x1024x128xf32, #tpu.memory_space<vmem>>) dst(%dma_wait3A_1346 : memref<8x1024x128xf32, #tpu.memory_space<any>>)
    %dma_start3A_1351 = arith.constant 7 : i32
    %dma_start3A_1352 = tpu.memref_slice %arg3[%dma_start3A_1351] : memref<8x!tpu.dma_semaphore, #tpu.memory_space<semaphore_mem>> -> memref<1x!tpu.dma_semaphore, #tpu.memory_space<semaphore_mem>>
    %dma_start3A_1353 = tpu.memref_squeeze %dma_start3A_1352 : memref<1x!tpu.dma_semaphore, #tpu.memory_space<semaphore_mem>> -> memref<!tpu.dma_semaphore, #tpu.memory_space<semaphore_mem>>
    %dma_start3A_1354 = arith.constant 248 : i32
    %dma_start3A_1355 = arith.constant 0 : i32
    %dma_start3A_1356 = arith.constant 0 : i32
    %dma_start3A_1357 = tpu.memref_slice %arg1[%dma_start3A_1354, %dma_start3A_1355, %dma_start3A_1356] : memref<1024x1024x128xf32, #tpu.memory_space<any>> -> memref<8x1024x128xf32, #tpu.memory_space<any>>
    %dma_start3A_1358 = arith.constant 0 : i32
    %dma_start3A_1359 = arith.constant 808 : i32
    %dma_start3A_1360 = arith.constant 0 : i32
    %dma_start3A_1361 = tpu.memref_slice %arg2[%dma_start3A_1358, %dma_start3A_1359, %dma_start3A_1360] : memref<8x2120x128xf32, #tpu.memory_space<vmem>> -> memref<8x1024x128xf32, #tpu.memory_space<vmem>>
    tpu.enqueue_dma source(%dma_start3A_1361 : memref<8x1024x128xf32, #tpu.memory_space<vmem>>) target(%dma_start3A_1357 : memref<8x1024x128xf32, #tpu.memory_space<any>>) target_semaphore(%dma_start3A_1353 : memref<!tpu.dma_semaphore, #tpu.memory_space<semaphore_mem>>)
    %dma_wait3A_1362 = arith.constant 0 : i32
    %dma_wait3A_1363 = tpu.memref_slice %arg3[%dma_wait3A_1362] : memref<8x!tpu.dma_semaphore, #tpu.memory_space<semaphore_mem>> -> memref<1x!tpu.dma_semaphore, #tpu.memory_space<semaphore_mem>>
    %dma_wait3A_1364 = tpu.memref_squeeze %dma_wait3A_1363 : memref<1x!tpu.dma_semaphore, #tpu.memory_space<semaphore_mem>> -> memref<!tpu.dma_semaphore, #tpu.memory_space<semaphore_mem>>
    %dma_wait3A_1365 = arith.constant 192 : i32
    %dma_wait3A_1366 = arith.constant 0 : i32
    %dma_wait3A_1367 = arith.constant 0 : i32
    %dma_wait3A_1368 = tpu.memref_slice %arg1[%dma_wait3A_1365, %dma_wait3A_1366, %dma_wait3A_1367] : memref<1024x1024x128xf32, #tpu.memory_space<any>> -> memref<8x1024x128xf32, #tpu.memory_space<any>>
    %dma_wait3A_1369 = arith.constant 0 : i32
    %dma_wait3A_1370 = arith.constant 864 : i32
    %dma_wait3A_1371 = arith.constant 0 : i32
    %dma_wait3A_1372 = tpu.memref_slice %arg2[%dma_wait3A_1369, %dma_wait3A_1370, %dma_wait3A_1371] : memref<8x2120x128xf32, #tpu.memory_space<vmem>> -> memref<8x1024x128xf32, #tpu.memory_space<vmem>>
    tpu.wait_dma2 semaphore(%dma_wait3A_1364 : memref<!tpu.dma_semaphore, #tpu.memory_space<semaphore_mem>>) src(%dma_wait3A_1372 : memref<8x1024x128xf32, #tpu.memory_space<vmem>>) dst(%dma_wait3A_1368 : memref<8x1024x128xf32, #tpu.memory_space<any>>)
    %dma_start3A_1373 = arith.constant 0 : i32
    %dma_start3A_1374 = tpu.memref_slice %arg3[%dma_start3A_1373] : memref<8x!tpu.dma_semaphore, #tpu.memory_space<semaphore_mem>> -> memref<1x!tpu.dma_semaphore, #tpu.memory_space<semaphore_mem>>
    %dma_start3A_1375 = tpu.memref_squeeze %dma_start3A_1374 : memref<1x!tpu.dma_semaphore, #tpu.memory_space<semaphore_mem>> -> memref<!tpu.dma_semaphore, #tpu.memory_space<semaphore_mem>>
    %dma_start3A_1376 = arith.constant 256 : i32
    %dma_start3A_1377 = arith.constant 0 : i32
    %dma_start3A_1378 = arith.constant 0 : i32
    %dma_start3A_1379 = tpu.memref_slice %arg1[%dma_start3A_1376, %dma_start3A_1377, %dma_start3A_1378] : memref<1024x1024x128xf32, #tpu.memory_space<any>> -> memref<8x1024x128xf32, #tpu.memory_space<any>>
    %dma_start3A_1380 = arith.constant 0 : i32
    %dma_start3A_1381 = arith.constant 800 : i32
    %dma_start3A_1382 = arith.constant 0 : i32
    %dma_start3A_1383 = tpu.memref_slice %arg2[%dma_start3A_1380, %dma_start3A_1381, %dma_start3A_1382] : memref<8x2120x128xf32, #tpu.memory_space<vmem>> -> memref<8x1024x128xf32, #tpu.memory_space<vmem>>
    tpu.enqueue_dma source(%dma_start3A_1383 : memref<8x1024x128xf32, #tpu.memory_space<vmem>>) target(%dma_start3A_1379 : memref<8x1024x128xf32, #tpu.memory_space<any>>) target_semaphore(%dma_start3A_1375 : memref<!tpu.dma_semaphore, #tpu.memory_space<semaphore_mem>>)
    %dma_wait3A_1384 = arith.constant 1 : i32
    %dma_wait3A_1385 = tpu.memref_slice %arg3[%dma_wait3A_1384] : memref<8x!tpu.dma_semaphore, #tpu.memory_space<semaphore_mem>> -> memref<1x!tpu.dma_semaphore, #tpu.memory_space<semaphore_mem>>
    %dma_wait3A_1386 = tpu.memref_squeeze %dma_wait3A_1385 : memref<1x!tpu.dma_semaphore, #tpu.memory_space<semaphore_mem>> -> memref<!tpu.dma_semaphore, #tpu.memory_space<semaphore_mem>>
    %dma_wait3A_1387 = arith.constant 200 : i32
    %dma_wait3A_1388 = arith.constant 0 : i32
    %dma_wait3A_1389 = arith.constant 0 : i32
    %dma_wait3A_1390 = tpu.memref_slice %arg1[%dma_wait3A_1387, %dma_wait3A_1388, %dma_wait3A_1389] : memref<1024x1024x128xf32, #tpu.memory_space<any>> -> memref<8x1024x128xf32, #tpu.memory_space<any>>
    %dma_wait3A_1391 = arith.constant 0 : i32
    %dma_wait3A_1392 = arith.constant 856 : i32
    %dma_wait3A_1393 = arith.constant 0 : i32
    %dma_wait3A_1394 = tpu.memref_slice %arg2[%dma_wait3A_1391, %dma_wait3A_1392, %dma_wait3A_1393] : memref<8x2120x128xf32, #tpu.memory_space<vmem>> -> memref<8x1024x128xf32, #tpu.memory_space<vmem>>
    tpu.wait_dma2 semaphore(%dma_wait3A_1386 : memref<!tpu.dma_semaphore, #tpu.memory_space<semaphore_mem>>) src(%dma_wait3A_1394 : memref<8x1024x128xf32, #tpu.memory_space<vmem>>) dst(%dma_wait3A_1390 : memref<8x1024x128xf32, #tpu.memory_space<any>>)
    %dma_start3A_1395 = arith.constant 1 : i32
    %dma_start3A_1396 = tpu.memref_slice %arg3[%dma_start3A_1395] : memref<8x!tpu.dma_semaphore, #tpu.memory_space<semaphore_mem>> -> memref<1x!tpu.dma_semaphore, #tpu.memory_space<semaphore_mem>>
    %dma_start3A_1397 = tpu.memref_squeeze %dma_start3A_1396 : memref<1x!tpu.dma_semaphore, #tpu.memory_space<semaphore_mem>> -> memref<!tpu.dma_semaphore, #tpu.memory_space<semaphore_mem>>
    %dma_start3A_1398 = arith.constant 264 : i32
    %dma_start3A_1399 = arith.constant 0 : i32
    %dma_start3A_1400 = arith.constant 0 : i32
    %dma_start3A_1401 = tpu.memref_slice %arg1[%dma_start3A_1398, %dma_start3A_1399, %dma_start3A_1400] : memref<1024x1024x128xf32, #tpu.memory_space<any>> -> memref<8x1024x128xf32, #tpu.memory_space<any>>
    %dma_start3A_1402 = arith.constant 0 : i32
    %dma_start3A_1403 = arith.constant 792 : i32
    %dma_start3A_1404 = arith.constant 0 : i32
    %dma_start3A_1405 = tpu.memref_slice %arg2[%dma_start3A_1402, %dma_start3A_1403, %dma_start3A_1404] : memref<8x2120x128xf32, #tpu.memory_space<vmem>> -> memref<8x1024x128xf32, #tpu.memory_space<vmem>>
    tpu.enqueue_dma source(%dma_start3A_1405 : memref<8x1024x128xf32, #tpu.memory_space<vmem>>) target(%dma_start3A_1401 : memref<8x1024x128xf32, #tpu.memory_space<any>>) target_semaphore(%dma_start3A_1397 : memref<!tpu.dma_semaphore, #tpu.memory_space<semaphore_mem>>)
    %dma_wait3A_1406 = arith.constant 2 : i32
    %dma_wait3A_1407 = tpu.memref_slice %arg3[%dma_wait3A_1406] : memref<8x!tpu.dma_semaphore, #tpu.memory_space<semaphore_mem>> -> memref<1x!tpu.dma_semaphore, #tpu.memory_space<semaphore_mem>>
    %dma_wait3A_1408 = tpu.memref_squeeze %dma_wait3A_1407 : memref<1x!tpu.dma_semaphore, #tpu.memory_space<semaphore_mem>> -> memref<!tpu.dma_semaphore, #tpu.memory_space<semaphore_mem>>
    %dma_wait3A_1409 = arith.constant 208 : i32
    %dma_wait3A_1410 = arith.constant 0 : i32
    %dma_wait3A_1411 = arith.constant 0 : i32
    %dma_wait3A_1412 = tpu.memref_slice %arg1[%dma_wait3A_1409, %dma_wait3A_1410, %dma_wait3A_1411] : memref<1024x1024x128xf32, #tpu.memory_space<any>> -> memref<8x1024x128xf32, #tpu.memory_space<any>>
    %dma_wait3A_1413 = arith.constant 0 : i32
    %dma_wait3A_1414 = arith.constant 848 : i32
    %dma_wait3A_1415 = arith.constant 0 : i32
    %dma_wait3A_1416 = tpu.memref_slice %arg2[%dma_wait3A_1413, %dma_wait3A_1414, %dma_wait3A_1415] : memref<8x2120x128xf32, #tpu.memory_space<vmem>> -> memref<8x1024x128xf32, #tpu.memory_space<vmem>>
    tpu.wait_dma2 semaphore(%dma_wait3A_1408 : memref<!tpu.dma_semaphore, #tpu.memory_space<semaphore_mem>>) src(%dma_wait3A_1416 : memref<8x1024x128xf32, #tpu.memory_space<vmem>>) dst(%dma_wait3A_1412 : memref<8x1024x128xf32, #tpu.memory_space<any>>)
    %dma_start3A_1417 = arith.constant 2 : i32
    %dma_start3A_1418 = tpu.memref_slice %arg3[%dma_start3A_1417] : memref<8x!tpu.dma_semaphore, #tpu.memory_space<semaphore_mem>> -> memref<1x!tpu.dma_semaphore, #tpu.memory_space<semaphore_mem>>
    %dma_start3A_1419 = tpu.memref_squeeze %dma_start3A_1418 : memref<1x!tpu.dma_semaphore, #tpu.memory_space<semaphore_mem>> -> memref<!tpu.dma_semaphore, #tpu.memory_space<semaphore_mem>>
    %dma_start3A_1420 = arith.constant 272 : i32
    %dma_start3A_1421 = arith.constant 0 : i32
    %dma_start3A_1422 = arith.constant 0 : i32
    %dma_start3A_1423 = tpu.memref_slice %arg1[%dma_start3A_1420, %dma_start3A_1421, %dma_start3A_1422] : memref<1024x1024x128xf32, #tpu.memory_space<any>> -> memref<8x1024x128xf32, #tpu.memory_space<any>>
    %dma_start3A_1424 = arith.constant 0 : i32
    %dma_start3A_1425 = arith.constant 784 : i32
    %dma_start3A_1426 = arith.constant 0 : i32
    %dma_start3A_1427 = tpu.memref_slice %arg2[%dma_start3A_1424, %dma_start3A_1425, %dma_start3A_1426] : memref<8x2120x128xf32, #tpu.memory_space<vmem>> -> memref<8x1024x128xf32, #tpu.memory_space<vmem>>
    tpu.enqueue_dma source(%dma_start3A_1427 : memref<8x1024x128xf32, #tpu.memory_space<vmem>>) target(%dma_start3A_1423 : memref<8x1024x128xf32, #tpu.memory_space<any>>) target_semaphore(%dma_start3A_1419 : memref<!tpu.dma_semaphore, #tpu.memory_space<semaphore_mem>>)
    %dma_wait3A_1428 = arith.constant 3 : i32
    %dma_wait3A_1429 = tpu.memref_slice %arg3[%dma_wait3A_1428] : memref<8x!tpu.dma_semaphore, #tpu.memory_space<semaphore_mem>> -> memref<1x!tpu.dma_semaphore, #tpu.memory_space<semaphore_mem>>
    %dma_wait3A_1430 = tpu.memref_squeeze %dma_wait3A_1429 : memref<1x!tpu.dma_semaphore, #tpu.memory_space<semaphore_mem>> -> memref<!tpu.dma_semaphore, #tpu.memory_space<semaphore_mem>>
    %dma_wait3A_1431 = arith.constant 216 : i32
    %dma_wait3A_1432 = arith.constant 0 : i32
    %dma_wait3A_1433 = arith.constant 0 : i32
    %dma_wait3A_1434 = tpu.memref_slice %arg1[%dma_wait3A_1431, %dma_wait3A_1432, %dma_wait3A_1433] : memref<1024x1024x128xf32, #tpu.memory_space<any>> -> memref<8x1024x128xf32, #tpu.memory_space<any>>
    %dma_wait3A_1435 = arith.constant 0 : i32
    %dma_wait3A_1436 = arith.constant 840 : i32
    %dma_wait3A_1437 = arith.constant 0 : i32
    %dma_wait3A_1438 = tpu.memref_slice %arg2[%dma_wait3A_1435, %dma_wait3A_1436, %dma_wait3A_1437] : memref<8x2120x128xf32, #tpu.memory_space<vmem>> -> memref<8x1024x128xf32, #tpu.memory_space<vmem>>
    tpu.wait_dma2 semaphore(%dma_wait3A_1430 : memref<!tpu.dma_semaphore, #tpu.memory_space<semaphore_mem>>) src(%dma_wait3A_1438 : memref<8x1024x128xf32, #tpu.memory_space<vmem>>) dst(%dma_wait3A_1434 : memref<8x1024x128xf32, #tpu.memory_space<any>>)
    %dma_start3A_1439 = arith.constant 3 : i32
    %dma_start3A_1440 = tpu.memref_slice %arg3[%dma_start3A_1439] : memref<8x!tpu.dma_semaphore, #tpu.memory_space<semaphore_mem>> -> memref<1x!tpu.dma_semaphore, #tpu.memory_space<semaphore_mem>>
    %dma_start3A_1441 = tpu.memref_squeeze %dma_start3A_1440 : memref<1x!tpu.dma_semaphore, #tpu.memory_space<semaphore_mem>> -> memref<!tpu.dma_semaphore, #tpu.memory_space<semaphore_mem>>
    %dma_start3A_1442 = arith.constant 280 : i32
    %dma_start3A_1443 = arith.constant 0 : i32
    %dma_start3A_1444 = arith.constant 0 : i32
    %dma_start3A_1445 = tpu.memref_slice %arg1[%dma_start3A_1442, %dma_start3A_1443, %dma_start3A_1444] : memref<1024x1024x128xf32, #tpu.memory_space<any>> -> memref<8x1024x128xf32, #tpu.memory_space<any>>
    %dma_start3A_1446 = arith.constant 0 : i32
    %dma_start3A_1447 = arith.constant 776 : i32
    %dma_start3A_1448 = arith.constant 0 : i32
    %dma_start3A_1449 = tpu.memref_slice %arg2[%dma_start3A_1446, %dma_start3A_1447, %dma_start3A_1448] : memref<8x2120x128xf32, #tpu.memory_space<vmem>> -> memref<8x1024x128xf32, #tpu.memory_space<vmem>>
    tpu.enqueue_dma source(%dma_start3A_1449 : memref<8x1024x128xf32, #tpu.memory_space<vmem>>) target(%dma_start3A_1445 : memref<8x1024x128xf32, #tpu.memory_space<any>>) target_semaphore(%dma_start3A_1441 : memref<!tpu.dma_semaphore, #tpu.memory_space<semaphore_mem>>)
    %dma_wait3A_1450 = arith.constant 4 : i32
    %dma_wait3A_1451 = tpu.memref_slice %arg3[%dma_wait3A_1450] : memref<8x!tpu.dma_semaphore, #tpu.memory_space<semaphore_mem>> -> memref<1x!tpu.dma_semaphore, #tpu.memory_space<semaphore_mem>>
    %dma_wait3A_1452 = tpu.memref_squeeze %dma_wait3A_1451 : memref<1x!tpu.dma_semaphore, #tpu.memory_space<semaphore_mem>> -> memref<!tpu.dma_semaphore, #tpu.memory_space<semaphore_mem>>
    %dma_wait3A_1453 = arith.constant 224 : i32
    %dma_wait3A_1454 = arith.constant 0 : i32
    %dma_wait3A_1455 = arith.constant 0 : i32
    %dma_wait3A_1456 = tpu.memref_slice %arg1[%dma_wait3A_1453, %dma_wait3A_1454, %dma_wait3A_1455] : memref<1024x1024x128xf32, #tpu.memory_space<any>> -> memref<8x1024x128xf32, #tpu.memory_space<any>>
    %dma_wait3A_1457 = arith.constant 0 : i32
    %dma_wait3A_1458 = arith.constant 832 : i32
    %dma_wait3A_1459 = arith.constant 0 : i32
    %dma_wait3A_1460 = tpu.memref_slice %arg2[%dma_wait3A_1457, %dma_wait3A_1458, %dma_wait3A_1459] : memref<8x2120x128xf32, #tpu.memory_space<vmem>> -> memref<8x1024x128xf32, #tpu.memory_space<vmem>>
    tpu.wait_dma2 semaphore(%dma_wait3A_1452 : memref<!tpu.dma_semaphore, #tpu.memory_space<semaphore_mem>>) src(%dma_wait3A_1460 : memref<8x1024x128xf32, #tpu.memory_space<vmem>>) dst(%dma_wait3A_1456 : memref<8x1024x128xf32, #tpu.memory_space<any>>)
    %dma_start3A_1461 = arith.constant 4 : i32
    %dma_start3A_1462 = tpu.memref_slice %arg3[%dma_start3A_1461] : memref<8x!tpu.dma_semaphore, #tpu.memory_space<semaphore_mem>> -> memref<1x!tpu.dma_semaphore, #tpu.memory_space<semaphore_mem>>
    %dma_start3A_1463 = tpu.memref_squeeze %dma_start3A_1462 : memref<1x!tpu.dma_semaphore, #tpu.memory_space<semaphore_mem>> -> memref<!tpu.dma_semaphore, #tpu.memory_space<semaphore_mem>>
    %dma_start3A_1464 = arith.constant 288 : i32
    %dma_start3A_1465 = arith.constant 0 : i32
    %dma_start3A_1466 = arith.constant 0 : i32
    %dma_start3A_1467 = tpu.memref_slice %arg1[%dma_start3A_1464, %dma_start3A_1465, %dma_start3A_1466] : memref<1024x1024x128xf32, #tpu.memory_space<any>> -> memref<8x1024x128xf32, #tpu.memory_space<any>>
    %dma_start3A_1468 = arith.constant 0 : i32
    %dma_start3A_1469 = arith.constant 768 : i32
    %dma_start3A_1470 = arith.constant 0 : i32
    %dma_start3A_1471 = tpu.memref_slice %arg2[%dma_start3A_1468, %dma_start3A_1469, %dma_start3A_1470] : memref<8x2120x128xf32, #tpu.memory_space<vmem>> -> memref<8x1024x128xf32, #tpu.memory_space<vmem>>
    tpu.enqueue_dma source(%dma_start3A_1471 : memref<8x1024x128xf32, #tpu.memory_space<vmem>>) target(%dma_start3A_1467 : memref<8x1024x128xf32, #tpu.memory_space<any>>) target_semaphore(%dma_start3A_1463 : memref<!tpu.dma_semaphore, #tpu.memory_space<semaphore_mem>>)
    %dma_wait3A_1472 = arith.constant 5 : i32
    %dma_wait3A_1473 = tpu.memref_slice %arg3[%dma_wait3A_1472] : memref<8x!tpu.dma_semaphore, #tpu.memory_space<semaphore_mem>> -> memref<1x!tpu.dma_semaphore, #tpu.memory_space<semaphore_mem>>
    %dma_wait3A_1474 = tpu.memref_squeeze %dma_wait3A_1473 : memref<1x!tpu.dma_semaphore, #tpu.memory_space<semaphore_mem>> -> memref<!tpu.dma_semaphore, #tpu.memory_space<semaphore_mem>>
    %dma_wait3A_1475 = arith.constant 232 : i32
    %dma_wait3A_1476 = arith.constant 0 : i32
    %dma_wait3A_1477 = arith.constant 0 : i32
    %dma_wait3A_1478 = tpu.memref_slice %arg1[%dma_wait3A_1475, %dma_wait3A_1476, %dma_wait3A_1477] : memref<1024x1024x128xf32, #tpu.memory_space<any>> -> memref<8x1024x128xf32, #tpu.memory_space<any>>
    %dma_wait3A_1479 = arith.constant 0 : i32
    %dma_wait3A_1480 = arith.constant 824 : i32
    %dma_wait3A_1481 = arith.constant 0 : i32
    %dma_wait3A_1482 = tpu.memref_slice %arg2[%dma_wait3A_1479, %dma_wait3A_1480, %dma_wait3A_1481] : memref<8x2120x128xf32, #tpu.memory_space<vmem>> -> memref<8x1024x128xf32, #tpu.memory_space<vmem>>
    tpu.wait_dma2 semaphore(%dma_wait3A_1474 : memref<!tpu.dma_semaphore, #tpu.memory_space<semaphore_mem>>) src(%dma_wait3A_1482 : memref<8x1024x128xf32, #tpu.memory_space<vmem>>) dst(%dma_wait3A_1478 : memref<8x1024x128xf32, #tpu.memory_space<any>>)
    %dma_start3A_1483 = arith.constant 5 : i32
    %dma_start3A_1484 = tpu.memref_slice %arg3[%dma_start3A_1483] : memref<8x!tpu.dma_semaphore, #tpu.memory_space<semaphore_mem>> -> memref<1x!tpu.dma_semaphore, #tpu.memory_space<semaphore_mem>>
    %dma_start3A_1485 = tpu.memref_squeeze %dma_start3A_1484 : memref<1x!tpu.dma_semaphore, #tpu.memory_space<semaphore_mem>> -> memref<!tpu.dma_semaphore, #tpu.memory_space<semaphore_mem>>
    %dma_start3A_1486 = arith.constant 296 : i32
    %dma_start3A_1487 = arith.constant 0 : i32
    %dma_start3A_1488 = arith.constant 0 : i32
    %dma_start3A_1489 = tpu.memref_slice %arg1[%dma_start3A_1486, %dma_start3A_1487, %dma_start3A_1488] : memref<1024x1024x128xf32, #tpu.memory_space<any>> -> memref<8x1024x128xf32, #tpu.memory_space<any>>
    %dma_start3A_1490 = arith.constant 0 : i32
    %dma_start3A_1491 = arith.constant 760 : i32
    %dma_start3A_1492 = arith.constant 0 : i32
    %dma_start3A_1493 = tpu.memref_slice %arg2[%dma_start3A_1490, %dma_start3A_1491, %dma_start3A_1492] : memref<8x2120x128xf32, #tpu.memory_space<vmem>> -> memref<8x1024x128xf32, #tpu.memory_space<vmem>>
    tpu.enqueue_dma source(%dma_start3A_1493 : memref<8x1024x128xf32, #tpu.memory_space<vmem>>) target(%dma_start3A_1489 : memref<8x1024x128xf32, #tpu.memory_space<any>>) target_semaphore(%dma_start3A_1485 : memref<!tpu.dma_semaphore, #tpu.memory_space<semaphore_mem>>)
    %dma_wait3A_1494 = arith.constant 6 : i32
    %dma_wait3A_1495 = tpu.memref_slice %arg3[%dma_wait3A_1494] : memref<8x!tpu.dma_semaphore, #tpu.memory_space<semaphore_mem>> -> memref<1x!tpu.dma_semaphore, #tpu.memory_space<semaphore_mem>>
    %dma_wait3A_1496 = tpu.memref_squeeze %dma_wait3A_1495 : memref<1x!tpu.dma_semaphore, #tpu.memory_space<semaphore_mem>> -> memref<!tpu.dma_semaphore, #tpu.memory_space<semaphore_mem>>
    %dma_wait3A_1497 = arith.constant 240 : i32
    %dma_wait3A_1498 = arith.constant 0 : i32
    %dma_wait3A_1499 = arith.constant 0 : i32
    %dma_wait3A_1500 = tpu.memref_slice %arg1[%dma_wait3A_1497, %dma_wait3A_1498, %dma_wait3A_1499] : memref<1024x1024x128xf32, #tpu.memory_space<any>> -> memref<8x1024x128xf32, #tpu.memory_space<any>>
    %dma_wait3A_1501 = arith.constant 0 : i32
    %dma_wait3A_1502 = arith.constant 816 : i32
    %dma_wait3A_1503 = arith.constant 0 : i32
    %dma_wait3A_1504 = tpu.memref_slice %arg2[%dma_wait3A_1501, %dma_wait3A_1502, %dma_wait3A_1503] : memref<8x2120x128xf32, #tpu.memory_space<vmem>> -> memref<8x1024x128xf32, #tpu.memory_space<vmem>>
    tpu.wait_dma2 semaphore(%dma_wait3A_1496 : memref<!tpu.dma_semaphore, #tpu.memory_space<semaphore_mem>>) src(%dma_wait3A_1504 : memref<8x1024x128xf32, #tpu.memory_space<vmem>>) dst(%dma_wait3A_1500 : memref<8x1024x128xf32, #tpu.memory_space<any>>)
    %dma_start3A_1505 = arith.constant 6 : i32
    %dma_start3A_1506 = tpu.memref_slice %arg3[%dma_start3A_1505] : memref<8x!tpu.dma_semaphore, #tpu.memory_space<semaphore_mem>> -> memref<1x!tpu.dma_semaphore, #tpu.memory_space<semaphore_mem>>
    %dma_start3A_1507 = tpu.memref_squeeze %dma_start3A_1506 : memref<1x!tpu.dma_semaphore, #tpu.memory_space<semaphore_mem>> -> memref<!tpu.dma_semaphore, #tpu.memory_space<semaphore_mem>>
    %dma_start3A_1508 = arith.constant 304 : i32
    %dma_start3A_1509 = arith.constant 0 : i32
    %dma_start3A_1510 = arith.constant 0 : i32
    %dma_start3A_1511 = tpu.memref_slice %arg1[%dma_start3A_1508, %dma_start3A_1509, %dma_start3A_1510] : memref<1024x1024x128xf32, #tpu.memory_space<any>> -> memref<8x1024x128xf32, #tpu.memory_space<any>>
    %dma_start3A_1512 = arith.constant 0 : i32
    %dma_start3A_1513 = arith.constant 752 : i32
    %dma_start3A_1514 = arith.constant 0 : i32
    %dma_start3A_1515 = tpu.memref_slice %arg2[%dma_start3A_1512, %dma_start3A_1513, %dma_start3A_1514] : memref<8x2120x128xf32, #tpu.memory_space<vmem>> -> memref<8x1024x128xf32, #tpu.memory_space<vmem>>
    tpu.enqueue_dma source(%dma_start3A_1515 : memref<8x1024x128xf32, #tpu.memory_space<vmem>>) target(%dma_start3A_1511 : memref<8x1024x128xf32, #tpu.memory_space<any>>) target_semaphore(%dma_start3A_1507 : memref<!tpu.dma_semaphore, #tpu.memory_space<semaphore_mem>>)
    %dma_wait3A_1516 = arith.constant 7 : i32
    %dma_wait3A_1517 = tpu.memref_slice %arg3[%dma_wait3A_1516] : memref<8x!tpu.dma_semaphore, #tpu.memory_space<semaphore_mem>> -> memref<1x!tpu.dma_semaphore, #tpu.memory_space<semaphore_mem>>
    %dma_wait3A_1518 = tpu.memref_squeeze %dma_wait3A_1517 : memref<1x!tpu.dma_semaphore, #tpu.memory_space<semaphore_mem>> -> memref<!tpu.dma_semaphore, #tpu.memory_space<semaphore_mem>>
    %dma_wait3A_1519 = arith.constant 248 : i32
    %dma_wait3A_1520 = arith.constant 0 : i32
    %dma_wait3A_1521 = arith.constant 0 : i32
    %dma_wait3A_1522 = tpu.memref_slice %arg1[%dma_wait3A_1519, %dma_wait3A_1520, %dma_wait3A_1521] : memref<1024x1024x128xf32, #tpu.memory_space<any>> -> memref<8x1024x128xf32, #tpu.memory_space<any>>
    %dma_wait3A_1523 = arith.constant 0 : i32
    %dma_wait3A_1524 = arith.constant 808 : i32
    %dma_wait3A_1525 = arith.constant 0 : i32
    %dma_wait3A_1526 = tpu.memref_slice %arg2[%dma_wait3A_1523, %dma_wait3A_1524, %dma_wait3A_1525] : memref<8x2120x128xf32, #tpu.memory_space<vmem>> -> memref<8x1024x128xf32, #tpu.memory_space<vmem>>
    tpu.wait_dma2 semaphore(%dma_wait3A_1518 : memref<!tpu.dma_semaphore, #tpu.memory_space<semaphore_mem>>) src(%dma_wait3A_1526 : memref<8x1024x128xf32, #tpu.memory_space<vmem>>) dst(%dma_wait3A_1522 : memref<8x1024x128xf32, #tpu.memory_space<any>>)
    %dma_start3A_1527 = arith.constant 7 : i32
    %dma_start3A_1528 = tpu.memref_slice %arg3[%dma_start3A_1527] : memref<8x!tpu.dma_semaphore, #tpu.memory_space<semaphore_mem>> -> memref<1x!tpu.dma_semaphore, #tpu.memory_space<semaphore_mem>>
    %dma_start3A_1529 = tpu.memref_squeeze %dma_start3A_1528 : memref<1x!tpu.dma_semaphore, #tpu.memory_space<semaphore_mem>> -> memref<!tpu.dma_semaphore, #tpu.memory_space<semaphore_mem>>
    %dma_start3A_1530 = arith.constant 312 : i32
    %dma_start3A_1531 = arith.constant 0 : i32
    %dma_start3A_1532 = arith.constant 0 : i32
    %dma_start3A_1533 = tpu.memref_slice %arg1[%dma_start3A_1530, %dma_start3A_1531, %dma_start3A_1532] : memref<1024x1024x128xf32, #tpu.memory_space<any>> -> memref<8x1024x128xf32, #tpu.memory_space<any>>
    %dma_start3A_1534 = arith.constant 0 : i32
    %dma_start3A_1535 = arith.constant 744 : i32
    %dma_start3A_1536 = arith.constant 0 : i32
    %dma_start3A_1537 = tpu.memref_slice %arg2[%dma_start3A_1534, %dma_start3A_1535, %dma_start3A_1536] : memref<8x2120x128xf32, #tpu.memory_space<vmem>> -> memref<8x1024x128xf32, #tpu.memory_space<vmem>>
    tpu.enqueue_dma source(%dma_start3A_1537 : memref<8x1024x128xf32, #tpu.memory_space<vmem>>) target(%dma_start3A_1533 : memref<8x1024x128xf32, #tpu.memory_space<any>>) target_semaphore(%dma_start3A_1529 : memref<!tpu.dma_semaphore, #tpu.memory_space<semaphore_mem>>)
    %dma_wait3A_1538 = arith.constant 0 : i32
    %dma_wait3A_1539 = tpu.memref_slice %arg3[%dma_wait3A_1538] : memref<8x!tpu.dma_semaphore, #tpu.memory_space<semaphore_mem>> -> memref<1x!tpu.dma_semaphore, #tpu.memory_space<semaphore_mem>>
    %dma_wait3A_1540 = tpu.memref_squeeze %dma_wait3A_1539 : memref<1x!tpu.dma_semaphore, #tpu.memory_space<semaphore_mem>> -> memref<!tpu.dma_semaphore, #tpu.memory_space<semaphore_mem>>
    %dma_wait3A_1541 = arith.constant 256 : i32
    %dma_wait3A_1542 = arith.constant 0 : i32
    %dma_wait3A_1543 = arith.constant 0 : i32
    %dma_wait3A_1544 = tpu.memref_slice %arg1[%dma_wait3A_1541, %dma_wait3A_1542, %dma_wait3A_1543] : memref<1024x1024x128xf32, #tpu.memory_space<any>> -> memref<8x1024x128xf32, #tpu.memory_space<any>>
    %dma_wait3A_1545 = arith.constant 0 : i32
    %dma_wait3A_1546 = arith.constant 800 : i32
    %dma_wait3A_1547 = arith.constant 0 : i32
    %dma_wait3A_1548 = tpu.memref_slice %arg2[%dma_wait3A_1545, %dma_wait3A_1546, %dma_wait3A_1547] : memref<8x2120x128xf32, #tpu.memory_space<vmem>> -> memref<8x1024x128xf32, #tpu.memory_space<vmem>>
    tpu.wait_dma2 semaphore(%dma_wait3A_1540 : memref<!tpu.dma_semaphore, #tpu.memory_space<semaphore_mem>>) src(%dma_wait3A_1548 : memref<8x1024x128xf32, #tpu.memory_space<vmem>>) dst(%dma_wait3A_1544 : memref<8x1024x128xf32, #tpu.memory_space<any>>)
    %dma_start3A_1549 = arith.constant 0 : i32
    %dma_start3A_1550 = tpu.memref_slice %arg3[%dma_start3A_1549] : memref<8x!tpu.dma_semaphore, #tpu.memory_space<semaphore_mem>> -> memref<1x!tpu.dma_semaphore, #tpu.memory_space<semaphore_mem>>
    %dma_start3A_1551 = tpu.memref_squeeze %dma_start3A_1550 : memref<1x!tpu.dma_semaphore, #tpu.memory_space<semaphore_mem>> -> memref<!tpu.dma_semaphore, #tpu.memory_space<semaphore_mem>>
    %dma_start3A_1552 = arith.constant 320 : i32
    %dma_start3A_1553 = arith.constant 0 : i32
    %dma_start3A_1554 = arith.constant 0 : i32
    %dma_start3A_1555 = tpu.memref_slice %arg1[%dma_start3A_1552, %dma_start3A_1553, %dma_start3A_1554] : memref<1024x1024x128xf32, #tpu.memory_space<any>> -> memref<8x1024x128xf32, #tpu.memory_space<any>>
    %dma_start3A_1556 = arith.constant 0 : i32
    %dma_start3A_1557 = arith.constant 736 : i32
    %dma_start3A_1558 = arith.constant 0 : i32
    %dma_start3A_1559 = tpu.memref_slice %arg2[%dma_start3A_1556, %dma_start3A_1557, %dma_start3A_1558] : memref<8x2120x128xf32, #tpu.memory_space<vmem>> -> memref<8x1024x128xf32, #tpu.memory_space<vmem>>
    tpu.enqueue_dma source(%dma_start3A_1559 : memref<8x1024x128xf32, #tpu.memory_space<vmem>>) target(%dma_start3A_1555 : memref<8x1024x128xf32, #tpu.memory_space<any>>) target_semaphore(%dma_start3A_1551 : memref<!tpu.dma_semaphore, #tpu.memory_space<semaphore_mem>>)
    %dma_wait3A_1560 = arith.constant 1 : i32
    %dma_wait3A_1561 = tpu.memref_slice %arg3[%dma_wait3A_1560] : memref<8x!tpu.dma_semaphore, #tpu.memory_space<semaphore_mem>> -> memref<1x!tpu.dma_semaphore, #tpu.memory_space<semaphore_mem>>
    %dma_wait3A_1562 = tpu.memref_squeeze %dma_wait3A_1561 : memref<1x!tpu.dma_semaphore, #tpu.memory_space<semaphore_mem>> -> memref<!tpu.dma_semaphore, #tpu.memory_space<semaphore_mem>>
    %dma_wait3A_1563 = arith.constant 264 : i32
    %dma_wait3A_1564 = arith.constant 0 : i32
    %dma_wait3A_1565 = arith.constant 0 : i32
    %dma_wait3A_1566 = tpu.memref_slice %arg1[%dma_wait3A_1563, %dma_wait3A_1564, %dma_wait3A_1565] : memref<1024x1024x128xf32, #tpu.memory_space<any>> -> memref<8x1024x128xf32, #tpu.memory_space<any>>
    %dma_wait3A_1567 = arith.constant 0 : i32
    %dma_wait3A_1568 = arith.constant 792 : i32
    %dma_wait3A_1569 = arith.constant 0 : i32
    %dma_wait3A_1570 = tpu.memref_slice %arg2[%dma_wait3A_1567, %dma_wait3A_1568, %dma_wait3A_1569] : memref<8x2120x128xf32, #tpu.memory_space<vmem>> -> memref<8x1024x128xf32, #tpu.memory_space<vmem>>
    tpu.wait_dma2 semaphore(%dma_wait3A_1562 : memref<!tpu.dma_semaphore, #tpu.memory_space<semaphore_mem>>) src(%dma_wait3A_1570 : memref<8x1024x128xf32, #tpu.memory_space<vmem>>) dst(%dma_wait3A_1566 : memref<8x1024x128xf32, #tpu.memory_space<any>>)
    %dma_start3A_1571 = arith.constant 1 : i32
    %dma_start3A_1572 = tpu.memref_slice %arg3[%dma_start3A_1571] : memref<8x!tpu.dma_semaphore, #tpu.memory_space<semaphore_mem>> -> memref<1x!tpu.dma_semaphore, #tpu.memory_space<semaphore_mem>>
    %dma_start3A_1573 = tpu.memref_squeeze %dma_start3A_1572 : memref<1x!tpu.dma_semaphore, #tpu.memory_space<semaphore_mem>> -> memref<!tpu.dma_semaphore, #tpu.memory_space<semaphore_mem>>
    %dma_start3A_1574 = arith.constant 328 : i32
    %dma_start3A_1575 = arith.constant 0 : i32
    %dma_start3A_1576 = arith.constant 0 : i32
    %dma_start3A_1577 = tpu.memref_slice %arg1[%dma_start3A_1574, %dma_start3A_1575, %dma_start3A_1576] : memref<1024x1024x128xf32, #tpu.memory_space<any>> -> memref<8x1024x128xf32, #tpu.memory_space<any>>
    %dma_start3A_1578 = arith.constant 0 : i32
    %dma_start3A_1579 = arith.constant 728 : i32
    %dma_start3A_1580 = arith.constant 0 : i32
    %dma_start3A_1581 = tpu.memref_slice %arg2[%dma_start3A_1578, %dma_start3A_1579, %dma_start3A_1580] : memref<8x2120x128xf32, #tpu.memory_space<vmem>> -> memref<8x1024x128xf32, #tpu.memory_space<vmem>>
    tpu.enqueue_dma source(%dma_start3A_1581 : memref<8x1024x128xf32, #tpu.memory_space<vmem>>) target(%dma_start3A_1577 : memref<8x1024x128xf32, #tpu.memory_space<any>>) target_semaphore(%dma_start3A_1573 : memref<!tpu.dma_semaphore, #tpu.memory_space<semaphore_mem>>)
    %dma_wait3A_1582 = arith.constant 2 : i32
    %dma_wait3A_1583 = tpu.memref_slice %arg3[%dma_wait3A_1582] : memref<8x!tpu.dma_semaphore, #tpu.memory_space<semaphore_mem>> -> memref<1x!tpu.dma_semaphore, #tpu.memory_space<semaphore_mem>>
    %dma_wait3A_1584 = tpu.memref_squeeze %dma_wait3A_1583 : memref<1x!tpu.dma_semaphore, #tpu.memory_space<semaphore_mem>> -> memref<!tpu.dma_semaphore, #tpu.memory_space<semaphore_mem>>
    %dma_wait3A_1585 = arith.constant 272 : i32
    %dma_wait3A_1586 = arith.constant 0 : i32
    %dma_wait3A_1587 = arith.constant 0 : i32
    %dma_wait3A_1588 = tpu.memref_slice %arg1[%dma_wait3A_1585, %dma_wait3A_1586, %dma_wait3A_1587] : memref<1024x1024x128xf32, #tpu.memory_space<any>> -> memref<8x1024x128xf32, #tpu.memory_space<any>>
    %dma_wait3A_1589 = arith.constant 0 : i32
    %dma_wait3A_1590 = arith.constant 784 : i32
    %dma_wait3A_1591 = arith.constant 0 : i32
    %dma_wait3A_1592 = tpu.memref_slice %arg2[%dma_wait3A_1589, %dma_wait3A_1590, %dma_wait3A_1591] : memref<8x2120x128xf32, #tpu.memory_space<vmem>> -> memref<8x1024x128xf32, #tpu.memory_space<vmem>>
    tpu.wait_dma2 semaphore(%dma_wait3A_1584 : memref<!tpu.dma_semaphore, #tpu.memory_space<semaphore_mem>>) src(%dma_wait3A_1592 : memref<8x1024x128xf32, #tpu.memory_space<vmem>>) dst(%dma_wait3A_1588 : memref<8x1024x128xf32, #tpu.memory_space<any>>)
    %dma_start3A_1593 = arith.constant 2 : i32
    %dma_start3A_1594 = tpu.memref_slice %arg3[%dma_start3A_1593] : memref<8x!tpu.dma_semaphore, #tpu.memory_space<semaphore_mem>> -> memref<1x!tpu.dma_semaphore, #tpu.memory_space<semaphore_mem>>
    %dma_start3A_1595 = tpu.memref_squeeze %dma_start3A_1594 : memref<1x!tpu.dma_semaphore, #tpu.memory_space<semaphore_mem>> -> memref<!tpu.dma_semaphore, #tpu.memory_space<semaphore_mem>>
    %dma_start3A_1596 = arith.constant 336 : i32
    %dma_start3A_1597 = arith.constant 0 : i32
    %dma_start3A_1598 = arith.constant 0 : i32
    %dma_start3A_1599 = tpu.memref_slice %arg1[%dma_start3A_1596, %dma_start3A_1597, %dma_start3A_1598] : memref<1024x1024x128xf32, #tpu.memory_space<any>> -> memref<8x1024x128xf32, #tpu.memory_space<any>>
    %dma_start3A_1600 = arith.constant 0 : i32
    %dma_start3A_1601 = arith.constant 720 : i32
    %dma_start3A_1602 = arith.constant 0 : i32
    %dma_start3A_1603 = tpu.memref_slice %arg2[%dma_start3A_1600, %dma_start3A_1601, %dma_start3A_1602] : memref<8x2120x128xf32, #tpu.memory_space<vmem>> -> memref<8x1024x128xf32, #tpu.memory_space<vmem>>
    tpu.enqueue_dma source(%dma_start3A_1603 : memref<8x1024x128xf32, #tpu.memory_space<vmem>>) target(%dma_start3A_1599 : memref<8x1024x128xf32, #tpu.memory_space<any>>) target_semaphore(%dma_start3A_1595 : memref<!tpu.dma_semaphore, #tpu.memory_space<semaphore_mem>>)
    %dma_wait3A_1604 = arith.constant 3 : i32
    %dma_wait3A_1605 = tpu.memref_slice %arg3[%dma_wait3A_1604] : memref<8x!tpu.dma_semaphore, #tpu.memory_space<semaphore_mem>> -> memref<1x!tpu.dma_semaphore, #tpu.memory_space<semaphore_mem>>
    %dma_wait3A_1606 = tpu.memref_squeeze %dma_wait3A_1605 : memref<1x!tpu.dma_semaphore, #tpu.memory_space<semaphore_mem>> -> memref<!tpu.dma_semaphore, #tpu.memory_space<semaphore_mem>>
    %dma_wait3A_1607 = arith.constant 280 : i32
    %dma_wait3A_1608 = arith.constant 0 : i32
    %dma_wait3A_1609 = arith.constant 0 : i32
    %dma_wait3A_1610 = tpu.memref_slice %arg1[%dma_wait3A_1607, %dma_wait3A_1608, %dma_wait3A_1609] : memref<1024x1024x128xf32, #tpu.memory_space<any>> -> memref<8x1024x128xf32, #tpu.memory_space<any>>
    %dma_wait3A_1611 = arith.constant 0 : i32
    %dma_wait3A_1612 = arith.constant 776 : i32
    %dma_wait3A_1613 = arith.constant 0 : i32
    %dma_wait3A_1614 = tpu.memref_slice %arg2[%dma_wait3A_1611, %dma_wait3A_1612, %dma_wait3A_1613] : memref<8x2120x128xf32, #tpu.memory_space<vmem>> -> memref<8x1024x128xf32, #tpu.memory_space<vmem>>
    tpu.wait_dma2 semaphore(%dma_wait3A_1606 : memref<!tpu.dma_semaphore, #tpu.memory_space<semaphore_mem>>) src(%dma_wait3A_1614 : memref<8x1024x128xf32, #tpu.memory_space<vmem>>) dst(%dma_wait3A_1610 : memref<8x1024x128xf32, #tpu.memory_space<any>>)
    %dma_start3A_1615 = arith.constant 3 : i32
    %dma_start3A_1616 = tpu.memref_slice %arg3[%dma_start3A_1615] : memref<8x!tpu.dma_semaphore, #tpu.memory_space<semaphore_mem>> -> memref<1x!tpu.dma_semaphore, #tpu.memory_space<semaphore_mem>>
    %dma_start3A_1617 = tpu.memref_squeeze %dma_start3A_1616 : memref<1x!tpu.dma_semaphore, #tpu.memory_space<semaphore_mem>> -> memref<!tpu.dma_semaphore, #tpu.memory_space<semaphore_mem>>
    %dma_start3A_1618 = arith.constant 344 : i32
    %dma_start3A_1619 = arith.constant 0 : i32
    %dma_start3A_1620 = arith.constant 0 : i32
    %dma_start3A_1621 = tpu.memref_slice %arg1[%dma_start3A_1618, %dma_start3A_1619, %dma_start3A_1620] : memref<1024x1024x128xf32, #tpu.memory_space<any>> -> memref<8x1024x128xf32, #tpu.memory_space<any>>
    %dma_start3A_1622 = arith.constant 0 : i32
    %dma_start3A_1623 = arith.constant 712 : i32
    %dma_start3A_1624 = arith.constant 0 : i32
    %dma_start3A_1625 = tpu.memref_slice %arg2[%dma_start3A_1622, %dma_start3A_1623, %dma_start3A_1624] : memref<8x2120x128xf32, #tpu.memory_space<vmem>> -> memref<8x1024x128xf32, #tpu.memory_space<vmem>>
    tpu.enqueue_dma source(%dma_start3A_1625 : memref<8x1024x128xf32, #tpu.memory_space<vmem>>) target(%dma_start3A_1621 : memref<8x1024x128xf32, #tpu.memory_space<any>>) target_semaphore(%dma_start3A_1617 : memref<!tpu.dma_semaphore, #tpu.memory_space<semaphore_mem>>)
    %dma_wait3A_1626 = arith.constant 4 : i32
    %dma_wait3A_1627 = tpu.memref_slice %arg3[%dma_wait3A_1626] : memref<8x!tpu.dma_semaphore, #tpu.memory_space<semaphore_mem>> -> memref<1x!tpu.dma_semaphore, #tpu.memory_space<semaphore_mem>>
    %dma_wait3A_1628 = tpu.memref_squeeze %dma_wait3A_1627 : memref<1x!tpu.dma_semaphore, #tpu.memory_space<semaphore_mem>> -> memref<!tpu.dma_semaphore, #tpu.memory_space<semaphore_mem>>
    %dma_wait3A_1629 = arith.constant 288 : i32
    %dma_wait3A_1630 = arith.constant 0 : i32
    %dma_wait3A_1631 = arith.constant 0 : i32
    %dma_wait3A_1632 = tpu.memref_slice %arg1[%dma_wait3A_1629, %dma_wait3A_1630, %dma_wait3A_1631] : memref<1024x1024x128xf32, #tpu.memory_space<any>> -> memref<8x1024x128xf32, #tpu.memory_space<any>>
    %dma_wait3A_1633 = arith.constant 0 : i32
    %dma_wait3A_1634 = arith.constant 768 : i32
    %dma_wait3A_1635 = arith.constant 0 : i32
    %dma_wait3A_1636 = tpu.memref_slice %arg2[%dma_wait3A_1633, %dma_wait3A_1634, %dma_wait3A_1635] : memref<8x2120x128xf32, #tpu.memory_space<vmem>> -> memref<8x1024x128xf32, #tpu.memory_space<vmem>>
    tpu.wait_dma2 semaphore(%dma_wait3A_1628 : memref<!tpu.dma_semaphore, #tpu.memory_space<semaphore_mem>>) src(%dma_wait3A_1636 : memref<8x1024x128xf32, #tpu.memory_space<vmem>>) dst(%dma_wait3A_1632 : memref<8x1024x128xf32, #tpu.memory_space<any>>)
    %dma_start3A_1637 = arith.constant 4 : i32
    %dma_start3A_1638 = tpu.memref_slice %arg3[%dma_start3A_1637] : memref<8x!tpu.dma_semaphore, #tpu.memory_space<semaphore_mem>> -> memref<1x!tpu.dma_semaphore, #tpu.memory_space<semaphore_mem>>
    %dma_start3A_1639 = tpu.memref_squeeze %dma_start3A_1638 : memref<1x!tpu.dma_semaphore, #tpu.memory_space<semaphore_mem>> -> memref<!tpu.dma_semaphore, #tpu.memory_space<semaphore_mem>>
    %dma_start3A_1640 = arith.constant 352 : i32
    %dma_start3A_1641 = arith.constant 0 : i32
    %dma_start3A_1642 = arith.constant 0 : i32
    %dma_start3A_1643 = tpu.memref_slice %arg1[%dma_start3A_1640, %dma_start3A_1641, %dma_start3A_1642] : memref<1024x1024x128xf32, #tpu.memory_space<any>> -> memref<8x1024x128xf32, #tpu.memory_space<any>>
    %dma_start3A_1644 = arith.constant 0 : i32
    %dma_start3A_1645 = arith.constant 704 : i32
    %dma_start3A_1646 = arith.constant 0 : i32
    %dma_start3A_1647 = tpu.memref_slice %arg2[%dma_start3A_1644, %dma_start3A_1645, %dma_start3A_1646] : memref<8x2120x128xf32, #tpu.memory_space<vmem>> -> memref<8x1024x128xf32, #tpu.memory_space<vmem>>
    tpu.enqueue_dma source(%dma_start3A_1647 : memref<8x1024x128xf32, #tpu.memory_space<vmem>>) target(%dma_start3A_1643 : memref<8x1024x128xf32, #tpu.memory_space<any>>) target_semaphore(%dma_start3A_1639 : memref<!tpu.dma_semaphore, #tpu.memory_space<semaphore_mem>>)
    %dma_wait3A_1648 = arith.constant 5 : i32
    %dma_wait3A_1649 = tpu.memref_slice %arg3[%dma_wait3A_1648] : memref<8x!tpu.dma_semaphore, #tpu.memory_space<semaphore_mem>> -> memref<1x!tpu.dma_semaphore, #tpu.memory_space<semaphore_mem>>
    %dma_wait3A_1650 = tpu.memref_squeeze %dma_wait3A_1649 : memref<1x!tpu.dma_semaphore, #tpu.memory_space<semaphore_mem>> -> memref<!tpu.dma_semaphore, #tpu.memory_space<semaphore_mem>>
    %dma_wait3A_1651 = arith.constant 296 : i32
    %dma_wait3A_1652 = arith.constant 0 : i32
    %dma_wait3A_1653 = arith.constant 0 : i32
    %dma_wait3A_1654 = tpu.memref_slice %arg1[%dma_wait3A_1651, %dma_wait3A_1652, %dma_wait3A_1653] : memref<1024x1024x128xf32, #tpu.memory_space<any>> -> memref<8x1024x128xf32, #tpu.memory_space<any>>
    %dma_wait3A_1655 = arith.constant 0 : i32
    %dma_wait3A_1656 = arith.constant 760 : i32
    %dma_wait3A_1657 = arith.constant 0 : i32
    %dma_wait3A_1658 = tpu.memref_slice %arg2[%dma_wait3A_1655, %dma_wait3A_1656, %dma_wait3A_1657] : memref<8x2120x128xf32, #tpu.memory_space<vmem>> -> memref<8x1024x128xf32, #tpu.memory_space<vmem>>
    tpu.wait_dma2 semaphore(%dma_wait3A_1650 : memref<!tpu.dma_semaphore, #tpu.memory_space<semaphore_mem>>) src(%dma_wait3A_1658 : memref<8x1024x128xf32, #tpu.memory_space<vmem>>) dst(%dma_wait3A_1654 : memref<8x1024x128xf32, #tpu.memory_space<any>>)
    %dma_start3A_1659 = arith.constant 5 : i32
    %dma_start3A_1660 = tpu.memref_slice %arg3[%dma_start3A_1659] : memref<8x!tpu.dma_semaphore, #tpu.memory_space<semaphore_mem>> -> memref<1x!tpu.dma_semaphore, #tpu.memory_space<semaphore_mem>>
    %dma_start3A_1661 = tpu.memref_squeeze %dma_start3A_1660 : memref<1x!tpu.dma_semaphore, #tpu.memory_space<semaphore_mem>> -> memref<!tpu.dma_semaphore, #tpu.memory_space<semaphore_mem>>
    %dma_start3A_1662 = arith.constant 360 : i32
    %dma_start3A_1663 = arith.constant 0 : i32
    %dma_start3A_1664 = arith.constant 0 : i32
    %dma_start3A_1665 = tpu.memref_slice %arg1[%dma_start3A_1662, %dma_start3A_1663, %dma_start3A_1664] : memref<1024x1024x128xf32, #tpu.memory_space<any>> -> memref<8x1024x128xf32, #tpu.memory_space<any>>
    %dma_start3A_1666 = arith.constant 0 : i32
    %dma_start3A_1667 = arith.constant 696 : i32
    %dma_start3A_1668 = arith.constant 0 : i32
    %dma_start3A_1669 = tpu.memref_slice %arg2[%dma_start3A_1666, %dma_start3A_1667, %dma_start3A_1668] : memref<8x2120x128xf32, #tpu.memory_space<vmem>> -> memref<8x1024x128xf32, #tpu.memory_space<vmem>>
    tpu.enqueue_dma source(%dma_start3A_1669 : memref<8x1024x128xf32, #tpu.memory_space<vmem>>) target(%dma_start3A_1665 : memref<8x1024x128xf32, #tpu.memory_space<any>>) target_semaphore(%dma_start3A_1661 : memref<!tpu.dma_semaphore, #tpu.memory_space<semaphore_mem>>)
    %dma_wait3A_1670 = arith.constant 6 : i32
    %dma_wait3A_1671 = tpu.memref_slice %arg3[%dma_wait3A_1670] : memref<8x!tpu.dma_semaphore, #tpu.memory_space<semaphore_mem>> -> memref<1x!tpu.dma_semaphore, #tpu.memory_space<semaphore_mem>>
    %dma_wait3A_1672 = tpu.memref_squeeze %dma_wait3A_1671 : memref<1x!tpu.dma_semaphore, #tpu.memory_space<semaphore_mem>> -> memref<!tpu.dma_semaphore, #tpu.memory_space<semaphore_mem>>
    %dma_wait3A_1673 = arith.constant 304 : i32
    %dma_wait3A_1674 = arith.constant 0 : i32
    %dma_wait3A_1675 = arith.constant 0 : i32
    %dma_wait3A_1676 = tpu.memref_slice %arg1[%dma_wait3A_1673, %dma_wait3A_1674, %dma_wait3A_1675] : memref<1024x1024x128xf32, #tpu.memory_space<any>> -> memref<8x1024x128xf32, #tpu.memory_space<any>>
    %dma_wait3A_1677 = arith.constant 0 : i32
    %dma_wait3A_1678 = arith.constant 752 : i32
    %dma_wait3A_1679 = arith.constant 0 : i32
    %dma_wait3A_1680 = tpu.memref_slice %arg2[%dma_wait3A_1677, %dma_wait3A_1678, %dma_wait3A_1679] : memref<8x2120x128xf32, #tpu.memory_space<vmem>> -> memref<8x1024x128xf32, #tpu.memory_space<vmem>>
    tpu.wait_dma2 semaphore(%dma_wait3A_1672 : memref<!tpu.dma_semaphore, #tpu.memory_space<semaphore_mem>>) src(%dma_wait3A_1680 : memref<8x1024x128xf32, #tpu.memory_space<vmem>>) dst(%dma_wait3A_1676 : memref<8x1024x128xf32, #tpu.memory_space<any>>)
    %dma_start3A_1681 = arith.constant 6 : i32
    %dma_start3A_1682 = tpu.memref_slice %arg3[%dma_start3A_1681] : memref<8x!tpu.dma_semaphore, #tpu.memory_space<semaphore_mem>> -> memref<1x!tpu.dma_semaphore, #tpu.memory_space<semaphore_mem>>
    %dma_start3A_1683 = tpu.memref_squeeze %dma_start3A_1682 : memref<1x!tpu.dma_semaphore, #tpu.memory_space<semaphore_mem>> -> memref<!tpu.dma_semaphore, #tpu.memory_space<semaphore_mem>>
    %dma_start3A_1684 = arith.constant 368 : i32
    %dma_start3A_1685 = arith.constant 0 : i32
    %dma_start3A_1686 = arith.constant 0 : i32
    %dma_start3A_1687 = tpu.memref_slice %arg1[%dma_start3A_1684, %dma_start3A_1685, %dma_start3A_1686] : memref<1024x1024x128xf32, #tpu.memory_space<any>> -> memref<8x1024x128xf32, #tpu.memory_space<any>>
    %dma_start3A_1688 = arith.constant 0 : i32
    %dma_start3A_1689 = arith.constant 688 : i32
    %dma_start3A_1690 = arith.constant 0 : i32
    %dma_start3A_1691 = tpu.memref_slice %arg2[%dma_start3A_1688, %dma_start3A_1689, %dma_start3A_1690] : memref<8x2120x128xf32, #tpu.memory_space<vmem>> -> memref<8x1024x128xf32, #tpu.memory_space<vmem>>
    tpu.enqueue_dma source(%dma_start3A_1691 : memref<8x1024x128xf32, #tpu.memory_space<vmem>>) target(%dma_start3A_1687 : memref<8x1024x128xf32, #tpu.memory_space<any>>) target_semaphore(%dma_start3A_1683 : memref<!tpu.dma_semaphore, #tpu.memory_space<semaphore_mem>>)
    %dma_wait3A_1692 = arith.constant 7 : i32
    %dma_wait3A_1693 = tpu.memref_slice %arg3[%dma_wait3A_1692] : memref<8x!tpu.dma_semaphore, #tpu.memory_space<semaphore_mem>> -> memref<1x!tpu.dma_semaphore, #tpu.memory_space<semaphore_mem>>
    %dma_wait3A_1694 = tpu.memref_squeeze %dma_wait3A_1693 : memref<1x!tpu.dma_semaphore, #tpu.memory_space<semaphore_mem>> -> memref<!tpu.dma_semaphore, #tpu.memory_space<semaphore_mem>>
    %dma_wait3A_1695 = arith.constant 312 : i32
    %dma_wait3A_1696 = arith.constant 0 : i32
    %dma_wait3A_1697 = arith.constant 0 : i32
    %dma_wait3A_1698 = tpu.memref_slice %arg1[%dma_wait3A_1695, %dma_wait3A_1696, %dma_wait3A_1697] : memref<1024x1024x128xf32, #tpu.memory_space<any>> -> memref<8x1024x128xf32, #tpu.memory_space<any>>
    %dma_wait3A_1699 = arith.constant 0 : i32
    %dma_wait3A_1700 = arith.constant 744 : i32
    %dma_wait3A_1701 = arith.constant 0 : i32
    %dma_wait3A_1702 = tpu.memref_slice %arg2[%dma_wait3A_1699, %dma_wait3A_1700, %dma_wait3A_1701] : memref<8x2120x128xf32, #tpu.memory_space<vmem>> -> memref<8x1024x128xf32, #tpu.memory_space<vmem>>
    tpu.wait_dma2 semaphore(%dma_wait3A_1694 : memref<!tpu.dma_semaphore, #tpu.memory_space<semaphore_mem>>) src(%dma_wait3A_1702 : memref<8x1024x128xf32, #tpu.memory_space<vmem>>) dst(%dma_wait3A_1698 : memref<8x1024x128xf32, #tpu.memory_space<any>>)
    %dma_start3A_1703 = arith.constant 7 : i32
    %dma_start3A_1704 = tpu.memref_slice %arg3[%dma_start3A_1703] : memref<8x!tpu.dma_semaphore, #tpu.memory_space<semaphore_mem>> -> memref<1x!tpu.dma_semaphore, #tpu.memory_space<semaphore_mem>>
    %dma_start3A_1705 = tpu.memref_squeeze %dma_start3A_1704 : memref<1x!tpu.dma_semaphore, #tpu.memory_space<semaphore_mem>> -> memref<!tpu.dma_semaphore, #tpu.memory_space<semaphore_mem>>
    %dma_start3A_1706 = arith.constant 376 : i32
    %dma_start3A_1707 = arith.constant 0 : i32
    %dma_start3A_1708 = arith.constant 0 : i32
    %dma_start3A_1709 = tpu.memref_slice %arg1[%dma_start3A_1706, %dma_start3A_1707, %dma_start3A_1708] : memref<1024x1024x128xf32, #tpu.memory_space<any>> -> memref<8x1024x128xf32, #tpu.memory_space<any>>
    %dma_start3A_1710 = arith.constant 0 : i32
    %dma_start3A_1711 = arith.constant 680 : i32
    %dma_start3A_1712 = arith.constant 0 : i32
    %dma_start3A_1713 = tpu.memref_slice %arg2[%dma_start3A_1710, %dma_start3A_1711, %dma_start3A_1712] : memref<8x2120x128xf32, #tpu.memory_space<vmem>> -> memref<8x1024x128xf32, #tpu.memory_space<vmem>>
    tpu.enqueue_dma source(%dma_start3A_1713 : memref<8x1024x128xf32, #tpu.memory_space<vmem>>) target(%dma_start3A_1709 : memref<8x1024x128xf32, #tpu.memory_space<any>>) target_semaphore(%dma_start3A_1705 : memref<!tpu.dma_semaphore, #tpu.memory_space<semaphore_mem>>)
    %dma_wait3A_1714 = arith.constant 0 : i32
    %dma_wait3A_1715 = tpu.memref_slice %arg3[%dma_wait3A_1714] : memref<8x!tpu.dma_semaphore, #tpu.memory_space<semaphore_mem>> -> memref<1x!tpu.dma_semaphore, #tpu.memory_space<semaphore_mem>>
    %dma_wait3A_1716 = tpu.memref_squeeze %dma_wait3A_1715 : memref<1x!tpu.dma_semaphore, #tpu.memory_space<semaphore_mem>> -> memref<!tpu.dma_semaphore, #tpu.memory_space<semaphore_mem>>
    %dma_wait3A_1717 = arith.constant 320 : i32
    %dma_wait3A_1718 = arith.constant 0 : i32
    %dma_wait3A_1719 = arith.constant 0 : i32
    %dma_wait3A_1720 = tpu.memref_slice %arg1[%dma_wait3A_1717, %dma_wait3A_1718, %dma_wait3A_1719] : memref<1024x1024x128xf32, #tpu.memory_space<any>> -> memref<8x1024x128xf32, #tpu.memory_space<any>>
    %dma_wait3A_1721 = arith.constant 0 : i32
    %dma_wait3A_1722 = arith.constant 736 : i32
    %dma_wait3A_1723 = arith.constant 0 : i32
    %dma_wait3A_1724 = tpu.memref_slice %arg2[%dma_wait3A_1721, %dma_wait3A_1722, %dma_wait3A_1723] : memref<8x2120x128xf32, #tpu.memory_space<vmem>> -> memref<8x1024x128xf32, #tpu.memory_space<vmem>>
    tpu.wait_dma2 semaphore(%dma_wait3A_1716 : memref<!tpu.dma_semaphore, #tpu.memory_space<semaphore_mem>>) src(%dma_wait3A_1724 : memref<8x1024x128xf32, #tpu.memory_space<vmem>>) dst(%dma_wait3A_1720 : memref<8x1024x128xf32, #tpu.memory_space<any>>)
    %dma_start3A_1725 = arith.constant 0 : i32
    %dma_start3A_1726 = tpu.memref_slice %arg3[%dma_start3A_1725] : memref<8x!tpu.dma_semaphore, #tpu.memory_space<semaphore_mem>> -> memref<1x!tpu.dma_semaphore, #tpu.memory_space<semaphore_mem>>
    %dma_start3A_1727 = tpu.memref_squeeze %dma_start3A_1726 : memref<1x!tpu.dma_semaphore, #tpu.memory_space<semaphore_mem>> -> memref<!tpu.dma_semaphore, #tpu.memory_space<semaphore_mem>>
    %dma_start3A_1728 = arith.constant 384 : i32
    %dma_start3A_1729 = arith.constant 0 : i32
    %dma_start3A_1730 = arith.constant 0 : i32
    %dma_start3A_1731 = tpu.memref_slice %arg1[%dma_start3A_1728, %dma_start3A_1729, %dma_start3A_1730] : memref<1024x1024x128xf32, #tpu.memory_space<any>> -> memref<8x1024x128xf32, #tpu.memory_space<any>>
    %dma_start3A_1732 = arith.constant 0 : i32
    %dma_start3A_1733 = arith.constant 672 : i32
    %dma_start3A_1734 = arith.constant 0 : i32
    %dma_start3A_1735 = tpu.memref_slice %arg2[%dma_start3A_1732, %dma_start3A_1733, %dma_start3A_1734] : memref<8x2120x128xf32, #tpu.memory_space<vmem>> -> memref<8x1024x128xf32, #tpu.memory_space<vmem>>
    tpu.enqueue_dma source(%dma_start3A_1735 : memref<8x1024x128xf32, #tpu.memory_space<vmem>>) target(%dma_start3A_1731 : memref<8x1024x128xf32, #tpu.memory_space<any>>) target_semaphore(%dma_start3A_1727 : memref<!tpu.dma_semaphore, #tpu.memory_space<semaphore_mem>>)
    %dma_wait3A_1736 = arith.constant 1 : i32
    %dma_wait3A_1737 = tpu.memref_slice %arg3[%dma_wait3A_1736] : memref<8x!tpu.dma_semaphore, #tpu.memory_space<semaphore_mem>> -> memref<1x!tpu.dma_semaphore, #tpu.memory_space<semaphore_mem>>
    %dma_wait3A_1738 = tpu.memref_squeeze %dma_wait3A_1737 : memref<1x!tpu.dma_semaphore, #tpu.memory_space<semaphore_mem>> -> memref<!tpu.dma_semaphore, #tpu.memory_space<semaphore_mem>>
    %dma_wait3A_1739 = arith.constant 328 : i32
    %dma_wait3A_1740 = arith.constant 0 : i32
    %dma_wait3A_1741 = arith.constant 0 : i32
    %dma_wait3A_1742 = tpu.memref_slice %arg1[%dma_wait3A_1739, %dma_wait3A_1740, %dma_wait3A_1741] : memref<1024x1024x128xf32, #tpu.memory_space<any>> -> memref<8x1024x128xf32, #tpu.memory_space<any>>
    %dma_wait3A_1743 = arith.constant 0 : i32
    %dma_wait3A_1744 = arith.constant 728 : i32
    %dma_wait3A_1745 = arith.constant 0 : i32
    %dma_wait3A_1746 = tpu.memref_slice %arg2[%dma_wait3A_1743, %dma_wait3A_1744, %dma_wait3A_1745] : memref<8x2120x128xf32, #tpu.memory_space<vmem>> -> memref<8x1024x128xf32, #tpu.memory_space<vmem>>
    tpu.wait_dma2 semaphore(%dma_wait3A_1738 : memref<!tpu.dma_semaphore, #tpu.memory_space<semaphore_mem>>) src(%dma_wait3A_1746 : memref<8x1024x128xf32, #tpu.memory_space<vmem>>) dst(%dma_wait3A_1742 : memref<8x1024x128xf32, #tpu.memory_space<any>>)
    %dma_start3A_1747 = arith.constant 1 : i32
    %dma_start3A_1748 = tpu.memref_slice %arg3[%dma_start3A_1747] : memref<8x!tpu.dma_semaphore, #tpu.memory_space<semaphore_mem>> -> memref<1x!tpu.dma_semaphore, #tpu.memory_space<semaphore_mem>>
    %dma_start3A_1749 = tpu.memref_squeeze %dma_start3A_1748 : memref<1x!tpu.dma_semaphore, #tpu.memory_space<semaphore_mem>> -> memref<!tpu.dma_semaphore, #tpu.memory_space<semaphore_mem>>
    %dma_start3A_1750 = arith.constant 392 : i32
    %dma_start3A_1751 = arith.constant 0 : i32
    %dma_start3A_1752 = arith.constant 0 : i32
    %dma_start3A_1753 = tpu.memref_slice %arg1[%dma_start3A_1750, %dma_start3A_1751, %dma_start3A_1752] : memref<1024x1024x128xf32, #tpu.memory_space<any>> -> memref<8x1024x128xf32, #tpu.memory_space<any>>
    %dma_start3A_1754 = arith.constant 0 : i32
    %dma_start3A_1755 = arith.constant 664 : i32
    %dma_start3A_1756 = arith.constant 0 : i32
    %dma_start3A_1757 = tpu.memref_slice %arg2[%dma_start3A_1754, %dma_start3A_1755, %dma_start3A_1756] : memref<8x2120x128xf32, #tpu.memory_space<vmem>> -> memref<8x1024x128xf32, #tpu.memory_space<vmem>>
    tpu.enqueue_dma source(%dma_start3A_1757 : memref<8x1024x128xf32, #tpu.memory_space<vmem>>) target(%dma_start3A_1753 : memref<8x1024x128xf32, #tpu.memory_space<any>>) target_semaphore(%dma_start3A_1749 : memref<!tpu.dma_semaphore, #tpu.memory_space<semaphore_mem>>)
    %dma_wait3A_1758 = arith.constant 2 : i32
    %dma_wait3A_1759 = tpu.memref_slice %arg3[%dma_wait3A_1758] : memref<8x!tpu.dma_semaphore, #tpu.memory_space<semaphore_mem>> -> memref<1x!tpu.dma_semaphore, #tpu.memory_space<semaphore_mem>>
    %dma_wait3A_1760 = tpu.memref_squeeze %dma_wait3A_1759 : memref<1x!tpu.dma_semaphore, #tpu.memory_space<semaphore_mem>> -> memref<!tpu.dma_semaphore, #tpu.memory_space<semaphore_mem>>
    %dma_wait3A_1761 = arith.constant 336 : i32
    %dma_wait3A_1762 = arith.constant 0 : i32
    %dma_wait3A_1763 = arith.constant 0 : i32
    %dma_wait3A_1764 = tpu.memref_slice %arg1[%dma_wait3A_1761, %dma_wait3A_1762, %dma_wait3A_1763] : memref<1024x1024x128xf32, #tpu.memory_space<any>> -> memref<8x1024x128xf32, #tpu.memory_space<any>>
    %dma_wait3A_1765 = arith.constant 0 : i32
    %dma_wait3A_1766 = arith.constant 720 : i32
    %dma_wait3A_1767 = arith.constant 0 : i32
    %dma_wait3A_1768 = tpu.memref_slice %arg2[%dma_wait3A_1765, %dma_wait3A_1766, %dma_wait3A_1767] : memref<8x2120x128xf32, #tpu.memory_space<vmem>> -> memref<8x1024x128xf32, #tpu.memory_space<vmem>>
    tpu.wait_dma2 semaphore(%dma_wait3A_1760 : memref<!tpu.dma_semaphore, #tpu.memory_space<semaphore_mem>>) src(%dma_wait3A_1768 : memref<8x1024x128xf32, #tpu.memory_space<vmem>>) dst(%dma_wait3A_1764 : memref<8x1024x128xf32, #tpu.memory_space<any>>)
    %dma_start3A_1769 = arith.constant 2 : i32
    %dma_start3A_1770 = tpu.memref_slice %arg3[%dma_start3A_1769] : memref<8x!tpu.dma_semaphore, #tpu.memory_space<semaphore_mem>> -> memref<1x!tpu.dma_semaphore, #tpu.memory_space<semaphore_mem>>
    %dma_start3A_1771 = tpu.memref_squeeze %dma_start3A_1770 : memref<1x!tpu.dma_semaphore, #tpu.memory_space<semaphore_mem>> -> memref<!tpu.dma_semaphore, #tpu.memory_space<semaphore_mem>>
    %dma_start3A_1772 = arith.constant 400 : i32
    %dma_start3A_1773 = arith.constant 0 : i32
    %dma_start3A_1774 = arith.constant 0 : i32
    %dma_start3A_1775 = tpu.memref_slice %arg1[%dma_start3A_1772, %dma_start3A_1773, %dma_start3A_1774] : memref<1024x1024x128xf32, #tpu.memory_space<any>> -> memref<8x1024x128xf32, #tpu.memory_space<any>>
    %dma_start3A_1776 = arith.constant 0 : i32
    %dma_start3A_1777 = arith.constant 656 : i32
    %dma_start3A_1778 = arith.constant 0 : i32
    %dma_start3A_1779 = tpu.memref_slice %arg2[%dma_start3A_1776, %dma_start3A_1777, %dma_start3A_1778] : memref<8x2120x128xf32, #tpu.memory_space<vmem>> -> memref<8x1024x128xf32, #tpu.memory_space<vmem>>
    tpu.enqueue_dma source(%dma_start3A_1779 : memref<8x1024x128xf32, #tpu.memory_space<vmem>>) target(%dma_start3A_1775 : memref<8x1024x128xf32, #tpu.memory_space<any>>) target_semaphore(%dma_start3A_1771 : memref<!tpu.dma_semaphore, #tpu.memory_space<semaphore_mem>>)
    %dma_wait3A_1780 = arith.constant 3 : i32
    %dma_wait3A_1781 = tpu.memref_slice %arg3[%dma_wait3A_1780] : memref<8x!tpu.dma_semaphore, #tpu.memory_space<semaphore_mem>> -> memref<1x!tpu.dma_semaphore, #tpu.memory_space<semaphore_mem>>
    %dma_wait3A_1782 = tpu.memref_squeeze %dma_wait3A_1781 : memref<1x!tpu.dma_semaphore, #tpu.memory_space<semaphore_mem>> -> memref<!tpu.dma_semaphore, #tpu.memory_space<semaphore_mem>>
    %dma_wait3A_1783 = arith.constant 344 : i32
    %dma_wait3A_1784 = arith.constant 0 : i32
    %dma_wait3A_1785 = arith.constant 0 : i32
    %dma_wait3A_1786 = tpu.memref_slice %arg1[%dma_wait3A_1783, %dma_wait3A_1784, %dma_wait3A_1785] : memref<1024x1024x128xf32, #tpu.memory_space<any>> -> memref<8x1024x128xf32, #tpu.memory_space<any>>
    %dma_wait3A_1787 = arith.constant 0 : i32
    %dma_wait3A_1788 = arith.constant 712 : i32
    %dma_wait3A_1789 = arith.constant 0 : i32
    %dma_wait3A_1790 = tpu.memref_slice %arg2[%dma_wait3A_1787, %dma_wait3A_1788, %dma_wait3A_1789] : memref<8x2120x128xf32, #tpu.memory_space<vmem>> -> memref<8x1024x128xf32, #tpu.memory_space<vmem>>
    tpu.wait_dma2 semaphore(%dma_wait3A_1782 : memref<!tpu.dma_semaphore, #tpu.memory_space<semaphore_mem>>) src(%dma_wait3A_1790 : memref<8x1024x128xf32, #tpu.memory_space<vmem>>) dst(%dma_wait3A_1786 : memref<8x1024x128xf32, #tpu.memory_space<any>>)
    %dma_start3A_1791 = arith.constant 3 : i32
    %dma_start3A_1792 = tpu.memref_slice %arg3[%dma_start3A_1791] : memref<8x!tpu.dma_semaphore, #tpu.memory_space<semaphore_mem>> -> memref<1x!tpu.dma_semaphore, #tpu.memory_space<semaphore_mem>>
    %dma_start3A_1793 = tpu.memref_squeeze %dma_start3A_1792 : memref<1x!tpu.dma_semaphore, #tpu.memory_space<semaphore_mem>> -> memref<!tpu.dma_semaphore, #tpu.memory_space<semaphore_mem>>
    %dma_start3A_1794 = arith.constant 408 : i32
    %dma_start3A_1795 = arith.constant 0 : i32
    %dma_start3A_1796 = arith.constant 0 : i32
    %dma_start3A_1797 = tpu.memref_slice %arg1[%dma_start3A_1794, %dma_start3A_1795, %dma_start3A_1796] : memref<1024x1024x128xf32, #tpu.memory_space<any>> -> memref<8x1024x128xf32, #tpu.memory_space<any>>
    %dma_start3A_1798 = arith.constant 0 : i32
    %dma_start3A_1799 = arith.constant 648 : i32
    %dma_start3A_1800 = arith.constant 0 : i32
    %dma_start3A_1801 = tpu.memref_slice %arg2[%dma_start3A_1798, %dma_start3A_1799, %dma_start3A_1800] : memref<8x2120x128xf32, #tpu.memory_space<vmem>> -> memref<8x1024x128xf32, #tpu.memory_space<vmem>>
    tpu.enqueue_dma source(%dma_start3A_1801 : memref<8x1024x128xf32, #tpu.memory_space<vmem>>) target(%dma_start3A_1797 : memref<8x1024x128xf32, #tpu.memory_space<any>>) target_semaphore(%dma_start3A_1793 : memref<!tpu.dma_semaphore, #tpu.memory_space<semaphore_mem>>)
    %dma_wait3A_1802 = arith.constant 4 : i32
    %dma_wait3A_1803 = tpu.memref_slice %arg3[%dma_wait3A_1802] : memref<8x!tpu.dma_semaphore, #tpu.memory_space<semaphore_mem>> -> memref<1x!tpu.dma_semaphore, #tpu.memory_space<semaphore_mem>>
    %dma_wait3A_1804 = tpu.memref_squeeze %dma_wait3A_1803 : memref<1x!tpu.dma_semaphore, #tpu.memory_space<semaphore_mem>> -> memref<!tpu.dma_semaphore, #tpu.memory_space<semaphore_mem>>
    %dma_wait3A_1805 = arith.constant 352 : i32
    %dma_wait3A_1806 = arith.constant 0 : i32
    %dma_wait3A_1807 = arith.constant 0 : i32
    %dma_wait3A_1808 = tpu.memref_slice %arg1[%dma_wait3A_1805, %dma_wait3A_1806, %dma_wait3A_1807] : memref<1024x1024x128xf32, #tpu.memory_space<any>> -> memref<8x1024x128xf32, #tpu.memory_space<any>>
    %dma_wait3A_1809 = arith.constant 0 : i32
    %dma_wait3A_1810 = arith.constant 704 : i32
    %dma_wait3A_1811 = arith.constant 0 : i32
    %dma_wait3A_1812 = tpu.memref_slice %arg2[%dma_wait3A_1809, %dma_wait3A_1810, %dma_wait3A_1811] : memref<8x2120x128xf32, #tpu.memory_space<vmem>> -> memref<8x1024x128xf32, #tpu.memory_space<vmem>>
    tpu.wait_dma2 semaphore(%dma_wait3A_1804 : memref<!tpu.dma_semaphore, #tpu.memory_space<semaphore_mem>>) src(%dma_wait3A_1812 : memref<8x1024x128xf32, #tpu.memory_space<vmem>>) dst(%dma_wait3A_1808 : memref<8x1024x128xf32, #tpu.memory_space<any>>)
    %dma_start3A_1813 = arith.constant 4 : i32
    %dma_start3A_1814 = tpu.memref_slice %arg3[%dma_start3A_1813] : memref<8x!tpu.dma_semaphore, #tpu.memory_space<semaphore_mem>> -> memref<1x!tpu.dma_semaphore, #tpu.memory_space<semaphore_mem>>
    %dma_start3A_1815 = tpu.memref_squeeze %dma_start3A_1814 : memref<1x!tpu.dma_semaphore, #tpu.memory_space<semaphore_mem>> -> memref<!tpu.dma_semaphore, #tpu.memory_space<semaphore_mem>>
    %dma_start3A_1816 = arith.constant 416 : i32
    %dma_start3A_1817 = arith.constant 0 : i32
    %dma_start3A_1818 = arith.constant 0 : i32
    %dma_start3A_1819 = tpu.memref_slice %arg1[%dma_start3A_1816, %dma_start3A_1817, %dma_start3A_1818] : memref<1024x1024x128xf32, #tpu.memory_space<any>> -> memref<8x1024x128xf32, #tpu.memory_space<any>>
    %dma_start3A_1820 = arith.constant 0 : i32
    %dma_start3A_1821 = arith.constant 640 : i32
    %dma_start3A_1822 = arith.constant 0 : i32
    %dma_start3A_1823 = tpu.memref_slice %arg2[%dma_start3A_1820, %dma_start3A_1821, %dma_start3A_1822] : memref<8x2120x128xf32, #tpu.memory_space<vmem>> -> memref<8x1024x128xf32, #tpu.memory_space<vmem>>
    tpu.enqueue_dma source(%dma_start3A_1823 : memref<8x1024x128xf32, #tpu.memory_space<vmem>>) target(%dma_start3A_1819 : memref<8x1024x128xf32, #tpu.memory_space<any>>) target_semaphore(%dma_start3A_1815 : memref<!tpu.dma_semaphore, #tpu.memory_space<semaphore_mem>>)
    %dma_wait3A_1824 = arith.constant 5 : i32
    %dma_wait3A_1825 = tpu.memref_slice %arg3[%dma_wait3A_1824] : memref<8x!tpu.dma_semaphore, #tpu.memory_space<semaphore_mem>> -> memref<1x!tpu.dma_semaphore, #tpu.memory_space<semaphore_mem>>
    %dma_wait3A_1826 = tpu.memref_squeeze %dma_wait3A_1825 : memref<1x!tpu.dma_semaphore, #tpu.memory_space<semaphore_mem>> -> memref<!tpu.dma_semaphore, #tpu.memory_space<semaphore_mem>>
    %dma_wait3A_1827 = arith.constant 360 : i32
    %dma_wait3A_1828 = arith.constant 0 : i32
    %dma_wait3A_1829 = arith.constant 0 : i32
    %dma_wait3A_1830 = tpu.memref_slice %arg1[%dma_wait3A_1827, %dma_wait3A_1828, %dma_wait3A_1829] : memref<1024x1024x128xf32, #tpu.memory_space<any>> -> memref<8x1024x128xf32, #tpu.memory_space<any>>
    %dma_wait3A_1831 = arith.constant 0 : i32
    %dma_wait3A_1832 = arith.constant 696 : i32
    %dma_wait3A_1833 = arith.constant 0 : i32
    %dma_wait3A_1834 = tpu.memref_slice %arg2[%dma_wait3A_1831, %dma_wait3A_1832, %dma_wait3A_1833] : memref<8x2120x128xf32, #tpu.memory_space<vmem>> -> memref<8x1024x128xf32, #tpu.memory_space<vmem>>
    tpu.wait_dma2 semaphore(%dma_wait3A_1826 : memref<!tpu.dma_semaphore, #tpu.memory_space<semaphore_mem>>) src(%dma_wait3A_1834 : memref<8x1024x128xf32, #tpu.memory_space<vmem>>) dst(%dma_wait3A_1830 : memref<8x1024x128xf32, #tpu.memory_space<any>>)
    %dma_start3A_1835 = arith.constant 5 : i32
    %dma_start3A_1836 = tpu.memref_slice %arg3[%dma_start3A_1835] : memref<8x!tpu.dma_semaphore, #tpu.memory_space<semaphore_mem>> -> memref<1x!tpu.dma_semaphore, #tpu.memory_space<semaphore_mem>>
    %dma_start3A_1837 = tpu.memref_squeeze %dma_start3A_1836 : memref<1x!tpu.dma_semaphore, #tpu.memory_space<semaphore_mem>> -> memref<!tpu.dma_semaphore, #tpu.memory_space<semaphore_mem>>
    %dma_start3A_1838 = arith.constant 424 : i32
    %dma_start3A_1839 = arith.constant 0 : i32
    %dma_start3A_1840 = arith.constant 0 : i32
    %dma_start3A_1841 = tpu.memref_slice %arg1[%dma_start3A_1838, %dma_start3A_1839, %dma_start3A_1840] : memref<1024x1024x128xf32, #tpu.memory_space<any>> -> memref<8x1024x128xf32, #tpu.memory_space<any>>
    %dma_start3A_1842 = arith.constant 0 : i32
    %dma_start3A_1843 = arith.constant 632 : i32
    %dma_start3A_1844 = arith.constant 0 : i32
    %dma_start3A_1845 = tpu.memref_slice %arg2[%dma_start3A_1842, %dma_start3A_1843, %dma_start3A_1844] : memref<8x2120x128xf32, #tpu.memory_space<vmem>> -> memref<8x1024x128xf32, #tpu.memory_space<vmem>>
    tpu.enqueue_dma source(%dma_start3A_1845 : memref<8x1024x128xf32, #tpu.memory_space<vmem>>) target(%dma_start3A_1841 : memref<8x1024x128xf32, #tpu.memory_space<any>>) target_semaphore(%dma_start3A_1837 : memref<!tpu.dma_semaphore, #tpu.memory_space<semaphore_mem>>)
    %dma_wait3A_1846 = arith.constant 6 : i32
    %dma_wait3A_1847 = tpu.memref_slice %arg3[%dma_wait3A_1846] : memref<8x!tpu.dma_semaphore, #tpu.memory_space<semaphore_mem>> -> memref<1x!tpu.dma_semaphore, #tpu.memory_space<semaphore_mem>>
    %dma_wait3A_1848 = tpu.memref_squeeze %dma_wait3A_1847 : memref<1x!tpu.dma_semaphore, #tpu.memory_space<semaphore_mem>> -> memref<!tpu.dma_semaphore, #tpu.memory_space<semaphore_mem>>
    %dma_wait3A_1849 = arith.constant 368 : i32
    %dma_wait3A_1850 = arith.constant 0 : i32
    %dma_wait3A_1851 = arith.constant 0 : i32
    %dma_wait3A_1852 = tpu.memref_slice %arg1[%dma_wait3A_1849, %dma_wait3A_1850, %dma_wait3A_1851] : memref<1024x1024x128xf32, #tpu.memory_space<any>> -> memref<8x1024x128xf32, #tpu.memory_space<any>>
    %dma_wait3A_1853 = arith.constant 0 : i32
    %dma_wait3A_1854 = arith.constant 688 : i32
    %dma_wait3A_1855 = arith.constant 0 : i32
    %dma_wait3A_1856 = tpu.memref_slice %arg2[%dma_wait3A_1853, %dma_wait3A_1854, %dma_wait3A_1855] : memref<8x2120x128xf32, #tpu.memory_space<vmem>> -> memref<8x1024x128xf32, #tpu.memory_space<vmem>>
    tpu.wait_dma2 semaphore(%dma_wait3A_1848 : memref<!tpu.dma_semaphore, #tpu.memory_space<semaphore_mem>>) src(%dma_wait3A_1856 : memref<8x1024x128xf32, #tpu.memory_space<vmem>>) dst(%dma_wait3A_1852 : memref<8x1024x128xf32, #tpu.memory_space<any>>)
    %dma_start3A_1857 = arith.constant 6 : i32
    %dma_start3A_1858 = tpu.memref_slice %arg3[%dma_start3A_1857] : memref<8x!tpu.dma_semaphore, #tpu.memory_space<semaphore_mem>> -> memref<1x!tpu.dma_semaphore, #tpu.memory_space<semaphore_mem>>
    %dma_start3A_1859 = tpu.memref_squeeze %dma_start3A_1858 : memref<1x!tpu.dma_semaphore, #tpu.memory_space<semaphore_mem>> -> memref<!tpu.dma_semaphore, #tpu.memory_space<semaphore_mem>>
    %dma_start3A_1860 = arith.constant 432 : i32
    %dma_start3A_1861 = arith.constant 0 : i32
    %dma_start3A_1862 = arith.constant 0 : i32
    %dma_start3A_1863 = tpu.memref_slice %arg1[%dma_start3A_1860, %dma_start3A_1861, %dma_start3A_1862] : memref<1024x1024x128xf32, #tpu.memory_space<any>> -> memref<8x1024x128xf32, #tpu.memory_space<any>>
    %dma_start3A_1864 = arith.constant 0 : i32
    %dma_start3A_1865 = arith.constant 624 : i32
    %dma_start3A_1866 = arith.constant 0 : i32
    %dma_start3A_1867 = tpu.memref_slice %arg2[%dma_start3A_1864, %dma_start3A_1865, %dma_start3A_1866] : memref<8x2120x128xf32, #tpu.memory_space<vmem>> -> memref<8x1024x128xf32, #tpu.memory_space<vmem>>
    tpu.enqueue_dma source(%dma_start3A_1867 : memref<8x1024x128xf32, #tpu.memory_space<vmem>>) target(%dma_start3A_1863 : memref<8x1024x128xf32, #tpu.memory_space<any>>) target_semaphore(%dma_start3A_1859 : memref<!tpu.dma_semaphore, #tpu.memory_space<semaphore_mem>>)
    %dma_wait3A_1868 = arith.constant 7 : i32
    %dma_wait3A_1869 = tpu.memref_slice %arg3[%dma_wait3A_1868] : memref<8x!tpu.dma_semaphore, #tpu.memory_space<semaphore_mem>> -> memref<1x!tpu.dma_semaphore, #tpu.memory_space<semaphore_mem>>
    %dma_wait3A_1870 = tpu.memref_squeeze %dma_wait3A_1869 : memref<1x!tpu.dma_semaphore, #tpu.memory_space<semaphore_mem>> -> memref<!tpu.dma_semaphore, #tpu.memory_space<semaphore_mem>>
    %dma_wait3A_1871 = arith.constant 376 : i32
    %dma_wait3A_1872 = arith.constant 0 : i32
    %dma_wait3A_1873 = arith.constant 0 : i32
    %dma_wait3A_1874 = tpu.memref_slice %arg1[%dma_wait3A_1871, %dma_wait3A_1872, %dma_wait3A_1873] : memref<1024x1024x128xf32, #tpu.memory_space<any>> -> memref<8x1024x128xf32, #tpu.memory_space<any>>
    %dma_wait3A_1875 = arith.constant 0 : i32
    %dma_wait3A_1876 = arith.constant 680 : i32
    %dma_wait3A_1877 = arith.constant 0 : i32
    %dma_wait3A_1878 = tpu.memref_slice %arg2[%dma_wait3A_1875, %dma_wait3A_1876, %dma_wait3A_1877] : memref<8x2120x128xf32, #tpu.memory_space<vmem>> -> memref<8x1024x128xf32, #tpu.memory_space<vmem>>
    tpu.wait_dma2 semaphore(%dma_wait3A_1870 : memref<!tpu.dma_semaphore, #tpu.memory_space<semaphore_mem>>) src(%dma_wait3A_1878 : memref<8x1024x128xf32, #tpu.memory_space<vmem>>) dst(%dma_wait3A_1874 : memref<8x1024x128xf32, #tpu.memory_space<any>>)
    %dma_start3A_1879 = arith.constant 7 : i32
    %dma_start3A_1880 = tpu.memref_slice %arg3[%dma_start3A_1879] : memref<8x!tpu.dma_semaphore, #tpu.memory_space<semaphore_mem>> -> memref<1x!tpu.dma_semaphore, #tpu.memory_space<semaphore_mem>>
    %dma_start3A_1881 = tpu.memref_squeeze %dma_start3A_1880 : memref<1x!tpu.dma_semaphore, #tpu.memory_space<semaphore_mem>> -> memref<!tpu.dma_semaphore, #tpu.memory_space<semaphore_mem>>
    %dma_start3A_1882 = arith.constant 440 : i32
    %dma_start3A_1883 = arith.constant 0 : i32
    %dma_start3A_1884 = arith.constant 0 : i32
    %dma_start3A_1885 = tpu.memref_slice %arg1[%dma_start3A_1882, %dma_start3A_1883, %dma_start3A_1884] : memref<1024x1024x128xf32, #tpu.memory_space<any>> -> memref<8x1024x128xf32, #tpu.memory_space<any>>
    %dma_start3A_1886 = arith.constant 0 : i32
    %dma_start3A_1887 = arith.constant 616 : i32
    %dma_start3A_1888 = arith.constant 0 : i32
    %dma_start3A_1889 = tpu.memref_slice %arg2[%dma_start3A_1886, %dma_start3A_1887, %dma_start3A_1888] : memref<8x2120x128xf32, #tpu.memory_space<vmem>> -> memref<8x1024x128xf32, #tpu.memory_space<vmem>>
    tpu.enqueue_dma source(%dma_start3A_1889 : memref<8x1024x128xf32, #tpu.memory_space<vmem>>) target(%dma_start3A_1885 : memref<8x1024x128xf32, #tpu.memory_space<any>>) target_semaphore(%dma_start3A_1881 : memref<!tpu.dma_semaphore, #tpu.memory_space<semaphore_mem>>)
    %dma_wait3A_1890 = arith.constant 0 : i32
    %dma_wait3A_1891 = tpu.memref_slice %arg3[%dma_wait3A_1890] : memref<8x!tpu.dma_semaphore, #tpu.memory_space<semaphore_mem>> -> memref<1x!tpu.dma_semaphore, #tpu.memory_space<semaphore_mem>>
    %dma_wait3A_1892 = tpu.memref_squeeze %dma_wait3A_1891 : memref<1x!tpu.dma_semaphore, #tpu.memory_space<semaphore_mem>> -> memref<!tpu.dma_semaphore, #tpu.memory_space<semaphore_mem>>
    %dma_wait3A_1893 = arith.constant 384 : i32
    %dma_wait3A_1894 = arith.constant 0 : i32
    %dma_wait3A_1895 = arith.constant 0 : i32
    %dma_wait3A_1896 = tpu.memref_slice %arg1[%dma_wait3A_1893, %dma_wait3A_1894, %dma_wait3A_1895] : memref<1024x1024x128xf32, #tpu.memory_space<any>> -> memref<8x1024x128xf32, #tpu.memory_space<any>>
    %dma_wait3A_1897 = arith.constant 0 : i32
    %dma_wait3A_1898 = arith.constant 672 : i32
    %dma_wait3A_1899 = arith.constant 0 : i32
    %dma_wait3A_1900 = tpu.memref_slice %arg2[%dma_wait3A_1897, %dma_wait3A_1898, %dma_wait3A_1899] : memref<8x2120x128xf32, #tpu.memory_space<vmem>> -> memref<8x1024x128xf32, #tpu.memory_space<vmem>>
    tpu.wait_dma2 semaphore(%dma_wait3A_1892 : memref<!tpu.dma_semaphore, #tpu.memory_space<semaphore_mem>>) src(%dma_wait3A_1900 : memref<8x1024x128xf32, #tpu.memory_space<vmem>>) dst(%dma_wait3A_1896 : memref<8x1024x128xf32, #tpu.memory_space<any>>)
    %dma_start3A_1901 = arith.constant 0 : i32
    %dma_start3A_1902 = tpu.memref_slice %arg3[%dma_start3A_1901] : memref<8x!tpu.dma_semaphore, #tpu.memory_space<semaphore_mem>> -> memref<1x!tpu.dma_semaphore, #tpu.memory_space<semaphore_mem>>
    %dma_start3A_1903 = tpu.memref_squeeze %dma_start3A_1902 : memref<1x!tpu.dma_semaphore, #tpu.memory_space<semaphore_mem>> -> memref<!tpu.dma_semaphore, #tpu.memory_space<semaphore_mem>>
    %dma_start3A_1904 = arith.constant 448 : i32
    %dma_start3A_1905 = arith.constant 0 : i32
    %dma_start3A_1906 = arith.constant 0 : i32
    %dma_start3A_1907 = tpu.memref_slice %arg1[%dma_start3A_1904, %dma_start3A_1905, %dma_start3A_1906] : memref<1024x1024x128xf32, #tpu.memory_space<any>> -> memref<8x1024x128xf32, #tpu.memory_space<any>>
    %dma_start3A_1908 = arith.constant 0 : i32
    %dma_start3A_1909 = arith.constant 608 : i32
    %dma_start3A_1910 = arith.constant 0 : i32
    %dma_start3A_1911 = tpu.memref_slice %arg2[%dma_start3A_1908, %dma_start3A_1909, %dma_start3A_1910] : memref<8x2120x128xf32, #tpu.memory_space<vmem>> -> memref<8x1024x128xf32, #tpu.memory_space<vmem>>
    tpu.enqueue_dma source(%dma_start3A_1911 : memref<8x1024x128xf32, #tpu.memory_space<vmem>>) target(%dma_start3A_1907 : memref<8x1024x128xf32, #tpu.memory_space<any>>) target_semaphore(%dma_start3A_1903 : memref<!tpu.dma_semaphore, #tpu.memory_space<semaphore_mem>>)
    %dma_wait3A_1912 = arith.constant 1 : i32
    %dma_wait3A_1913 = tpu.memref_slice %arg3[%dma_wait3A_1912] : memref<8x!tpu.dma_semaphore, #tpu.memory_space<semaphore_mem>> -> memref<1x!tpu.dma_semaphore, #tpu.memory_space<semaphore_mem>>
    %dma_wait3A_1914 = tpu.memref_squeeze %dma_wait3A_1913 : memref<1x!tpu.dma_semaphore, #tpu.memory_space<semaphore_mem>> -> memref<!tpu.dma_semaphore, #tpu.memory_space<semaphore_mem>>
    %dma_wait3A_1915 = arith.constant 392 : i32
    %dma_wait3A_1916 = arith.constant 0 : i32
    %dma_wait3A_1917 = arith.constant 0 : i32
    %dma_wait3A_1918 = tpu.memref_slice %arg1[%dma_wait3A_1915, %dma_wait3A_1916, %dma_wait3A_1917] : memref<1024x1024x128xf32, #tpu.memory_space<any>> -> memref<8x1024x128xf32, #tpu.memory_space<any>>
    %dma_wait3A_1919 = arith.constant 0 : i32
    %dma_wait3A_1920 = arith.constant 664 : i32
    %dma_wait3A_1921 = arith.constant 0 : i32
    %dma_wait3A_1922 = tpu.memref_slice %arg2[%dma_wait3A_1919, %dma_wait3A_1920, %dma_wait3A_1921] : memref<8x2120x128xf32, #tpu.memory_space<vmem>> -> memref<8x1024x128xf32, #tpu.memory_space<vmem>>
    tpu.wait_dma2 semaphore(%dma_wait3A_1914 : memref<!tpu.dma_semaphore, #tpu.memory_space<semaphore_mem>>) src(%dma_wait3A_1922 : memref<8x1024x128xf32, #tpu.memory_space<vmem>>) dst(%dma_wait3A_1918 : memref<8x1024x128xf32, #tpu.memory_space<any>>)
    %dma_start3A_1923 = arith.constant 1 : i32
    %dma_start3A_1924 = tpu.memref_slice %arg3[%dma_start3A_1923] : memref<8x!tpu.dma_semaphore, #tpu.memory_space<semaphore_mem>> -> memref<1x!tpu.dma_semaphore, #tpu.memory_space<semaphore_mem>>
    %dma_start3A_1925 = tpu.memref_squeeze %dma_start3A_1924 : memref<1x!tpu.dma_semaphore, #tpu.memory_space<semaphore_mem>> -> memref<!tpu.dma_semaphore, #tpu.memory_space<semaphore_mem>>
    %dma_start3A_1926 = arith.constant 456 : i32
    %dma_start3A_1927 = arith.constant 0 : i32
    %dma_start3A_1928 = arith.constant 0 : i32
    %dma_start3A_1929 = tpu.memref_slice %arg1[%dma_start3A_1926, %dma_start3A_1927, %dma_start3A_1928] : memref<1024x1024x128xf32, #tpu.memory_space<any>> -> memref<8x1024x128xf32, #tpu.memory_space<any>>
    %dma_start3A_1930 = arith.constant 0 : i32
    %dma_start3A_1931 = arith.constant 600 : i32
    %dma_start3A_1932 = arith.constant 0 : i32
    %dma_start3A_1933 = tpu.memref_slice %arg2[%dma_start3A_1930, %dma_start3A_1931, %dma_start3A_1932] : memref<8x2120x128xf32, #tpu.memory_space<vmem>> -> memref<8x1024x128xf32, #tpu.memory_space<vmem>>
    tpu.enqueue_dma source(%dma_start3A_1933 : memref<8x1024x128xf32, #tpu.memory_space<vmem>>) target(%dma_start3A_1929 : memref<8x1024x128xf32, #tpu.memory_space<any>>) target_semaphore(%dma_start3A_1925 : memref<!tpu.dma_semaphore, #tpu.memory_space<semaphore_mem>>)
    %dma_wait3A_1934 = arith.constant 2 : i32
    %dma_wait3A_1935 = tpu.memref_slice %arg3[%dma_wait3A_1934] : memref<8x!tpu.dma_semaphore, #tpu.memory_space<semaphore_mem>> -> memref<1x!tpu.dma_semaphore, #tpu.memory_space<semaphore_mem>>
    %dma_wait3A_1936 = tpu.memref_squeeze %dma_wait3A_1935 : memref<1x!tpu.dma_semaphore, #tpu.memory_space<semaphore_mem>> -> memref<!tpu.dma_semaphore, #tpu.memory_space<semaphore_mem>>
    %dma_wait3A_1937 = arith.constant 400 : i32
    %dma_wait3A_1938 = arith.constant 0 : i32
    %dma_wait3A_1939 = arith.constant 0 : i32
    %dma_wait3A_1940 = tpu.memref_slice %arg1[%dma_wait3A_1937, %dma_wait3A_1938, %dma_wait3A_1939] : memref<1024x1024x128xf32, #tpu.memory_space<any>> -> memref<8x1024x128xf32, #tpu.memory_space<any>>
    %dma_wait3A_1941 = arith.constant 0 : i32
    %dma_wait3A_1942 = arith.constant 656 : i32
    %dma_wait3A_1943 = arith.constant 0 : i32
    %dma_wait3A_1944 = tpu.memref_slice %arg2[%dma_wait3A_1941, %dma_wait3A_1942, %dma_wait3A_1943] : memref<8x2120x128xf32, #tpu.memory_space<vmem>> -> memref<8x1024x128xf32, #tpu.memory_space<vmem>>
    tpu.wait_dma2 semaphore(%dma_wait3A_1936 : memref<!tpu.dma_semaphore, #tpu.memory_space<semaphore_mem>>) src(%dma_wait3A_1944 : memref<8x1024x128xf32, #tpu.memory_space<vmem>>) dst(%dma_wait3A_1940 : memref<8x1024x128xf32, #tpu.memory_space<any>>)
    %dma_start3A_1945 = arith.constant 2 : i32
    %dma_start3A_1946 = tpu.memref_slice %arg3[%dma_start3A_1945] : memref<8x!tpu.dma_semaphore, #tpu.memory_space<semaphore_mem>> -> memref<1x!tpu.dma_semaphore, #tpu.memory_space<semaphore_mem>>
    %dma_start3A_1947 = tpu.memref_squeeze %dma_start3A_1946 : memref<1x!tpu.dma_semaphore, #tpu.memory_space<semaphore_mem>> -> memref<!tpu.dma_semaphore, #tpu.memory_space<semaphore_mem>>
    %dma_start3A_1948 = arith.constant 464 : i32
    %dma_start3A_1949 = arith.constant 0 : i32
    %dma_start3A_1950 = arith.constant 0 : i32
    %dma_start3A_1951 = tpu.memref_slice %arg1[%dma_start3A_1948, %dma_start3A_1949, %dma_start3A_1950] : memref<1024x1024x128xf32, #tpu.memory_space<any>> -> memref<8x1024x128xf32, #tpu.memory_space<any>>
    %dma_start3A_1952 = arith.constant 0 : i32
    %dma_start3A_1953 = arith.constant 592 : i32
    %dma_start3A_1954 = arith.constant 0 : i32
    %dma_start3A_1955 = tpu.memref_slice %arg2[%dma_start3A_1952, %dma_start3A_1953, %dma_start3A_1954] : memref<8x2120x128xf32, #tpu.memory_space<vmem>> -> memref<8x1024x128xf32, #tpu.memory_space<vmem>>
    tpu.enqueue_dma source(%dma_start3A_1955 : memref<8x1024x128xf32, #tpu.memory_space<vmem>>) target(%dma_start3A_1951 : memref<8x1024x128xf32, #tpu.memory_space<any>>) target_semaphore(%dma_start3A_1947 : memref<!tpu.dma_semaphore, #tpu.memory_space<semaphore_mem>>)
    %dma_wait3A_1956 = arith.constant 3 : i32
    %dma_wait3A_1957 = tpu.memref_slice %arg3[%dma_wait3A_1956] : memref<8x!tpu.dma_semaphore, #tpu.memory_space<semaphore_mem>> -> memref<1x!tpu.dma_semaphore, #tpu.memory_space<semaphore_mem>>
    %dma_wait3A_1958 = tpu.memref_squeeze %dma_wait3A_1957 : memref<1x!tpu.dma_semaphore, #tpu.memory_space<semaphore_mem>> -> memref<!tpu.dma_semaphore, #tpu.memory_space<semaphore_mem>>
    %dma_wait3A_1959 = arith.constant 408 : i32
    %dma_wait3A_1960 = arith.constant 0 : i32
    %dma_wait3A_1961 = arith.constant 0 : i32
    %dma_wait3A_1962 = tpu.memref_slice %arg1[%dma_wait3A_1959, %dma_wait3A_1960, %dma_wait3A_1961] : memref<1024x1024x128xf32, #tpu.memory_space<any>> -> memref<8x1024x128xf32, #tpu.memory_space<any>>
    %dma_wait3A_1963 = arith.constant 0 : i32
    %dma_wait3A_1964 = arith.constant 648 : i32
    %dma_wait3A_1965 = arith.constant 0 : i32
    %dma_wait3A_1966 = tpu.memref_slice %arg2[%dma_wait3A_1963, %dma_wait3A_1964, %dma_wait3A_1965] : memref<8x2120x128xf32, #tpu.memory_space<vmem>> -> memref<8x1024x128xf32, #tpu.memory_space<vmem>>
    tpu.wait_dma2 semaphore(%dma_wait3A_1958 : memref<!tpu.dma_semaphore, #tpu.memory_space<semaphore_mem>>) src(%dma_wait3A_1966 : memref<8x1024x128xf32, #tpu.memory_space<vmem>>) dst(%dma_wait3A_1962 : memref<8x1024x128xf32, #tpu.memory_space<any>>)
    %dma_start3A_1967 = arith.constant 3 : i32
    %dma_start3A_1968 = tpu.memref_slice %arg3[%dma_start3A_1967] : memref<8x!tpu.dma_semaphore, #tpu.memory_space<semaphore_mem>> -> memref<1x!tpu.dma_semaphore, #tpu.memory_space<semaphore_mem>>
    %dma_start3A_1969 = tpu.memref_squeeze %dma_start3A_1968 : memref<1x!tpu.dma_semaphore, #tpu.memory_space<semaphore_mem>> -> memref<!tpu.dma_semaphore, #tpu.memory_space<semaphore_mem>>
    %dma_start3A_1970 = arith.constant 472 : i32
    %dma_start3A_1971 = arith.constant 0 : i32
    %dma_start3A_1972 = arith.constant 0 : i32
    %dma_start3A_1973 = tpu.memref_slice %arg1[%dma_start3A_1970, %dma_start3A_1971, %dma_start3A_1972] : memref<1024x1024x128xf32, #tpu.memory_space<any>> -> memref<8x1024x128xf32, #tpu.memory_space<any>>
    %dma_start3A_1974 = arith.constant 0 : i32
    %dma_start3A_1975 = arith.constant 584 : i32
    %dma_start3A_1976 = arith.constant 0 : i32
    %dma_start3A_1977 = tpu.memref_slice %arg2[%dma_start3A_1974, %dma_start3A_1975, %dma_start3A_1976] : memref<8x2120x128xf32, #tpu.memory_space<vmem>> -> memref<8x1024x128xf32, #tpu.memory_space<vmem>>
    tpu.enqueue_dma source(%dma_start3A_1977 : memref<8x1024x128xf32, #tpu.memory_space<vmem>>) target(%dma_start3A_1973 : memref<8x1024x128xf32, #tpu.memory_space<any>>) target_semaphore(%dma_start3A_1969 : memref<!tpu.dma_semaphore, #tpu.memory_space<semaphore_mem>>)
    %dma_wait3A_1978 = arith.constant 4 : i32
    %dma_wait3A_1979 = tpu.memref_slice %arg3[%dma_wait3A_1978] : memref<8x!tpu.dma_semaphore, #tpu.memory_space<semaphore_mem>> -> memref<1x!tpu.dma_semaphore, #tpu.memory_space<semaphore_mem>>
    %dma_wait3A_1980 = tpu.memref_squeeze %dma_wait3A_1979 : memref<1x!tpu.dma_semaphore, #tpu.memory_space<semaphore_mem>> -> memref<!tpu.dma_semaphore, #tpu.memory_space<semaphore_mem>>
    %dma_wait3A_1981 = arith.constant 416 : i32
    %dma_wait3A_1982 = arith.constant 0 : i32
    %dma_wait3A_1983 = arith.constant 0 : i32
    %dma_wait3A_1984 = tpu.memref_slice %arg1[%dma_wait3A_1981, %dma_wait3A_1982, %dma_wait3A_1983] : memref<1024x1024x128xf32, #tpu.memory_space<any>> -> memref<8x1024x128xf32, #tpu.memory_space<any>>
    %dma_wait3A_1985 = arith.constant 0 : i32
    %dma_wait3A_1986 = arith.constant 640 : i32
    %dma_wait3A_1987 = arith.constant 0 : i32
    %dma_wait3A_1988 = tpu.memref_slice %arg2[%dma_wait3A_1985, %dma_wait3A_1986, %dma_wait3A_1987] : memref<8x2120x128xf32, #tpu.memory_space<vmem>> -> memref<8x1024x128xf32, #tpu.memory_space<vmem>>
    tpu.wait_dma2 semaphore(%dma_wait3A_1980 : memref<!tpu.dma_semaphore, #tpu.memory_space<semaphore_mem>>) src(%dma_wait3A_1988 : memref<8x1024x128xf32, #tpu.memory_space<vmem>>) dst(%dma_wait3A_1984 : memref<8x1024x128xf32, #tpu.memory_space<any>>)
    %dma_start3A_1989 = arith.constant 4 : i32
    %dma_start3A_1990 = tpu.memref_slice %arg3[%dma_start3A_1989] : memref<8x!tpu.dma_semaphore, #tpu.memory_space<semaphore_mem>> -> memref<1x!tpu.dma_semaphore, #tpu.memory_space<semaphore_mem>>
    %dma_start3A_1991 = tpu.memref_squeeze %dma_start3A_1990 : memref<1x!tpu.dma_semaphore, #tpu.memory_space<semaphore_mem>> -> memref<!tpu.dma_semaphore, #tpu.memory_space<semaphore_mem>>
    %dma_start3A_1992 = arith.constant 480 : i32
    %dma_start3A_1993 = arith.constant 0 : i32
    %dma_start3A_1994 = arith.constant 0 : i32
    %dma_start3A_1995 = tpu.memref_slice %arg1[%dma_start3A_1992, %dma_start3A_1993, %dma_start3A_1994] : memref<1024x1024x128xf32, #tpu.memory_space<any>> -> memref<8x1024x128xf32, #tpu.memory_space<any>>
    %dma_start3A_1996 = arith.constant 0 : i32
    %dma_start3A_1997 = arith.constant 576 : i32
    %dma_start3A_1998 = arith.constant 0 : i32
    %dma_start3A_1999 = tpu.memref_slice %arg2[%dma_start3A_1996, %dma_start3A_1997, %dma_start3A_1998] : memref<8x2120x128xf32, #tpu.memory_space<vmem>> -> memref<8x1024x128xf32, #tpu.memory_space<vmem>>
    tpu.enqueue_dma source(%dma_start3A_1999 : memref<8x1024x128xf32, #tpu.memory_space<vmem>>) target(%dma_start3A_1995 : memref<8x1024x128xf32, #tpu.memory_space<any>>) target_semaphore(%dma_start3A_1991 : memref<!tpu.dma_semaphore, #tpu.memory_space<semaphore_mem>>)
    %dma_wait3A_2000 = arith.constant 5 : i32
    %dma_wait3A_2001 = tpu.memref_slice %arg3[%dma_wait3A_2000] : memref<8x!tpu.dma_semaphore, #tpu.memory_space<semaphore_mem>> -> memref<1x!tpu.dma_semaphore, #tpu.memory_space<semaphore_mem>>
    %dma_wait3A_2002 = tpu.memref_squeeze %dma_wait3A_2001 : memref<1x!tpu.dma_semaphore, #tpu.memory_space<semaphore_mem>> -> memref<!tpu.dma_semaphore, #tpu.memory_space<semaphore_mem>>
    %dma_wait3A_2003 = arith.constant 424 : i32
    %dma_wait3A_2004 = arith.constant 0 : i32
    %dma_wait3A_2005 = arith.constant 0 : i32
    %dma_wait3A_2006 = tpu.memref_slice %arg1[%dma_wait3A_2003, %dma_wait3A_2004, %dma_wait3A_2005] : memref<1024x1024x128xf32, #tpu.memory_space<any>> -> memref<8x1024x128xf32, #tpu.memory_space<any>>
    %dma_wait3A_2007 = arith.constant 0 : i32
    %dma_wait3A_2008 = arith.constant 632 : i32
    %dma_wait3A_2009 = arith.constant 0 : i32
    %dma_wait3A_2010 = tpu.memref_slice %arg2[%dma_wait3A_2007, %dma_wait3A_2008, %dma_wait3A_2009] : memref<8x2120x128xf32, #tpu.memory_space<vmem>> -> memref<8x1024x128xf32, #tpu.memory_space<vmem>>
    tpu.wait_dma2 semaphore(%dma_wait3A_2002 : memref<!tpu.dma_semaphore, #tpu.memory_space<semaphore_mem>>) src(%dma_wait3A_2010 : memref<8x1024x128xf32, #tpu.memory_space<vmem>>) dst(%dma_wait3A_2006 : memref<8x1024x128xf32, #tpu.memory_space<any>>)
    %dma_start3A_2011 = arith.constant 5 : i32
    %dma_start3A_2012 = tpu.memref_slice %arg3[%dma_start3A_2011] : memref<8x!tpu.dma_semaphore, #tpu.memory_space<semaphore_mem>> -> memref<1x!tpu.dma_semaphore, #tpu.memory_space<semaphore_mem>>
    %dma_start3A_2013 = tpu.memref_squeeze %dma_start3A_2012 : memref<1x!tpu.dma_semaphore, #tpu.memory_space<semaphore_mem>> -> memref<!tpu.dma_semaphore, #tpu.memory_space<semaphore_mem>>
    %dma_start3A_2014 = arith.constant 488 : i32
    %dma_start3A_2015 = arith.constant 0 : i32
    %dma_start3A_2016 = arith.constant 0 : i32
    %dma_start3A_2017 = tpu.memref_slice %arg1[%dma_start3A_2014, %dma_start3A_2015, %dma_start3A_2016] : memref<1024x1024x128xf32, #tpu.memory_space<any>> -> memref<8x1024x128xf32, #tpu.memory_space<any>>
    %dma_start3A_2018 = arith.constant 0 : i32
    %dma_start3A_2019 = arith.constant 568 : i32
    %dma_start3A_2020 = arith.constant 0 : i32
    %dma_start3A_2021 = tpu.memref_slice %arg2[%dma_start3A_2018, %dma_start3A_2019, %dma_start3A_2020] : memref<8x2120x128xf32, #tpu.memory_space<vmem>> -> memref<8x1024x128xf32, #tpu.memory_space<vmem>>
    tpu.enqueue_dma source(%dma_start3A_2021 : memref<8x1024x128xf32, #tpu.memory_space<vmem>>) target(%dma_start3A_2017 : memref<8x1024x128xf32, #tpu.memory_space<any>>) target_semaphore(%dma_start3A_2013 : memref<!tpu.dma_semaphore, #tpu.memory_space<semaphore_mem>>)
    %dma_wait3A_2022 = arith.constant 6 : i32
    %dma_wait3A_2023 = tpu.memref_slice %arg3[%dma_wait3A_2022] : memref<8x!tpu.dma_semaphore, #tpu.memory_space<semaphore_mem>> -> memref<1x!tpu.dma_semaphore, #tpu.memory_space<semaphore_mem>>
    %dma_wait3A_2024 = tpu.memref_squeeze %dma_wait3A_2023 : memref<1x!tpu.dma_semaphore, #tpu.memory_space<semaphore_mem>> -> memref<!tpu.dma_semaphore, #tpu.memory_space<semaphore_mem>>
    %dma_wait3A_2025 = arith.constant 432 : i32
    %dma_wait3A_2026 = arith.constant 0 : i32
    %dma_wait3A_2027 = arith.constant 0 : i32
    %dma_wait3A_2028 = tpu.memref_slice %arg1[%dma_wait3A_2025, %dma_wait3A_2026, %dma_wait3A_2027] : memref<1024x1024x128xf32, #tpu.memory_space<any>> -> memref<8x1024x128xf32, #tpu.memory_space<any>>
    %dma_wait3A_2029 = arith.constant 0 : i32
    %dma_wait3A_2030 = arith.constant 624 : i32
    %dma_wait3A_2031 = arith.constant 0 : i32
    %dma_wait3A_2032 = tpu.memref_slice %arg2[%dma_wait3A_2029, %dma_wait3A_2030, %dma_wait3A_2031] : memref<8x2120x128xf32, #tpu.memory_space<vmem>> -> memref<8x1024x128xf32, #tpu.memory_space<vmem>>
    tpu.wait_dma2 semaphore(%dma_wait3A_2024 : memref<!tpu.dma_semaphore, #tpu.memory_space<semaphore_mem>>) src(%dma_wait3A_2032 : memref<8x1024x128xf32, #tpu.memory_space<vmem>>) dst(%dma_wait3A_2028 : memref<8x1024x128xf32, #tpu.memory_space<any>>)
    %dma_start3A_2033 = arith.constant 6 : i32
    %dma_start3A_2034 = tpu.memref_slice %arg3[%dma_start3A_2033] : memref<8x!tpu.dma_semaphore, #tpu.memory_space<semaphore_mem>> -> memref<1x!tpu.dma_semaphore, #tpu.memory_space<semaphore_mem>>
    %dma_start3A_2035 = tpu.memref_squeeze %dma_start3A_2034 : memref<1x!tpu.dma_semaphore, #tpu.memory_space<semaphore_mem>> -> memref<!tpu.dma_semaphore, #tpu.memory_space<semaphore_mem>>
    %dma_start3A_2036 = arith.constant 496 : i32
    %dma_start3A_2037 = arith.constant 0 : i32
    %dma_start3A_2038 = arith.constant 0 : i32
    %dma_start3A_2039 = tpu.memref_slice %arg1[%dma_start3A_2036, %dma_start3A_2037, %dma_start3A_2038] : memref<1024x1024x128xf32, #tpu.memory_space<any>> -> memref<8x1024x128xf32, #tpu.memory_space<any>>
    %dma_start3A_2040 = arith.constant 0 : i32
    %dma_start3A_2041 = arith.constant 560 : i32
    %dma_start3A_2042 = arith.constant 0 : i32
    %dma_start3A_2043 = tpu.memref_slice %arg2[%dma_start3A_2040, %dma_start3A_2041, %dma_start3A_2042] : memref<8x2120x128xf32, #tpu.memory_space<vmem>> -> memref<8x1024x128xf32, #tpu.memory_space<vmem>>
    tpu.enqueue_dma source(%dma_start3A_2043 : memref<8x1024x128xf32, #tpu.memory_space<vmem>>) target(%dma_start3A_2039 : memref<8x1024x128xf32, #tpu.memory_space<any>>) target_semaphore(%dma_start3A_2035 : memref<!tpu.dma_semaphore, #tpu.memory_space<semaphore_mem>>)
    %dma_wait3A_2044 = arith.constant 7 : i32
    %dma_wait3A_2045 = tpu.memref_slice %arg3[%dma_wait3A_2044] : memref<8x!tpu.dma_semaphore, #tpu.memory_space<semaphore_mem>> -> memref<1x!tpu.dma_semaphore, #tpu.memory_space<semaphore_mem>>
    %dma_wait3A_2046 = tpu.memref_squeeze %dma_wait3A_2045 : memref<1x!tpu.dma_semaphore, #tpu.memory_space<semaphore_mem>> -> memref<!tpu.dma_semaphore, #tpu.memory_space<semaphore_mem>>
    %dma_wait3A_2047 = arith.constant 440 : i32
    %dma_wait3A_2048 = arith.constant 0 : i32
    %dma_wait3A_2049 = arith.constant 0 : i32
    %dma_wait3A_2050 = tpu.memref_slice %arg1[%dma_wait3A_2047, %dma_wait3A_2048, %dma_wait3A_2049] : memref<1024x1024x128xf32, #tpu.memory_space<any>> -> memref<8x1024x128xf32, #tpu.memory_space<any>>
    %dma_wait3A_2051 = arith.constant 0 : i32
    %dma_wait3A_2052 = arith.constant 616 : i32
    %dma_wait3A_2053 = arith.constant 0 : i32
    %dma_wait3A_2054 = tpu.memref_slice %arg2[%dma_wait3A_2051, %dma_wait3A_2052, %dma_wait3A_2053] : memref<8x2120x128xf32, #tpu.memory_space<vmem>> -> memref<8x1024x128xf32, #tpu.memory_space<vmem>>
    tpu.wait_dma2 semaphore(%dma_wait3A_2046 : memref<!tpu.dma_semaphore, #tpu.memory_space<semaphore_mem>>) src(%dma_wait3A_2054 : memref<8x1024x128xf32, #tpu.memory_space<vmem>>) dst(%dma_wait3A_2050 : memref<8x1024x128xf32, #tpu.memory_space<any>>)
    %dma_start3A_2055 = arith.constant 7 : i32
    %dma_start3A_2056 = tpu.memref_slice %arg3[%dma_start3A_2055] : memref<8x!tpu.dma_semaphore, #tpu.memory_space<semaphore_mem>> -> memref<1x!tpu.dma_semaphore, #tpu.memory_space<semaphore_mem>>
    %dma_start3A_2057 = tpu.memref_squeeze %dma_start3A_2056 : memref<1x!tpu.dma_semaphore, #tpu.memory_space<semaphore_mem>> -> memref<!tpu.dma_semaphore, #tpu.memory_space<semaphore_mem>>
    %dma_start3A_2058 = arith.constant 504 : i32
    %dma_start3A_2059 = arith.constant 0 : i32
    %dma_start3A_2060 = arith.constant 0 : i32
    %dma_start3A_2061 = tpu.memref_slice %arg1[%dma_start3A_2058, %dma_start3A_2059, %dma_start3A_2060] : memref<1024x1024x128xf32, #tpu.memory_space<any>> -> memref<8x1024x128xf32, #tpu.memory_space<any>>
    %dma_start3A_2062 = arith.constant 0 : i32
    %dma_start3A_2063 = arith.constant 552 : i32
    %dma_start3A_2064 = arith.constant 0 : i32
    %dma_start3A_2065 = tpu.memref_slice %arg2[%dma_start3A_2062, %dma_start3A_2063, %dma_start3A_2064] : memref<8x2120x128xf32, #tpu.memory_space<vmem>> -> memref<8x1024x128xf32, #tpu.memory_space<vmem>>
    tpu.enqueue_dma source(%dma_start3A_2065 : memref<8x1024x128xf32, #tpu.memory_space<vmem>>) target(%dma_start3A_2061 : memref<8x1024x128xf32, #tpu.memory_space<any>>) target_semaphore(%dma_start3A_2057 : memref<!tpu.dma_semaphore, #tpu.memory_space<semaphore_mem>>)
    %dma_wait3A_2066 = arith.constant 0 : i32
    %dma_wait3A_2067 = tpu.memref_slice %arg3[%dma_wait3A_2066] : memref<8x!tpu.dma_semaphore, #tpu.memory_space<semaphore_mem>> -> memref<1x!tpu.dma_semaphore, #tpu.memory_space<semaphore_mem>>
    %dma_wait3A_2068 = tpu.memref_squeeze %dma_wait3A_2067 : memref<1x!tpu.dma_semaphore, #tpu.memory_space<semaphore_mem>> -> memref<!tpu.dma_semaphore, #tpu.memory_space<semaphore_mem>>
    %dma_wait3A_2069 = arith.constant 448 : i32
    %dma_wait3A_2070 = arith.constant 0 : i32
    %dma_wait3A_2071 = arith.constant 0 : i32
    %dma_wait3A_2072 = tpu.memref_slice %arg1[%dma_wait3A_2069, %dma_wait3A_2070, %dma_wait3A_2071] : memref<1024x1024x128xf32, #tpu.memory_space<any>> -> memref<8x1024x128xf32, #tpu.memory_space<any>>
    %dma_wait3A_2073 = arith.constant 0 : i32
    %dma_wait3A_2074 = arith.constant 608 : i32
    %dma_wait3A_2075 = arith.constant 0 : i32
    %dma_wait3A_2076 = tpu.memref_slice %arg2[%dma_wait3A_2073, %dma_wait3A_2074, %dma_wait3A_2075] : memref<8x2120x128xf32, #tpu.memory_space<vmem>> -> memref<8x1024x128xf32, #tpu.memory_space<vmem>>
    tpu.wait_dma2 semaphore(%dma_wait3A_2068 : memref<!tpu.dma_semaphore, #tpu.memory_space<semaphore_mem>>) src(%dma_wait3A_2076 : memref<8x1024x128xf32, #tpu.memory_space<vmem>>) dst(%dma_wait3A_2072 : memref<8x1024x128xf32, #tpu.memory_space<any>>)
    %dma_start3A_2077 = arith.constant 0 : i32
    %dma_start3A_2078 = tpu.memref_slice %arg3[%dma_start3A_2077] : memref<8x!tpu.dma_semaphore, #tpu.memory_space<semaphore_mem>> -> memref<1x!tpu.dma_semaphore, #tpu.memory_space<semaphore_mem>>
    %dma_start3A_2079 = tpu.memref_squeeze %dma_start3A_2078 : memref<1x!tpu.dma_semaphore, #tpu.memory_space<semaphore_mem>> -> memref<!tpu.dma_semaphore, #tpu.memory_space<semaphore_mem>>
    %dma_start3A_2080 = arith.constant 512 : i32
    %dma_start3A_2081 = arith.constant 0 : i32
    %dma_start3A_2082 = arith.constant 0 : i32
    %dma_start3A_2083 = tpu.memref_slice %arg1[%dma_start3A_2080, %dma_start3A_2081, %dma_start3A_2082] : memref<1024x1024x128xf32, #tpu.memory_space<any>> -> memref<8x1024x128xf32, #tpu.memory_space<any>>
    %dma_start3A_2084 = arith.constant 0 : i32
    %dma_start3A_2085 = arith.constant 544 : i32
    %dma_start3A_2086 = arith.constant 0 : i32
    %dma_start3A_2087 = tpu.memref_slice %arg2[%dma_start3A_2084, %dma_start3A_2085, %dma_start3A_2086] : memref<8x2120x128xf32, #tpu.memory_space<vmem>> -> memref<8x1024x128xf32, #tpu.memory_space<vmem>>
    tpu.enqueue_dma source(%dma_start3A_2087 : memref<8x1024x128xf32, #tpu.memory_space<vmem>>) target(%dma_start3A_2083 : memref<8x1024x128xf32, #tpu.memory_space<any>>) target_semaphore(%dma_start3A_2079 : memref<!tpu.dma_semaphore, #tpu.memory_space<semaphore_mem>>)
    %dma_wait3A_2088 = arith.constant 1 : i32
    %dma_wait3A_2089 = tpu.memref_slice %arg3[%dma_wait3A_2088] : memref<8x!tpu.dma_semaphore, #tpu.memory_space<semaphore_mem>> -> memref<1x!tpu.dma_semaphore, #tpu.memory_space<semaphore_mem>>
    %dma_wait3A_2090 = tpu.memref_squeeze %dma_wait3A_2089 : memref<1x!tpu.dma_semaphore, #tpu.memory_space<semaphore_mem>> -> memref<!tpu.dma_semaphore, #tpu.memory_space<semaphore_mem>>
    %dma_wait3A_2091 = arith.constant 456 : i32
    %dma_wait3A_2092 = arith.constant 0 : i32
    %dma_wait3A_2093 = arith.constant 0 : i32
    %dma_wait3A_2094 = tpu.memref_slice %arg1[%dma_wait3A_2091, %dma_wait3A_2092, %dma_wait3A_2093] : memref<1024x1024x128xf32, #tpu.memory_space<any>> -> memref<8x1024x128xf32, #tpu.memory_space<any>>
    %dma_wait3A_2095 = arith.constant 0 : i32
    %dma_wait3A_2096 = arith.constant 600 : i32
    %dma_wait3A_2097 = arith.constant 0 : i32
    %dma_wait3A_2098 = tpu.memref_slice %arg2[%dma_wait3A_2095, %dma_wait3A_2096, %dma_wait3A_2097] : memref<8x2120x128xf32, #tpu.memory_space<vmem>> -> memref<8x1024x128xf32, #tpu.memory_space<vmem>>
    tpu.wait_dma2 semaphore(%dma_wait3A_2090 : memref<!tpu.dma_semaphore, #tpu.memory_space<semaphore_mem>>) src(%dma_wait3A_2098 : memref<8x1024x128xf32, #tpu.memory_space<vmem>>) dst(%dma_wait3A_2094 : memref<8x1024x128xf32, #tpu.memory_space<any>>)
    %dma_start3A_2099 = arith.constant 1 : i32
    %dma_start3A_2100 = tpu.memref_slice %arg3[%dma_start3A_2099] : memref<8x!tpu.dma_semaphore, #tpu.memory_space<semaphore_mem>> -> memref<1x!tpu.dma_semaphore, #tpu.memory_space<semaphore_mem>>
    %dma_start3A_2101 = tpu.memref_squeeze %dma_start3A_2100 : memref<1x!tpu.dma_semaphore, #tpu.memory_space<semaphore_mem>> -> memref<!tpu.dma_semaphore, #tpu.memory_space<semaphore_mem>>
    %dma_start3A_2102 = arith.constant 520 : i32
    %dma_start3A_2103 = arith.constant 0 : i32
    %dma_start3A_2104 = arith.constant 0 : i32
    %dma_start3A_2105 = tpu.memref_slice %arg1[%dma_start3A_2102, %dma_start3A_2103, %dma_start3A_2104] : memref<1024x1024x128xf32, #tpu.memory_space<any>> -> memref<8x1024x128xf32, #tpu.memory_space<any>>
    %dma_start3A_2106 = arith.constant 0 : i32
    %dma_start3A_2107 = arith.constant 536 : i32
    %dma_start3A_2108 = arith.constant 0 : i32
    %dma_start3A_2109 = tpu.memref_slice %arg2[%dma_start3A_2106, %dma_start3A_2107, %dma_start3A_2108] : memref<8x2120x128xf32, #tpu.memory_space<vmem>> -> memref<8x1024x128xf32, #tpu.memory_space<vmem>>
    tpu.enqueue_dma source(%dma_start3A_2109 : memref<8x1024x128xf32, #tpu.memory_space<vmem>>) target(%dma_start3A_2105 : memref<8x1024x128xf32, #tpu.memory_space<any>>) target_semaphore(%dma_start3A_2101 : memref<!tpu.dma_semaphore, #tpu.memory_space<semaphore_mem>>)
    %dma_wait3A_2110 = arith.constant 2 : i32
    %dma_wait3A_2111 = tpu.memref_slice %arg3[%dma_wait3A_2110] : memref<8x!tpu.dma_semaphore, #tpu.memory_space<semaphore_mem>> -> memref<1x!tpu.dma_semaphore, #tpu.memory_space<semaphore_mem>>
    %dma_wait3A_2112 = tpu.memref_squeeze %dma_wait3A_2111 : memref<1x!tpu.dma_semaphore, #tpu.memory_space<semaphore_mem>> -> memref<!tpu.dma_semaphore, #tpu.memory_space<semaphore_mem>>
    %dma_wait3A_2113 = arith.constant 464 : i32
    %dma_wait3A_2114 = arith.constant 0 : i32
    %dma_wait3A_2115 = arith.constant 0 : i32
    %dma_wait3A_2116 = tpu.memref_slice %arg1[%dma_wait3A_2113, %dma_wait3A_2114, %dma_wait3A_2115] : memref<1024x1024x128xf32, #tpu.memory_space<any>> -> memref<8x1024x128xf32, #tpu.memory_space<any>>
    %dma_wait3A_2117 = arith.constant 0 : i32
    %dma_wait3A_2118 = arith.constant 592 : i32
    %dma_wait3A_2119 = arith.constant 0 : i32
    %dma_wait3A_2120 = tpu.memref_slice %arg2[%dma_wait3A_2117, %dma_wait3A_2118, %dma_wait3A_2119] : memref<8x2120x128xf32, #tpu.memory_space<vmem>> -> memref<8x1024x128xf32, #tpu.memory_space<vmem>>
    tpu.wait_dma2 semaphore(%dma_wait3A_2112 : memref<!tpu.dma_semaphore, #tpu.memory_space<semaphore_mem>>) src(%dma_wait3A_2120 : memref<8x1024x128xf32, #tpu.memory_space<vmem>>) dst(%dma_wait3A_2116 : memref<8x1024x128xf32, #tpu.memory_space<any>>)
    %dma_start3A_2121 = arith.constant 2 : i32
    %dma_start3A_2122 = tpu.memref_slice %arg3[%dma_start3A_2121] : memref<8x!tpu.dma_semaphore, #tpu.memory_space<semaphore_mem>> -> memref<1x!tpu.dma_semaphore, #tpu.memory_space<semaphore_mem>>
    %dma_start3A_2123 = tpu.memref_squeeze %dma_start3A_2122 : memref<1x!tpu.dma_semaphore, #tpu.memory_space<semaphore_mem>> -> memref<!tpu.dma_semaphore, #tpu.memory_space<semaphore_mem>>
    %dma_start3A_2124 = arith.constant 528 : i32
    %dma_start3A_2125 = arith.constant 0 : i32
    %dma_start3A_2126 = arith.constant 0 : i32
    %dma_start3A_2127 = tpu.memref_slice %arg1[%dma_start3A_2124, %dma_start3A_2125, %dma_start3A_2126] : memref<1024x1024x128xf32, #tpu.memory_space<any>> -> memref<8x1024x128xf32, #tpu.memory_space<any>>
    %dma_start3A_2128 = arith.constant 0 : i32
    %dma_start3A_2129 = arith.constant 528 : i32
    %dma_start3A_2130 = arith.constant 0 : i32
    %dma_start3A_2131 = tpu.memref_slice %arg2[%dma_start3A_2128, %dma_start3A_2129, %dma_start3A_2130] : memref<8x2120x128xf32, #tpu.memory_space<vmem>> -> memref<8x1024x128xf32, #tpu.memory_space<vmem>>
    tpu.enqueue_dma source(%dma_start3A_2131 : memref<8x1024x128xf32, #tpu.memory_space<vmem>>) target(%dma_start3A_2127 : memref<8x1024x128xf32, #tpu.memory_space<any>>) target_semaphore(%dma_start3A_2123 : memref<!tpu.dma_semaphore, #tpu.memory_space<semaphore_mem>>)
    %dma_wait3A_2132 = arith.constant 3 : i32
    %dma_wait3A_2133 = tpu.memref_slice %arg3[%dma_wait3A_2132] : memref<8x!tpu.dma_semaphore, #tpu.memory_space<semaphore_mem>> -> memref<1x!tpu.dma_semaphore, #tpu.memory_space<semaphore_mem>>
    %dma_wait3A_2134 = tpu.memref_squeeze %dma_wait3A_2133 : memref<1x!tpu.dma_semaphore, #tpu.memory_space<semaphore_mem>> -> memref<!tpu.dma_semaphore, #tpu.memory_space<semaphore_mem>>
    %dma_wait3A_2135 = arith.constant 472 : i32
    %dma_wait3A_2136 = arith.constant 0 : i32
    %dma_wait3A_2137 = arith.constant 0 : i32
    %dma_wait3A_2138 = tpu.memref_slice %arg1[%dma_wait3A_2135, %dma_wait3A_2136, %dma_wait3A_2137] : memref<1024x1024x128xf32, #tpu.memory_space<any>> -> memref<8x1024x128xf32, #tpu.memory_space<any>>
    %dma_wait3A_2139 = arith.constant 0 : i32
    %dma_wait3A_2140 = arith.constant 584 : i32
    %dma_wait3A_2141 = arith.constant 0 : i32
    %dma_wait3A_2142 = tpu.memref_slice %arg2[%dma_wait3A_2139, %dma_wait3A_2140, %dma_wait3A_2141] : memref<8x2120x128xf32, #tpu.memory_space<vmem>> -> memref<8x1024x128xf32, #tpu.memory_space<vmem>>
    tpu.wait_dma2 semaphore(%dma_wait3A_2134 : memref<!tpu.dma_semaphore, #tpu.memory_space<semaphore_mem>>) src(%dma_wait3A_2142 : memref<8x1024x128xf32, #tpu.memory_space<vmem>>) dst(%dma_wait3A_2138 : memref<8x1024x128xf32, #tpu.memory_space<any>>)
    %dma_start3A_2143 = arith.constant 3 : i32
    %dma_start3A_2144 = tpu.memref_slice %arg3[%dma_start3A_2143] : memref<8x!tpu.dma_semaphore, #tpu.memory_space<semaphore_mem>> -> memref<1x!tpu.dma_semaphore, #tpu.memory_space<semaphore_mem>>
    %dma_start3A_2145 = tpu.memref_squeeze %dma_start3A_2144 : memref<1x!tpu.dma_semaphore, #tpu.memory_space<semaphore_mem>> -> memref<!tpu.dma_semaphore, #tpu.memory_space<semaphore_mem>>
    %dma_start3A_2146 = arith.constant 536 : i32
    %dma_start3A_2147 = arith.constant 0 : i32
    %dma_start3A_2148 = arith.constant 0 : i32
    %dma_start3A_2149 = tpu.memref_slice %arg1[%dma_start3A_2146, %dma_start3A_2147, %dma_start3A_2148] : memref<1024x1024x128xf32, #tpu.memory_space<any>> -> memref<8x1024x128xf32, #tpu.memory_space<any>>
    %dma_start3A_2150 = arith.constant 0 : i32
    %dma_start3A_2151 = arith.constant 520 : i32
    %dma_start3A_2152 = arith.constant 0 : i32
    %dma_start3A_2153 = tpu.memref_slice %arg2[%dma_start3A_2150, %dma_start3A_2151, %dma_start3A_2152] : memref<8x2120x128xf32, #tpu.memory_space<vmem>> -> memref<8x1024x128xf32, #tpu.memory_space<vmem>>
    tpu.enqueue_dma source(%dma_start3A_2153 : memref<8x1024x128xf32, #tpu.memory_space<vmem>>) target(%dma_start3A_2149 : memref<8x1024x128xf32, #tpu.memory_space<any>>) target_semaphore(%dma_start3A_2145 : memref<!tpu.dma_semaphore, #tpu.memory_space<semaphore_mem>>)
    %dma_wait3A_2154 = arith.constant 4 : i32
    %dma_wait3A_2155 = tpu.memref_slice %arg3[%dma_wait3A_2154] : memref<8x!tpu.dma_semaphore, #tpu.memory_space<semaphore_mem>> -> memref<1x!tpu.dma_semaphore, #tpu.memory_space<semaphore_mem>>
    %dma_wait3A_2156 = tpu.memref_squeeze %dma_wait3A_2155 : memref<1x!tpu.dma_semaphore, #tpu.memory_space<semaphore_mem>> -> memref<!tpu.dma_semaphore, #tpu.memory_space<semaphore_mem>>
    %dma_wait3A_2157 = arith.constant 480 : i32
    %dma_wait3A_2158 = arith.constant 0 : i32
    %dma_wait3A_2159 = arith.constant 0 : i32
    %dma_wait3A_2160 = tpu.memref_slice %arg1[%dma_wait3A_2157, %dma_wait3A_2158, %dma_wait3A_2159] : memref<1024x1024x128xf32, #tpu.memory_space<any>> -> memref<8x1024x128xf32, #tpu.memory_space<any>>
    %dma_wait3A_2161 = arith.constant 0 : i32
    %dma_wait3A_2162 = arith.constant 576 : i32
    %dma_wait3A_2163 = arith.constant 0 : i32
    %dma_wait3A_2164 = tpu.memref_slice %arg2[%dma_wait3A_2161, %dma_wait3A_2162, %dma_wait3A_2163] : memref<8x2120x128xf32, #tpu.memory_space<vmem>> -> memref<8x1024x128xf32, #tpu.memory_space<vmem>>
    tpu.wait_dma2 semaphore(%dma_wait3A_2156 : memref<!tpu.dma_semaphore, #tpu.memory_space<semaphore_mem>>) src(%dma_wait3A_2164 : memref<8x1024x128xf32, #tpu.memory_space<vmem>>) dst(%dma_wait3A_2160 : memref<8x1024x128xf32, #tpu.memory_space<any>>)
    %dma_start3A_2165 = arith.constant 4 : i32
    %dma_start3A_2166 = tpu.memref_slice %arg3[%dma_start3A_2165] : memref<8x!tpu.dma_semaphore, #tpu.memory_space<semaphore_mem>> -> memref<1x!tpu.dma_semaphore, #tpu.memory_space<semaphore_mem>>
    %dma_start3A_2167 = tpu.memref_squeeze %dma_start3A_2166 : memref<1x!tpu.dma_semaphore, #tpu.memory_space<semaphore_mem>> -> memref<!tpu.dma_semaphore, #tpu.memory_space<semaphore_mem>>
    %dma_start3A_2168 = arith.constant 544 : i32
    %dma_start3A_2169 = arith.constant 0 : i32
    %dma_start3A_2170 = arith.constant 0 : i32
    %dma_start3A_2171 = tpu.memref_slice %arg1[%dma_start3A_2168, %dma_start3A_2169, %dma_start3A_2170] : memref<1024x1024x128xf32, #tpu.memory_space<any>> -> memref<8x1024x128xf32, #tpu.memory_space<any>>
    %dma_start3A_2172 = arith.constant 0 : i32
    %dma_start3A_2173 = arith.constant 512 : i32
    %dma_start3A_2174 = arith.constant 0 : i32
    %dma_start3A_2175 = tpu.memref_slice %arg2[%dma_start3A_2172, %dma_start3A_2173, %dma_start3A_2174] : memref<8x2120x128xf32, #tpu.memory_space<vmem>> -> memref<8x1024x128xf32, #tpu.memory_space<vmem>>
    tpu.enqueue_dma source(%dma_start3A_2175 : memref<8x1024x128xf32, #tpu.memory_space<vmem>>) target(%dma_start3A_2171 : memref<8x1024x128xf32, #tpu.memory_space<any>>) target_semaphore(%dma_start3A_2167 : memref<!tpu.dma_semaphore, #tpu.memory_space<semaphore_mem>>)
    %dma_wait3A_2176 = arith.constant 5 : i32
    %dma_wait3A_2177 = tpu.memref_slice %arg3[%dma_wait3A_2176] : memref<8x!tpu.dma_semaphore, #tpu.memory_space<semaphore_mem>> -> memref<1x!tpu.dma_semaphore, #tpu.memory_space<semaphore_mem>>
    %dma_wait3A_2178 = tpu.memref_squeeze %dma_wait3A_2177 : memref<1x!tpu.dma_semaphore, #tpu.memory_space<semaphore_mem>> -> memref<!tpu.dma_semaphore, #tpu.memory_space<semaphore_mem>>
    %dma_wait3A_2179 = arith.constant 488 : i32
    %dma_wait3A_2180 = arith.constant 0 : i32
    %dma_wait3A_2181 = arith.constant 0 : i32
    %dma_wait3A_2182 = tpu.memref_slice %arg1[%dma_wait3A_2179, %dma_wait3A_2180, %dma_wait3A_2181] : memref<1024x1024x128xf32, #tpu.memory_space<any>> -> memref<8x1024x128xf32, #tpu.memory_space<any>>
    %dma_wait3A_2183 = arith.constant 0 : i32
    %dma_wait3A_2184 = arith.constant 568 : i32
    %dma_wait3A_2185 = arith.constant 0 : i32
    %dma_wait3A_2186 = tpu.memref_slice %arg2[%dma_wait3A_2183, %dma_wait3A_2184, %dma_wait3A_2185] : memref<8x2120x128xf32, #tpu.memory_space<vmem>> -> memref<8x1024x128xf32, #tpu.memory_space<vmem>>
    tpu.wait_dma2 semaphore(%dma_wait3A_2178 : memref<!tpu.dma_semaphore, #tpu.memory_space<semaphore_mem>>) src(%dma_wait3A_2186 : memref<8x1024x128xf32, #tpu.memory_space<vmem>>) dst(%dma_wait3A_2182 : memref<8x1024x128xf32, #tpu.memory_space<any>>)
    %dma_start3A_2187 = arith.constant 5 : i32
    %dma_start3A_2188 = tpu.memref_slice %arg3[%dma_start3A_2187] : memref<8x!tpu.dma_semaphore, #tpu.memory_space<semaphore_mem>> -> memref<1x!tpu.dma_semaphore, #tpu.memory_space<semaphore_mem>>
    %dma_start3A_2189 = tpu.memref_squeeze %dma_start3A_2188 : memref<1x!tpu.dma_semaphore, #tpu.memory_space<semaphore_mem>> -> memref<!tpu.dma_semaphore, #tpu.memory_space<semaphore_mem>>
    %dma_start3A_2190 = arith.constant 552 : i32
    %dma_start3A_2191 = arith.constant 0 : i32
    %dma_start3A_2192 = arith.constant 0 : i32
    %dma_start3A_2193 = tpu.memref_slice %arg1[%dma_start3A_2190, %dma_start3A_2191, %dma_start3A_2192] : memref<1024x1024x128xf32, #tpu.memory_space<any>> -> memref<8x1024x128xf32, #tpu.memory_space<any>>
    %dma_start3A_2194 = arith.constant 0 : i32
    %dma_start3A_2195 = arith.constant 504 : i32
    %dma_start3A_2196 = arith.constant 0 : i32
    %dma_start3A_2197 = tpu.memref_slice %arg2[%dma_start3A_2194, %dma_start3A_2195, %dma_start3A_2196] : memref<8x2120x128xf32, #tpu.memory_space<vmem>> -> memref<8x1024x128xf32, #tpu.memory_space<vmem>>
    tpu.enqueue_dma source(%dma_start3A_2197 : memref<8x1024x128xf32, #tpu.memory_space<vmem>>) target(%dma_start3A_2193 : memref<8x1024x128xf32, #tpu.memory_space<any>>) target_semaphore(%dma_start3A_2189 : memref<!tpu.dma_semaphore, #tpu.memory_space<semaphore_mem>>)
    %dma_wait3A_2198 = arith.constant 6 : i32
    %dma_wait3A_2199 = tpu.memref_slice %arg3[%dma_wait3A_2198] : memref<8x!tpu.dma_semaphore, #tpu.memory_space<semaphore_mem>> -> memref<1x!tpu.dma_semaphore, #tpu.memory_space<semaphore_mem>>
    %dma_wait3A_2200 = tpu.memref_squeeze %dma_wait3A_2199 : memref<1x!tpu.dma_semaphore, #tpu.memory_space<semaphore_mem>> -> memref<!tpu.dma_semaphore, #tpu.memory_space<semaphore_mem>>
    %dma_wait3A_2201 = arith.constant 496 : i32
    %dma_wait3A_2202 = arith.constant 0 : i32
    %dma_wait3A_2203 = arith.constant 0 : i32
    %dma_wait3A_2204 = tpu.memref_slice %arg1[%dma_wait3A_2201, %dma_wait3A_2202, %dma_wait3A_2203] : memref<1024x1024x128xf32, #tpu.memory_space<any>> -> memref<8x1024x128xf32, #tpu.memory_space<any>>
    %dma_wait3A_2205 = arith.constant 0 : i32
    %dma_wait3A_2206 = arith.constant 560 : i32
    %dma_wait3A_2207 = arith.constant 0 : i32
    %dma_wait3A_2208 = tpu.memref_slice %arg2[%dma_wait3A_2205, %dma_wait3A_2206, %dma_wait3A_2207] : memref<8x2120x128xf32, #tpu.memory_space<vmem>> -> memref<8x1024x128xf32, #tpu.memory_space<vmem>>
    tpu.wait_dma2 semaphore(%dma_wait3A_2200 : memref<!tpu.dma_semaphore, #tpu.memory_space<semaphore_mem>>) src(%dma_wait3A_2208 : memref<8x1024x128xf32, #tpu.memory_space<vmem>>) dst(%dma_wait3A_2204 : memref<8x1024x128xf32, #tpu.memory_space<any>>)
    %dma_start3A_2209 = arith.constant 6 : i32
    %dma_start3A_2210 = tpu.memref_slice %arg3[%dma_start3A_2209] : memref<8x!tpu.dma_semaphore, #tpu.memory_space<semaphore_mem>> -> memref<1x!tpu.dma_semaphore, #tpu.memory_space<semaphore_mem>>
    %dma_start3A_2211 = tpu.memref_squeeze %dma_start3A_2210 : memref<1x!tpu.dma_semaphore, #tpu.memory_space<semaphore_mem>> -> memref<!tpu.dma_semaphore, #tpu.memory_space<semaphore_mem>>
    %dma_start3A_2212 = arith.constant 560 : i32
    %dma_start3A_2213 = arith.constant 0 : i32
    %dma_start3A_2214 = arith.constant 0 : i32
    %dma_start3A_2215 = tpu.memref_slice %arg1[%dma_start3A_2212, %dma_start3A_2213, %dma_start3A_2214] : memref<1024x1024x128xf32, #tpu.memory_space<any>> -> memref<8x1024x128xf32, #tpu.memory_space<any>>
    %dma_start3A_2216 = arith.constant 0 : i32
    %dma_start3A_2217 = arith.constant 496 : i32
    %dma_start3A_2218 = arith.constant 0 : i32
    %dma_start3A_2219 = tpu.memref_slice %arg2[%dma_start3A_2216, %dma_start3A_2217, %dma_start3A_2218] : memref<8x2120x128xf32, #tpu.memory_space<vmem>> -> memref<8x1024x128xf32, #tpu.memory_space<vmem>>
    tpu.enqueue_dma source(%dma_start3A_2219 : memref<8x1024x128xf32, #tpu.memory_space<vmem>>) target(%dma_start3A_2215 : memref<8x1024x128xf32, #tpu.memory_space<any>>) target_semaphore(%dma_start3A_2211 : memref<!tpu.dma_semaphore, #tpu.memory_space<semaphore_mem>>)
    %dma_wait3A_2220 = arith.constant 7 : i32
    %dma_wait3A_2221 = tpu.memref_slice %arg3[%dma_wait3A_2220] : memref<8x!tpu.dma_semaphore, #tpu.memory_space<semaphore_mem>> -> memref<1x!tpu.dma_semaphore, #tpu.memory_space<semaphore_mem>>
    %dma_wait3A_2222 = tpu.memref_squeeze %dma_wait3A_2221 : memref<1x!tpu.dma_semaphore, #tpu.memory_space<semaphore_mem>> -> memref<!tpu.dma_semaphore, #tpu.memory_space<semaphore_mem>>
    %dma_wait3A_2223 = arith.constant 504 : i32
    %dma_wait3A_2224 = arith.constant 0 : i32
    %dma_wait3A_2225 = arith.constant 0 : i32
    %dma_wait3A_2226 = tpu.memref_slice %arg1[%dma_wait3A_2223, %dma_wait3A_2224, %dma_wait3A_2225] : memref<1024x1024x128xf32, #tpu.memory_space<any>> -> memref<8x1024x128xf32, #tpu.memory_space<any>>
    %dma_wait3A_2227 = arith.constant 0 : i32
    %dma_wait3A_2228 = arith.constant 552 : i32
    %dma_wait3A_2229 = arith.constant 0 : i32
    %dma_wait3A_2230 = tpu.memref_slice %arg2[%dma_wait3A_2227, %dma_wait3A_2228, %dma_wait3A_2229] : memref<8x2120x128xf32, #tpu.memory_space<vmem>> -> memref<8x1024x128xf32, #tpu.memory_space<vmem>>
    tpu.wait_dma2 semaphore(%dma_wait3A_2222 : memref<!tpu.dma_semaphore, #tpu.memory_space<semaphore_mem>>) src(%dma_wait3A_2230 : memref<8x1024x128xf32, #tpu.memory_space<vmem>>) dst(%dma_wait3A_2226 : memref<8x1024x128xf32, #tpu.memory_space<any>>)
    %dma_start3A_2231 = arith.constant 7 : i32
    %dma_start3A_2232 = tpu.memref_slice %arg3[%dma_start3A_2231] : memref<8x!tpu.dma_semaphore, #tpu.memory_space<semaphore_mem>> -> memref<1x!tpu.dma_semaphore, #tpu.memory_space<semaphore_mem>>
    %dma_start3A_2233 = tpu.memref_squeeze %dma_start3A_2232 : memref<1x!tpu.dma_semaphore, #tpu.memory_space<semaphore_mem>> -> memref<!tpu.dma_semaphore, #tpu.memory_space<semaphore_mem>>
    %dma_start3A_2234 = arith.constant 568 : i32
    %dma_start3A_2235 = arith.constant 0 : i32
    %dma_start3A_2236 = arith.constant 0 : i32
    %dma_start3A_2237 = tpu.memref_slice %arg1[%dma_start3A_2234, %dma_start3A_2235, %dma_start3A_2236] : memref<1024x1024x128xf32, #tpu.memory_space<any>> -> memref<8x1024x128xf32, #tpu.memory_space<any>>
    %dma_start3A_2238 = arith.constant 0 : i32
    %dma_start3A_2239 = arith.constant 488 : i32
    %dma_start3A_2240 = arith.constant 0 : i32
    %dma_start3A_2241 = tpu.memref_slice %arg2[%dma_start3A_2238, %dma_start3A_2239, %dma_start3A_2240] : memref<8x2120x128xf32, #tpu.memory_space<vmem>> -> memref<8x1024x128xf32, #tpu.memory_space<vmem>>
    tpu.enqueue_dma source(%dma_start3A_2241 : memref<8x1024x128xf32, #tpu.memory_space<vmem>>) target(%dma_start3A_2237 : memref<8x1024x128xf32, #tpu.memory_space<any>>) target_semaphore(%dma_start3A_2233 : memref<!tpu.dma_semaphore, #tpu.memory_space<semaphore_mem>>)
    %dma_wait3A_2242 = arith.constant 0 : i32
    %dma_wait3A_2243 = tpu.memref_slice %arg3[%dma_wait3A_2242] : memref<8x!tpu.dma_semaphore, #tpu.memory_space<semaphore_mem>> -> memref<1x!tpu.dma_semaphore, #tpu.memory_space<semaphore_mem>>
    %dma_wait3A_2244 = tpu.memref_squeeze %dma_wait3A_2243 : memref<1x!tpu.dma_semaphore, #tpu.memory_space<semaphore_mem>> -> memref<!tpu.dma_semaphore, #tpu.memory_space<semaphore_mem>>
    %dma_wait3A_2245 = arith.constant 512 : i32
    %dma_wait3A_2246 = arith.constant 0 : i32
    %dma_wait3A_2247 = arith.constant 0 : i32
    %dma_wait3A_2248 = tpu.memref_slice %arg1[%dma_wait3A_2245, %dma_wait3A_2246, %dma_wait3A_2247] : memref<1024x1024x128xf32, #tpu.memory_space<any>> -> memref<8x1024x128xf32, #tpu.memory_space<any>>
    %dma_wait3A_2249 = arith.constant 0 : i32
    %dma_wait3A_2250 = arith.constant 544 : i32
    %dma_wait3A_2251 = arith.constant 0 : i32
    %dma_wait3A_2252 = tpu.memref_slice %arg2[%dma_wait3A_2249, %dma_wait3A_2250, %dma_wait3A_2251] : memref<8x2120x128xf32, #tpu.memory_space<vmem>> -> memref<8x1024x128xf32, #tpu.memory_space<vmem>>
    tpu.wait_dma2 semaphore(%dma_wait3A_2244 : memref<!tpu.dma_semaphore, #tpu.memory_space<semaphore_mem>>) src(%dma_wait3A_2252 : memref<8x1024x128xf32, #tpu.memory_space<vmem>>) dst(%dma_wait3A_2248 : memref<8x1024x128xf32, #tpu.memory_space<any>>)
    %dma_start3A_2253 = arith.constant 0 : i32
    %dma_start3A_2254 = tpu.memref_slice %arg3[%dma_start3A_2253] : memref<8x!tpu.dma_semaphore, #tpu.memory_space<semaphore_mem>> -> memref<1x!tpu.dma_semaphore, #tpu.memory_space<semaphore_mem>>
    %dma_start3A_2255 = tpu.memref_squeeze %dma_start3A_2254 : memref<1x!tpu.dma_semaphore, #tpu.memory_space<semaphore_mem>> -> memref<!tpu.dma_semaphore, #tpu.memory_space<semaphore_mem>>
    %dma_start3A_2256 = arith.constant 576 : i32
    %dma_start3A_2257 = arith.constant 0 : i32
    %dma_start3A_2258 = arith.constant 0 : i32
    %dma_start3A_2259 = tpu.memref_slice %arg1[%dma_start3A_2256, %dma_start3A_2257, %dma_start3A_2258] : memref<1024x1024x128xf32, #tpu.memory_space<any>> -> memref<8x1024x128xf32, #tpu.memory_space<any>>
    %dma_start3A_2260 = arith.constant 0 : i32
    %dma_start3A_2261 = arith.constant 480 : i32
    %dma_start3A_2262 = arith.constant 0 : i32
    %dma_start3A_2263 = tpu.memref_slice %arg2[%dma_start3A_2260, %dma_start3A_2261, %dma_start3A_2262] : memref<8x2120x128xf32, #tpu.memory_space<vmem>> -> memref<8x1024x128xf32, #tpu.memory_space<vmem>>
    tpu.enqueue_dma source(%dma_start3A_2263 : memref<8x1024x128xf32, #tpu.memory_space<vmem>>) target(%dma_start3A_2259 : memref<8x1024x128xf32, #tpu.memory_space<any>>) target_semaphore(%dma_start3A_2255 : memref<!tpu.dma_semaphore, #tpu.memory_space<semaphore_mem>>)
    %dma_wait3A_2264 = arith.constant 1 : i32
    %dma_wait3A_2265 = tpu.memref_slice %arg3[%dma_wait3A_2264] : memref<8x!tpu.dma_semaphore, #tpu.memory_space<semaphore_mem>> -> memref<1x!tpu.dma_semaphore, #tpu.memory_space<semaphore_mem>>
    %dma_wait3A_2266 = tpu.memref_squeeze %dma_wait3A_2265 : memref<1x!tpu.dma_semaphore, #tpu.memory_space<semaphore_mem>> -> memref<!tpu.dma_semaphore, #tpu.memory_space<semaphore_mem>>
    %dma_wait3A_2267 = arith.constant 520 : i32
    %dma_wait3A_2268 = arith.constant 0 : i32
    %dma_wait3A_2269 = arith.constant 0 : i32
    %dma_wait3A_2270 = tpu.memref_slice %arg1[%dma_wait3A_2267, %dma_wait3A_2268, %dma_wait3A_2269] : memref<1024x1024x128xf32, #tpu.memory_space<any>> -> memref<8x1024x128xf32, #tpu.memory_space<any>>
    %dma_wait3A_2271 = arith.constant 0 : i32
    %dma_wait3A_2272 = arith.constant 536 : i32
    %dma_wait3A_2273 = arith.constant 0 : i32
    %dma_wait3A_2274 = tpu.memref_slice %arg2[%dma_wait3A_2271, %dma_wait3A_2272, %dma_wait3A_2273] : memref<8x2120x128xf32, #tpu.memory_space<vmem>> -> memref<8x1024x128xf32, #tpu.memory_space<vmem>>
    tpu.wait_dma2 semaphore(%dma_wait3A_2266 : memref<!tpu.dma_semaphore, #tpu.memory_space<semaphore_mem>>) src(%dma_wait3A_2274 : memref<8x1024x128xf32, #tpu.memory_space<vmem>>) dst(%dma_wait3A_2270 : memref<8x1024x128xf32, #tpu.memory_space<any>>)
    %dma_start3A_2275 = arith.constant 1 : i32
    %dma_start3A_2276 = tpu.memref_slice %arg3[%dma_start3A_2275] : memref<8x!tpu.dma_semaphore, #tpu.memory_space<semaphore_mem>> -> memref<1x!tpu.dma_semaphore, #tpu.memory_space<semaphore_mem>>
    %dma_start3A_2277 = tpu.memref_squeeze %dma_start3A_2276 : memref<1x!tpu.dma_semaphore, #tpu.memory_space<semaphore_mem>> -> memref<!tpu.dma_semaphore, #tpu.memory_space<semaphore_mem>>
    %dma_start3A_2278 = arith.constant 584 : i32
    %dma_start3A_2279 = arith.constant 0 : i32
    %dma_start3A_2280 = arith.constant 0 : i32
    %dma_start3A_2281 = tpu.memref_slice %arg1[%dma_start3A_2278, %dma_start3A_2279, %dma_start3A_2280] : memref<1024x1024x128xf32, #tpu.memory_space<any>> -> memref<8x1024x128xf32, #tpu.memory_space<any>>
    %dma_start3A_2282 = arith.constant 0 : i32
    %dma_start3A_2283 = arith.constant 472 : i32
    %dma_start3A_2284 = arith.constant 0 : i32
    %dma_start3A_2285 = tpu.memref_slice %arg2[%dma_start3A_2282, %dma_start3A_2283, %dma_start3A_2284] : memref<8x2120x128xf32, #tpu.memory_space<vmem>> -> memref<8x1024x128xf32, #tpu.memory_space<vmem>>
    tpu.enqueue_dma source(%dma_start3A_2285 : memref<8x1024x128xf32, #tpu.memory_space<vmem>>) target(%dma_start3A_2281 : memref<8x1024x128xf32, #tpu.memory_space<any>>) target_semaphore(%dma_start3A_2277 : memref<!tpu.dma_semaphore, #tpu.memory_space<semaphore_mem>>)
    %dma_wait3A_2286 = arith.constant 2 : i32
    %dma_wait3A_2287 = tpu.memref_slice %arg3[%dma_wait3A_2286] : memref<8x!tpu.dma_semaphore, #tpu.memory_space<semaphore_mem>> -> memref<1x!tpu.dma_semaphore, #tpu.memory_space<semaphore_mem>>
    %dma_wait3A_2288 = tpu.memref_squeeze %dma_wait3A_2287 : memref<1x!tpu.dma_semaphore, #tpu.memory_space<semaphore_mem>> -> memref<!tpu.dma_semaphore, #tpu.memory_space<semaphore_mem>>
    %dma_wait3A_2289 = arith.constant 528 : i32
    %dma_wait3A_2290 = arith.constant 0 : i32
    %dma_wait3A_2291 = arith.constant 0 : i32
    %dma_wait3A_2292 = tpu.memref_slice %arg1[%dma_wait3A_2289, %dma_wait3A_2290, %dma_wait3A_2291] : memref<1024x1024x128xf32, #tpu.memory_space<any>> -> memref<8x1024x128xf32, #tpu.memory_space<any>>
    %dma_wait3A_2293 = arith.constant 0 : i32
    %dma_wait3A_2294 = arith.constant 528 : i32
    %dma_wait3A_2295 = arith.constant 0 : i32
    %dma_wait3A_2296 = tpu.memref_slice %arg2[%dma_wait3A_2293, %dma_wait3A_2294, %dma_wait3A_2295] : memref<8x2120x128xf32, #tpu.memory_space<vmem>> -> memref<8x1024x128xf32, #tpu.memory_space<vmem>>
    tpu.wait_dma2 semaphore(%dma_wait3A_2288 : memref<!tpu.dma_semaphore, #tpu.memory_space<semaphore_mem>>) src(%dma_wait3A_2296 : memref<8x1024x128xf32, #tpu.memory_space<vmem>>) dst(%dma_wait3A_2292 : memref<8x1024x128xf32, #tpu.memory_space<any>>)
    %dma_start3A_2297 = arith.constant 2 : i32
    %dma_start3A_2298 = tpu.memref_slice %arg3[%dma_start3A_2297] : memref<8x!tpu.dma_semaphore, #tpu.memory_space<semaphore_mem>> -> memref<1x!tpu.dma_semaphore, #tpu.memory_space<semaphore_mem>>
    %dma_start3A_2299 = tpu.memref_squeeze %dma_start3A_2298 : memref<1x!tpu.dma_semaphore, #tpu.memory_space<semaphore_mem>> -> memref<!tpu.dma_semaphore, #tpu.memory_space<semaphore_mem>>
    %dma_start3A_2300 = arith.constant 592 : i32
    %dma_start3A_2301 = arith.constant 0 : i32
    %dma_start3A_2302 = arith.constant 0 : i32
    %dma_start3A_2303 = tpu.memref_slice %arg1[%dma_start3A_2300, %dma_start3A_2301, %dma_start3A_2302] : memref<1024x1024x128xf32, #tpu.memory_space<any>> -> memref<8x1024x128xf32, #tpu.memory_space<any>>
    %dma_start3A_2304 = arith.constant 0 : i32
    %dma_start3A_2305 = arith.constant 464 : i32
    %dma_start3A_2306 = arith.constant 0 : i32
    %dma_start3A_2307 = tpu.memref_slice %arg2[%dma_start3A_2304, %dma_start3A_2305, %dma_start3A_2306] : memref<8x2120x128xf32, #tpu.memory_space<vmem>> -> memref<8x1024x128xf32, #tpu.memory_space<vmem>>
    tpu.enqueue_dma source(%dma_start3A_2307 : memref<8x1024x128xf32, #tpu.memory_space<vmem>>) target(%dma_start3A_2303 : memref<8x1024x128xf32, #tpu.memory_space<any>>) target_semaphore(%dma_start3A_2299 : memref<!tpu.dma_semaphore, #tpu.memory_space<semaphore_mem>>)
    %dma_wait3A_2308 = arith.constant 3 : i32
    %dma_wait3A_2309 = tpu.memref_slice %arg3[%dma_wait3A_2308] : memref<8x!tpu.dma_semaphore, #tpu.memory_space<semaphore_mem>> -> memref<1x!tpu.dma_semaphore, #tpu.memory_space<semaphore_mem>>
    %dma_wait3A_2310 = tpu.memref_squeeze %dma_wait3A_2309 : memref<1x!tpu.dma_semaphore, #tpu.memory_space<semaphore_mem>> -> memref<!tpu.dma_semaphore, #tpu.memory_space<semaphore_mem>>
    %dma_wait3A_2311 = arith.constant 536 : i32
    %dma_wait3A_2312 = arith.constant 0 : i32
    %dma_wait3A_2313 = arith.constant 0 : i32
    %dma_wait3A_2314 = tpu.memref_slice %arg1[%dma_wait3A_2311, %dma_wait3A_2312, %dma_wait3A_2313] : memref<1024x1024x128xf32, #tpu.memory_space<any>> -> memref<8x1024x128xf32, #tpu.memory_space<any>>
    %dma_wait3A_2315 = arith.constant 0 : i32
    %dma_wait3A_2316 = arith.constant 520 : i32
    %dma_wait3A_2317 = arith.constant 0 : i32
    %dma_wait3A_2318 = tpu.memref_slice %arg2[%dma_wait3A_2315, %dma_wait3A_2316, %dma_wait3A_2317] : memref<8x2120x128xf32, #tpu.memory_space<vmem>> -> memref<8x1024x128xf32, #tpu.memory_space<vmem>>
    tpu.wait_dma2 semaphore(%dma_wait3A_2310 : memref<!tpu.dma_semaphore, #tpu.memory_space<semaphore_mem>>) src(%dma_wait3A_2318 : memref<8x1024x128xf32, #tpu.memory_space<vmem>>) dst(%dma_wait3A_2314 : memref<8x1024x128xf32, #tpu.memory_space<any>>)
    %dma_start3A_2319 = arith.constant 3 : i32
    %dma_start3A_2320 = tpu.memref_slice %arg3[%dma_start3A_2319] : memref<8x!tpu.dma_semaphore, #tpu.memory_space<semaphore_mem>> -> memref<1x!tpu.dma_semaphore, #tpu.memory_space<semaphore_mem>>
    %dma_start3A_2321 = tpu.memref_squeeze %dma_start3A_2320 : memref<1x!tpu.dma_semaphore, #tpu.memory_space<semaphore_mem>> -> memref<!tpu.dma_semaphore, #tpu.memory_space<semaphore_mem>>
    %dma_start3A_2322 = arith.constant 600 : i32
    %dma_start3A_2323 = arith.constant 0 : i32
    %dma_start3A_2324 = arith.constant 0 : i32
    %dma_start3A_2325 = tpu.memref_slice %arg1[%dma_start3A_2322, %dma_start3A_2323, %dma_start3A_2324] : memref<1024x1024x128xf32, #tpu.memory_space<any>> -> memref<8x1024x128xf32, #tpu.memory_space<any>>
    %dma_start3A_2326 = arith.constant 0 : i32
    %dma_start3A_2327 = arith.constant 456 : i32
    %dma_start3A_2328 = arith.constant 0 : i32
    %dma_start3A_2329 = tpu.memref_slice %arg2[%dma_start3A_2326, %dma_start3A_2327, %dma_start3A_2328] : memref<8x2120x128xf32, #tpu.memory_space<vmem>> -> memref<8x1024x128xf32, #tpu.memory_space<vmem>>
    tpu.enqueue_dma source(%dma_start3A_2329 : memref<8x1024x128xf32, #tpu.memory_space<vmem>>) target(%dma_start3A_2325 : memref<8x1024x128xf32, #tpu.memory_space<any>>) target_semaphore(%dma_start3A_2321 : memref<!tpu.dma_semaphore, #tpu.memory_space<semaphore_mem>>)
    %dma_wait3A_2330 = arith.constant 4 : i32
    %dma_wait3A_2331 = tpu.memref_slice %arg3[%dma_wait3A_2330] : memref<8x!tpu.dma_semaphore, #tpu.memory_space<semaphore_mem>> -> memref<1x!tpu.dma_semaphore, #tpu.memory_space<semaphore_mem>>
    %dma_wait3A_2332 = tpu.memref_squeeze %dma_wait3A_2331 : memref<1x!tpu.dma_semaphore, #tpu.memory_space<semaphore_mem>> -> memref<!tpu.dma_semaphore, #tpu.memory_space<semaphore_mem>>
    %dma_wait3A_2333 = arith.constant 544 : i32
    %dma_wait3A_2334 = arith.constant 0 : i32
    %dma_wait3A_2335 = arith.constant 0 : i32
    %dma_wait3A_2336 = tpu.memref_slice %arg1[%dma_wait3A_2333, %dma_wait3A_2334, %dma_wait3A_2335] : memref<1024x1024x128xf32, #tpu.memory_space<any>> -> memref<8x1024x128xf32, #tpu.memory_space<any>>
    %dma_wait3A_2337 = arith.constant 0 : i32
    %dma_wait3A_2338 = arith.constant 512 : i32
    %dma_wait3A_2339 = arith.constant 0 : i32
    %dma_wait3A_2340 = tpu.memref_slice %arg2[%dma_wait3A_2337, %dma_wait3A_2338, %dma_wait3A_2339] : memref<8x2120x128xf32, #tpu.memory_space<vmem>> -> memref<8x1024x128xf32, #tpu.memory_space<vmem>>
    tpu.wait_dma2 semaphore(%dma_wait3A_2332 : memref<!tpu.dma_semaphore, #tpu.memory_space<semaphore_mem>>) src(%dma_wait3A_2340 : memref<8x1024x128xf32, #tpu.memory_space<vmem>>) dst(%dma_wait3A_2336 : memref<8x1024x128xf32, #tpu.memory_space<any>>)
    %dma_start3A_2341 = arith.constant 4 : i32
    %dma_start3A_2342 = tpu.memref_slice %arg3[%dma_start3A_2341] : memref<8x!tpu.dma_semaphore, #tpu.memory_space<semaphore_mem>> -> memref<1x!tpu.dma_semaphore, #tpu.memory_space<semaphore_mem>>
    %dma_start3A_2343 = tpu.memref_squeeze %dma_start3A_2342 : memref<1x!tpu.dma_semaphore, #tpu.memory_space<semaphore_mem>> -> memref<!tpu.dma_semaphore, #tpu.memory_space<semaphore_mem>>
    %dma_start3A_2344 = arith.constant 608 : i32
    %dma_start3A_2345 = arith.constant 0 : i32
    %dma_start3A_2346 = arith.constant 0 : i32
    %dma_start3A_2347 = tpu.memref_slice %arg1[%dma_start3A_2344, %dma_start3A_2345, %dma_start3A_2346] : memref<1024x1024x128xf32, #tpu.memory_space<any>> -> memref<8x1024x128xf32, #tpu.memory_space<any>>
    %dma_start3A_2348 = arith.constant 0 : i32
    %dma_start3A_2349 = arith.constant 448 : i32
    %dma_start3A_2350 = arith.constant 0 : i32
    %dma_start3A_2351 = tpu.memref_slice %arg2[%dma_start3A_2348, %dma_start3A_2349, %dma_start3A_2350] : memref<8x2120x128xf32, #tpu.memory_space<vmem>> -> memref<8x1024x128xf32, #tpu.memory_space<vmem>>
    tpu.enqueue_dma source(%dma_start3A_2351 : memref<8x1024x128xf32, #tpu.memory_space<vmem>>) target(%dma_start3A_2347 : memref<8x1024x128xf32, #tpu.memory_space<any>>) target_semaphore(%dma_start3A_2343 : memref<!tpu.dma_semaphore, #tpu.memory_space<semaphore_mem>>)
    %dma_wait3A_2352 = arith.constant 5 : i32
    %dma_wait3A_2353 = tpu.memref_slice %arg3[%dma_wait3A_2352] : memref<8x!tpu.dma_semaphore, #tpu.memory_space<semaphore_mem>> -> memref<1x!tpu.dma_semaphore, #tpu.memory_space<semaphore_mem>>
    %dma_wait3A_2354 = tpu.memref_squeeze %dma_wait3A_2353 : memref<1x!tpu.dma_semaphore, #tpu.memory_space<semaphore_mem>> -> memref<!tpu.dma_semaphore, #tpu.memory_space<semaphore_mem>>
    %dma_wait3A_2355 = arith.constant 552 : i32
    %dma_wait3A_2356 = arith.constant 0 : i32
    %dma_wait3A_2357 = arith.constant 0 : i32
    %dma_wait3A_2358 = tpu.memref_slice %arg1[%dma_wait3A_2355, %dma_wait3A_2356, %dma_wait3A_2357] : memref<1024x1024x128xf32, #tpu.memory_space<any>> -> memref<8x1024x128xf32, #tpu.memory_space<any>>
    %dma_wait3A_2359 = arith.constant 0 : i32
    %dma_wait3A_2360 = arith.constant 504 : i32
    %dma_wait3A_2361 = arith.constant 0 : i32
    %dma_wait3A_2362 = tpu.memref_slice %arg2[%dma_wait3A_2359, %dma_wait3A_2360, %dma_wait3A_2361] : memref<8x2120x128xf32, #tpu.memory_space<vmem>> -> memref<8x1024x128xf32, #tpu.memory_space<vmem>>
    tpu.wait_dma2 semaphore(%dma_wait3A_2354 : memref<!tpu.dma_semaphore, #tpu.memory_space<semaphore_mem>>) src(%dma_wait3A_2362 : memref<8x1024x128xf32, #tpu.memory_space<vmem>>) dst(%dma_wait3A_2358 : memref<8x1024x128xf32, #tpu.memory_space<any>>)
    %dma_start3A_2363 = arith.constant 5 : i32
    %dma_start3A_2364 = tpu.memref_slice %arg3[%dma_start3A_2363] : memref<8x!tpu.dma_semaphore, #tpu.memory_space<semaphore_mem>> -> memref<1x!tpu.dma_semaphore, #tpu.memory_space<semaphore_mem>>
    %dma_start3A_2365 = tpu.memref_squeeze %dma_start3A_2364 : memref<1x!tpu.dma_semaphore, #tpu.memory_space<semaphore_mem>> -> memref<!tpu.dma_semaphore, #tpu.memory_space<semaphore_mem>>
    %dma_start3A_2366 = arith.constant 616 : i32
    %dma_start3A_2367 = arith.constant 0 : i32
    %dma_start3A_2368 = arith.constant 0 : i32
    %dma_start3A_2369 = tpu.memref_slice %arg1[%dma_start3A_2366, %dma_start3A_2367, %dma_start3A_2368] : memref<1024x1024x128xf32, #tpu.memory_space<any>> -> memref<8x1024x128xf32, #tpu.memory_space<any>>
    %dma_start3A_2370 = arith.constant 0 : i32
    %dma_start3A_2371 = arith.constant 440 : i32
    %dma_start3A_2372 = arith.constant 0 : i32
    %dma_start3A_2373 = tpu.memref_slice %arg2[%dma_start3A_2370, %dma_start3A_2371, %dma_start3A_2372] : memref<8x2120x128xf32, #tpu.memory_space<vmem>> -> memref<8x1024x128xf32, #tpu.memory_space<vmem>>
    tpu.enqueue_dma source(%dma_start3A_2373 : memref<8x1024x128xf32, #tpu.memory_space<vmem>>) target(%dma_start3A_2369 : memref<8x1024x128xf32, #tpu.memory_space<any>>) target_semaphore(%dma_start3A_2365 : memref<!tpu.dma_semaphore, #tpu.memory_space<semaphore_mem>>)
    %dma_wait3A_2374 = arith.constant 6 : i32
    %dma_wait3A_2375 = tpu.memref_slice %arg3[%dma_wait3A_2374] : memref<8x!tpu.dma_semaphore, #tpu.memory_space<semaphore_mem>> -> memref<1x!tpu.dma_semaphore, #tpu.memory_space<semaphore_mem>>
    %dma_wait3A_2376 = tpu.memref_squeeze %dma_wait3A_2375 : memref<1x!tpu.dma_semaphore, #tpu.memory_space<semaphore_mem>> -> memref<!tpu.dma_semaphore, #tpu.memory_space<semaphore_mem>>
    %dma_wait3A_2377 = arith.constant 560 : i32
    %dma_wait3A_2378 = arith.constant 0 : i32
    %dma_wait3A_2379 = arith.constant 0 : i32
    %dma_wait3A_2380 = tpu.memref_slice %arg1[%dma_wait3A_2377, %dma_wait3A_2378, %dma_wait3A_2379] : memref<1024x1024x128xf32, #tpu.memory_space<any>> -> memref<8x1024x128xf32, #tpu.memory_space<any>>
    %dma_wait3A_2381 = arith.constant 0 : i32
    %dma_wait3A_2382 = arith.constant 496 : i32
    %dma_wait3A_2383 = arith.constant 0 : i32
    %dma_wait3A_2384 = tpu.memref_slice %arg2[%dma_wait3A_2381, %dma_wait3A_2382, %dma_wait3A_2383] : memref<8x2120x128xf32, #tpu.memory_space<vmem>> -> memref<8x1024x128xf32, #tpu.memory_space<vmem>>
    tpu.wait_dma2 semaphore(%dma_wait3A_2376 : memref<!tpu.dma_semaphore, #tpu.memory_space<semaphore_mem>>) src(%dma_wait3A_2384 : memref<8x1024x128xf32, #tpu.memory_space<vmem>>) dst(%dma_wait3A_2380 : memref<8x1024x128xf32, #tpu.memory_space<any>>)
    %dma_start3A_2385 = arith.constant 6 : i32
    %dma_start3A_2386 = tpu.memref_slice %arg3[%dma_start3A_2385] : memref<8x!tpu.dma_semaphore, #tpu.memory_space<semaphore_mem>> -> memref<1x!tpu.dma_semaphore, #tpu.memory_space<semaphore_mem>>
    %dma_start3A_2387 = tpu.memref_squeeze %dma_start3A_2386 : memref<1x!tpu.dma_semaphore, #tpu.memory_space<semaphore_mem>> -> memref<!tpu.dma_semaphore, #tpu.memory_space<semaphore_mem>>
    %dma_start3A_2388 = arith.constant 624 : i32
    %dma_start3A_2389 = arith.constant 0 : i32
    %dma_start3A_2390 = arith.constant 0 : i32
    %dma_start3A_2391 = tpu.memref_slice %arg1[%dma_start3A_2388, %dma_start3A_2389, %dma_start3A_2390] : memref<1024x1024x128xf32, #tpu.memory_space<any>> -> memref<8x1024x128xf32, #tpu.memory_space<any>>
    %dma_start3A_2392 = arith.constant 0 : i32
    %dma_start3A_2393 = arith.constant 432 : i32
    %dma_start3A_2394 = arith.constant 0 : i32
    %dma_start3A_2395 = tpu.memref_slice %arg2[%dma_start3A_2392, %dma_start3A_2393, %dma_start3A_2394] : memref<8x2120x128xf32, #tpu.memory_space<vmem>> -> memref<8x1024x128xf32, #tpu.memory_space<vmem>>
    tpu.enqueue_dma source(%dma_start3A_2395 : memref<8x1024x128xf32, #tpu.memory_space<vmem>>) target(%dma_start3A_2391 : memref<8x1024x128xf32, #tpu.memory_space<any>>) target_semaphore(%dma_start3A_2387 : memref<!tpu.dma_semaphore, #tpu.memory_space<semaphore_mem>>)
    %dma_wait3A_2396 = arith.constant 7 : i32
    %dma_wait3A_2397 = tpu.memref_slice %arg3[%dma_wait3A_2396] : memref<8x!tpu.dma_semaphore, #tpu.memory_space<semaphore_mem>> -> memref<1x!tpu.dma_semaphore, #tpu.memory_space<semaphore_mem>>
    %dma_wait3A_2398 = tpu.memref_squeeze %dma_wait3A_2397 : memref<1x!tpu.dma_semaphore, #tpu.memory_space<semaphore_mem>> -> memref<!tpu.dma_semaphore, #tpu.memory_space<semaphore_mem>>
    %dma_wait3A_2399 = arith.constant 568 : i32
    %dma_wait3A_2400 = arith.constant 0 : i32
    %dma_wait3A_2401 = arith.constant 0 : i32
    %dma_wait3A_2402 = tpu.memref_slice %arg1[%dma_wait3A_2399, %dma_wait3A_2400, %dma_wait3A_2401] : memref<1024x1024x128xf32, #tpu.memory_space<any>> -> memref<8x1024x128xf32, #tpu.memory_space<any>>
    %dma_wait3A_2403 = arith.constant 0 : i32
    %dma_wait3A_2404 = arith.constant 488 : i32
    %dma_wait3A_2405 = arith.constant 0 : i32
    %dma_wait3A_2406 = tpu.memref_slice %arg2[%dma_wait3A_2403, %dma_wait3A_2404, %dma_wait3A_2405] : memref<8x2120x128xf32, #tpu.memory_space<vmem>> -> memref<8x1024x128xf32, #tpu.memory_space<vmem>>
    tpu.wait_dma2 semaphore(%dma_wait3A_2398 : memref<!tpu.dma_semaphore, #tpu.memory_space<semaphore_mem>>) src(%dma_wait3A_2406 : memref<8x1024x128xf32, #tpu.memory_space<vmem>>) dst(%dma_wait3A_2402 : memref<8x1024x128xf32, #tpu.memory_space<any>>)
    %dma_start3A_2407 = arith.constant 7 : i32
    %dma_start3A_2408 = tpu.memref_slice %arg3[%dma_start3A_2407] : memref<8x!tpu.dma_semaphore, #tpu.memory_space<semaphore_mem>> -> memref<1x!tpu.dma_semaphore, #tpu.memory_space<semaphore_mem>>
    %dma_start3A_2409 = tpu.memref_squeeze %dma_start3A_2408 : memref<1x!tpu.dma_semaphore, #tpu.memory_space<semaphore_mem>> -> memref<!tpu.dma_semaphore, #tpu.memory_space<semaphore_mem>>
    %dma_start3A_2410 = arith.constant 632 : i32
    %dma_start3A_2411 = arith.constant 0 : i32
    %dma_start3A_2412 = arith.constant 0 : i32
    %dma_start3A_2413 = tpu.memref_slice %arg1[%dma_start3A_2410, %dma_start3A_2411, %dma_start3A_2412] : memref<1024x1024x128xf32, #tpu.memory_space<any>> -> memref<8x1024x128xf32, #tpu.memory_space<any>>
    %dma_start3A_2414 = arith.constant 0 : i32
    %dma_start3A_2415 = arith.constant 424 : i32
    %dma_start3A_2416 = arith.constant 0 : i32
    %dma_start3A_2417 = tpu.memref_slice %arg2[%dma_start3A_2414, %dma_start3A_2415, %dma_start3A_2416] : memref<8x2120x128xf32, #tpu.memory_space<vmem>> -> memref<8x1024x128xf32, #tpu.memory_space<vmem>>
    tpu.enqueue_dma source(%dma_start3A_2417 : memref<8x1024x128xf32, #tpu.memory_space<vmem>>) target(%dma_start3A_2413 : memref<8x1024x128xf32, #tpu.memory_space<any>>) target_semaphore(%dma_start3A_2409 : memref<!tpu.dma_semaphore, #tpu.memory_space<semaphore_mem>>)
    %dma_wait3A_2418 = arith.constant 0 : i32
    %dma_wait3A_2419 = tpu.memref_slice %arg3[%dma_wait3A_2418] : memref<8x!tpu.dma_semaphore, #tpu.memory_space<semaphore_mem>> -> memref<1x!tpu.dma_semaphore, #tpu.memory_space<semaphore_mem>>
    %dma_wait3A_2420 = tpu.memref_squeeze %dma_wait3A_2419 : memref<1x!tpu.dma_semaphore, #tpu.memory_space<semaphore_mem>> -> memref<!tpu.dma_semaphore, #tpu.memory_space<semaphore_mem>>
    %dma_wait3A_2421 = arith.constant 576 : i32
    %dma_wait3A_2422 = arith.constant 0 : i32
    %dma_wait3A_2423 = arith.constant 0 : i32
    %dma_wait3A_2424 = tpu.memref_slice %arg1[%dma_wait3A_2421, %dma_wait3A_2422, %dma_wait3A_2423] : memref<1024x1024x128xf32, #tpu.memory_space<any>> -> memref<8x1024x128xf32, #tpu.memory_space<any>>
    %dma_wait3A_2425 = arith.constant 0 : i32
    %dma_wait3A_2426 = arith.constant 480 : i32
    %dma_wait3A_2427 = arith.constant 0 : i32
    %dma_wait3A_2428 = tpu.memref_slice %arg2[%dma_wait3A_2425, %dma_wait3A_2426, %dma_wait3A_2427] : memref<8x2120x128xf32, #tpu.memory_space<vmem>> -> memref<8x1024x128xf32, #tpu.memory_space<vmem>>
    tpu.wait_dma2 semaphore(%dma_wait3A_2420 : memref<!tpu.dma_semaphore, #tpu.memory_space<semaphore_mem>>) src(%dma_wait3A_2428 : memref<8x1024x128xf32, #tpu.memory_space<vmem>>) dst(%dma_wait3A_2424 : memref<8x1024x128xf32, #tpu.memory_space<any>>)
    %dma_start3A_2429 = arith.constant 0 : i32
    %dma_start3A_2430 = tpu.memref_slice %arg3[%dma_start3A_2429] : memref<8x!tpu.dma_semaphore, #tpu.memory_space<semaphore_mem>> -> memref<1x!tpu.dma_semaphore, #tpu.memory_space<semaphore_mem>>
    %dma_start3A_2431 = tpu.memref_squeeze %dma_start3A_2430 : memref<1x!tpu.dma_semaphore, #tpu.memory_space<semaphore_mem>> -> memref<!tpu.dma_semaphore, #tpu.memory_space<semaphore_mem>>
    %dma_start3A_2432 = arith.constant 640 : i32
    %dma_start3A_2433 = arith.constant 0 : i32
    %dma_start3A_2434 = arith.constant 0 : i32
    %dma_start3A_2435 = tpu.memref_slice %arg1[%dma_start3A_2432, %dma_start3A_2433, %dma_start3A_2434] : memref<1024x1024x128xf32, #tpu.memory_space<any>> -> memref<8x1024x128xf32, #tpu.memory_space<any>>
    %dma_start3A_2436 = arith.constant 0 : i32
    %dma_start3A_2437 = arith.constant 416 : i32
    %dma_start3A_2438 = arith.constant 0 : i32
    %dma_start3A_2439 = tpu.memref_slice %arg2[%dma_start3A_2436, %dma_start3A_2437, %dma_start3A_2438] : memref<8x2120x128xf32, #tpu.memory_space<vmem>> -> memref<8x1024x128xf32, #tpu.memory_space<vmem>>
    tpu.enqueue_dma source(%dma_start3A_2439 : memref<8x1024x128xf32, #tpu.memory_space<vmem>>) target(%dma_start3A_2435 : memref<8x1024x128xf32, #tpu.memory_space<any>>) target_semaphore(%dma_start3A_2431 : memref<!tpu.dma_semaphore, #tpu.memory_space<semaphore_mem>>)
    %dma_wait3A_2440 = arith.constant 1 : i32
    %dma_wait3A_2441 = tpu.memref_slice %arg3[%dma_wait3A_2440] : memref<8x!tpu.dma_semaphore, #tpu.memory_space<semaphore_mem>> -> memref<1x!tpu.dma_semaphore, #tpu.memory_space<semaphore_mem>>
    %dma_wait3A_2442 = tpu.memref_squeeze %dma_wait3A_2441 : memref<1x!tpu.dma_semaphore, #tpu.memory_space<semaphore_mem>> -> memref<!tpu.dma_semaphore, #tpu.memory_space<semaphore_mem>>
    %dma_wait3A_2443 = arith.constant 584 : i32
    %dma_wait3A_2444 = arith.constant 0 : i32
    %dma_wait3A_2445 = arith.constant 0 : i32
    %dma_wait3A_2446 = tpu.memref_slice %arg1[%dma_wait3A_2443, %dma_wait3A_2444, %dma_wait3A_2445] : memref<1024x1024x128xf32, #tpu.memory_space<any>> -> memref<8x1024x128xf32, #tpu.memory_space<any>>
    %dma_wait3A_2447 = arith.constant 0 : i32
    %dma_wait3A_2448 = arith.constant 472 : i32
    %dma_wait3A_2449 = arith.constant 0 : i32
    %dma_wait3A_2450 = tpu.memref_slice %arg2[%dma_wait3A_2447, %dma_wait3A_2448, %dma_wait3A_2449] : memref<8x2120x128xf32, #tpu.memory_space<vmem>> -> memref<8x1024x128xf32, #tpu.memory_space<vmem>>
    tpu.wait_dma2 semaphore(%dma_wait3A_2442 : memref<!tpu.dma_semaphore, #tpu.memory_space<semaphore_mem>>) src(%dma_wait3A_2450 : memref<8x1024x128xf32, #tpu.memory_space<vmem>>) dst(%dma_wait3A_2446 : memref<8x1024x128xf32, #tpu.memory_space<any>>)
    %dma_start3A_2451 = arith.constant 1 : i32
    %dma_start3A_2452 = tpu.memref_slice %arg3[%dma_start3A_2451] : memref<8x!tpu.dma_semaphore, #tpu.memory_space<semaphore_mem>> -> memref<1x!tpu.dma_semaphore, #tpu.memory_space<semaphore_mem>>
    %dma_start3A_2453 = tpu.memref_squeeze %dma_start3A_2452 : memref<1x!tpu.dma_semaphore, #tpu.memory_space<semaphore_mem>> -> memref<!tpu.dma_semaphore, #tpu.memory_space<semaphore_mem>>
    %dma_start3A_2454 = arith.constant 648 : i32
    %dma_start3A_2455 = arith.constant 0 : i32
    %dma_start3A_2456 = arith.constant 0 : i32
    %dma_start3A_2457 = tpu.memref_slice %arg1[%dma_start3A_2454, %dma_start3A_2455, %dma_start3A_2456] : memref<1024x1024x128xf32, #tpu.memory_space<any>> -> memref<8x1024x128xf32, #tpu.memory_space<any>>
    %dma_start3A_2458 = arith.constant 0 : i32
    %dma_start3A_2459 = arith.constant 408 : i32
    %dma_start3A_2460 = arith.constant 0 : i32
    %dma_start3A_2461 = tpu.memref_slice %arg2[%dma_start3A_2458, %dma_start3A_2459, %dma_start3A_2460] : memref<8x2120x128xf32, #tpu.memory_space<vmem>> -> memref<8x1024x128xf32, #tpu.memory_space<vmem>>
    tpu.enqueue_dma source(%dma_start3A_2461 : memref<8x1024x128xf32, #tpu.memory_space<vmem>>) target(%dma_start3A_2457 : memref<8x1024x128xf32, #tpu.memory_space<any>>) target_semaphore(%dma_start3A_2453 : memref<!tpu.dma_semaphore, #tpu.memory_space<semaphore_mem>>)
    %dma_wait3A_2462 = arith.constant 2 : i32
    %dma_wait3A_2463 = tpu.memref_slice %arg3[%dma_wait3A_2462] : memref<8x!tpu.dma_semaphore, #tpu.memory_space<semaphore_mem>> -> memref<1x!tpu.dma_semaphore, #tpu.memory_space<semaphore_mem>>
    %dma_wait3A_2464 = tpu.memref_squeeze %dma_wait3A_2463 : memref<1x!tpu.dma_semaphore, #tpu.memory_space<semaphore_mem>> -> memref<!tpu.dma_semaphore, #tpu.memory_space<semaphore_mem>>
    %dma_wait3A_2465 = arith.constant 592 : i32
    %dma_wait3A_2466 = arith.constant 0 : i32
    %dma_wait3A_2467 = arith.constant 0 : i32
    %dma_wait3A_2468 = tpu.memref_slice %arg1[%dma_wait3A_2465, %dma_wait3A_2466, %dma_wait3A_2467] : memref<1024x1024x128xf32, #tpu.memory_space<any>> -> memref<8x1024x128xf32, #tpu.memory_space<any>>
    %dma_wait3A_2469 = arith.constant 0 : i32
    %dma_wait3A_2470 = arith.constant 464 : i32
    %dma_wait3A_2471 = arith.constant 0 : i32
    %dma_wait3A_2472 = tpu.memref_slice %arg2[%dma_wait3A_2469, %dma_wait3A_2470, %dma_wait3A_2471] : memref<8x2120x128xf32, #tpu.memory_space<vmem>> -> memref<8x1024x128xf32, #tpu.memory_space<vmem>>
    tpu.wait_dma2 semaphore(%dma_wait3A_2464 : memref<!tpu.dma_semaphore, #tpu.memory_space<semaphore_mem>>) src(%dma_wait3A_2472 : memref<8x1024x128xf32, #tpu.memory_space<vmem>>) dst(%dma_wait3A_2468 : memref<8x1024x128xf32, #tpu.memory_space<any>>)
    %dma_start3A_2473 = arith.constant 2 : i32
    %dma_start3A_2474 = tpu.memref_slice %arg3[%dma_start3A_2473] : memref<8x!tpu.dma_semaphore, #tpu.memory_space<semaphore_mem>> -> memref<1x!tpu.dma_semaphore, #tpu.memory_space<semaphore_mem>>
    %dma_start3A_2475 = tpu.memref_squeeze %dma_start3A_2474 : memref<1x!tpu.dma_semaphore, #tpu.memory_space<semaphore_mem>> -> memref<!tpu.dma_semaphore, #tpu.memory_space<semaphore_mem>>
    %dma_start3A_2476 = arith.constant 656 : i32
    %dma_start3A_2477 = arith.constant 0 : i32
    %dma_start3A_2478 = arith.constant 0 : i32
    %dma_start3A_2479 = tpu.memref_slice %arg1[%dma_start3A_2476, %dma_start3A_2477, %dma_start3A_2478] : memref<1024x1024x128xf32, #tpu.memory_space<any>> -> memref<8x1024x128xf32, #tpu.memory_space<any>>
    %dma_start3A_2480 = arith.constant 0 : i32
    %dma_start3A_2481 = arith.constant 400 : i32
    %dma_start3A_2482 = arith.constant 0 : i32
    %dma_start3A_2483 = tpu.memref_slice %arg2[%dma_start3A_2480, %dma_start3A_2481, %dma_start3A_2482] : memref<8x2120x128xf32, #tpu.memory_space<vmem>> -> memref<8x1024x128xf32, #tpu.memory_space<vmem>>
    tpu.enqueue_dma source(%dma_start3A_2483 : memref<8x1024x128xf32, #tpu.memory_space<vmem>>) target(%dma_start3A_2479 : memref<8x1024x128xf32, #tpu.memory_space<any>>) target_semaphore(%dma_start3A_2475 : memref<!tpu.dma_semaphore, #tpu.memory_space<semaphore_mem>>)
    %dma_wait3A_2484 = arith.constant 3 : i32
    %dma_wait3A_2485 = tpu.memref_slice %arg3[%dma_wait3A_2484] : memref<8x!tpu.dma_semaphore, #tpu.memory_space<semaphore_mem>> -> memref<1x!tpu.dma_semaphore, #tpu.memory_space<semaphore_mem>>
    %dma_wait3A_2486 = tpu.memref_squeeze %dma_wait3A_2485 : memref<1x!tpu.dma_semaphore, #tpu.memory_space<semaphore_mem>> -> memref<!tpu.dma_semaphore, #tpu.memory_space<semaphore_mem>>
    %dma_wait3A_2487 = arith.constant 600 : i32
    %dma_wait3A_2488 = arith.constant 0 : i32
    %dma_wait3A_2489 = arith.constant 0 : i32
    %dma_wait3A_2490 = tpu.memref_slice %arg1[%dma_wait3A_2487, %dma_wait3A_2488, %dma_wait3A_2489] : memref<1024x1024x128xf32, #tpu.memory_space<any>> -> memref<8x1024x128xf32, #tpu.memory_space<any>>
    %dma_wait3A_2491 = arith.constant 0 : i32
    %dma_wait3A_2492 = arith.constant 456 : i32
    %dma_wait3A_2493 = arith.constant 0 : i32
    %dma_wait3A_2494 = tpu.memref_slice %arg2[%dma_wait3A_2491, %dma_wait3A_2492, %dma_wait3A_2493] : memref<8x2120x128xf32, #tpu.memory_space<vmem>> -> memref<8x1024x128xf32, #tpu.memory_space<vmem>>
    tpu.wait_dma2 semaphore(%dma_wait3A_2486 : memref<!tpu.dma_semaphore, #tpu.memory_space<semaphore_mem>>) src(%dma_wait3A_2494 : memref<8x1024x128xf32, #tpu.memory_space<vmem>>) dst(%dma_wait3A_2490 : memref<8x1024x128xf32, #tpu.memory_space<any>>)
    %dma_start3A_2495 = arith.constant 3 : i32
    %dma_start3A_2496 = tpu.memref_slice %arg3[%dma_start3A_2495] : memref<8x!tpu.dma_semaphore, #tpu.memory_space<semaphore_mem>> -> memref<1x!tpu.dma_semaphore, #tpu.memory_space<semaphore_mem>>
    %dma_start3A_2497 = tpu.memref_squeeze %dma_start3A_2496 : memref<1x!tpu.dma_semaphore, #tpu.memory_space<semaphore_mem>> -> memref<!tpu.dma_semaphore, #tpu.memory_space<semaphore_mem>>
    %dma_start3A_2498 = arith.constant 664 : i32
    %dma_start3A_2499 = arith.constant 0 : i32
    %dma_start3A_2500 = arith.constant 0 : i32
    %dma_start3A_2501 = tpu.memref_slice %arg1[%dma_start3A_2498, %dma_start3A_2499, %dma_start3A_2500] : memref<1024x1024x128xf32, #tpu.memory_space<any>> -> memref<8x1024x128xf32, #tpu.memory_space<any>>
    %dma_start3A_2502 = arith.constant 0 : i32
    %dma_start3A_2503 = arith.constant 392 : i32
    %dma_start3A_2504 = arith.constant 0 : i32
    %dma_start3A_2505 = tpu.memref_slice %arg2[%dma_start3A_2502, %dma_start3A_2503, %dma_start3A_2504] : memref<8x2120x128xf32, #tpu.memory_space<vmem>> -> memref<8x1024x128xf32, #tpu.memory_space<vmem>>
    tpu.enqueue_dma source(%dma_start3A_2505 : memref<8x1024x128xf32, #tpu.memory_space<vmem>>) target(%dma_start3A_2501 : memref<8x1024x128xf32, #tpu.memory_space<any>>) target_semaphore(%dma_start3A_2497 : memref<!tpu.dma_semaphore, #tpu.memory_space<semaphore_mem>>)
    %dma_wait3A_2506 = arith.constant 4 : i32
    %dma_wait3A_2507 = tpu.memref_slice %arg3[%dma_wait3A_2506] : memref<8x!tpu.dma_semaphore, #tpu.memory_space<semaphore_mem>> -> memref<1x!tpu.dma_semaphore, #tpu.memory_space<semaphore_mem>>
    %dma_wait3A_2508 = tpu.memref_squeeze %dma_wait3A_2507 : memref<1x!tpu.dma_semaphore, #tpu.memory_space<semaphore_mem>> -> memref<!tpu.dma_semaphore, #tpu.memory_space<semaphore_mem>>
    %dma_wait3A_2509 = arith.constant 608 : i32
    %dma_wait3A_2510 = arith.constant 0 : i32
    %dma_wait3A_2511 = arith.constant 0 : i32
    %dma_wait3A_2512 = tpu.memref_slice %arg1[%dma_wait3A_2509, %dma_wait3A_2510, %dma_wait3A_2511] : memref<1024x1024x128xf32, #tpu.memory_space<any>> -> memref<8x1024x128xf32, #tpu.memory_space<any>>
    %dma_wait3A_2513 = arith.constant 0 : i32
    %dma_wait3A_2514 = arith.constant 448 : i32
    %dma_wait3A_2515 = arith.constant 0 : i32
    %dma_wait3A_2516 = tpu.memref_slice %arg2[%dma_wait3A_2513, %dma_wait3A_2514, %dma_wait3A_2515] : memref<8x2120x128xf32, #tpu.memory_space<vmem>> -> memref<8x1024x128xf32, #tpu.memory_space<vmem>>
    tpu.wait_dma2 semaphore(%dma_wait3A_2508 : memref<!tpu.dma_semaphore, #tpu.memory_space<semaphore_mem>>) src(%dma_wait3A_2516 : memref<8x1024x128xf32, #tpu.memory_space<vmem>>) dst(%dma_wait3A_2512 : memref<8x1024x128xf32, #tpu.memory_space<any>>)
    %dma_start3A_2517 = arith.constant 4 : i32
    %dma_start3A_2518 = tpu.memref_slice %arg3[%dma_start3A_2517] : memref<8x!tpu.dma_semaphore, #tpu.memory_space<semaphore_mem>> -> memref<1x!tpu.dma_semaphore, #tpu.memory_space<semaphore_mem>>
    %dma_start3A_2519 = tpu.memref_squeeze %dma_start3A_2518 : memref<1x!tpu.dma_semaphore, #tpu.memory_space<semaphore_mem>> -> memref<!tpu.dma_semaphore, #tpu.memory_space<semaphore_mem>>
    %dma_start3A_2520 = arith.constant 672 : i32
    %dma_start3A_2521 = arith.constant 0 : i32
    %dma_start3A_2522 = arith.constant 0 : i32
    %dma_start3A_2523 = tpu.memref_slice %arg1[%dma_start3A_2520, %dma_start3A_2521, %dma_start3A_2522] : memref<1024x1024x128xf32, #tpu.memory_space<any>> -> memref<8x1024x128xf32, #tpu.memory_space<any>>
    %dma_start3A_2524 = arith.constant 0 : i32
    %dma_start3A_2525 = arith.constant 384 : i32
    %dma_start3A_2526 = arith.constant 0 : i32
    %dma_start3A_2527 = tpu.memref_slice %arg2[%dma_start3A_2524, %dma_start3A_2525, %dma_start3A_2526] : memref<8x2120x128xf32, #tpu.memory_space<vmem>> -> memref<8x1024x128xf32, #tpu.memory_space<vmem>>
    tpu.enqueue_dma source(%dma_start3A_2527 : memref<8x1024x128xf32, #tpu.memory_space<vmem>>) target(%dma_start3A_2523 : memref<8x1024x128xf32, #tpu.memory_space<any>>) target_semaphore(%dma_start3A_2519 : memref<!tpu.dma_semaphore, #tpu.memory_space<semaphore_mem>>)
    %dma_wait3A_2528 = arith.constant 5 : i32
    %dma_wait3A_2529 = tpu.memref_slice %arg3[%dma_wait3A_2528] : memref<8x!tpu.dma_semaphore, #tpu.memory_space<semaphore_mem>> -> memref<1x!tpu.dma_semaphore, #tpu.memory_space<semaphore_mem>>
    %dma_wait3A_2530 = tpu.memref_squeeze %dma_wait3A_2529 : memref<1x!tpu.dma_semaphore, #tpu.memory_space<semaphore_mem>> -> memref<!tpu.dma_semaphore, #tpu.memory_space<semaphore_mem>>
    %dma_wait3A_2531 = arith.constant 616 : i32
    %dma_wait3A_2532 = arith.constant 0 : i32
    %dma_wait3A_2533 = arith.constant 0 : i32
    %dma_wait3A_2534 = tpu.memref_slice %arg1[%dma_wait3A_2531, %dma_wait3A_2532, %dma_wait3A_2533] : memref<1024x1024x128xf32, #tpu.memory_space<any>> -> memref<8x1024x128xf32, #tpu.memory_space<any>>
    %dma_wait3A_2535 = arith.constant 0 : i32
    %dma_wait3A_2536 = arith.constant 440 : i32
    %dma_wait3A_2537 = arith.constant 0 : i32
    %dma_wait3A_2538 = tpu.memref_slice %arg2[%dma_wait3A_2535, %dma_wait3A_2536, %dma_wait3A_2537] : memref<8x2120x128xf32, #tpu.memory_space<vmem>> -> memref<8x1024x128xf32, #tpu.memory_space<vmem>>
    tpu.wait_dma2 semaphore(%dma_wait3A_2530 : memref<!tpu.dma_semaphore, #tpu.memory_space<semaphore_mem>>) src(%dma_wait3A_2538 : memref<8x1024x128xf32, #tpu.memory_space<vmem>>) dst(%dma_wait3A_2534 : memref<8x1024x128xf32, #tpu.memory_space<any>>)
    %dma_start3A_2539 = arith.constant 5 : i32
    %dma_start3A_2540 = tpu.memref_slice %arg3[%dma_start3A_2539] : memref<8x!tpu.dma_semaphore, #tpu.memory_space<semaphore_mem>> -> memref<1x!tpu.dma_semaphore, #tpu.memory_space<semaphore_mem>>
    %dma_start3A_2541 = tpu.memref_squeeze %dma_start3A_2540 : memref<1x!tpu.dma_semaphore, #tpu.memory_space<semaphore_mem>> -> memref<!tpu.dma_semaphore, #tpu.memory_space<semaphore_mem>>
    %dma_start3A_2542 = arith.constant 680 : i32
    %dma_start3A_2543 = arith.constant 0 : i32
    %dma_start3A_2544 = arith.constant 0 : i32
    %dma_start3A_2545 = tpu.memref_slice %arg1[%dma_start3A_2542, %dma_start3A_2543, %dma_start3A_2544] : memref<1024x1024x128xf32, #tpu.memory_space<any>> -> memref<8x1024x128xf32, #tpu.memory_space<any>>
    %dma_start3A_2546 = arith.constant 0 : i32
    %dma_start3A_2547 = arith.constant 376 : i32
    %dma_start3A_2548 = arith.constant 0 : i32
    %dma_start3A_2549 = tpu.memref_slice %arg2[%dma_start3A_2546, %dma_start3A_2547, %dma_start3A_2548] : memref<8x2120x128xf32, #tpu.memory_space<vmem>> -> memref<8x1024x128xf32, #tpu.memory_space<vmem>>
    tpu.enqueue_dma source(%dma_start3A_2549 : memref<8x1024x128xf32, #tpu.memory_space<vmem>>) target(%dma_start3A_2545 : memref<8x1024x128xf32, #tpu.memory_space<any>>) target_semaphore(%dma_start3A_2541 : memref<!tpu.dma_semaphore, #tpu.memory_space<semaphore_mem>>)
    %dma_wait3A_2550 = arith.constant 6 : i32
    %dma_wait3A_2551 = tpu.memref_slice %arg3[%dma_wait3A_2550] : memref<8x!tpu.dma_semaphore, #tpu.memory_space<semaphore_mem>> -> memref<1x!tpu.dma_semaphore, #tpu.memory_space<semaphore_mem>>
    %dma_wait3A_2552 = tpu.memref_squeeze %dma_wait3A_2551 : memref<1x!tpu.dma_semaphore, #tpu.memory_space<semaphore_mem>> -> memref<!tpu.dma_semaphore, #tpu.memory_space<semaphore_mem>>
    %dma_wait3A_2553 = arith.constant 624 : i32
    %dma_wait3A_2554 = arith.constant 0 : i32
    %dma_wait3A_2555 = arith.constant 0 : i32
    %dma_wait3A_2556 = tpu.memref_slice %arg1[%dma_wait3A_2553, %dma_wait3A_2554, %dma_wait3A_2555] : memref<1024x1024x128xf32, #tpu.memory_space<any>> -> memref<8x1024x128xf32, #tpu.memory_space<any>>
    %dma_wait3A_2557 = arith.constant 0 : i32
    %dma_wait3A_2558 = arith.constant 432 : i32
    %dma_wait3A_2559 = arith.constant 0 : i32
    %dma_wait3A_2560 = tpu.memref_slice %arg2[%dma_wait3A_2557, %dma_wait3A_2558, %dma_wait3A_2559] : memref<8x2120x128xf32, #tpu.memory_space<vmem>> -> memref<8x1024x128xf32, #tpu.memory_space<vmem>>
    tpu.wait_dma2 semaphore(%dma_wait3A_2552 : memref<!tpu.dma_semaphore, #tpu.memory_space<semaphore_mem>>) src(%dma_wait3A_2560 : memref<8x1024x128xf32, #tpu.memory_space<vmem>>) dst(%dma_wait3A_2556 : memref<8x1024x128xf32, #tpu.memory_space<any>>)
    %dma_start3A_2561 = arith.constant 6 : i32
    %dma_start3A_2562 = tpu.memref_slice %arg3[%dma_start3A_2561] : memref<8x!tpu.dma_semaphore, #tpu.memory_space<semaphore_mem>> -> memref<1x!tpu.dma_semaphore, #tpu.memory_space<semaphore_mem>>
    %dma_start3A_2563 = tpu.memref_squeeze %dma_start3A_2562 : memref<1x!tpu.dma_semaphore, #tpu.memory_space<semaphore_mem>> -> memref<!tpu.dma_semaphore, #tpu.memory_space<semaphore_mem>>
    %dma_start3A_2564 = arith.constant 688 : i32
    %dma_start3A_2565 = arith.constant 0 : i32
    %dma_start3A_2566 = arith.constant 0 : i32
    %dma_start3A_2567 = tpu.memref_slice %arg1[%dma_start3A_2564, %dma_start3A_2565, %dma_start3A_2566] : memref<1024x1024x128xf32, #tpu.memory_space<any>> -> memref<8x1024x128xf32, #tpu.memory_space<any>>
    %dma_start3A_2568 = arith.constant 0 : i32
    %dma_start3A_2569 = arith.constant 368 : i32
    %dma_start3A_2570 = arith.constant 0 : i32
    %dma_start3A_2571 = tpu.memref_slice %arg2[%dma_start3A_2568, %dma_start3A_2569, %dma_start3A_2570] : memref<8x2120x128xf32, #tpu.memory_space<vmem>> -> memref<8x1024x128xf32, #tpu.memory_space<vmem>>
    tpu.enqueue_dma source(%dma_start3A_2571 : memref<8x1024x128xf32, #tpu.memory_space<vmem>>) target(%dma_start3A_2567 : memref<8x1024x128xf32, #tpu.memory_space<any>>) target_semaphore(%dma_start3A_2563 : memref<!tpu.dma_semaphore, #tpu.memory_space<semaphore_mem>>)
    %dma_wait3A_2572 = arith.constant 7 : i32
    %dma_wait3A_2573 = tpu.memref_slice %arg3[%dma_wait3A_2572] : memref<8x!tpu.dma_semaphore, #tpu.memory_space<semaphore_mem>> -> memref<1x!tpu.dma_semaphore, #tpu.memory_space<semaphore_mem>>
    %dma_wait3A_2574 = tpu.memref_squeeze %dma_wait3A_2573 : memref<1x!tpu.dma_semaphore, #tpu.memory_space<semaphore_mem>> -> memref<!tpu.dma_semaphore, #tpu.memory_space<semaphore_mem>>
    %dma_wait3A_2575 = arith.constant 632 : i32
    %dma_wait3A_2576 = arith.constant 0 : i32
    %dma_wait3A_2577 = arith.constant 0 : i32
    %dma_wait3A_2578 = tpu.memref_slice %arg1[%dma_wait3A_2575, %dma_wait3A_2576, %dma_wait3A_2577] : memref<1024x1024x128xf32, #tpu.memory_space<any>> -> memref<8x1024x128xf32, #tpu.memory_space<any>>
    %dma_wait3A_2579 = arith.constant 0 : i32
    %dma_wait3A_2580 = arith.constant 424 : i32
    %dma_wait3A_2581 = arith.constant 0 : i32
    %dma_wait3A_2582 = tpu.memref_slice %arg2[%dma_wait3A_2579, %dma_wait3A_2580, %dma_wait3A_2581] : memref<8x2120x128xf32, #tpu.memory_space<vmem>> -> memref<8x1024x128xf32, #tpu.memory_space<vmem>>
    tpu.wait_dma2 semaphore(%dma_wait3A_2574 : memref<!tpu.dma_semaphore, #tpu.memory_space<semaphore_mem>>) src(%dma_wait3A_2582 : memref<8x1024x128xf32, #tpu.memory_space<vmem>>) dst(%dma_wait3A_2578 : memref<8x1024x128xf32, #tpu.memory_space<any>>)
    %dma_start3A_2583 = arith.constant 7 : i32
    %dma_start3A_2584 = tpu.memref_slice %arg3[%dma_start3A_2583] : memref<8x!tpu.dma_semaphore, #tpu.memory_space<semaphore_mem>> -> memref<1x!tpu.dma_semaphore, #tpu.memory_space<semaphore_mem>>
    %dma_start3A_2585 = tpu.memref_squeeze %dma_start3A_2584 : memref<1x!tpu.dma_semaphore, #tpu.memory_space<semaphore_mem>> -> memref<!tpu.dma_semaphore, #tpu.memory_space<semaphore_mem>>
    %dma_start3A_2586 = arith.constant 696 : i32
    %dma_start3A_2587 = arith.constant 0 : i32
    %dma_start3A_2588 = arith.constant 0 : i32
    %dma_start3A_2589 = tpu.memref_slice %arg1[%dma_start3A_2586, %dma_start3A_2587, %dma_start3A_2588] : memref<1024x1024x128xf32, #tpu.memory_space<any>> -> memref<8x1024x128xf32, #tpu.memory_space<any>>
    %dma_start3A_2590 = arith.constant 0 : i32
    %dma_start3A_2591 = arith.constant 360 : i32
    %dma_start3A_2592 = arith.constant 0 : i32
    %dma_start3A_2593 = tpu.memref_slice %arg2[%dma_start3A_2590, %dma_start3A_2591, %dma_start3A_2592] : memref<8x2120x128xf32, #tpu.memory_space<vmem>> -> memref<8x1024x128xf32, #tpu.memory_space<vmem>>
    tpu.enqueue_dma source(%dma_start3A_2593 : memref<8x1024x128xf32, #tpu.memory_space<vmem>>) target(%dma_start3A_2589 : memref<8x1024x128xf32, #tpu.memory_space<any>>) target_semaphore(%dma_start3A_2585 : memref<!tpu.dma_semaphore, #tpu.memory_space<semaphore_mem>>)
    %dma_wait3A_2594 = arith.constant 0 : i32
    %dma_wait3A_2595 = tpu.memref_slice %arg3[%dma_wait3A_2594] : memref<8x!tpu.dma_semaphore, #tpu.memory_space<semaphore_mem>> -> memref<1x!tpu.dma_semaphore, #tpu.memory_space<semaphore_mem>>
    %dma_wait3A_2596 = tpu.memref_squeeze %dma_wait3A_2595 : memref<1x!tpu.dma_semaphore, #tpu.memory_space<semaphore_mem>> -> memref<!tpu.dma_semaphore, #tpu.memory_space<semaphore_mem>>
    %dma_wait3A_2597 = arith.constant 640 : i32
    %dma_wait3A_2598 = arith.constant 0 : i32
    %dma_wait3A_2599 = arith.constant 0 : i32
    %dma_wait3A_2600 = tpu.memref_slice %arg1[%dma_wait3A_2597, %dma_wait3A_2598, %dma_wait3A_2599] : memref<1024x1024x128xf32, #tpu.memory_space<any>> -> memref<8x1024x128xf32, #tpu.memory_space<any>>
    %dma_wait3A_2601 = arith.constant 0 : i32
    %dma_wait3A_2602 = arith.constant 416 : i32
    %dma_wait3A_2603 = arith.constant 0 : i32
    %dma_wait3A_2604 = tpu.memref_slice %arg2[%dma_wait3A_2601, %dma_wait3A_2602, %dma_wait3A_2603] : memref<8x2120x128xf32, #tpu.memory_space<vmem>> -> memref<8x1024x128xf32, #tpu.memory_space<vmem>>
    tpu.wait_dma2 semaphore(%dma_wait3A_2596 : memref<!tpu.dma_semaphore, #tpu.memory_space<semaphore_mem>>) src(%dma_wait3A_2604 : memref<8x1024x128xf32, #tpu.memory_space<vmem>>) dst(%dma_wait3A_2600 : memref<8x1024x128xf32, #tpu.memory_space<any>>)
    %dma_start3A_2605 = arith.constant 0 : i32
    %dma_start3A_2606 = tpu.memref_slice %arg3[%dma_start3A_2605] : memref<8x!tpu.dma_semaphore, #tpu.memory_space<semaphore_mem>> -> memref<1x!tpu.dma_semaphore, #tpu.memory_space<semaphore_mem>>
    %dma_start3A_2607 = tpu.memref_squeeze %dma_start3A_2606 : memref<1x!tpu.dma_semaphore, #tpu.memory_space<semaphore_mem>> -> memref<!tpu.dma_semaphore, #tpu.memory_space<semaphore_mem>>
    %dma_start3A_2608 = arith.constant 704 : i32
    %dma_start3A_2609 = arith.constant 0 : i32
    %dma_start3A_2610 = arith.constant 0 : i32
    %dma_start3A_2611 = tpu.memref_slice %arg1[%dma_start3A_2608, %dma_start3A_2609, %dma_start3A_2610] : memref<1024x1024x128xf32, #tpu.memory_space<any>> -> memref<8x1024x128xf32, #tpu.memory_space<any>>
    %dma_start3A_2612 = arith.constant 0 : i32
    %dma_start3A_2613 = arith.constant 352 : i32
    %dma_start3A_2614 = arith.constant 0 : i32
    %dma_start3A_2615 = tpu.memref_slice %arg2[%dma_start3A_2612, %dma_start3A_2613, %dma_start3A_2614] : memref<8x2120x128xf32, #tpu.memory_space<vmem>> -> memref<8x1024x128xf32, #tpu.memory_space<vmem>>
    tpu.enqueue_dma source(%dma_start3A_2615 : memref<8x1024x128xf32, #tpu.memory_space<vmem>>) target(%dma_start3A_2611 : memref<8x1024x128xf32, #tpu.memory_space<any>>) target_semaphore(%dma_start3A_2607 : memref<!tpu.dma_semaphore, #tpu.memory_space<semaphore_mem>>)
    %dma_wait3A_2616 = arith.constant 1 : i32
    %dma_wait3A_2617 = tpu.memref_slice %arg3[%dma_wait3A_2616] : memref<8x!tpu.dma_semaphore, #tpu.memory_space<semaphore_mem>> -> memref<1x!tpu.dma_semaphore, #tpu.memory_space<semaphore_mem>>
    %dma_wait3A_2618 = tpu.memref_squeeze %dma_wait3A_2617 : memref<1x!tpu.dma_semaphore, #tpu.memory_space<semaphore_mem>> -> memref<!tpu.dma_semaphore, #tpu.memory_space<semaphore_mem>>
    %dma_wait3A_2619 = arith.constant 648 : i32
    %dma_wait3A_2620 = arith.constant 0 : i32
    %dma_wait3A_2621 = arith.constant 0 : i32
    %dma_wait3A_2622 = tpu.memref_slice %arg1[%dma_wait3A_2619, %dma_wait3A_2620, %dma_wait3A_2621] : memref<1024x1024x128xf32, #tpu.memory_space<any>> -> memref<8x1024x128xf32, #tpu.memory_space<any>>
    %dma_wait3A_2623 = arith.constant 0 : i32
    %dma_wait3A_2624 = arith.constant 408 : i32
    %dma_wait3A_2625 = arith.constant 0 : i32
    %dma_wait3A_2626 = tpu.memref_slice %arg2[%dma_wait3A_2623, %dma_wait3A_2624, %dma_wait3A_2625] : memref<8x2120x128xf32, #tpu.memory_space<vmem>> -> memref<8x1024x128xf32, #tpu.memory_space<vmem>>
    tpu.wait_dma2 semaphore(%dma_wait3A_2618 : memref<!tpu.dma_semaphore, #tpu.memory_space<semaphore_mem>>) src(%dma_wait3A_2626 : memref<8x1024x128xf32, #tpu.memory_space<vmem>>) dst(%dma_wait3A_2622 : memref<8x1024x128xf32, #tpu.memory_space<any>>)
    %dma_start3A_2627 = arith.constant 1 : i32
    %dma_start3A_2628 = tpu.memref_slice %arg3[%dma_start3A_2627] : memref<8x!tpu.dma_semaphore, #tpu.memory_space<semaphore_mem>> -> memref<1x!tpu.dma_semaphore, #tpu.memory_space<semaphore_mem>>
    %dma_start3A_2629 = tpu.memref_squeeze %dma_start3A_2628 : memref<1x!tpu.dma_semaphore, #tpu.memory_space<semaphore_mem>> -> memref<!tpu.dma_semaphore, #tpu.memory_space<semaphore_mem>>
    %dma_start3A_2630 = arith.constant 712 : i32
    %dma_start3A_2631 = arith.constant 0 : i32
    %dma_start3A_2632 = arith.constant 0 : i32
    %dma_start3A_2633 = tpu.memref_slice %arg1[%dma_start3A_2630, %dma_start3A_2631, %dma_start3A_2632] : memref<1024x1024x128xf32, #tpu.memory_space<any>> -> memref<8x1024x128xf32, #tpu.memory_space<any>>
    %dma_start3A_2634 = arith.constant 0 : i32
    %dma_start3A_2635 = arith.constant 344 : i32
    %dma_start3A_2636 = arith.constant 0 : i32
    %dma_start3A_2637 = tpu.memref_slice %arg2[%dma_start3A_2634, %dma_start3A_2635, %dma_start3A_2636] : memref<8x2120x128xf32, #tpu.memory_space<vmem>> -> memref<8x1024x128xf32, #tpu.memory_space<vmem>>
    tpu.enqueue_dma source(%dma_start3A_2637 : memref<8x1024x128xf32, #tpu.memory_space<vmem>>) target(%dma_start3A_2633 : memref<8x1024x128xf32, #tpu.memory_space<any>>) target_semaphore(%dma_start3A_2629 : memref<!tpu.dma_semaphore, #tpu.memory_space<semaphore_mem>>)
    %dma_wait3A_2638 = arith.constant 2 : i32
    %dma_wait3A_2639 = tpu.memref_slice %arg3[%dma_wait3A_2638] : memref<8x!tpu.dma_semaphore, #tpu.memory_space<semaphore_mem>> -> memref<1x!tpu.dma_semaphore, #tpu.memory_space<semaphore_mem>>
    %dma_wait3A_2640 = tpu.memref_squeeze %dma_wait3A_2639 : memref<1x!tpu.dma_semaphore, #tpu.memory_space<semaphore_mem>> -> memref<!tpu.dma_semaphore, #tpu.memory_space<semaphore_mem>>
    %dma_wait3A_2641 = arith.constant 656 : i32
    %dma_wait3A_2642 = arith.constant 0 : i32
    %dma_wait3A_2643 = arith.constant 0 : i32
    %dma_wait3A_2644 = tpu.memref_slice %arg1[%dma_wait3A_2641, %dma_wait3A_2642, %dma_wait3A_2643] : memref<1024x1024x128xf32, #tpu.memory_space<any>> -> memref<8x1024x128xf32, #tpu.memory_space<any>>
    %dma_wait3A_2645 = arith.constant 0 : i32
    %dma_wait3A_2646 = arith.constant 400 : i32
    %dma_wait3A_2647 = arith.constant 0 : i32
    %dma_wait3A_2648 = tpu.memref_slice %arg2[%dma_wait3A_2645, %dma_wait3A_2646, %dma_wait3A_2647] : memref<8x2120x128xf32, #tpu.memory_space<vmem>> -> memref<8x1024x128xf32, #tpu.memory_space<vmem>>
    tpu.wait_dma2 semaphore(%dma_wait3A_2640 : memref<!tpu.dma_semaphore, #tpu.memory_space<semaphore_mem>>) src(%dma_wait3A_2648 : memref<8x1024x128xf32, #tpu.memory_space<vmem>>) dst(%dma_wait3A_2644 : memref<8x1024x128xf32, #tpu.memory_space<any>>)
    %dma_start3A_2649 = arith.constant 2 : i32
    %dma_start3A_2650 = tpu.memref_slice %arg3[%dma_start3A_2649] : memref<8x!tpu.dma_semaphore, #tpu.memory_space<semaphore_mem>> -> memref<1x!tpu.dma_semaphore, #tpu.memory_space<semaphore_mem>>
    %dma_start3A_2651 = tpu.memref_squeeze %dma_start3A_2650 : memref<1x!tpu.dma_semaphore, #tpu.memory_space<semaphore_mem>> -> memref<!tpu.dma_semaphore, #tpu.memory_space<semaphore_mem>>
    %dma_start3A_2652 = arith.constant 720 : i32
    %dma_start3A_2653 = arith.constant 0 : i32
    %dma_start3A_2654 = arith.constant 0 : i32
    %dma_start3A_2655 = tpu.memref_slice %arg1[%dma_start3A_2652, %dma_start3A_2653, %dma_start3A_2654] : memref<1024x1024x128xf32, #tpu.memory_space<any>> -> memref<8x1024x128xf32, #tpu.memory_space<any>>
    %dma_start3A_2656 = arith.constant 0 : i32
    %dma_start3A_2657 = arith.constant 336 : i32
    %dma_start3A_2658 = arith.constant 0 : i32
    %dma_start3A_2659 = tpu.memref_slice %arg2[%dma_start3A_2656, %dma_start3A_2657, %dma_start3A_2658] : memref<8x2120x128xf32, #tpu.memory_space<vmem>> -> memref<8x1024x128xf32, #tpu.memory_space<vmem>>
    tpu.enqueue_dma source(%dma_start3A_2659 : memref<8x1024x128xf32, #tpu.memory_space<vmem>>) target(%dma_start3A_2655 : memref<8x1024x128xf32, #tpu.memory_space<any>>) target_semaphore(%dma_start3A_2651 : memref<!tpu.dma_semaphore, #tpu.memory_space<semaphore_mem>>)
    %dma_wait3A_2660 = arith.constant 3 : i32
    %dma_wait3A_2661 = tpu.memref_slice %arg3[%dma_wait3A_2660] : memref<8x!tpu.dma_semaphore, #tpu.memory_space<semaphore_mem>> -> memref<1x!tpu.dma_semaphore, #tpu.memory_space<semaphore_mem>>
    %dma_wait3A_2662 = tpu.memref_squeeze %dma_wait3A_2661 : memref<1x!tpu.dma_semaphore, #tpu.memory_space<semaphore_mem>> -> memref<!tpu.dma_semaphore, #tpu.memory_space<semaphore_mem>>
    %dma_wait3A_2663 = arith.constant 664 : i32
    %dma_wait3A_2664 = arith.constant 0 : i32
    %dma_wait3A_2665 = arith.constant 0 : i32
    %dma_wait3A_2666 = tpu.memref_slice %arg1[%dma_wait3A_2663, %dma_wait3A_2664, %dma_wait3A_2665] : memref<1024x1024x128xf32, #tpu.memory_space<any>> -> memref<8x1024x128xf32, #tpu.memory_space<any>>
    %dma_wait3A_2667 = arith.constant 0 : i32
    %dma_wait3A_2668 = arith.constant 392 : i32
    %dma_wait3A_2669 = arith.constant 0 : i32
    %dma_wait3A_2670 = tpu.memref_slice %arg2[%dma_wait3A_2667, %dma_wait3A_2668, %dma_wait3A_2669] : memref<8x2120x128xf32, #tpu.memory_space<vmem>> -> memref<8x1024x128xf32, #tpu.memory_space<vmem>>
    tpu.wait_dma2 semaphore(%dma_wait3A_2662 : memref<!tpu.dma_semaphore, #tpu.memory_space<semaphore_mem>>) src(%dma_wait3A_2670 : memref<8x1024x128xf32, #tpu.memory_space<vmem>>) dst(%dma_wait3A_2666 : memref<8x1024x128xf32, #tpu.memory_space<any>>)
    %dma_start3A_2671 = arith.constant 3 : i32
    %dma_start3A_2672 = tpu.memref_slice %arg3[%dma_start3A_2671] : memref<8x!tpu.dma_semaphore, #tpu.memory_space<semaphore_mem>> -> memref<1x!tpu.dma_semaphore, #tpu.memory_space<semaphore_mem>>
    %dma_start3A_2673 = tpu.memref_squeeze %dma_start3A_2672 : memref<1x!tpu.dma_semaphore, #tpu.memory_space<semaphore_mem>> -> memref<!tpu.dma_semaphore, #tpu.memory_space<semaphore_mem>>
    %dma_start3A_2674 = arith.constant 728 : i32
    %dma_start3A_2675 = arith.constant 0 : i32
    %dma_start3A_2676 = arith.constant 0 : i32
    %dma_start3A_2677 = tpu.memref_slice %arg1[%dma_start3A_2674, %dma_start3A_2675, %dma_start3A_2676] : memref<1024x1024x128xf32, #tpu.memory_space<any>> -> memref<8x1024x128xf32, #tpu.memory_space<any>>
    %dma_start3A_2678 = arith.constant 0 : i32
    %dma_start3A_2679 = arith.constant 328 : i32
    %dma_start3A_2680 = arith.constant 0 : i32
    %dma_start3A_2681 = tpu.memref_slice %arg2[%dma_start3A_2678, %dma_start3A_2679, %dma_start3A_2680] : memref<8x2120x128xf32, #tpu.memory_space<vmem>> -> memref<8x1024x128xf32, #tpu.memory_space<vmem>>
    tpu.enqueue_dma source(%dma_start3A_2681 : memref<8x1024x128xf32, #tpu.memory_space<vmem>>) target(%dma_start3A_2677 : memref<8x1024x128xf32, #tpu.memory_space<any>>) target_semaphore(%dma_start3A_2673 : memref<!tpu.dma_semaphore, #tpu.memory_space<semaphore_mem>>)
    %dma_wait3A_2682 = arith.constant 4 : i32
    %dma_wait3A_2683 = tpu.memref_slice %arg3[%dma_wait3A_2682] : memref<8x!tpu.dma_semaphore, #tpu.memory_space<semaphore_mem>> -> memref<1x!tpu.dma_semaphore, #tpu.memory_space<semaphore_mem>>
    %dma_wait3A_2684 = tpu.memref_squeeze %dma_wait3A_2683 : memref<1x!tpu.dma_semaphore, #tpu.memory_space<semaphore_mem>> -> memref<!tpu.dma_semaphore, #tpu.memory_space<semaphore_mem>>
    %dma_wait3A_2685 = arith.constant 672 : i32
    %dma_wait3A_2686 = arith.constant 0 : i32
    %dma_wait3A_2687 = arith.constant 0 : i32
    %dma_wait3A_2688 = tpu.memref_slice %arg1[%dma_wait3A_2685, %dma_wait3A_2686, %dma_wait3A_2687] : memref<1024x1024x128xf32, #tpu.memory_space<any>> -> memref<8x1024x128xf32, #tpu.memory_space<any>>
    %dma_wait3A_2689 = arith.constant 0 : i32
    %dma_wait3A_2690 = arith.constant 384 : i32
    %dma_wait3A_2691 = arith.constant 0 : i32
    %dma_wait3A_2692 = tpu.memref_slice %arg2[%dma_wait3A_2689, %dma_wait3A_2690, %dma_wait3A_2691] : memref<8x2120x128xf32, #tpu.memory_space<vmem>> -> memref<8x1024x128xf32, #tpu.memory_space<vmem>>
    tpu.wait_dma2 semaphore(%dma_wait3A_2684 : memref<!tpu.dma_semaphore, #tpu.memory_space<semaphore_mem>>) src(%dma_wait3A_2692 : memref<8x1024x128xf32, #tpu.memory_space<vmem>>) dst(%dma_wait3A_2688 : memref<8x1024x128xf32, #tpu.memory_space<any>>)
    %dma_start3A_2693 = arith.constant 4 : i32
    %dma_start3A_2694 = tpu.memref_slice %arg3[%dma_start3A_2693] : memref<8x!tpu.dma_semaphore, #tpu.memory_space<semaphore_mem>> -> memref<1x!tpu.dma_semaphore, #tpu.memory_space<semaphore_mem>>
    %dma_start3A_2695 = tpu.memref_squeeze %dma_start3A_2694 : memref<1x!tpu.dma_semaphore, #tpu.memory_space<semaphore_mem>> -> memref<!tpu.dma_semaphore, #tpu.memory_space<semaphore_mem>>
    %dma_start3A_2696 = arith.constant 736 : i32
    %dma_start3A_2697 = arith.constant 0 : i32
    %dma_start3A_2698 = arith.constant 0 : i32
    %dma_start3A_2699 = tpu.memref_slice %arg1[%dma_start3A_2696, %dma_start3A_2697, %dma_start3A_2698] : memref<1024x1024x128xf32, #tpu.memory_space<any>> -> memref<8x1024x128xf32, #tpu.memory_space<any>>
    %dma_start3A_2700 = arith.constant 0 : i32
    %dma_start3A_2701 = arith.constant 320 : i32
    %dma_start3A_2702 = arith.constant 0 : i32
    %dma_start3A_2703 = tpu.memref_slice %arg2[%dma_start3A_2700, %dma_start3A_2701, %dma_start3A_2702] : memref<8x2120x128xf32, #tpu.memory_space<vmem>> -> memref<8x1024x128xf32, #tpu.memory_space<vmem>>
    tpu.enqueue_dma source(%dma_start3A_2703 : memref<8x1024x128xf32, #tpu.memory_space<vmem>>) target(%dma_start3A_2699 : memref<8x1024x128xf32, #tpu.memory_space<any>>) target_semaphore(%dma_start3A_2695 : memref<!tpu.dma_semaphore, #tpu.memory_space<semaphore_mem>>)
    %dma_wait3A_2704 = arith.constant 5 : i32
    %dma_wait3A_2705 = tpu.memref_slice %arg3[%dma_wait3A_2704] : memref<8x!tpu.dma_semaphore, #tpu.memory_space<semaphore_mem>> -> memref<1x!tpu.dma_semaphore, #tpu.memory_space<semaphore_mem>>
    %dma_wait3A_2706 = tpu.memref_squeeze %dma_wait3A_2705 : memref<1x!tpu.dma_semaphore, #tpu.memory_space<semaphore_mem>> -> memref<!tpu.dma_semaphore, #tpu.memory_space<semaphore_mem>>
    %dma_wait3A_2707 = arith.constant 680 : i32
    %dma_wait3A_2708 = arith.constant 0 : i32
    %dma_wait3A_2709 = arith.constant 0 : i32
    %dma_wait3A_2710 = tpu.memref_slice %arg1[%dma_wait3A_2707, %dma_wait3A_2708, %dma_wait3A_2709] : memref<1024x1024x128xf32, #tpu.memory_space<any>> -> memref<8x1024x128xf32, #tpu.memory_space<any>>
    %dma_wait3A_2711 = arith.constant 0 : i32
    %dma_wait3A_2712 = arith.constant 376 : i32
    %dma_wait3A_2713 = arith.constant 0 : i32
    %dma_wait3A_2714 = tpu.memref_slice %arg2[%dma_wait3A_2711, %dma_wait3A_2712, %dma_wait3A_2713] : memref<8x2120x128xf32, #tpu.memory_space<vmem>> -> memref<8x1024x128xf32, #tpu.memory_space<vmem>>
    tpu.wait_dma2 semaphore(%dma_wait3A_2706 : memref<!tpu.dma_semaphore, #tpu.memory_space<semaphore_mem>>) src(%dma_wait3A_2714 : memref<8x1024x128xf32, #tpu.memory_space<vmem>>) dst(%dma_wait3A_2710 : memref<8x1024x128xf32, #tpu.memory_space<any>>)
    %dma_start3A_2715 = arith.constant 5 : i32
    %dma_start3A_2716 = tpu.memref_slice %arg3[%dma_start3A_2715] : memref<8x!tpu.dma_semaphore, #tpu.memory_space<semaphore_mem>> -> memref<1x!tpu.dma_semaphore, #tpu.memory_space<semaphore_mem>>
    %dma_start3A_2717 = tpu.memref_squeeze %dma_start3A_2716 : memref<1x!tpu.dma_semaphore, #tpu.memory_space<semaphore_mem>> -> memref<!tpu.dma_semaphore, #tpu.memory_space<semaphore_mem>>
    %dma_start3A_2718 = arith.constant 744 : i32
    %dma_start3A_2719 = arith.constant 0 : i32
    %dma_start3A_2720 = arith.constant 0 : i32
    %dma_start3A_2721 = tpu.memref_slice %arg1[%dma_start3A_2718, %dma_start3A_2719, %dma_start3A_2720] : memref<1024x1024x128xf32, #tpu.memory_space<any>> -> memref<8x1024x128xf32, #tpu.memory_space<any>>
    %dma_start3A_2722 = arith.constant 0 : i32
    %dma_start3A_2723 = arith.constant 312 : i32
    %dma_start3A_2724 = arith.constant 0 : i32
    %dma_start3A_2725 = tpu.memref_slice %arg2[%dma_start3A_2722, %dma_start3A_2723, %dma_start3A_2724] : memref<8x2120x128xf32, #tpu.memory_space<vmem>> -> memref<8x1024x128xf32, #tpu.memory_space<vmem>>
    tpu.enqueue_dma source(%dma_start3A_2725 : memref<8x1024x128xf32, #tpu.memory_space<vmem>>) target(%dma_start3A_2721 : memref<8x1024x128xf32, #tpu.memory_space<any>>) target_semaphore(%dma_start3A_2717 : memref<!tpu.dma_semaphore, #tpu.memory_space<semaphore_mem>>)
    %dma_wait3A_2726 = arith.constant 6 : i32
    %dma_wait3A_2727 = tpu.memref_slice %arg3[%dma_wait3A_2726] : memref<8x!tpu.dma_semaphore, #tpu.memory_space<semaphore_mem>> -> memref<1x!tpu.dma_semaphore, #tpu.memory_space<semaphore_mem>>
    %dma_wait3A_2728 = tpu.memref_squeeze %dma_wait3A_2727 : memref<1x!tpu.dma_semaphore, #tpu.memory_space<semaphore_mem>> -> memref<!tpu.dma_semaphore, #tpu.memory_space<semaphore_mem>>
    %dma_wait3A_2729 = arith.constant 688 : i32
    %dma_wait3A_2730 = arith.constant 0 : i32
    %dma_wait3A_2731 = arith.constant 0 : i32
    %dma_wait3A_2732 = tpu.memref_slice %arg1[%dma_wait3A_2729, %dma_wait3A_2730, %dma_wait3A_2731] : memref<1024x1024x128xf32, #tpu.memory_space<any>> -> memref<8x1024x128xf32, #tpu.memory_space<any>>
    %dma_wait3A_2733 = arith.constant 0 : i32
    %dma_wait3A_2734 = arith.constant 368 : i32
    %dma_wait3A_2735 = arith.constant 0 : i32
    %dma_wait3A_2736 = tpu.memref_slice %arg2[%dma_wait3A_2733, %dma_wait3A_2734, %dma_wait3A_2735] : memref<8x2120x128xf32, #tpu.memory_space<vmem>> -> memref<8x1024x128xf32, #tpu.memory_space<vmem>>
    tpu.wait_dma2 semaphore(%dma_wait3A_2728 : memref<!tpu.dma_semaphore, #tpu.memory_space<semaphore_mem>>) src(%dma_wait3A_2736 : memref<8x1024x128xf32, #tpu.memory_space<vmem>>) dst(%dma_wait3A_2732 : memref<8x1024x128xf32, #tpu.memory_space<any>>)
    %dma_start3A_2737 = arith.constant 6 : i32
    %dma_start3A_2738 = tpu.memref_slice %arg3[%dma_start3A_2737] : memref<8x!tpu.dma_semaphore, #tpu.memory_space<semaphore_mem>> -> memref<1x!tpu.dma_semaphore, #tpu.memory_space<semaphore_mem>>
    %dma_start3A_2739 = tpu.memref_squeeze %dma_start3A_2738 : memref<1x!tpu.dma_semaphore, #tpu.memory_space<semaphore_mem>> -> memref<!tpu.dma_semaphore, #tpu.memory_space<semaphore_mem>>
    %dma_start3A_2740 = arith.constant 752 : i32
    %dma_start3A_2741 = arith.constant 0 : i32
    %dma_start3A_2742 = arith.constant 0 : i32
    %dma_start3A_2743 = tpu.memref_slice %arg1[%dma_start3A_2740, %dma_start3A_2741, %dma_start3A_2742] : memref<1024x1024x128xf32, #tpu.memory_space<any>> -> memref<8x1024x128xf32, #tpu.memory_space<any>>
    %dma_start3A_2744 = arith.constant 0 : i32
    %dma_start3A_2745 = arith.constant 304 : i32
    %dma_start3A_2746 = arith.constant 0 : i32
    %dma_start3A_2747 = tpu.memref_slice %arg2[%dma_start3A_2744, %dma_start3A_2745, %dma_start3A_2746] : memref<8x2120x128xf32, #tpu.memory_space<vmem>> -> memref<8x1024x128xf32, #tpu.memory_space<vmem>>
    tpu.enqueue_dma source(%dma_start3A_2747 : memref<8x1024x128xf32, #tpu.memory_space<vmem>>) target(%dma_start3A_2743 : memref<8x1024x128xf32, #tpu.memory_space<any>>) target_semaphore(%dma_start3A_2739 : memref<!tpu.dma_semaphore, #tpu.memory_space<semaphore_mem>>)
    %dma_wait3A_2748 = arith.constant 7 : i32
    %dma_wait3A_2749 = tpu.memref_slice %arg3[%dma_wait3A_2748] : memref<8x!tpu.dma_semaphore, #tpu.memory_space<semaphore_mem>> -> memref<1x!tpu.dma_semaphore, #tpu.memory_space<semaphore_mem>>
    %dma_wait3A_2750 = tpu.memref_squeeze %dma_wait3A_2749 : memref<1x!tpu.dma_semaphore, #tpu.memory_space<semaphore_mem>> -> memref<!tpu.dma_semaphore, #tpu.memory_space<semaphore_mem>>
    %dma_wait3A_2751 = arith.constant 696 : i32
    %dma_wait3A_2752 = arith.constant 0 : i32
    %dma_wait3A_2753 = arith.constant 0 : i32
    %dma_wait3A_2754 = tpu.memref_slice %arg1[%dma_wait3A_2751, %dma_wait3A_2752, %dma_wait3A_2753] : memref<1024x1024x128xf32, #tpu.memory_space<any>> -> memref<8x1024x128xf32, #tpu.memory_space<any>>
    %dma_wait3A_2755 = arith.constant 0 : i32
    %dma_wait3A_2756 = arith.constant 360 : i32
    %dma_wait3A_2757 = arith.constant 0 : i32
    %dma_wait3A_2758 = tpu.memref_slice %arg2[%dma_wait3A_2755, %dma_wait3A_2756, %dma_wait3A_2757] : memref<8x2120x128xf32, #tpu.memory_space<vmem>> -> memref<8x1024x128xf32, #tpu.memory_space<vmem>>
    tpu.wait_dma2 semaphore(%dma_wait3A_2750 : memref<!tpu.dma_semaphore, #tpu.memory_space<semaphore_mem>>) src(%dma_wait3A_2758 : memref<8x1024x128xf32, #tpu.memory_space<vmem>>) dst(%dma_wait3A_2754 : memref<8x1024x128xf32, #tpu.memory_space<any>>)
    %dma_start3A_2759 = arith.constant 7 : i32
    %dma_start3A_2760 = tpu.memref_slice %arg3[%dma_start3A_2759] : memref<8x!tpu.dma_semaphore, #tpu.memory_space<semaphore_mem>> -> memref<1x!tpu.dma_semaphore, #tpu.memory_space<semaphore_mem>>
    %dma_start3A_2761 = tpu.memref_squeeze %dma_start3A_2760 : memref<1x!tpu.dma_semaphore, #tpu.memory_space<semaphore_mem>> -> memref<!tpu.dma_semaphore, #tpu.memory_space<semaphore_mem>>
    %dma_start3A_2762 = arith.constant 760 : i32
    %dma_start3A_2763 = arith.constant 0 : i32
    %dma_start3A_2764 = arith.constant 0 : i32
    %dma_start3A_2765 = tpu.memref_slice %arg1[%dma_start3A_2762, %dma_start3A_2763, %dma_start3A_2764] : memref<1024x1024x128xf32, #tpu.memory_space<any>> -> memref<8x1024x128xf32, #tpu.memory_space<any>>
    %dma_start3A_2766 = arith.constant 0 : i32
    %dma_start3A_2767 = arith.constant 296 : i32
    %dma_start3A_2768 = arith.constant 0 : i32
    %dma_start3A_2769 = tpu.memref_slice %arg2[%dma_start3A_2766, %dma_start3A_2767, %dma_start3A_2768] : memref<8x2120x128xf32, #tpu.memory_space<vmem>> -> memref<8x1024x128xf32, #tpu.memory_space<vmem>>
    tpu.enqueue_dma source(%dma_start3A_2769 : memref<8x1024x128xf32, #tpu.memory_space<vmem>>) target(%dma_start3A_2765 : memref<8x1024x128xf32, #tpu.memory_space<any>>) target_semaphore(%dma_start3A_2761 : memref<!tpu.dma_semaphore, #tpu.memory_space<semaphore_mem>>)
    %dma_wait3A_2770 = arith.constant 0 : i32
    %dma_wait3A_2771 = tpu.memref_slice %arg3[%dma_wait3A_2770] : memref<8x!tpu.dma_semaphore, #tpu.memory_space<semaphore_mem>> -> memref<1x!tpu.dma_semaphore, #tpu.memory_space<semaphore_mem>>
    %dma_wait3A_2772 = tpu.memref_squeeze %dma_wait3A_2771 : memref<1x!tpu.dma_semaphore, #tpu.memory_space<semaphore_mem>> -> memref<!tpu.dma_semaphore, #tpu.memory_space<semaphore_mem>>
    %dma_wait3A_2773 = arith.constant 704 : i32
    %dma_wait3A_2774 = arith.constant 0 : i32
    %dma_wait3A_2775 = arith.constant 0 : i32
    %dma_wait3A_2776 = tpu.memref_slice %arg1[%dma_wait3A_2773, %dma_wait3A_2774, %dma_wait3A_2775] : memref<1024x1024x128xf32, #tpu.memory_space<any>> -> memref<8x1024x128xf32, #tpu.memory_space<any>>
    %dma_wait3A_2777 = arith.constant 0 : i32
    %dma_wait3A_2778 = arith.constant 352 : i32
    %dma_wait3A_2779 = arith.constant 0 : i32
    %dma_wait3A_2780 = tpu.memref_slice %arg2[%dma_wait3A_2777, %dma_wait3A_2778, %dma_wait3A_2779] : memref<8x2120x128xf32, #tpu.memory_space<vmem>> -> memref<8x1024x128xf32, #tpu.memory_space<vmem>>
    tpu.wait_dma2 semaphore(%dma_wait3A_2772 : memref<!tpu.dma_semaphore, #tpu.memory_space<semaphore_mem>>) src(%dma_wait3A_2780 : memref<8x1024x128xf32, #tpu.memory_space<vmem>>) dst(%dma_wait3A_2776 : memref<8x1024x128xf32, #tpu.memory_space<any>>)
    %dma_start3A_2781 = arith.constant 0 : i32
    %dma_start3A_2782 = tpu.memref_slice %arg3[%dma_start3A_2781] : memref<8x!tpu.dma_semaphore, #tpu.memory_space<semaphore_mem>> -> memref<1x!tpu.dma_semaphore, #tpu.memory_space<semaphore_mem>>
    %dma_start3A_2783 = tpu.memref_squeeze %dma_start3A_2782 : memref<1x!tpu.dma_semaphore, #tpu.memory_space<semaphore_mem>> -> memref<!tpu.dma_semaphore, #tpu.memory_space<semaphore_mem>>
    %dma_start3A_2784 = arith.constant 768 : i32
    %dma_start3A_2785 = arith.constant 0 : i32
    %dma_start3A_2786 = arith.constant 0 : i32
    %dma_start3A_2787 = tpu.memref_slice %arg1[%dma_start3A_2784, %dma_start3A_2785, %dma_start3A_2786] : memref<1024x1024x128xf32, #tpu.memory_space<any>> -> memref<8x1024x128xf32, #tpu.memory_space<any>>
    %dma_start3A_2788 = arith.constant 0 : i32
    %dma_start3A_2789 = arith.constant 288 : i32
    %dma_start3A_2790 = arith.constant 0 : i32
    %dma_start3A_2791 = tpu.memref_slice %arg2[%dma_start3A_2788, %dma_start3A_2789, %dma_start3A_2790] : memref<8x2120x128xf32, #tpu.memory_space<vmem>> -> memref<8x1024x128xf32, #tpu.memory_space<vmem>>
    tpu.enqueue_dma source(%dma_start3A_2791 : memref<8x1024x128xf32, #tpu.memory_space<vmem>>) target(%dma_start3A_2787 : memref<8x1024x128xf32, #tpu.memory_space<any>>) target_semaphore(%dma_start3A_2783 : memref<!tpu.dma_semaphore, #tpu.memory_space<semaphore_mem>>)
    %dma_wait3A_2792 = arith.constant 1 : i32
    %dma_wait3A_2793 = tpu.memref_slice %arg3[%dma_wait3A_2792] : memref<8x!tpu.dma_semaphore, #tpu.memory_space<semaphore_mem>> -> memref<1x!tpu.dma_semaphore, #tpu.memory_space<semaphore_mem>>
    %dma_wait3A_2794 = tpu.memref_squeeze %dma_wait3A_2793 : memref<1x!tpu.dma_semaphore, #tpu.memory_space<semaphore_mem>> -> memref<!tpu.dma_semaphore, #tpu.memory_space<semaphore_mem>>
    %dma_wait3A_2795 = arith.constant 712 : i32
    %dma_wait3A_2796 = arith.constant 0 : i32
    %dma_wait3A_2797 = arith.constant 0 : i32
    %dma_wait3A_2798 = tpu.memref_slice %arg1[%dma_wait3A_2795, %dma_wait3A_2796, %dma_wait3A_2797] : memref<1024x1024x128xf32, #tpu.memory_space<any>> -> memref<8x1024x128xf32, #tpu.memory_space<any>>
    %dma_wait3A_2799 = arith.constant 0 : i32
    %dma_wait3A_2800 = arith.constant 344 : i32
    %dma_wait3A_2801 = arith.constant 0 : i32
    %dma_wait3A_2802 = tpu.memref_slice %arg2[%dma_wait3A_2799, %dma_wait3A_2800, %dma_wait3A_2801] : memref<8x2120x128xf32, #tpu.memory_space<vmem>> -> memref<8x1024x128xf32, #tpu.memory_space<vmem>>
    tpu.wait_dma2 semaphore(%dma_wait3A_2794 : memref<!tpu.dma_semaphore, #tpu.memory_space<semaphore_mem>>) src(%dma_wait3A_2802 : memref<8x1024x128xf32, #tpu.memory_space<vmem>>) dst(%dma_wait3A_2798 : memref<8x1024x128xf32, #tpu.memory_space<any>>)
    %dma_start3A_2803 = arith.constant 1 : i32
    %dma_start3A_2804 = tpu.memref_slice %arg3[%dma_start3A_2803] : memref<8x!tpu.dma_semaphore, #tpu.memory_space<semaphore_mem>> -> memref<1x!tpu.dma_semaphore, #tpu.memory_space<semaphore_mem>>
    %dma_start3A_2805 = tpu.memref_squeeze %dma_start3A_2804 : memref<1x!tpu.dma_semaphore, #tpu.memory_space<semaphore_mem>> -> memref<!tpu.dma_semaphore, #tpu.memory_space<semaphore_mem>>
    %dma_start3A_2806 = arith.constant 776 : i32
    %dma_start3A_2807 = arith.constant 0 : i32
    %dma_start3A_2808 = arith.constant 0 : i32
    %dma_start3A_2809 = tpu.memref_slice %arg1[%dma_start3A_2806, %dma_start3A_2807, %dma_start3A_2808] : memref<1024x1024x128xf32, #tpu.memory_space<any>> -> memref<8x1024x128xf32, #tpu.memory_space<any>>
    %dma_start3A_2810 = arith.constant 0 : i32
    %dma_start3A_2811 = arith.constant 280 : i32
    %dma_start3A_2812 = arith.constant 0 : i32
    %dma_start3A_2813 = tpu.memref_slice %arg2[%dma_start3A_2810, %dma_start3A_2811, %dma_start3A_2812] : memref<8x2120x128xf32, #tpu.memory_space<vmem>> -> memref<8x1024x128xf32, #tpu.memory_space<vmem>>
    tpu.enqueue_dma source(%dma_start3A_2813 : memref<8x1024x128xf32, #tpu.memory_space<vmem>>) target(%dma_start3A_2809 : memref<8x1024x128xf32, #tpu.memory_space<any>>) target_semaphore(%dma_start3A_2805 : memref<!tpu.dma_semaphore, #tpu.memory_space<semaphore_mem>>)
    %dma_wait3A_2814 = arith.constant 2 : i32
    %dma_wait3A_2815 = tpu.memref_slice %arg3[%dma_wait3A_2814] : memref<8x!tpu.dma_semaphore, #tpu.memory_space<semaphore_mem>> -> memref<1x!tpu.dma_semaphore, #tpu.memory_space<semaphore_mem>>
    %dma_wait3A_2816 = tpu.memref_squeeze %dma_wait3A_2815 : memref<1x!tpu.dma_semaphore, #tpu.memory_space<semaphore_mem>> -> memref<!tpu.dma_semaphore, #tpu.memory_space<semaphore_mem>>
    %dma_wait3A_2817 = arith.constant 720 : i32
    %dma_wait3A_2818 = arith.constant 0 : i32
    %dma_wait3A_2819 = arith.constant 0 : i32
    %dma_wait3A_2820 = tpu.memref_slice %arg1[%dma_wait3A_2817, %dma_wait3A_2818, %dma_wait3A_2819] : memref<1024x1024x128xf32, #tpu.memory_space<any>> -> memref<8x1024x128xf32, #tpu.memory_space<any>>
    %dma_wait3A_2821 = arith.constant 0 : i32
    %dma_wait3A_2822 = arith.constant 336 : i32
    %dma_wait3A_2823 = arith.constant 0 : i32
    %dma_wait3A_2824 = tpu.memref_slice %arg2[%dma_wait3A_2821, %dma_wait3A_2822, %dma_wait3A_2823] : memref<8x2120x128xf32, #tpu.memory_space<vmem>> -> memref<8x1024x128xf32, #tpu.memory_space<vmem>>
    tpu.wait_dma2 semaphore(%dma_wait3A_2816 : memref<!tpu.dma_semaphore, #tpu.memory_space<semaphore_mem>>) src(%dma_wait3A_2824 : memref<8x1024x128xf32, #tpu.memory_space<vmem>>) dst(%dma_wait3A_2820 : memref<8x1024x128xf32, #tpu.memory_space<any>>)
    %dma_start3A_2825 = arith.constant 2 : i32
    %dma_start3A_2826 = tpu.memref_slice %arg3[%dma_start3A_2825] : memref<8x!tpu.dma_semaphore, #tpu.memory_space<semaphore_mem>> -> memref<1x!tpu.dma_semaphore, #tpu.memory_space<semaphore_mem>>
    %dma_start3A_2827 = tpu.memref_squeeze %dma_start3A_2826 : memref<1x!tpu.dma_semaphore, #tpu.memory_space<semaphore_mem>> -> memref<!tpu.dma_semaphore, #tpu.memory_space<semaphore_mem>>
    %dma_start3A_2828 = arith.constant 784 : i32
    %dma_start3A_2829 = arith.constant 0 : i32
    %dma_start3A_2830 = arith.constant 0 : i32
    %dma_start3A_2831 = tpu.memref_slice %arg1[%dma_start3A_2828, %dma_start3A_2829, %dma_start3A_2830] : memref<1024x1024x128xf32, #tpu.memory_space<any>> -> memref<8x1024x128xf32, #tpu.memory_space<any>>
    %dma_start3A_2832 = arith.constant 0 : i32
    %dma_start3A_2833 = arith.constant 272 : i32
    %dma_start3A_2834 = arith.constant 0 : i32
    %dma_start3A_2835 = tpu.memref_slice %arg2[%dma_start3A_2832, %dma_start3A_2833, %dma_start3A_2834] : memref<8x2120x128xf32, #tpu.memory_space<vmem>> -> memref<8x1024x128xf32, #tpu.memory_space<vmem>>
    tpu.enqueue_dma source(%dma_start3A_2835 : memref<8x1024x128xf32, #tpu.memory_space<vmem>>) target(%dma_start3A_2831 : memref<8x1024x128xf32, #tpu.memory_space<any>>) target_semaphore(%dma_start3A_2827 : memref<!tpu.dma_semaphore, #tpu.memory_space<semaphore_mem>>)
    %dma_wait3A_2836 = arith.constant 3 : i32
    %dma_wait3A_2837 = tpu.memref_slice %arg3[%dma_wait3A_2836] : memref<8x!tpu.dma_semaphore, #tpu.memory_space<semaphore_mem>> -> memref<1x!tpu.dma_semaphore, #tpu.memory_space<semaphore_mem>>
    %dma_wait3A_2838 = tpu.memref_squeeze %dma_wait3A_2837 : memref<1x!tpu.dma_semaphore, #tpu.memory_space<semaphore_mem>> -> memref<!tpu.dma_semaphore, #tpu.memory_space<semaphore_mem>>
    %dma_wait3A_2839 = arith.constant 728 : i32
    %dma_wait3A_2840 = arith.constant 0 : i32
    %dma_wait3A_2841 = arith.constant 0 : i32
    %dma_wait3A_2842 = tpu.memref_slice %arg1[%dma_wait3A_2839, %dma_wait3A_2840, %dma_wait3A_2841] : memref<1024x1024x128xf32, #tpu.memory_space<any>> -> memref<8x1024x128xf32, #tpu.memory_space<any>>
    %dma_wait3A_2843 = arith.constant 0 : i32
    %dma_wait3A_2844 = arith.constant 328 : i32
    %dma_wait3A_2845 = arith.constant 0 : i32
    %dma_wait3A_2846 = tpu.memref_slice %arg2[%dma_wait3A_2843, %dma_wait3A_2844, %dma_wait3A_2845] : memref<8x2120x128xf32, #tpu.memory_space<vmem>> -> memref<8x1024x128xf32, #tpu.memory_space<vmem>>
    tpu.wait_dma2 semaphore(%dma_wait3A_2838 : memref<!tpu.dma_semaphore, #tpu.memory_space<semaphore_mem>>) src(%dma_wait3A_2846 : memref<8x1024x128xf32, #tpu.memory_space<vmem>>) dst(%dma_wait3A_2842 : memref<8x1024x128xf32, #tpu.memory_space<any>>)
    %dma_start3A_2847 = arith.constant 3 : i32
    %dma_start3A_2848 = tpu.memref_slice %arg3[%dma_start3A_2847] : memref<8x!tpu.dma_semaphore, #tpu.memory_space<semaphore_mem>> -> memref<1x!tpu.dma_semaphore, #tpu.memory_space<semaphore_mem>>
    %dma_start3A_2849 = tpu.memref_squeeze %dma_start3A_2848 : memref<1x!tpu.dma_semaphore, #tpu.memory_space<semaphore_mem>> -> memref<!tpu.dma_semaphore, #tpu.memory_space<semaphore_mem>>
    %dma_start3A_2850 = arith.constant 792 : i32
    %dma_start3A_2851 = arith.constant 0 : i32
    %dma_start3A_2852 = arith.constant 0 : i32
    %dma_start3A_2853 = tpu.memref_slice %arg1[%dma_start3A_2850, %dma_start3A_2851, %dma_start3A_2852] : memref<1024x1024x128xf32, #tpu.memory_space<any>> -> memref<8x1024x128xf32, #tpu.memory_space<any>>
    %dma_start3A_2854 = arith.constant 0 : i32
    %dma_start3A_2855 = arith.constant 264 : i32
    %dma_start3A_2856 = arith.constant 0 : i32
    %dma_start3A_2857 = tpu.memref_slice %arg2[%dma_start3A_2854, %dma_start3A_2855, %dma_start3A_2856] : memref<8x2120x128xf32, #tpu.memory_space<vmem>> -> memref<8x1024x128xf32, #tpu.memory_space<vmem>>
    tpu.enqueue_dma source(%dma_start3A_2857 : memref<8x1024x128xf32, #tpu.memory_space<vmem>>) target(%dma_start3A_2853 : memref<8x1024x128xf32, #tpu.memory_space<any>>) target_semaphore(%dma_start3A_2849 : memref<!tpu.dma_semaphore, #tpu.memory_space<semaphore_mem>>)
    %dma_wait3A_2858 = arith.constant 4 : i32
    %dma_wait3A_2859 = tpu.memref_slice %arg3[%dma_wait3A_2858] : memref<8x!tpu.dma_semaphore, #tpu.memory_space<semaphore_mem>> -> memref<1x!tpu.dma_semaphore, #tpu.memory_space<semaphore_mem>>
    %dma_wait3A_2860 = tpu.memref_squeeze %dma_wait3A_2859 : memref<1x!tpu.dma_semaphore, #tpu.memory_space<semaphore_mem>> -> memref<!tpu.dma_semaphore, #tpu.memory_space<semaphore_mem>>
    %dma_wait3A_2861 = arith.constant 736 : i32
    %dma_wait3A_2862 = arith.constant 0 : i32
    %dma_wait3A_2863 = arith.constant 0 : i32
    %dma_wait3A_2864 = tpu.memref_slice %arg1[%dma_wait3A_2861, %dma_wait3A_2862, %dma_wait3A_2863] : memref<1024x1024x128xf32, #tpu.memory_space<any>> -> memref<8x1024x128xf32, #tpu.memory_space<any>>
    %dma_wait3A_2865 = arith.constant 0 : i32
    %dma_wait3A_2866 = arith.constant 320 : i32
    %dma_wait3A_2867 = arith.constant 0 : i32
    %dma_wait3A_2868 = tpu.memref_slice %arg2[%dma_wait3A_2865, %dma_wait3A_2866, %dma_wait3A_2867] : memref<8x2120x128xf32, #tpu.memory_space<vmem>> -> memref<8x1024x128xf32, #tpu.memory_space<vmem>>
    tpu.wait_dma2 semaphore(%dma_wait3A_2860 : memref<!tpu.dma_semaphore, #tpu.memory_space<semaphore_mem>>) src(%dma_wait3A_2868 : memref<8x1024x128xf32, #tpu.memory_space<vmem>>) dst(%dma_wait3A_2864 : memref<8x1024x128xf32, #tpu.memory_space<any>>)
    %dma_start3A_2869 = arith.constant 4 : i32
    %dma_start3A_2870 = tpu.memref_slice %arg3[%dma_start3A_2869] : memref<8x!tpu.dma_semaphore, #tpu.memory_space<semaphore_mem>> -> memref<1x!tpu.dma_semaphore, #tpu.memory_space<semaphore_mem>>
    %dma_start3A_2871 = tpu.memref_squeeze %dma_start3A_2870 : memref<1x!tpu.dma_semaphore, #tpu.memory_space<semaphore_mem>> -> memref<!tpu.dma_semaphore, #tpu.memory_space<semaphore_mem>>
    %dma_start3A_2872 = arith.constant 800 : i32
    %dma_start3A_2873 = arith.constant 0 : i32
    %dma_start3A_2874 = arith.constant 0 : i32
    %dma_start3A_2875 = tpu.memref_slice %arg1[%dma_start3A_2872, %dma_start3A_2873, %dma_start3A_2874] : memref<1024x1024x128xf32, #tpu.memory_space<any>> -> memref<8x1024x128xf32, #tpu.memory_space<any>>
    %dma_start3A_2876 = arith.constant 0 : i32
    %dma_start3A_2877 = arith.constant 256 : i32
    %dma_start3A_2878 = arith.constant 0 : i32
    %dma_start3A_2879 = tpu.memref_slice %arg2[%dma_start3A_2876, %dma_start3A_2877, %dma_start3A_2878] : memref<8x2120x128xf32, #tpu.memory_space<vmem>> -> memref<8x1024x128xf32, #tpu.memory_space<vmem>>
    tpu.enqueue_dma source(%dma_start3A_2879 : memref<8x1024x128xf32, #tpu.memory_space<vmem>>) target(%dma_start3A_2875 : memref<8x1024x128xf32, #tpu.memory_space<any>>) target_semaphore(%dma_start3A_2871 : memref<!tpu.dma_semaphore, #tpu.memory_space<semaphore_mem>>)
    %dma_wait3A_2880 = arith.constant 5 : i32
    %dma_wait3A_2881 = tpu.memref_slice %arg3[%dma_wait3A_2880] : memref<8x!tpu.dma_semaphore, #tpu.memory_space<semaphore_mem>> -> memref<1x!tpu.dma_semaphore, #tpu.memory_space<semaphore_mem>>
    %dma_wait3A_2882 = tpu.memref_squeeze %dma_wait3A_2881 : memref<1x!tpu.dma_semaphore, #tpu.memory_space<semaphore_mem>> -> memref<!tpu.dma_semaphore, #tpu.memory_space<semaphore_mem>>
    %dma_wait3A_2883 = arith.constant 744 : i32
    %dma_wait3A_2884 = arith.constant 0 : i32
    %dma_wait3A_2885 = arith.constant 0 : i32
    %dma_wait3A_2886 = tpu.memref_slice %arg1[%dma_wait3A_2883, %dma_wait3A_2884, %dma_wait3A_2885] : memref<1024x1024x128xf32, #tpu.memory_space<any>> -> memref<8x1024x128xf32, #tpu.memory_space<any>>
    %dma_wait3A_2887 = arith.constant 0 : i32
    %dma_wait3A_2888 = arith.constant 312 : i32
    %dma_wait3A_2889 = arith.constant 0 : i32
    %dma_wait3A_2890 = tpu.memref_slice %arg2[%dma_wait3A_2887, %dma_wait3A_2888, %dma_wait3A_2889] : memref<8x2120x128xf32, #tpu.memory_space<vmem>> -> memref<8x1024x128xf32, #tpu.memory_space<vmem>>
    tpu.wait_dma2 semaphore(%dma_wait3A_2882 : memref<!tpu.dma_semaphore, #tpu.memory_space<semaphore_mem>>) src(%dma_wait3A_2890 : memref<8x1024x128xf32, #tpu.memory_space<vmem>>) dst(%dma_wait3A_2886 : memref<8x1024x128xf32, #tpu.memory_space<any>>)
    %dma_start3A_2891 = arith.constant 5 : i32
    %dma_start3A_2892 = tpu.memref_slice %arg3[%dma_start3A_2891] : memref<8x!tpu.dma_semaphore, #tpu.memory_space<semaphore_mem>> -> memref<1x!tpu.dma_semaphore, #tpu.memory_space<semaphore_mem>>
    %dma_start3A_2893 = tpu.memref_squeeze %dma_start3A_2892 : memref<1x!tpu.dma_semaphore, #tpu.memory_space<semaphore_mem>> -> memref<!tpu.dma_semaphore, #tpu.memory_space<semaphore_mem>>
    %dma_start3A_2894 = arith.constant 808 : i32
    %dma_start3A_2895 = arith.constant 0 : i32
    %dma_start3A_2896 = arith.constant 0 : i32
    %dma_start3A_2897 = tpu.memref_slice %arg1[%dma_start3A_2894, %dma_start3A_2895, %dma_start3A_2896] : memref<1024x1024x128xf32, #tpu.memory_space<any>> -> memref<8x1024x128xf32, #tpu.memory_space<any>>
    %dma_start3A_2898 = arith.constant 0 : i32
    %dma_start3A_2899 = arith.constant 248 : i32
    %dma_start3A_2900 = arith.constant 0 : i32
    %dma_start3A_2901 = tpu.memref_slice %arg2[%dma_start3A_2898, %dma_start3A_2899, %dma_start3A_2900] : memref<8x2120x128xf32, #tpu.memory_space<vmem>> -> memref<8x1024x128xf32, #tpu.memory_space<vmem>>
    tpu.enqueue_dma source(%dma_start3A_2901 : memref<8x1024x128xf32, #tpu.memory_space<vmem>>) target(%dma_start3A_2897 : memref<8x1024x128xf32, #tpu.memory_space<any>>) target_semaphore(%dma_start3A_2893 : memref<!tpu.dma_semaphore, #tpu.memory_space<semaphore_mem>>)
    %dma_wait3A_2902 = arith.constant 6 : i32
    %dma_wait3A_2903 = tpu.memref_slice %arg3[%dma_wait3A_2902] : memref<8x!tpu.dma_semaphore, #tpu.memory_space<semaphore_mem>> -> memref<1x!tpu.dma_semaphore, #tpu.memory_space<semaphore_mem>>
    %dma_wait3A_2904 = tpu.memref_squeeze %dma_wait3A_2903 : memref<1x!tpu.dma_semaphore, #tpu.memory_space<semaphore_mem>> -> memref<!tpu.dma_semaphore, #tpu.memory_space<semaphore_mem>>
    %dma_wait3A_2905 = arith.constant 752 : i32
    %dma_wait3A_2906 = arith.constant 0 : i32
    %dma_wait3A_2907 = arith.constant 0 : i32
    %dma_wait3A_2908 = tpu.memref_slice %arg1[%dma_wait3A_2905, %dma_wait3A_2906, %dma_wait3A_2907] : memref<1024x1024x128xf32, #tpu.memory_space<any>> -> memref<8x1024x128xf32, #tpu.memory_space<any>>
    %dma_wait3A_2909 = arith.constant 0 : i32
    %dma_wait3A_2910 = arith.constant 304 : i32
    %dma_wait3A_2911 = arith.constant 0 : i32
    %dma_wait3A_2912 = tpu.memref_slice %arg2[%dma_wait3A_2909, %dma_wait3A_2910, %dma_wait3A_2911] : memref<8x2120x128xf32, #tpu.memory_space<vmem>> -> memref<8x1024x128xf32, #tpu.memory_space<vmem>>
    tpu.wait_dma2 semaphore(%dma_wait3A_2904 : memref<!tpu.dma_semaphore, #tpu.memory_space<semaphore_mem>>) src(%dma_wait3A_2912 : memref<8x1024x128xf32, #tpu.memory_space<vmem>>) dst(%dma_wait3A_2908 : memref<8x1024x128xf32, #tpu.memory_space<any>>)
    %dma_start3A_2913 = arith.constant 6 : i32
    %dma_start3A_2914 = tpu.memref_slice %arg3[%dma_start3A_2913] : memref<8x!tpu.dma_semaphore, #tpu.memory_space<semaphore_mem>> -> memref<1x!tpu.dma_semaphore, #tpu.memory_space<semaphore_mem>>
    %dma_start3A_2915 = tpu.memref_squeeze %dma_start3A_2914 : memref<1x!tpu.dma_semaphore, #tpu.memory_space<semaphore_mem>> -> memref<!tpu.dma_semaphore, #tpu.memory_space<semaphore_mem>>
    %dma_start3A_2916 = arith.constant 816 : i32
    %dma_start3A_2917 = arith.constant 0 : i32
    %dma_start3A_2918 = arith.constant 0 : i32
    %dma_start3A_2919 = tpu.memref_slice %arg1[%dma_start3A_2916, %dma_start3A_2917, %dma_start3A_2918] : memref<1024x1024x128xf32, #tpu.memory_space<any>> -> memref<8x1024x128xf32, #tpu.memory_space<any>>
    %dma_start3A_2920 = arith.constant 0 : i32
    %dma_start3A_2921 = arith.constant 240 : i32
    %dma_start3A_2922 = arith.constant 0 : i32
    %dma_start3A_2923 = tpu.memref_slice %arg2[%dma_start3A_2920, %dma_start3A_2921, %dma_start3A_2922] : memref<8x2120x128xf32, #tpu.memory_space<vmem>> -> memref<8x1024x128xf32, #tpu.memory_space<vmem>>
    tpu.enqueue_dma source(%dma_start3A_2923 : memref<8x1024x128xf32, #tpu.memory_space<vmem>>) target(%dma_start3A_2919 : memref<8x1024x128xf32, #tpu.memory_space<any>>) target_semaphore(%dma_start3A_2915 : memref<!tpu.dma_semaphore, #tpu.memory_space<semaphore_mem>>)
    %dma_wait3A_2924 = arith.constant 7 : i32
    %dma_wait3A_2925 = tpu.memref_slice %arg3[%dma_wait3A_2924] : memref<8x!tpu.dma_semaphore, #tpu.memory_space<semaphore_mem>> -> memref<1x!tpu.dma_semaphore, #tpu.memory_space<semaphore_mem>>
    %dma_wait3A_2926 = tpu.memref_squeeze %dma_wait3A_2925 : memref<1x!tpu.dma_semaphore, #tpu.memory_space<semaphore_mem>> -> memref<!tpu.dma_semaphore, #tpu.memory_space<semaphore_mem>>
    %dma_wait3A_2927 = arith.constant 760 : i32
    %dma_wait3A_2928 = arith.constant 0 : i32
    %dma_wait3A_2929 = arith.constant 0 : i32
    %dma_wait3A_2930 = tpu.memref_slice %arg1[%dma_wait3A_2927, %dma_wait3A_2928, %dma_wait3A_2929] : memref<1024x1024x128xf32, #tpu.memory_space<any>> -> memref<8x1024x128xf32, #tpu.memory_space<any>>
    %dma_wait3A_2931 = arith.constant 0 : i32
    %dma_wait3A_2932 = arith.constant 296 : i32
    %dma_wait3A_2933 = arith.constant 0 : i32
    %dma_wait3A_2934 = tpu.memref_slice %arg2[%dma_wait3A_2931, %dma_wait3A_2932, %dma_wait3A_2933] : memref<8x2120x128xf32, #tpu.memory_space<vmem>> -> memref<8x1024x128xf32, #tpu.memory_space<vmem>>
    tpu.wait_dma2 semaphore(%dma_wait3A_2926 : memref<!tpu.dma_semaphore, #tpu.memory_space<semaphore_mem>>) src(%dma_wait3A_2934 : memref<8x1024x128xf32, #tpu.memory_space<vmem>>) dst(%dma_wait3A_2930 : memref<8x1024x128xf32, #tpu.memory_space<any>>)
    %dma_start3A_2935 = arith.constant 7 : i32
    %dma_start3A_2936 = tpu.memref_slice %arg3[%dma_start3A_2935] : memref<8x!tpu.dma_semaphore, #tpu.memory_space<semaphore_mem>> -> memref<1x!tpu.dma_semaphore, #tpu.memory_space<semaphore_mem>>
    %dma_start3A_2937 = tpu.memref_squeeze %dma_start3A_2936 : memref<1x!tpu.dma_semaphore, #tpu.memory_space<semaphore_mem>> -> memref<!tpu.dma_semaphore, #tpu.memory_space<semaphore_mem>>
    %dma_start3A_2938 = arith.constant 824 : i32
    %dma_start3A_2939 = arith.constant 0 : i32
    %dma_start3A_2940 = arith.constant 0 : i32
    %dma_start3A_2941 = tpu.memref_slice %arg1[%dma_start3A_2938, %dma_start3A_2939, %dma_start3A_2940] : memref<1024x1024x128xf32, #tpu.memory_space<any>> -> memref<8x1024x128xf32, #tpu.memory_space<any>>
    %dma_start3A_2942 = arith.constant 0 : i32
    %dma_start3A_2943 = arith.constant 232 : i32
    %dma_start3A_2944 = arith.constant 0 : i32
    %dma_start3A_2945 = tpu.memref_slice %arg2[%dma_start3A_2942, %dma_start3A_2943, %dma_start3A_2944] : memref<8x2120x128xf32, #tpu.memory_space<vmem>> -> memref<8x1024x128xf32, #tpu.memory_space<vmem>>
    tpu.enqueue_dma source(%dma_start3A_2945 : memref<8x1024x128xf32, #tpu.memory_space<vmem>>) target(%dma_start3A_2941 : memref<8x1024x128xf32, #tpu.memory_space<any>>) target_semaphore(%dma_start3A_2937 : memref<!tpu.dma_semaphore, #tpu.memory_space<semaphore_mem>>)
    %dma_wait3A_2946 = arith.constant 0 : i32
    %dma_wait3A_2947 = tpu.memref_slice %arg3[%dma_wait3A_2946] : memref<8x!tpu.dma_semaphore, #tpu.memory_space<semaphore_mem>> -> memref<1x!tpu.dma_semaphore, #tpu.memory_space<semaphore_mem>>
    %dma_wait3A_2948 = tpu.memref_squeeze %dma_wait3A_2947 : memref<1x!tpu.dma_semaphore, #tpu.memory_space<semaphore_mem>> -> memref<!tpu.dma_semaphore, #tpu.memory_space<semaphore_mem>>
    %dma_wait3A_2949 = arith.constant 768 : i32
    %dma_wait3A_2950 = arith.constant 0 : i32
    %dma_wait3A_2951 = arith.constant 0 : i32
    %dma_wait3A_2952 = tpu.memref_slice %arg1[%dma_wait3A_2949, %dma_wait3A_2950, %dma_wait3A_2951] : memref<1024x1024x128xf32, #tpu.memory_space<any>> -> memref<8x1024x128xf32, #tpu.memory_space<any>>
    %dma_wait3A_2953 = arith.constant 0 : i32
    %dma_wait3A_2954 = arith.constant 288 : i32
    %dma_wait3A_2955 = arith.constant 0 : i32
    %dma_wait3A_2956 = tpu.memref_slice %arg2[%dma_wait3A_2953, %dma_wait3A_2954, %dma_wait3A_2955] : memref<8x2120x128xf32, #tpu.memory_space<vmem>> -> memref<8x1024x128xf32, #tpu.memory_space<vmem>>
    tpu.wait_dma2 semaphore(%dma_wait3A_2948 : memref<!tpu.dma_semaphore, #tpu.memory_space<semaphore_mem>>) src(%dma_wait3A_2956 : memref<8x1024x128xf32, #tpu.memory_space<vmem>>) dst(%dma_wait3A_2952 : memref<8x1024x128xf32, #tpu.memory_space<any>>)
    %dma_start3A_2957 = arith.constant 0 : i32
    %dma_start3A_2958 = tpu.memref_slice %arg3[%dma_start3A_2957] : memref<8x!tpu.dma_semaphore, #tpu.memory_space<semaphore_mem>> -> memref<1x!tpu.dma_semaphore, #tpu.memory_space<semaphore_mem>>
    %dma_start3A_2959 = tpu.memref_squeeze %dma_start3A_2958 : memref<1x!tpu.dma_semaphore, #tpu.memory_space<semaphore_mem>> -> memref<!tpu.dma_semaphore, #tpu.memory_space<semaphore_mem>>
    %dma_start3A_2960 = arith.constant 832 : i32
    %dma_start3A_2961 = arith.constant 0 : i32
    %dma_start3A_2962 = arith.constant 0 : i32
    %dma_start3A_2963 = tpu.memref_slice %arg1[%dma_start3A_2960, %dma_start3A_2961, %dma_start3A_2962] : memref<1024x1024x128xf32, #tpu.memory_space<any>> -> memref<8x1024x128xf32, #tpu.memory_space<any>>
    %dma_start3A_2964 = arith.constant 0 : i32
    %dma_start3A_2965 = arith.constant 224 : i32
    %dma_start3A_2966 = arith.constant 0 : i32
    %dma_start3A_2967 = tpu.memref_slice %arg2[%dma_start3A_2964, %dma_start3A_2965, %dma_start3A_2966] : memref<8x2120x128xf32, #tpu.memory_space<vmem>> -> memref<8x1024x128xf32, #tpu.memory_space<vmem>>
    tpu.enqueue_dma source(%dma_start3A_2967 : memref<8x1024x128xf32, #tpu.memory_space<vmem>>) target(%dma_start3A_2963 : memref<8x1024x128xf32, #tpu.memory_space<any>>) target_semaphore(%dma_start3A_2959 : memref<!tpu.dma_semaphore, #tpu.memory_space<semaphore_mem>>)
    %dma_wait3A_2968 = arith.constant 1 : i32
    %dma_wait3A_2969 = tpu.memref_slice %arg3[%dma_wait3A_2968] : memref<8x!tpu.dma_semaphore, #tpu.memory_space<semaphore_mem>> -> memref<1x!tpu.dma_semaphore, #tpu.memory_space<semaphore_mem>>
    %dma_wait3A_2970 = tpu.memref_squeeze %dma_wait3A_2969 : memref<1x!tpu.dma_semaphore, #tpu.memory_space<semaphore_mem>> -> memref<!tpu.dma_semaphore, #tpu.memory_space<semaphore_mem>>
    %dma_wait3A_2971 = arith.constant 776 : i32
    %dma_wait3A_2972 = arith.constant 0 : i32
    %dma_wait3A_2973 = arith.constant 0 : i32
    %dma_wait3A_2974 = tpu.memref_slice %arg1[%dma_wait3A_2971, %dma_wait3A_2972, %dma_wait3A_2973] : memref<1024x1024x128xf32, #tpu.memory_space<any>> -> memref<8x1024x128xf32, #tpu.memory_space<any>>
    %dma_wait3A_2975 = arith.constant 0 : i32
    %dma_wait3A_2976 = arith.constant 280 : i32
    %dma_wait3A_2977 = arith.constant 0 : i32
    %dma_wait3A_2978 = tpu.memref_slice %arg2[%dma_wait3A_2975, %dma_wait3A_2976, %dma_wait3A_2977] : memref<8x2120x128xf32, #tpu.memory_space<vmem>> -> memref<8x1024x128xf32, #tpu.memory_space<vmem>>
    tpu.wait_dma2 semaphore(%dma_wait3A_2970 : memref<!tpu.dma_semaphore, #tpu.memory_space<semaphore_mem>>) src(%dma_wait3A_2978 : memref<8x1024x128xf32, #tpu.memory_space<vmem>>) dst(%dma_wait3A_2974 : memref<8x1024x128xf32, #tpu.memory_space<any>>)
    %dma_start3A_2979 = arith.constant 1 : i32
    %dma_start3A_2980 = tpu.memref_slice %arg3[%dma_start3A_2979] : memref<8x!tpu.dma_semaphore, #tpu.memory_space<semaphore_mem>> -> memref<1x!tpu.dma_semaphore, #tpu.memory_space<semaphore_mem>>
    %dma_start3A_2981 = tpu.memref_squeeze %dma_start3A_2980 : memref<1x!tpu.dma_semaphore, #tpu.memory_space<semaphore_mem>> -> memref<!tpu.dma_semaphore, #tpu.memory_space<semaphore_mem>>
    %dma_start3A_2982 = arith.constant 840 : i32
    %dma_start3A_2983 = arith.constant 0 : i32
    %dma_start3A_2984 = arith.constant 0 : i32
    %dma_start3A_2985 = tpu.memref_slice %arg1[%dma_start3A_2982, %dma_start3A_2983, %dma_start3A_2984] : memref<1024x1024x128xf32, #tpu.memory_space<any>> -> memref<8x1024x128xf32, #tpu.memory_space<any>>
    %dma_start3A_2986 = arith.constant 0 : i32
    %dma_start3A_2987 = arith.constant 216 : i32
    %dma_start3A_2988 = arith.constant 0 : i32
    %dma_start3A_2989 = tpu.memref_slice %arg2[%dma_start3A_2986, %dma_start3A_2987, %dma_start3A_2988] : memref<8x2120x128xf32, #tpu.memory_space<vmem>> -> memref<8x1024x128xf32, #tpu.memory_space<vmem>>
    tpu.enqueue_dma source(%dma_start3A_2989 : memref<8x1024x128xf32, #tpu.memory_space<vmem>>) target(%dma_start3A_2985 : memref<8x1024x128xf32, #tpu.memory_space<any>>) target_semaphore(%dma_start3A_2981 : memref<!tpu.dma_semaphore, #tpu.memory_space<semaphore_mem>>)
    %dma_wait3A_2990 = arith.constant 2 : i32
    %dma_wait3A_2991 = tpu.memref_slice %arg3[%dma_wait3A_2990] : memref<8x!tpu.dma_semaphore, #tpu.memory_space<semaphore_mem>> -> memref<1x!tpu.dma_semaphore, #tpu.memory_space<semaphore_mem>>
    %dma_wait3A_2992 = tpu.memref_squeeze %dma_wait3A_2991 : memref<1x!tpu.dma_semaphore, #tpu.memory_space<semaphore_mem>> -> memref<!tpu.dma_semaphore, #tpu.memory_space<semaphore_mem>>
    %dma_wait3A_2993 = arith.constant 784 : i32
    %dma_wait3A_2994 = arith.constant 0 : i32
    %dma_wait3A_2995 = arith.constant 0 : i32
    %dma_wait3A_2996 = tpu.memref_slice %arg1[%dma_wait3A_2993, %dma_wait3A_2994, %dma_wait3A_2995] : memref<1024x1024x128xf32, #tpu.memory_space<any>> -> memref<8x1024x128xf32, #tpu.memory_space<any>>
    %dma_wait3A_2997 = arith.constant 0 : i32
    %dma_wait3A_2998 = arith.constant 272 : i32
    %dma_wait3A_2999 = arith.constant 0 : i32
    %dma_wait3A_3000 = tpu.memref_slice %arg2[%dma_wait3A_2997, %dma_wait3A_2998, %dma_wait3A_2999] : memref<8x2120x128xf32, #tpu.memory_space<vmem>> -> memref<8x1024x128xf32, #tpu.memory_space<vmem>>
    tpu.wait_dma2 semaphore(%dma_wait3A_2992 : memref<!tpu.dma_semaphore, #tpu.memory_space<semaphore_mem>>) src(%dma_wait3A_3000 : memref<8x1024x128xf32, #tpu.memory_space<vmem>>) dst(%dma_wait3A_2996 : memref<8x1024x128xf32, #tpu.memory_space<any>>)
    %dma_start3A_3001 = arith.constant 2 : i32
    %dma_start3A_3002 = tpu.memref_slice %arg3[%dma_start3A_3001] : memref<8x!tpu.dma_semaphore, #tpu.memory_space<semaphore_mem>> -> memref<1x!tpu.dma_semaphore, #tpu.memory_space<semaphore_mem>>
    %dma_start3A_3003 = tpu.memref_squeeze %dma_start3A_3002 : memref<1x!tpu.dma_semaphore, #tpu.memory_space<semaphore_mem>> -> memref<!tpu.dma_semaphore, #tpu.memory_space<semaphore_mem>>
    %dma_start3A_3004 = arith.constant 848 : i32
    %dma_start3A_3005 = arith.constant 0 : i32
    %dma_start3A_3006 = arith.constant 0 : i32
    %dma_start3A_3007 = tpu.memref_slice %arg1[%dma_start3A_3004, %dma_start3A_3005, %dma_start3A_3006] : memref<1024x1024x128xf32, #tpu.memory_space<any>> -> memref<8x1024x128xf32, #tpu.memory_space<any>>
    %dma_start3A_3008 = arith.constant 0 : i32
    %dma_start3A_3009 = arith.constant 208 : i32
    %dma_start3A_3010 = arith.constant 0 : i32
    %dma_start3A_3011 = tpu.memref_slice %arg2[%dma_start3A_3008, %dma_start3A_3009, %dma_start3A_3010] : memref<8x2120x128xf32, #tpu.memory_space<vmem>> -> memref<8x1024x128xf32, #tpu.memory_space<vmem>>
    tpu.enqueue_dma source(%dma_start3A_3011 : memref<8x1024x128xf32, #tpu.memory_space<vmem>>) target(%dma_start3A_3007 : memref<8x1024x128xf32, #tpu.memory_space<any>>) target_semaphore(%dma_start3A_3003 : memref<!tpu.dma_semaphore, #tpu.memory_space<semaphore_mem>>)
    %dma_wait3A_3012 = arith.constant 3 : i32
    %dma_wait3A_3013 = tpu.memref_slice %arg3[%dma_wait3A_3012] : memref<8x!tpu.dma_semaphore, #tpu.memory_space<semaphore_mem>> -> memref<1x!tpu.dma_semaphore, #tpu.memory_space<semaphore_mem>>
    %dma_wait3A_3014 = tpu.memref_squeeze %dma_wait3A_3013 : memref<1x!tpu.dma_semaphore, #tpu.memory_space<semaphore_mem>> -> memref<!tpu.dma_semaphore, #tpu.memory_space<semaphore_mem>>
    %dma_wait3A_3015 = arith.constant 792 : i32
    %dma_wait3A_3016 = arith.constant 0 : i32
    %dma_wait3A_3017 = arith.constant 0 : i32
    %dma_wait3A_3018 = tpu.memref_slice %arg1[%dma_wait3A_3015, %dma_wait3A_3016, %dma_wait3A_3017] : memref<1024x1024x128xf32, #tpu.memory_space<any>> -> memref<8x1024x128xf32, #tpu.memory_space<any>>
    %dma_wait3A_3019 = arith.constant 0 : i32
    %dma_wait3A_3020 = arith.constant 264 : i32
    %dma_wait3A_3021 = arith.constant 0 : i32
    %dma_wait3A_3022 = tpu.memref_slice %arg2[%dma_wait3A_3019, %dma_wait3A_3020, %dma_wait3A_3021] : memref<8x2120x128xf32, #tpu.memory_space<vmem>> -> memref<8x1024x128xf32, #tpu.memory_space<vmem>>
    tpu.wait_dma2 semaphore(%dma_wait3A_3014 : memref<!tpu.dma_semaphore, #tpu.memory_space<semaphore_mem>>) src(%dma_wait3A_3022 : memref<8x1024x128xf32, #tpu.memory_space<vmem>>) dst(%dma_wait3A_3018 : memref<8x1024x128xf32, #tpu.memory_space<any>>)
    %dma_start3A_3023 = arith.constant 3 : i32
    %dma_start3A_3024 = tpu.memref_slice %arg3[%dma_start3A_3023] : memref<8x!tpu.dma_semaphore, #tpu.memory_space<semaphore_mem>> -> memref<1x!tpu.dma_semaphore, #tpu.memory_space<semaphore_mem>>
    %dma_start3A_3025 = tpu.memref_squeeze %dma_start3A_3024 : memref<1x!tpu.dma_semaphore, #tpu.memory_space<semaphore_mem>> -> memref<!tpu.dma_semaphore, #tpu.memory_space<semaphore_mem>>
    %dma_start3A_3026 = arith.constant 856 : i32
    %dma_start3A_3027 = arith.constant 0 : i32
    %dma_start3A_3028 = arith.constant 0 : i32
    %dma_start3A_3029 = tpu.memref_slice %arg1[%dma_start3A_3026, %dma_start3A_3027, %dma_start3A_3028] : memref<1024x1024x128xf32, #tpu.memory_space<any>> -> memref<8x1024x128xf32, #tpu.memory_space<any>>
    %dma_start3A_3030 = arith.constant 0 : i32
    %dma_start3A_3031 = arith.constant 200 : i32
    %dma_start3A_3032 = arith.constant 0 : i32
    %dma_start3A_3033 = tpu.memref_slice %arg2[%dma_start3A_3030, %dma_start3A_3031, %dma_start3A_3032] : memref<8x2120x128xf32, #tpu.memory_space<vmem>> -> memref<8x1024x128xf32, #tpu.memory_space<vmem>>
    tpu.enqueue_dma source(%dma_start3A_3033 : memref<8x1024x128xf32, #tpu.memory_space<vmem>>) target(%dma_start3A_3029 : memref<8x1024x128xf32, #tpu.memory_space<any>>) target_semaphore(%dma_start3A_3025 : memref<!tpu.dma_semaphore, #tpu.memory_space<semaphore_mem>>)
    %dma_wait3A_3034 = arith.constant 4 : i32
    %dma_wait3A_3035 = tpu.memref_slice %arg3[%dma_wait3A_3034] : memref<8x!tpu.dma_semaphore, #tpu.memory_space<semaphore_mem>> -> memref<1x!tpu.dma_semaphore, #tpu.memory_space<semaphore_mem>>
    %dma_wait3A_3036 = tpu.memref_squeeze %dma_wait3A_3035 : memref<1x!tpu.dma_semaphore, #tpu.memory_space<semaphore_mem>> -> memref<!tpu.dma_semaphore, #tpu.memory_space<semaphore_mem>>
    %dma_wait3A_3037 = arith.constant 800 : i32
    %dma_wait3A_3038 = arith.constant 0 : i32
    %dma_wait3A_3039 = arith.constant 0 : i32
    %dma_wait3A_3040 = tpu.memref_slice %arg1[%dma_wait3A_3037, %dma_wait3A_3038, %dma_wait3A_3039] : memref<1024x1024x128xf32, #tpu.memory_space<any>> -> memref<8x1024x128xf32, #tpu.memory_space<any>>
    %dma_wait3A_3041 = arith.constant 0 : i32
    %dma_wait3A_3042 = arith.constant 256 : i32
    %dma_wait3A_3043 = arith.constant 0 : i32
    %dma_wait3A_3044 = tpu.memref_slice %arg2[%dma_wait3A_3041, %dma_wait3A_3042, %dma_wait3A_3043] : memref<8x2120x128xf32, #tpu.memory_space<vmem>> -> memref<8x1024x128xf32, #tpu.memory_space<vmem>>
    tpu.wait_dma2 semaphore(%dma_wait3A_3036 : memref<!tpu.dma_semaphore, #tpu.memory_space<semaphore_mem>>) src(%dma_wait3A_3044 : memref<8x1024x128xf32, #tpu.memory_space<vmem>>) dst(%dma_wait3A_3040 : memref<8x1024x128xf32, #tpu.memory_space<any>>)
    %dma_start3A_3045 = arith.constant 4 : i32
    %dma_start3A_3046 = tpu.memref_slice %arg3[%dma_start3A_3045] : memref<8x!tpu.dma_semaphore, #tpu.memory_space<semaphore_mem>> -> memref<1x!tpu.dma_semaphore, #tpu.memory_space<semaphore_mem>>
    %dma_start3A_3047 = tpu.memref_squeeze %dma_start3A_3046 : memref<1x!tpu.dma_semaphore, #tpu.memory_space<semaphore_mem>> -> memref<!tpu.dma_semaphore, #tpu.memory_space<semaphore_mem>>
    %dma_start3A_3048 = arith.constant 864 : i32
    %dma_start3A_3049 = arith.constant 0 : i32
    %dma_start3A_3050 = arith.constant 0 : i32
    %dma_start3A_3051 = tpu.memref_slice %arg1[%dma_start3A_3048, %dma_start3A_3049, %dma_start3A_3050] : memref<1024x1024x128xf32, #tpu.memory_space<any>> -> memref<8x1024x128xf32, #tpu.memory_space<any>>
    %dma_start3A_3052 = arith.constant 0 : i32
    %dma_start3A_3053 = arith.constant 192 : i32
    %dma_start3A_3054 = arith.constant 0 : i32
    %dma_start3A_3055 = tpu.memref_slice %arg2[%dma_start3A_3052, %dma_start3A_3053, %dma_start3A_3054] : memref<8x2120x128xf32, #tpu.memory_space<vmem>> -> memref<8x1024x128xf32, #tpu.memory_space<vmem>>
    tpu.enqueue_dma source(%dma_start3A_3055 : memref<8x1024x128xf32, #tpu.memory_space<vmem>>) target(%dma_start3A_3051 : memref<8x1024x128xf32, #tpu.memory_space<any>>) target_semaphore(%dma_start3A_3047 : memref<!tpu.dma_semaphore, #tpu.memory_space<semaphore_mem>>)
    %dma_wait3A_3056 = arith.constant 5 : i32
    %dma_wait3A_3057 = tpu.memref_slice %arg3[%dma_wait3A_3056] : memref<8x!tpu.dma_semaphore, #tpu.memory_space<semaphore_mem>> -> memref<1x!tpu.dma_semaphore, #tpu.memory_space<semaphore_mem>>
    %dma_wait3A_3058 = tpu.memref_squeeze %dma_wait3A_3057 : memref<1x!tpu.dma_semaphore, #tpu.memory_space<semaphore_mem>> -> memref<!tpu.dma_semaphore, #tpu.memory_space<semaphore_mem>>
    %dma_wait3A_3059 = arith.constant 808 : i32
    %dma_wait3A_3060 = arith.constant 0 : i32
    %dma_wait3A_3061 = arith.constant 0 : i32
    %dma_wait3A_3062 = tpu.memref_slice %arg1[%dma_wait3A_3059, %dma_wait3A_3060, %dma_wait3A_3061] : memref<1024x1024x128xf32, #tpu.memory_space<any>> -> memref<8x1024x128xf32, #tpu.memory_space<any>>
    %dma_wait3A_3063 = arith.constant 0 : i32
    %dma_wait3A_3064 = arith.constant 248 : i32
    %dma_wait3A_3065 = arith.constant 0 : i32
    %dma_wait3A_3066 = tpu.memref_slice %arg2[%dma_wait3A_3063, %dma_wait3A_3064, %dma_wait3A_3065] : memref<8x2120x128xf32, #tpu.memory_space<vmem>> -> memref<8x1024x128xf32, #tpu.memory_space<vmem>>
    tpu.wait_dma2 semaphore(%dma_wait3A_3058 : memref<!tpu.dma_semaphore, #tpu.memory_space<semaphore_mem>>) src(%dma_wait3A_3066 : memref<8x1024x128xf32, #tpu.memory_space<vmem>>) dst(%dma_wait3A_3062 : memref<8x1024x128xf32, #tpu.memory_space<any>>)
    %dma_start3A_3067 = arith.constant 5 : i32
    %dma_start3A_3068 = tpu.memref_slice %arg3[%dma_start3A_3067] : memref<8x!tpu.dma_semaphore, #tpu.memory_space<semaphore_mem>> -> memref<1x!tpu.dma_semaphore, #tpu.memory_space<semaphore_mem>>
    %dma_start3A_3069 = tpu.memref_squeeze %dma_start3A_3068 : memref<1x!tpu.dma_semaphore, #tpu.memory_space<semaphore_mem>> -> memref<!tpu.dma_semaphore, #tpu.memory_space<semaphore_mem>>
    %dma_start3A_3070 = arith.constant 872 : i32
    %dma_start3A_3071 = arith.constant 0 : i32
    %dma_start3A_3072 = arith.constant 0 : i32
    %dma_start3A_3073 = tpu.memref_slice %arg1[%dma_start3A_3070, %dma_start3A_3071, %dma_start3A_3072] : memref<1024x1024x128xf32, #tpu.memory_space<any>> -> memref<8x1024x128xf32, #tpu.memory_space<any>>
    %dma_start3A_3074 = arith.constant 0 : i32
    %dma_start3A_3075 = arith.constant 184 : i32
    %dma_start3A_3076 = arith.constant 0 : i32
    %dma_start3A_3077 = tpu.memref_slice %arg2[%dma_start3A_3074, %dma_start3A_3075, %dma_start3A_3076] : memref<8x2120x128xf32, #tpu.memory_space<vmem>> -> memref<8x1024x128xf32, #tpu.memory_space<vmem>>
    tpu.enqueue_dma source(%dma_start3A_3077 : memref<8x1024x128xf32, #tpu.memory_space<vmem>>) target(%dma_start3A_3073 : memref<8x1024x128xf32, #tpu.memory_space<any>>) target_semaphore(%dma_start3A_3069 : memref<!tpu.dma_semaphore, #tpu.memory_space<semaphore_mem>>)
    %dma_wait3A_3078 = arith.constant 6 : i32
    %dma_wait3A_3079 = tpu.memref_slice %arg3[%dma_wait3A_3078] : memref<8x!tpu.dma_semaphore, #tpu.memory_space<semaphore_mem>> -> memref<1x!tpu.dma_semaphore, #tpu.memory_space<semaphore_mem>>
    %dma_wait3A_3080 = tpu.memref_squeeze %dma_wait3A_3079 : memref<1x!tpu.dma_semaphore, #tpu.memory_space<semaphore_mem>> -> memref<!tpu.dma_semaphore, #tpu.memory_space<semaphore_mem>>
    %dma_wait3A_3081 = arith.constant 816 : i32
    %dma_wait3A_3082 = arith.constant 0 : i32
    %dma_wait3A_3083 = arith.constant 0 : i32
    %dma_wait3A_3084 = tpu.memref_slice %arg1[%dma_wait3A_3081, %dma_wait3A_3082, %dma_wait3A_3083] : memref<1024x1024x128xf32, #tpu.memory_space<any>> -> memref<8x1024x128xf32, #tpu.memory_space<any>>
    %dma_wait3A_3085 = arith.constant 0 : i32
    %dma_wait3A_3086 = arith.constant 240 : i32
    %dma_wait3A_3087 = arith.constant 0 : i32
    %dma_wait3A_3088 = tpu.memref_slice %arg2[%dma_wait3A_3085, %dma_wait3A_3086, %dma_wait3A_3087] : memref<8x2120x128xf32, #tpu.memory_space<vmem>> -> memref<8x1024x128xf32, #tpu.memory_space<vmem>>
    tpu.wait_dma2 semaphore(%dma_wait3A_3080 : memref<!tpu.dma_semaphore, #tpu.memory_space<semaphore_mem>>) src(%dma_wait3A_3088 : memref<8x1024x128xf32, #tpu.memory_space<vmem>>) dst(%dma_wait3A_3084 : memref<8x1024x128xf32, #tpu.memory_space<any>>)
    %dma_start3A_3089 = arith.constant 6 : i32
    %dma_start3A_3090 = tpu.memref_slice %arg3[%dma_start3A_3089] : memref<8x!tpu.dma_semaphore, #tpu.memory_space<semaphore_mem>> -> memref<1x!tpu.dma_semaphore, #tpu.memory_space<semaphore_mem>>
    %dma_start3A_3091 = tpu.memref_squeeze %dma_start3A_3090 : memref<1x!tpu.dma_semaphore, #tpu.memory_space<semaphore_mem>> -> memref<!tpu.dma_semaphore, #tpu.memory_space<semaphore_mem>>
    %dma_start3A_3092 = arith.constant 880 : i32
    %dma_start3A_3093 = arith.constant 0 : i32
    %dma_start3A_3094 = arith.constant 0 : i32
    %dma_start3A_3095 = tpu.memref_slice %arg1[%dma_start3A_3092, %dma_start3A_3093, %dma_start3A_3094] : memref<1024x1024x128xf32, #tpu.memory_space<any>> -> memref<8x1024x128xf32, #tpu.memory_space<any>>
    %dma_start3A_3096 = arith.constant 0 : i32
    %dma_start3A_3097 = arith.constant 176 : i32
    %dma_start3A_3098 = arith.constant 0 : i32
    %dma_start3A_3099 = tpu.memref_slice %arg2[%dma_start3A_3096, %dma_start3A_3097, %dma_start3A_3098] : memref<8x2120x128xf32, #tpu.memory_space<vmem>> -> memref<8x1024x128xf32, #tpu.memory_space<vmem>>
    tpu.enqueue_dma source(%dma_start3A_3099 : memref<8x1024x128xf32, #tpu.memory_space<vmem>>) target(%dma_start3A_3095 : memref<8x1024x128xf32, #tpu.memory_space<any>>) target_semaphore(%dma_start3A_3091 : memref<!tpu.dma_semaphore, #tpu.memory_space<semaphore_mem>>)
    %dma_wait3A_3100 = arith.constant 7 : i32
    %dma_wait3A_3101 = tpu.memref_slice %arg3[%dma_wait3A_3100] : memref<8x!tpu.dma_semaphore, #tpu.memory_space<semaphore_mem>> -> memref<1x!tpu.dma_semaphore, #tpu.memory_space<semaphore_mem>>
    %dma_wait3A_3102 = tpu.memref_squeeze %dma_wait3A_3101 : memref<1x!tpu.dma_semaphore, #tpu.memory_space<semaphore_mem>> -> memref<!tpu.dma_semaphore, #tpu.memory_space<semaphore_mem>>
    %dma_wait3A_3103 = arith.constant 824 : i32
    %dma_wait3A_3104 = arith.constant 0 : i32
    %dma_wait3A_3105 = arith.constant 0 : i32
    %dma_wait3A_3106 = tpu.memref_slice %arg1[%dma_wait3A_3103, %dma_wait3A_3104, %dma_wait3A_3105] : memref<1024x1024x128xf32, #tpu.memory_space<any>> -> memref<8x1024x128xf32, #tpu.memory_space<any>>
    %dma_wait3A_3107 = arith.constant 0 : i32
    %dma_wait3A_3108 = arith.constant 232 : i32
    %dma_wait3A_3109 = arith.constant 0 : i32
    %dma_wait3A_3110 = tpu.memref_slice %arg2[%dma_wait3A_3107, %dma_wait3A_3108, %dma_wait3A_3109] : memref<8x2120x128xf32, #tpu.memory_space<vmem>> -> memref<8x1024x128xf32, #tpu.memory_space<vmem>>
    tpu.wait_dma2 semaphore(%dma_wait3A_3102 : memref<!tpu.dma_semaphore, #tpu.memory_space<semaphore_mem>>) src(%dma_wait3A_3110 : memref<8x1024x128xf32, #tpu.memory_space<vmem>>) dst(%dma_wait3A_3106 : memref<8x1024x128xf32, #tpu.memory_space<any>>)
    %dma_start3A_3111 = arith.constant 7 : i32
    %dma_start3A_3112 = tpu.memref_slice %arg3[%dma_start3A_3111] : memref<8x!tpu.dma_semaphore, #tpu.memory_space<semaphore_mem>> -> memref<1x!tpu.dma_semaphore, #tpu.memory_space<semaphore_mem>>
    %dma_start3A_3113 = tpu.memref_squeeze %dma_start3A_3112 : memref<1x!tpu.dma_semaphore, #tpu.memory_space<semaphore_mem>> -> memref<!tpu.dma_semaphore, #tpu.memory_space<semaphore_mem>>
    %dma_start3A_3114 = arith.constant 888 : i32
    %dma_start3A_3115 = arith.constant 0 : i32
    %dma_start3A_3116 = arith.constant 0 : i32
    %dma_start3A_3117 = tpu.memref_slice %arg1[%dma_start3A_3114, %dma_start3A_3115, %dma_start3A_3116] : memref<1024x1024x128xf32, #tpu.memory_space<any>> -> memref<8x1024x128xf32, #tpu.memory_space<any>>
    %dma_start3A_3118 = arith.constant 0 : i32
    %dma_start3A_3119 = arith.constant 168 : i32
    %dma_start3A_3120 = arith.constant 0 : i32
    %dma_start3A_3121 = tpu.memref_slice %arg2[%dma_start3A_3118, %dma_start3A_3119, %dma_start3A_3120] : memref<8x2120x128xf32, #tpu.memory_space<vmem>> -> memref<8x1024x128xf32, #tpu.memory_space<vmem>>
    tpu.enqueue_dma source(%dma_start3A_3121 : memref<8x1024x128xf32, #tpu.memory_space<vmem>>) target(%dma_start3A_3117 : memref<8x1024x128xf32, #tpu.memory_space<any>>) target_semaphore(%dma_start3A_3113 : memref<!tpu.dma_semaphore, #tpu.memory_space<semaphore_mem>>)
    %dma_wait3A_3122 = arith.constant 0 : i32
    %dma_wait3A_3123 = tpu.memref_slice %arg3[%dma_wait3A_3122] : memref<8x!tpu.dma_semaphore, #tpu.memory_space<semaphore_mem>> -> memref<1x!tpu.dma_semaphore, #tpu.memory_space<semaphore_mem>>
    %dma_wait3A_3124 = tpu.memref_squeeze %dma_wait3A_3123 : memref<1x!tpu.dma_semaphore, #tpu.memory_space<semaphore_mem>> -> memref<!tpu.dma_semaphore, #tpu.memory_space<semaphore_mem>>
    %dma_wait3A_3125 = arith.constant 832 : i32
    %dma_wait3A_3126 = arith.constant 0 : i32
    %dma_wait3A_3127 = arith.constant 0 : i32
    %dma_wait3A_3128 = tpu.memref_slice %arg1[%dma_wait3A_3125, %dma_wait3A_3126, %dma_wait3A_3127] : memref<1024x1024x128xf32, #tpu.memory_space<any>> -> memref<8x1024x128xf32, #tpu.memory_space<any>>
    %dma_wait3A_3129 = arith.constant 0 : i32
    %dma_wait3A_3130 = arith.constant 224 : i32
    %dma_wait3A_3131 = arith.constant 0 : i32
    %dma_wait3A_3132 = tpu.memref_slice %arg2[%dma_wait3A_3129, %dma_wait3A_3130, %dma_wait3A_3131] : memref<8x2120x128xf32, #tpu.memory_space<vmem>> -> memref<8x1024x128xf32, #tpu.memory_space<vmem>>
    tpu.wait_dma2 semaphore(%dma_wait3A_3124 : memref<!tpu.dma_semaphore, #tpu.memory_space<semaphore_mem>>) src(%dma_wait3A_3132 : memref<8x1024x128xf32, #tpu.memory_space<vmem>>) dst(%dma_wait3A_3128 : memref<8x1024x128xf32, #tpu.memory_space<any>>)
    %dma_start3A_3133 = arith.constant 0 : i32
    %dma_start3A_3134 = tpu.memref_slice %arg3[%dma_start3A_3133] : memref<8x!tpu.dma_semaphore, #tpu.memory_space<semaphore_mem>> -> memref<1x!tpu.dma_semaphore, #tpu.memory_space<semaphore_mem>>
    %dma_start3A_3135 = tpu.memref_squeeze %dma_start3A_3134 : memref<1x!tpu.dma_semaphore, #tpu.memory_space<semaphore_mem>> -> memref<!tpu.dma_semaphore, #tpu.memory_space<semaphore_mem>>
    %dma_start3A_3136 = arith.constant 896 : i32
    %dma_start3A_3137 = arith.constant 0 : i32
    %dma_start3A_3138 = arith.constant 0 : i32
    %dma_start3A_3139 = tpu.memref_slice %arg1[%dma_start3A_3136, %dma_start3A_3137, %dma_start3A_3138] : memref<1024x1024x128xf32, #tpu.memory_space<any>> -> memref<8x1024x128xf32, #tpu.memory_space<any>>
    %dma_start3A_3140 = arith.constant 0 : i32
    %dma_start3A_3141 = arith.constant 160 : i32
    %dma_start3A_3142 = arith.constant 0 : i32
    %dma_start3A_3143 = tpu.memref_slice %arg2[%dma_start3A_3140, %dma_start3A_3141, %dma_start3A_3142] : memref<8x2120x128xf32, #tpu.memory_space<vmem>> -> memref<8x1024x128xf32, #tpu.memory_space<vmem>>
    tpu.enqueue_dma source(%dma_start3A_3143 : memref<8x1024x128xf32, #tpu.memory_space<vmem>>) target(%dma_start3A_3139 : memref<8x1024x128xf32, #tpu.memory_space<any>>) target_semaphore(%dma_start3A_3135 : memref<!tpu.dma_semaphore, #tpu.memory_space<semaphore_mem>>)
    %dma_wait3A_3144 = arith.constant 1 : i32
    %dma_wait3A_3145 = tpu.memref_slice %arg3[%dma_wait3A_3144] : memref<8x!tpu.dma_semaphore, #tpu.memory_space<semaphore_mem>> -> memref<1x!tpu.dma_semaphore, #tpu.memory_space<semaphore_mem>>
    %dma_wait3A_3146 = tpu.memref_squeeze %dma_wait3A_3145 : memref<1x!tpu.dma_semaphore, #tpu.memory_space<semaphore_mem>> -> memref<!tpu.dma_semaphore, #tpu.memory_space<semaphore_mem>>
    %dma_wait3A_3147 = arith.constant 840 : i32
    %dma_wait3A_3148 = arith.constant 0 : i32
    %dma_wait3A_3149 = arith.constant 0 : i32
    %dma_wait3A_3150 = tpu.memref_slice %arg1[%dma_wait3A_3147, %dma_wait3A_3148, %dma_wait3A_3149] : memref<1024x1024x128xf32, #tpu.memory_space<any>> -> memref<8x1024x128xf32, #tpu.memory_space<any>>
    %dma_wait3A_3151 = arith.constant 0 : i32
    %dma_wait3A_3152 = arith.constant 216 : i32
    %dma_wait3A_3153 = arith.constant 0 : i32
    %dma_wait3A_3154 = tpu.memref_slice %arg2[%dma_wait3A_3151, %dma_wait3A_3152, %dma_wait3A_3153] : memref<8x2120x128xf32, #tpu.memory_space<vmem>> -> memref<8x1024x128xf32, #tpu.memory_space<vmem>>
    tpu.wait_dma2 semaphore(%dma_wait3A_3146 : memref<!tpu.dma_semaphore, #tpu.memory_space<semaphore_mem>>) src(%dma_wait3A_3154 : memref<8x1024x128xf32, #tpu.memory_space<vmem>>) dst(%dma_wait3A_3150 : memref<8x1024x128xf32, #tpu.memory_space<any>>)
    %dma_start3A_3155 = arith.constant 1 : i32
    %dma_start3A_3156 = tpu.memref_slice %arg3[%dma_start3A_3155] : memref<8x!tpu.dma_semaphore, #tpu.memory_space<semaphore_mem>> -> memref<1x!tpu.dma_semaphore, #tpu.memory_space<semaphore_mem>>
    %dma_start3A_3157 = tpu.memref_squeeze %dma_start3A_3156 : memref<1x!tpu.dma_semaphore, #tpu.memory_space<semaphore_mem>> -> memref<!tpu.dma_semaphore, #tpu.memory_space<semaphore_mem>>
    %dma_start3A_3158 = arith.constant 904 : i32
    %dma_start3A_3159 = arith.constant 0 : i32
    %dma_start3A_3160 = arith.constant 0 : i32
    %dma_start3A_3161 = tpu.memref_slice %arg1[%dma_start3A_3158, %dma_start3A_3159, %dma_start3A_3160] : memref<1024x1024x128xf32, #tpu.memory_space<any>> -> memref<8x1024x128xf32, #tpu.memory_space<any>>
    %dma_start3A_3162 = arith.constant 0 : i32
    %dma_start3A_3163 = arith.constant 152 : i32
    %dma_start3A_3164 = arith.constant 0 : i32
    %dma_start3A_3165 = tpu.memref_slice %arg2[%dma_start3A_3162, %dma_start3A_3163, %dma_start3A_3164] : memref<8x2120x128xf32, #tpu.memory_space<vmem>> -> memref<8x1024x128xf32, #tpu.memory_space<vmem>>
    tpu.enqueue_dma source(%dma_start3A_3165 : memref<8x1024x128xf32, #tpu.memory_space<vmem>>) target(%dma_start3A_3161 : memref<8x1024x128xf32, #tpu.memory_space<any>>) target_semaphore(%dma_start3A_3157 : memref<!tpu.dma_semaphore, #tpu.memory_space<semaphore_mem>>)
    %dma_wait3A_3166 = arith.constant 2 : i32
    %dma_wait3A_3167 = tpu.memref_slice %arg3[%dma_wait3A_3166] : memref<8x!tpu.dma_semaphore, #tpu.memory_space<semaphore_mem>> -> memref<1x!tpu.dma_semaphore, #tpu.memory_space<semaphore_mem>>
    %dma_wait3A_3168 = tpu.memref_squeeze %dma_wait3A_3167 : memref<1x!tpu.dma_semaphore, #tpu.memory_space<semaphore_mem>> -> memref<!tpu.dma_semaphore, #tpu.memory_space<semaphore_mem>>
    %dma_wait3A_3169 = arith.constant 848 : i32
    %dma_wait3A_3170 = arith.constant 0 : i32
    %dma_wait3A_3171 = arith.constant 0 : i32
    %dma_wait3A_3172 = tpu.memref_slice %arg1[%dma_wait3A_3169, %dma_wait3A_3170, %dma_wait3A_3171] : memref<1024x1024x128xf32, #tpu.memory_space<any>> -> memref<8x1024x128xf32, #tpu.memory_space<any>>
    %dma_wait3A_3173 = arith.constant 0 : i32
    %dma_wait3A_3174 = arith.constant 208 : i32
    %dma_wait3A_3175 = arith.constant 0 : i32
    %dma_wait3A_3176 = tpu.memref_slice %arg2[%dma_wait3A_3173, %dma_wait3A_3174, %dma_wait3A_3175] : memref<8x2120x128xf32, #tpu.memory_space<vmem>> -> memref<8x1024x128xf32, #tpu.memory_space<vmem>>
    tpu.wait_dma2 semaphore(%dma_wait3A_3168 : memref<!tpu.dma_semaphore, #tpu.memory_space<semaphore_mem>>) src(%dma_wait3A_3176 : memref<8x1024x128xf32, #tpu.memory_space<vmem>>) dst(%dma_wait3A_3172 : memref<8x1024x128xf32, #tpu.memory_space<any>>)
    %dma_start3A_3177 = arith.constant 2 : i32
    %dma_start3A_3178 = tpu.memref_slice %arg3[%dma_start3A_3177] : memref<8x!tpu.dma_semaphore, #tpu.memory_space<semaphore_mem>> -> memref<1x!tpu.dma_semaphore, #tpu.memory_space<semaphore_mem>>
    %dma_start3A_3179 = tpu.memref_squeeze %dma_start3A_3178 : memref<1x!tpu.dma_semaphore, #tpu.memory_space<semaphore_mem>> -> memref<!tpu.dma_semaphore, #tpu.memory_space<semaphore_mem>>
    %dma_start3A_3180 = arith.constant 912 : i32
    %dma_start3A_3181 = arith.constant 0 : i32
    %dma_start3A_3182 = arith.constant 0 : i32
    %dma_start3A_3183 = tpu.memref_slice %arg1[%dma_start3A_3180, %dma_start3A_3181, %dma_start3A_3182] : memref<1024x1024x128xf32, #tpu.memory_space<any>> -> memref<8x1024x128xf32, #tpu.memory_space<any>>
    %dma_start3A_3184 = arith.constant 0 : i32
    %dma_start3A_3185 = arith.constant 144 : i32
    %dma_start3A_3186 = arith.constant 0 : i32
    %dma_start3A_3187 = tpu.memref_slice %arg2[%dma_start3A_3184, %dma_start3A_3185, %dma_start3A_3186] : memref<8x2120x128xf32, #tpu.memory_space<vmem>> -> memref<8x1024x128xf32, #tpu.memory_space<vmem>>
    tpu.enqueue_dma source(%dma_start3A_3187 : memref<8x1024x128xf32, #tpu.memory_space<vmem>>) target(%dma_start3A_3183 : memref<8x1024x128xf32, #tpu.memory_space<any>>) target_semaphore(%dma_start3A_3179 : memref<!tpu.dma_semaphore, #tpu.memory_space<semaphore_mem>>)
    %dma_wait3A_3188 = arith.constant 3 : i32
    %dma_wait3A_3189 = tpu.memref_slice %arg3[%dma_wait3A_3188] : memref<8x!tpu.dma_semaphore, #tpu.memory_space<semaphore_mem>> -> memref<1x!tpu.dma_semaphore, #tpu.memory_space<semaphore_mem>>
    %dma_wait3A_3190 = tpu.memref_squeeze %dma_wait3A_3189 : memref<1x!tpu.dma_semaphore, #tpu.memory_space<semaphore_mem>> -> memref<!tpu.dma_semaphore, #tpu.memory_space<semaphore_mem>>
    %dma_wait3A_3191 = arith.constant 856 : i32
    %dma_wait3A_3192 = arith.constant 0 : i32
    %dma_wait3A_3193 = arith.constant 0 : i32
    %dma_wait3A_3194 = tpu.memref_slice %arg1[%dma_wait3A_3191, %dma_wait3A_3192, %dma_wait3A_3193] : memref<1024x1024x128xf32, #tpu.memory_space<any>> -> memref<8x1024x128xf32, #tpu.memory_space<any>>
    %dma_wait3A_3195 = arith.constant 0 : i32
    %dma_wait3A_3196 = arith.constant 200 : i32
    %dma_wait3A_3197 = arith.constant 0 : i32
    %dma_wait3A_3198 = tpu.memref_slice %arg2[%dma_wait3A_3195, %dma_wait3A_3196, %dma_wait3A_3197] : memref<8x2120x128xf32, #tpu.memory_space<vmem>> -> memref<8x1024x128xf32, #tpu.memory_space<vmem>>
    tpu.wait_dma2 semaphore(%dma_wait3A_3190 : memref<!tpu.dma_semaphore, #tpu.memory_space<semaphore_mem>>) src(%dma_wait3A_3198 : memref<8x1024x128xf32, #tpu.memory_space<vmem>>) dst(%dma_wait3A_3194 : memref<8x1024x128xf32, #tpu.memory_space<any>>)
    %dma_start3A_3199 = arith.constant 3 : i32
    %dma_start3A_3200 = tpu.memref_slice %arg3[%dma_start3A_3199] : memref<8x!tpu.dma_semaphore, #tpu.memory_space<semaphore_mem>> -> memref<1x!tpu.dma_semaphore, #tpu.memory_space<semaphore_mem>>
    %dma_start3A_3201 = tpu.memref_squeeze %dma_start3A_3200 : memref<1x!tpu.dma_semaphore, #tpu.memory_space<semaphore_mem>> -> memref<!tpu.dma_semaphore, #tpu.memory_space<semaphore_mem>>
    %dma_start3A_3202 = arith.constant 920 : i32
    %dma_start3A_3203 = arith.constant 0 : i32
    %dma_start3A_3204 = arith.constant 0 : i32
    %dma_start3A_3205 = tpu.memref_slice %arg1[%dma_start3A_3202, %dma_start3A_3203, %dma_start3A_3204] : memref<1024x1024x128xf32, #tpu.memory_space<any>> -> memref<8x1024x128xf32, #tpu.memory_space<any>>
    %dma_start3A_3206 = arith.constant 0 : i32
    %dma_start3A_3207 = arith.constant 136 : i32
    %dma_start3A_3208 = arith.constant 0 : i32
    %dma_start3A_3209 = tpu.memref_slice %arg2[%dma_start3A_3206, %dma_start3A_3207, %dma_start3A_3208] : memref<8x2120x128xf32, #tpu.memory_space<vmem>> -> memref<8x1024x128xf32, #tpu.memory_space<vmem>>
    tpu.enqueue_dma source(%dma_start3A_3209 : memref<8x1024x128xf32, #tpu.memory_space<vmem>>) target(%dma_start3A_3205 : memref<8x1024x128xf32, #tpu.memory_space<any>>) target_semaphore(%dma_start3A_3201 : memref<!tpu.dma_semaphore, #tpu.memory_space<semaphore_mem>>)
    %dma_wait3A_3210 = arith.constant 4 : i32
    %dma_wait3A_3211 = tpu.memref_slice %arg3[%dma_wait3A_3210] : memref<8x!tpu.dma_semaphore, #tpu.memory_space<semaphore_mem>> -> memref<1x!tpu.dma_semaphore, #tpu.memory_space<semaphore_mem>>
    %dma_wait3A_3212 = tpu.memref_squeeze %dma_wait3A_3211 : memref<1x!tpu.dma_semaphore, #tpu.memory_space<semaphore_mem>> -> memref<!tpu.dma_semaphore, #tpu.memory_space<semaphore_mem>>
    %dma_wait3A_3213 = arith.constant 864 : i32
    %dma_wait3A_3214 = arith.constant 0 : i32
    %dma_wait3A_3215 = arith.constant 0 : i32
    %dma_wait3A_3216 = tpu.memref_slice %arg1[%dma_wait3A_3213, %dma_wait3A_3214, %dma_wait3A_3215] : memref<1024x1024x128xf32, #tpu.memory_space<any>> -> memref<8x1024x128xf32, #tpu.memory_space<any>>
    %dma_wait3A_3217 = arith.constant 0 : i32
    %dma_wait3A_3218 = arith.constant 192 : i32
    %dma_wait3A_3219 = arith.constant 0 : i32
    %dma_wait3A_3220 = tpu.memref_slice %arg2[%dma_wait3A_3217, %dma_wait3A_3218, %dma_wait3A_3219] : memref<8x2120x128xf32, #tpu.memory_space<vmem>> -> memref<8x1024x128xf32, #tpu.memory_space<vmem>>
    tpu.wait_dma2 semaphore(%dma_wait3A_3212 : memref<!tpu.dma_semaphore, #tpu.memory_space<semaphore_mem>>) src(%dma_wait3A_3220 : memref<8x1024x128xf32, #tpu.memory_space<vmem>>) dst(%dma_wait3A_3216 : memref<8x1024x128xf32, #tpu.memory_space<any>>)
    %dma_start3A_3221 = arith.constant 4 : i32
    %dma_start3A_3222 = tpu.memref_slice %arg3[%dma_start3A_3221] : memref<8x!tpu.dma_semaphore, #tpu.memory_space<semaphore_mem>> -> memref<1x!tpu.dma_semaphore, #tpu.memory_space<semaphore_mem>>
    %dma_start3A_3223 = tpu.memref_squeeze %dma_start3A_3222 : memref<1x!tpu.dma_semaphore, #tpu.memory_space<semaphore_mem>> -> memref<!tpu.dma_semaphore, #tpu.memory_space<semaphore_mem>>
    %dma_start3A_3224 = arith.constant 928 : i32
    %dma_start3A_3225 = arith.constant 0 : i32
    %dma_start3A_3226 = arith.constant 0 : i32
    %dma_start3A_3227 = tpu.memref_slice %arg1[%dma_start3A_3224, %dma_start3A_3225, %dma_start3A_3226] : memref<1024x1024x128xf32, #tpu.memory_space<any>> -> memref<8x1024x128xf32, #tpu.memory_space<any>>
    %dma_start3A_3228 = arith.constant 0 : i32
    %dma_start3A_3229 = arith.constant 128 : i32
    %dma_start3A_3230 = arith.constant 0 : i32
    %dma_start3A_3231 = tpu.memref_slice %arg2[%dma_start3A_3228, %dma_start3A_3229, %dma_start3A_3230] : memref<8x2120x128xf32, #tpu.memory_space<vmem>> -> memref<8x1024x128xf32, #tpu.memory_space<vmem>>
    tpu.enqueue_dma source(%dma_start3A_3231 : memref<8x1024x128xf32, #tpu.memory_space<vmem>>) target(%dma_start3A_3227 : memref<8x1024x128xf32, #tpu.memory_space<any>>) target_semaphore(%dma_start3A_3223 : memref<!tpu.dma_semaphore, #tpu.memory_space<semaphore_mem>>)
    %dma_wait3A_3232 = arith.constant 5 : i32
    %dma_wait3A_3233 = tpu.memref_slice %arg3[%dma_wait3A_3232] : memref<8x!tpu.dma_semaphore, #tpu.memory_space<semaphore_mem>> -> memref<1x!tpu.dma_semaphore, #tpu.memory_space<semaphore_mem>>
    %dma_wait3A_3234 = tpu.memref_squeeze %dma_wait3A_3233 : memref<1x!tpu.dma_semaphore, #tpu.memory_space<semaphore_mem>> -> memref<!tpu.dma_semaphore, #tpu.memory_space<semaphore_mem>>
    %dma_wait3A_3235 = arith.constant 872 : i32
    %dma_wait3A_3236 = arith.constant 0 : i32
    %dma_wait3A_3237 = arith.constant 0 : i32
    %dma_wait3A_3238 = tpu.memref_slice %arg1[%dma_wait3A_3235, %dma_wait3A_3236, %dma_wait3A_3237] : memref<1024x1024x128xf32, #tpu.memory_space<any>> -> memref<8x1024x128xf32, #tpu.memory_space<any>>
    %dma_wait3A_3239 = arith.constant 0 : i32
    %dma_wait3A_3240 = arith.constant 184 : i32
    %dma_wait3A_3241 = arith.constant 0 : i32
    %dma_wait3A_3242 = tpu.memref_slice %arg2[%dma_wait3A_3239, %dma_wait3A_3240, %dma_wait3A_3241] : memref<8x2120x128xf32, #tpu.memory_space<vmem>> -> memref<8x1024x128xf32, #tpu.memory_space<vmem>>
    tpu.wait_dma2 semaphore(%dma_wait3A_3234 : memref<!tpu.dma_semaphore, #tpu.memory_space<semaphore_mem>>) src(%dma_wait3A_3242 : memref<8x1024x128xf32, #tpu.memory_space<vmem>>) dst(%dma_wait3A_3238 : memref<8x1024x128xf32, #tpu.memory_space<any>>)
    %dma_start3A_3243 = arith.constant 5 : i32
    %dma_start3A_3244 = tpu.memref_slice %arg3[%dma_start3A_3243] : memref<8x!tpu.dma_semaphore, #tpu.memory_space<semaphore_mem>> -> memref<1x!tpu.dma_semaphore, #tpu.memory_space<semaphore_mem>>
    %dma_start3A_3245 = tpu.memref_squeeze %dma_start3A_3244 : memref<1x!tpu.dma_semaphore, #tpu.memory_space<semaphore_mem>> -> memref<!tpu.dma_semaphore, #tpu.memory_space<semaphore_mem>>
    %dma_start3A_3246 = arith.constant 936 : i32
    %dma_start3A_3247 = arith.constant 0 : i32
    %dma_start3A_3248 = arith.constant 0 : i32
    %dma_start3A_3249 = tpu.memref_slice %arg1[%dma_start3A_3246, %dma_start3A_3247, %dma_start3A_3248] : memref<1024x1024x128xf32, #tpu.memory_space<any>> -> memref<8x1024x128xf32, #tpu.memory_space<any>>
    %dma_start3A_3250 = arith.constant 0 : i32
    %dma_start3A_3251 = arith.constant 120 : i32
    %dma_start3A_3252 = arith.constant 0 : i32
    %dma_start3A_3253 = tpu.memref_slice %arg2[%dma_start3A_3250, %dma_start3A_3251, %dma_start3A_3252] : memref<8x2120x128xf32, #tpu.memory_space<vmem>> -> memref<8x1024x128xf32, #tpu.memory_space<vmem>>
    tpu.enqueue_dma source(%dma_start3A_3253 : memref<8x1024x128xf32, #tpu.memory_space<vmem>>) target(%dma_start3A_3249 : memref<8x1024x128xf32, #tpu.memory_space<any>>) target_semaphore(%dma_start3A_3245 : memref<!tpu.dma_semaphore, #tpu.memory_space<semaphore_mem>>)
    %dma_wait3A_3254 = arith.constant 6 : i32
    %dma_wait3A_3255 = tpu.memref_slice %arg3[%dma_wait3A_3254] : memref<8x!tpu.dma_semaphore, #tpu.memory_space<semaphore_mem>> -> memref<1x!tpu.dma_semaphore, #tpu.memory_space<semaphore_mem>>
    %dma_wait3A_3256 = tpu.memref_squeeze %dma_wait3A_3255 : memref<1x!tpu.dma_semaphore, #tpu.memory_space<semaphore_mem>> -> memref<!tpu.dma_semaphore, #tpu.memory_space<semaphore_mem>>
    %dma_wait3A_3257 = arith.constant 880 : i32
    %dma_wait3A_3258 = arith.constant 0 : i32
    %dma_wait3A_3259 = arith.constant 0 : i32
    %dma_wait3A_3260 = tpu.memref_slice %arg1[%dma_wait3A_3257, %dma_wait3A_3258, %dma_wait3A_3259] : memref<1024x1024x128xf32, #tpu.memory_space<any>> -> memref<8x1024x128xf32, #tpu.memory_space<any>>
    %dma_wait3A_3261 = arith.constant 0 : i32
    %dma_wait3A_3262 = arith.constant 176 : i32
    %dma_wait3A_3263 = arith.constant 0 : i32
    %dma_wait3A_3264 = tpu.memref_slice %arg2[%dma_wait3A_3261, %dma_wait3A_3262, %dma_wait3A_3263] : memref<8x2120x128xf32, #tpu.memory_space<vmem>> -> memref<8x1024x128xf32, #tpu.memory_space<vmem>>
    tpu.wait_dma2 semaphore(%dma_wait3A_3256 : memref<!tpu.dma_semaphore, #tpu.memory_space<semaphore_mem>>) src(%dma_wait3A_3264 : memref<8x1024x128xf32, #tpu.memory_space<vmem>>) dst(%dma_wait3A_3260 : memref<8x1024x128xf32, #tpu.memory_space<any>>)
    %dma_start3A_3265 = arith.constant 6 : i32
    %dma_start3A_3266 = tpu.memref_slice %arg3[%dma_start3A_3265] : memref<8x!tpu.dma_semaphore, #tpu.memory_space<semaphore_mem>> -> memref<1x!tpu.dma_semaphore, #tpu.memory_space<semaphore_mem>>
    %dma_start3A_3267 = tpu.memref_squeeze %dma_start3A_3266 : memref<1x!tpu.dma_semaphore, #tpu.memory_space<semaphore_mem>> -> memref<!tpu.dma_semaphore, #tpu.memory_space<semaphore_mem>>
    %dma_start3A_3268 = arith.constant 944 : i32
    %dma_start3A_3269 = arith.constant 0 : i32
    %dma_start3A_3270 = arith.constant 0 : i32
    %dma_start3A_3271 = tpu.memref_slice %arg1[%dma_start3A_3268, %dma_start3A_3269, %dma_start3A_3270] : memref<1024x1024x128xf32, #tpu.memory_space<any>> -> memref<8x1024x128xf32, #tpu.memory_space<any>>
    %dma_start3A_3272 = arith.constant 0 : i32
    %dma_start3A_3273 = arith.constant 112 : i32
    %dma_start3A_3274 = arith.constant 0 : i32
    %dma_start3A_3275 = tpu.memref_slice %arg2[%dma_start3A_3272, %dma_start3A_3273, %dma_start3A_3274] : memref<8x2120x128xf32, #tpu.memory_space<vmem>> -> memref<8x1024x128xf32, #tpu.memory_space<vmem>>
    tpu.enqueue_dma source(%dma_start3A_3275 : memref<8x1024x128xf32, #tpu.memory_space<vmem>>) target(%dma_start3A_3271 : memref<8x1024x128xf32, #tpu.memory_space<any>>) target_semaphore(%dma_start3A_3267 : memref<!tpu.dma_semaphore, #tpu.memory_space<semaphore_mem>>)
    %dma_wait3A_3276 = arith.constant 7 : i32
    %dma_wait3A_3277 = tpu.memref_slice %arg3[%dma_wait3A_3276] : memref<8x!tpu.dma_semaphore, #tpu.memory_space<semaphore_mem>> -> memref<1x!tpu.dma_semaphore, #tpu.memory_space<semaphore_mem>>
    %dma_wait3A_3278 = tpu.memref_squeeze %dma_wait3A_3277 : memref<1x!tpu.dma_semaphore, #tpu.memory_space<semaphore_mem>> -> memref<!tpu.dma_semaphore, #tpu.memory_space<semaphore_mem>>
    %dma_wait3A_3279 = arith.constant 888 : i32
    %dma_wait3A_3280 = arith.constant 0 : i32
    %dma_wait3A_3281 = arith.constant 0 : i32
    %dma_wait3A_3282 = tpu.memref_slice %arg1[%dma_wait3A_3279, %dma_wait3A_3280, %dma_wait3A_3281] : memref<1024x1024x128xf32, #tpu.memory_space<any>> -> memref<8x1024x128xf32, #tpu.memory_space<any>>
    %dma_wait3A_3283 = arith.constant 0 : i32
    %dma_wait3A_3284 = arith.constant 168 : i32
    %dma_wait3A_3285 = arith.constant 0 : i32
    %dma_wait3A_3286 = tpu.memref_slice %arg2[%dma_wait3A_3283, %dma_wait3A_3284, %dma_wait3A_3285] : memref<8x2120x128xf32, #tpu.memory_space<vmem>> -> memref<8x1024x128xf32, #tpu.memory_space<vmem>>
    tpu.wait_dma2 semaphore(%dma_wait3A_3278 : memref<!tpu.dma_semaphore, #tpu.memory_space<semaphore_mem>>) src(%dma_wait3A_3286 : memref<8x1024x128xf32, #tpu.memory_space<vmem>>) dst(%dma_wait3A_3282 : memref<8x1024x128xf32, #tpu.memory_space<any>>)
    %dma_start3A_3287 = arith.constant 7 : i32
    %dma_start3A_3288 = tpu.memref_slice %arg3[%dma_start3A_3287] : memref<8x!tpu.dma_semaphore, #tpu.memory_space<semaphore_mem>> -> memref<1x!tpu.dma_semaphore, #tpu.memory_space<semaphore_mem>>
    %dma_start3A_3289 = tpu.memref_squeeze %dma_start3A_3288 : memref<1x!tpu.dma_semaphore, #tpu.memory_space<semaphore_mem>> -> memref<!tpu.dma_semaphore, #tpu.memory_space<semaphore_mem>>
    %dma_start3A_3290 = arith.constant 952 : i32
    %dma_start3A_3291 = arith.constant 0 : i32
    %dma_start3A_3292 = arith.constant 0 : i32
    %dma_start3A_3293 = tpu.memref_slice %arg1[%dma_start3A_3290, %dma_start3A_3291, %dma_start3A_3292] : memref<1024x1024x128xf32, #tpu.memory_space<any>> -> memref<8x1024x128xf32, #tpu.memory_space<any>>
    %dma_start3A_3294 = arith.constant 0 : i32
    %dma_start3A_3295 = arith.constant 104 : i32
    %dma_start3A_3296 = arith.constant 0 : i32
    %dma_start3A_3297 = tpu.memref_slice %arg2[%dma_start3A_3294, %dma_start3A_3295, %dma_start3A_3296] : memref<8x2120x128xf32, #tpu.memory_space<vmem>> -> memref<8x1024x128xf32, #tpu.memory_space<vmem>>
    tpu.enqueue_dma source(%dma_start3A_3297 : memref<8x1024x128xf32, #tpu.memory_space<vmem>>) target(%dma_start3A_3293 : memref<8x1024x128xf32, #tpu.memory_space<any>>) target_semaphore(%dma_start3A_3289 : memref<!tpu.dma_semaphore, #tpu.memory_space<semaphore_mem>>)
    %dma_wait3A_3298 = arith.constant 0 : i32
    %dma_wait3A_3299 = tpu.memref_slice %arg3[%dma_wait3A_3298] : memref<8x!tpu.dma_semaphore, #tpu.memory_space<semaphore_mem>> -> memref<1x!tpu.dma_semaphore, #tpu.memory_space<semaphore_mem>>
    %dma_wait3A_3300 = tpu.memref_squeeze %dma_wait3A_3299 : memref<1x!tpu.dma_semaphore, #tpu.memory_space<semaphore_mem>> -> memref<!tpu.dma_semaphore, #tpu.memory_space<semaphore_mem>>
    %dma_wait3A_3301 = arith.constant 896 : i32
    %dma_wait3A_3302 = arith.constant 0 : i32
    %dma_wait3A_3303 = arith.constant 0 : i32
    %dma_wait3A_3304 = tpu.memref_slice %arg1[%dma_wait3A_3301, %dma_wait3A_3302, %dma_wait3A_3303] : memref<1024x1024x128xf32, #tpu.memory_space<any>> -> memref<8x1024x128xf32, #tpu.memory_space<any>>
    %dma_wait3A_3305 = arith.constant 0 : i32
    %dma_wait3A_3306 = arith.constant 160 : i32
    %dma_wait3A_3307 = arith.constant 0 : i32
    %dma_wait3A_3308 = tpu.memref_slice %arg2[%dma_wait3A_3305, %dma_wait3A_3306, %dma_wait3A_3307] : memref<8x2120x128xf32, #tpu.memory_space<vmem>> -> memref<8x1024x128xf32, #tpu.memory_space<vmem>>
    tpu.wait_dma2 semaphore(%dma_wait3A_3300 : memref<!tpu.dma_semaphore, #tpu.memory_space<semaphore_mem>>) src(%dma_wait3A_3308 : memref<8x1024x128xf32, #tpu.memory_space<vmem>>) dst(%dma_wait3A_3304 : memref<8x1024x128xf32, #tpu.memory_space<any>>)
    %dma_start3A_3309 = arith.constant 0 : i32
    %dma_start3A_3310 = tpu.memref_slice %arg3[%dma_start3A_3309] : memref<8x!tpu.dma_semaphore, #tpu.memory_space<semaphore_mem>> -> memref<1x!tpu.dma_semaphore, #tpu.memory_space<semaphore_mem>>
    %dma_start3A_3311 = tpu.memref_squeeze %dma_start3A_3310 : memref<1x!tpu.dma_semaphore, #tpu.memory_space<semaphore_mem>> -> memref<!tpu.dma_semaphore, #tpu.memory_space<semaphore_mem>>
    %dma_start3A_3312 = arith.constant 960 : i32
    %dma_start3A_3313 = arith.constant 0 : i32
    %dma_start3A_3314 = arith.constant 0 : i32
    %dma_start3A_3315 = tpu.memref_slice %arg1[%dma_start3A_3312, %dma_start3A_3313, %dma_start3A_3314] : memref<1024x1024x128xf32, #tpu.memory_space<any>> -> memref<8x1024x128xf32, #tpu.memory_space<any>>
    %dma_start3A_3316 = arith.constant 0 : i32
    %dma_start3A_3317 = arith.constant 96 : i32
    %dma_start3A_3318 = arith.constant 0 : i32
    %dma_start3A_3319 = tpu.memref_slice %arg2[%dma_start3A_3316, %dma_start3A_3317, %dma_start3A_3318] : memref<8x2120x128xf32, #tpu.memory_space<vmem>> -> memref<8x1024x128xf32, #tpu.memory_space<vmem>>
    tpu.enqueue_dma source(%dma_start3A_3319 : memref<8x1024x128xf32, #tpu.memory_space<vmem>>) target(%dma_start3A_3315 : memref<8x1024x128xf32, #tpu.memory_space<any>>) target_semaphore(%dma_start3A_3311 : memref<!tpu.dma_semaphore, #tpu.memory_space<semaphore_mem>>)
    %dma_wait3A_3320 = arith.constant 1 : i32
    %dma_wait3A_3321 = tpu.memref_slice %arg3[%dma_wait3A_3320] : memref<8x!tpu.dma_semaphore, #tpu.memory_space<semaphore_mem>> -> memref<1x!tpu.dma_semaphore, #tpu.memory_space<semaphore_mem>>
    %dma_wait3A_3322 = tpu.memref_squeeze %dma_wait3A_3321 : memref<1x!tpu.dma_semaphore, #tpu.memory_space<semaphore_mem>> -> memref<!tpu.dma_semaphore, #tpu.memory_space<semaphore_mem>>
    %dma_wait3A_3323 = arith.constant 904 : i32
    %dma_wait3A_3324 = arith.constant 0 : i32
    %dma_wait3A_3325 = arith.constant 0 : i32
    %dma_wait3A_3326 = tpu.memref_slice %arg1[%dma_wait3A_3323, %dma_wait3A_3324, %dma_wait3A_3325] : memref<1024x1024x128xf32, #tpu.memory_space<any>> -> memref<8x1024x128xf32, #tpu.memory_space<any>>
    %dma_wait3A_3327 = arith.constant 0 : i32
    %dma_wait3A_3328 = arith.constant 152 : i32
    %dma_wait3A_3329 = arith.constant 0 : i32
    %dma_wait3A_3330 = tpu.memref_slice %arg2[%dma_wait3A_3327, %dma_wait3A_3328, %dma_wait3A_3329] : memref<8x2120x128xf32, #tpu.memory_space<vmem>> -> memref<8x1024x128xf32, #tpu.memory_space<vmem>>
    tpu.wait_dma2 semaphore(%dma_wait3A_3322 : memref<!tpu.dma_semaphore, #tpu.memory_space<semaphore_mem>>) src(%dma_wait3A_3330 : memref<8x1024x128xf32, #tpu.memory_space<vmem>>) dst(%dma_wait3A_3326 : memref<8x1024x128xf32, #tpu.memory_space<any>>)
    %dma_start3A_3331 = arith.constant 1 : i32
    %dma_start3A_3332 = tpu.memref_slice %arg3[%dma_start3A_3331] : memref<8x!tpu.dma_semaphore, #tpu.memory_space<semaphore_mem>> -> memref<1x!tpu.dma_semaphore, #tpu.memory_space<semaphore_mem>>
    %dma_start3A_3333 = tpu.memref_squeeze %dma_start3A_3332 : memref<1x!tpu.dma_semaphore, #tpu.memory_space<semaphore_mem>> -> memref<!tpu.dma_semaphore, #tpu.memory_space<semaphore_mem>>
    %dma_start3A_3334 = arith.constant 968 : i32
    %dma_start3A_3335 = arith.constant 0 : i32
    %dma_start3A_3336 = arith.constant 0 : i32
    %dma_start3A_3337 = tpu.memref_slice %arg1[%dma_start3A_3334, %dma_start3A_3335, %dma_start3A_3336] : memref<1024x1024x128xf32, #tpu.memory_space<any>> -> memref<8x1024x128xf32, #tpu.memory_space<any>>
    %dma_start3A_3338 = arith.constant 0 : i32
    %dma_start3A_3339 = arith.constant 88 : i32
    %dma_start3A_3340 = arith.constant 0 : i32
    %dma_start3A_3341 = tpu.memref_slice %arg2[%dma_start3A_3338, %dma_start3A_3339, %dma_start3A_3340] : memref<8x2120x128xf32, #tpu.memory_space<vmem>> -> memref<8x1024x128xf32, #tpu.memory_space<vmem>>
    tpu.enqueue_dma source(%dma_start3A_3341 : memref<8x1024x128xf32, #tpu.memory_space<vmem>>) target(%dma_start3A_3337 : memref<8x1024x128xf32, #tpu.memory_space<any>>) target_semaphore(%dma_start3A_3333 : memref<!tpu.dma_semaphore, #tpu.memory_space<semaphore_mem>>)
    %dma_wait3A_3342 = arith.constant 2 : i32
    %dma_wait3A_3343 = tpu.memref_slice %arg3[%dma_wait3A_3342] : memref<8x!tpu.dma_semaphore, #tpu.memory_space<semaphore_mem>> -> memref<1x!tpu.dma_semaphore, #tpu.memory_space<semaphore_mem>>
    %dma_wait3A_3344 = tpu.memref_squeeze %dma_wait3A_3343 : memref<1x!tpu.dma_semaphore, #tpu.memory_space<semaphore_mem>> -> memref<!tpu.dma_semaphore, #tpu.memory_space<semaphore_mem>>
    %dma_wait3A_3345 = arith.constant 912 : i32
    %dma_wait3A_3346 = arith.constant 0 : i32
    %dma_wait3A_3347 = arith.constant 0 : i32
    %dma_wait3A_3348 = tpu.memref_slice %arg1[%dma_wait3A_3345, %dma_wait3A_3346, %dma_wait3A_3347] : memref<1024x1024x128xf32, #tpu.memory_space<any>> -> memref<8x1024x128xf32, #tpu.memory_space<any>>
    %dma_wait3A_3349 = arith.constant 0 : i32
    %dma_wait3A_3350 = arith.constant 144 : i32
    %dma_wait3A_3351 = arith.constant 0 : i32
    %dma_wait3A_3352 = tpu.memref_slice %arg2[%dma_wait3A_3349, %dma_wait3A_3350, %dma_wait3A_3351] : memref<8x2120x128xf32, #tpu.memory_space<vmem>> -> memref<8x1024x128xf32, #tpu.memory_space<vmem>>
    tpu.wait_dma2 semaphore(%dma_wait3A_3344 : memref<!tpu.dma_semaphore, #tpu.memory_space<semaphore_mem>>) src(%dma_wait3A_3352 : memref<8x1024x128xf32, #tpu.memory_space<vmem>>) dst(%dma_wait3A_3348 : memref<8x1024x128xf32, #tpu.memory_space<any>>)
    %dma_start3A_3353 = arith.constant 2 : i32
    %dma_start3A_3354 = tpu.memref_slice %arg3[%dma_start3A_3353] : memref<8x!tpu.dma_semaphore, #tpu.memory_space<semaphore_mem>> -> memref<1x!tpu.dma_semaphore, #tpu.memory_space<semaphore_mem>>
    %dma_start3A_3355 = tpu.memref_squeeze %dma_start3A_3354 : memref<1x!tpu.dma_semaphore, #tpu.memory_space<semaphore_mem>> -> memref<!tpu.dma_semaphore, #tpu.memory_space<semaphore_mem>>
    %dma_start3A_3356 = arith.constant 976 : i32
    %dma_start3A_3357 = arith.constant 0 : i32
    %dma_start3A_3358 = arith.constant 0 : i32
    %dma_start3A_3359 = tpu.memref_slice %arg1[%dma_start3A_3356, %dma_start3A_3357, %dma_start3A_3358] : memref<1024x1024x128xf32, #tpu.memory_space<any>> -> memref<8x1024x128xf32, #tpu.memory_space<any>>
    %dma_start3A_3360 = arith.constant 0 : i32
    %dma_start3A_3361 = arith.constant 80 : i32
    %dma_start3A_3362 = arith.constant 0 : i32
    %dma_start3A_3363 = tpu.memref_slice %arg2[%dma_start3A_3360, %dma_start3A_3361, %dma_start3A_3362] : memref<8x2120x128xf32, #tpu.memory_space<vmem>> -> memref<8x1024x128xf32, #tpu.memory_space<vmem>>
    tpu.enqueue_dma source(%dma_start3A_3363 : memref<8x1024x128xf32, #tpu.memory_space<vmem>>) target(%dma_start3A_3359 : memref<8x1024x128xf32, #tpu.memory_space<any>>) target_semaphore(%dma_start3A_3355 : memref<!tpu.dma_semaphore, #tpu.memory_space<semaphore_mem>>)
    %dma_wait3A_3364 = arith.constant 3 : i32
    %dma_wait3A_3365 = tpu.memref_slice %arg3[%dma_wait3A_3364] : memref<8x!tpu.dma_semaphore, #tpu.memory_space<semaphore_mem>> -> memref<1x!tpu.dma_semaphore, #tpu.memory_space<semaphore_mem>>
    %dma_wait3A_3366 = tpu.memref_squeeze %dma_wait3A_3365 : memref<1x!tpu.dma_semaphore, #tpu.memory_space<semaphore_mem>> -> memref<!tpu.dma_semaphore, #tpu.memory_space<semaphore_mem>>
    %dma_wait3A_3367 = arith.constant 920 : i32
    %dma_wait3A_3368 = arith.constant 0 : i32
    %dma_wait3A_3369 = arith.constant 0 : i32
    %dma_wait3A_3370 = tpu.memref_slice %arg1[%dma_wait3A_3367, %dma_wait3A_3368, %dma_wait3A_3369] : memref<1024x1024x128xf32, #tpu.memory_space<any>> -> memref<8x1024x128xf32, #tpu.memory_space<any>>
    %dma_wait3A_3371 = arith.constant 0 : i32
    %dma_wait3A_3372 = arith.constant 136 : i32
    %dma_wait3A_3373 = arith.constant 0 : i32
    %dma_wait3A_3374 = tpu.memref_slice %arg2[%dma_wait3A_3371, %dma_wait3A_3372, %dma_wait3A_3373] : memref<8x2120x128xf32, #tpu.memory_space<vmem>> -> memref<8x1024x128xf32, #tpu.memory_space<vmem>>
    tpu.wait_dma2 semaphore(%dma_wait3A_3366 : memref<!tpu.dma_semaphore, #tpu.memory_space<semaphore_mem>>) src(%dma_wait3A_3374 : memref<8x1024x128xf32, #tpu.memory_space<vmem>>) dst(%dma_wait3A_3370 : memref<8x1024x128xf32, #tpu.memory_space<any>>)
    %dma_start3A_3375 = arith.constant 3 : i32
    %dma_start3A_3376 = tpu.memref_slice %arg3[%dma_start3A_3375] : memref<8x!tpu.dma_semaphore, #tpu.memory_space<semaphore_mem>> -> memref<1x!tpu.dma_semaphore, #tpu.memory_space<semaphore_mem>>
    %dma_start3A_3377 = tpu.memref_squeeze %dma_start3A_3376 : memref<1x!tpu.dma_semaphore, #tpu.memory_space<semaphore_mem>> -> memref<!tpu.dma_semaphore, #tpu.memory_space<semaphore_mem>>
    %dma_start3A_3378 = arith.constant 984 : i32
    %dma_start3A_3379 = arith.constant 0 : i32
    %dma_start3A_3380 = arith.constant 0 : i32
    %dma_start3A_3381 = tpu.memref_slice %arg1[%dma_start3A_3378, %dma_start3A_3379, %dma_start3A_3380] : memref<1024x1024x128xf32, #tpu.memory_space<any>> -> memref<8x1024x128xf32, #tpu.memory_space<any>>
    %dma_start3A_3382 = arith.constant 0 : i32
    %dma_start3A_3383 = arith.constant 72 : i32
    %dma_start3A_3384 = arith.constant 0 : i32
    %dma_start3A_3385 = tpu.memref_slice %arg2[%dma_start3A_3382, %dma_start3A_3383, %dma_start3A_3384] : memref<8x2120x128xf32, #tpu.memory_space<vmem>> -> memref<8x1024x128xf32, #tpu.memory_space<vmem>>
    tpu.enqueue_dma source(%dma_start3A_3385 : memref<8x1024x128xf32, #tpu.memory_space<vmem>>) target(%dma_start3A_3381 : memref<8x1024x128xf32, #tpu.memory_space<any>>) target_semaphore(%dma_start3A_3377 : memref<!tpu.dma_semaphore, #tpu.memory_space<semaphore_mem>>)
    %dma_wait3A_3386 = arith.constant 4 : i32
    %dma_wait3A_3387 = tpu.memref_slice %arg3[%dma_wait3A_3386] : memref<8x!tpu.dma_semaphore, #tpu.memory_space<semaphore_mem>> -> memref<1x!tpu.dma_semaphore, #tpu.memory_space<semaphore_mem>>
    %dma_wait3A_3388 = tpu.memref_squeeze %dma_wait3A_3387 : memref<1x!tpu.dma_semaphore, #tpu.memory_space<semaphore_mem>> -> memref<!tpu.dma_semaphore, #tpu.memory_space<semaphore_mem>>
    %dma_wait3A_3389 = arith.constant 928 : i32
    %dma_wait3A_3390 = arith.constant 0 : i32
    %dma_wait3A_3391 = arith.constant 0 : i32
    %dma_wait3A_3392 = tpu.memref_slice %arg1[%dma_wait3A_3389, %dma_wait3A_3390, %dma_wait3A_3391] : memref<1024x1024x128xf32, #tpu.memory_space<any>> -> memref<8x1024x128xf32, #tpu.memory_space<any>>
    %dma_wait3A_3393 = arith.constant 0 : i32
    %dma_wait3A_3394 = arith.constant 128 : i32
    %dma_wait3A_3395 = arith.constant 0 : i32
    %dma_wait3A_3396 = tpu.memref_slice %arg2[%dma_wait3A_3393, %dma_wait3A_3394, %dma_wait3A_3395] : memref<8x2120x128xf32, #tpu.memory_space<vmem>> -> memref<8x1024x128xf32, #tpu.memory_space<vmem>>
    tpu.wait_dma2 semaphore(%dma_wait3A_3388 : memref<!tpu.dma_semaphore, #tpu.memory_space<semaphore_mem>>) src(%dma_wait3A_3396 : memref<8x1024x128xf32, #tpu.memory_space<vmem>>) dst(%dma_wait3A_3392 : memref<8x1024x128xf32, #tpu.memory_space<any>>)
    %dma_start3A_3397 = arith.constant 4 : i32
    %dma_start3A_3398 = tpu.memref_slice %arg3[%dma_start3A_3397] : memref<8x!tpu.dma_semaphore, #tpu.memory_space<semaphore_mem>> -> memref<1x!tpu.dma_semaphore, #tpu.memory_space<semaphore_mem>>
    %dma_start3A_3399 = tpu.memref_squeeze %dma_start3A_3398 : memref<1x!tpu.dma_semaphore, #tpu.memory_space<semaphore_mem>> -> memref<!tpu.dma_semaphore, #tpu.memory_space<semaphore_mem>>
    %dma_start3A_3400 = arith.constant 992 : i32
    %dma_start3A_3401 = arith.constant 0 : i32
    %dma_start3A_3402 = arith.constant 0 : i32
    %dma_start3A_3403 = tpu.memref_slice %arg1[%dma_start3A_3400, %dma_start3A_3401, %dma_start3A_3402] : memref<1024x1024x128xf32, #tpu.memory_space<any>> -> memref<8x1024x128xf32, #tpu.memory_space<any>>
    %dma_start3A_3404 = arith.constant 0 : i32
    %dma_start3A_3405 = arith.constant 64 : i32
    %dma_start3A_3406 = arith.constant 0 : i32
    %dma_start3A_3407 = tpu.memref_slice %arg2[%dma_start3A_3404, %dma_start3A_3405, %dma_start3A_3406] : memref<8x2120x128xf32, #tpu.memory_space<vmem>> -> memref<8x1024x128xf32, #tpu.memory_space<vmem>>
    tpu.enqueue_dma source(%dma_start3A_3407 : memref<8x1024x128xf32, #tpu.memory_space<vmem>>) target(%dma_start3A_3403 : memref<8x1024x128xf32, #tpu.memory_space<any>>) target_semaphore(%dma_start3A_3399 : memref<!tpu.dma_semaphore, #tpu.memory_space<semaphore_mem>>)
    %dma_wait3A_3408 = arith.constant 5 : i32
    %dma_wait3A_3409 = tpu.memref_slice %arg3[%dma_wait3A_3408] : memref<8x!tpu.dma_semaphore, #tpu.memory_space<semaphore_mem>> -> memref<1x!tpu.dma_semaphore, #tpu.memory_space<semaphore_mem>>
    %dma_wait3A_3410 = tpu.memref_squeeze %dma_wait3A_3409 : memref<1x!tpu.dma_semaphore, #tpu.memory_space<semaphore_mem>> -> memref<!tpu.dma_semaphore, #tpu.memory_space<semaphore_mem>>
    %dma_wait3A_3411 = arith.constant 936 : i32
    %dma_wait3A_3412 = arith.constant 0 : i32
    %dma_wait3A_3413 = arith.constant 0 : i32
    %dma_wait3A_3414 = tpu.memref_slice %arg1[%dma_wait3A_3411, %dma_wait3A_3412, %dma_wait3A_3413] : memref<1024x1024x128xf32, #tpu.memory_space<any>> -> memref<8x1024x128xf32, #tpu.memory_space<any>>
    %dma_wait3A_3415 = arith.constant 0 : i32
    %dma_wait3A_3416 = arith.constant 120 : i32
    %dma_wait3A_3417 = arith.constant 0 : i32
    %dma_wait3A_3418 = tpu.memref_slice %arg2[%dma_wait3A_3415, %dma_wait3A_3416, %dma_wait3A_3417] : memref<8x2120x128xf32, #tpu.memory_space<vmem>> -> memref<8x1024x128xf32, #tpu.memory_space<vmem>>
    tpu.wait_dma2 semaphore(%dma_wait3A_3410 : memref<!tpu.dma_semaphore, #tpu.memory_space<semaphore_mem>>) src(%dma_wait3A_3418 : memref<8x1024x128xf32, #tpu.memory_space<vmem>>) dst(%dma_wait3A_3414 : memref<8x1024x128xf32, #tpu.memory_space<any>>)
    %dma_start3A_3419 = arith.constant 5 : i32
    %dma_start3A_3420 = tpu.memref_slice %arg3[%dma_start3A_3419] : memref<8x!tpu.dma_semaphore, #tpu.memory_space<semaphore_mem>> -> memref<1x!tpu.dma_semaphore, #tpu.memory_space<semaphore_mem>>
    %dma_start3A_3421 = tpu.memref_squeeze %dma_start3A_3420 : memref<1x!tpu.dma_semaphore, #tpu.memory_space<semaphore_mem>> -> memref<!tpu.dma_semaphore, #tpu.memory_space<semaphore_mem>>
    %dma_start3A_3422 = arith.constant 1000 : i32
    %dma_start3A_3423 = arith.constant 0 : i32
    %dma_start3A_3424 = arith.constant 0 : i32
    %dma_start3A_3425 = tpu.memref_slice %arg1[%dma_start3A_3422, %dma_start3A_3423, %dma_start3A_3424] : memref<1024x1024x128xf32, #tpu.memory_space<any>> -> memref<8x1024x128xf32, #tpu.memory_space<any>>
    %dma_start3A_3426 = arith.constant 0 : i32
    %dma_start3A_3427 = arith.constant 56 : i32
    %dma_start3A_3428 = arith.constant 0 : i32
    %dma_start3A_3429 = tpu.memref_slice %arg2[%dma_start3A_3426, %dma_start3A_3427, %dma_start3A_3428] : memref<8x2120x128xf32, #tpu.memory_space<vmem>> -> memref<8x1024x128xf32, #tpu.memory_space<vmem>>
    tpu.enqueue_dma source(%dma_start3A_3429 : memref<8x1024x128xf32, #tpu.memory_space<vmem>>) target(%dma_start3A_3425 : memref<8x1024x128xf32, #tpu.memory_space<any>>) target_semaphore(%dma_start3A_3421 : memref<!tpu.dma_semaphore, #tpu.memory_space<semaphore_mem>>)
    %dma_wait3A_3430 = arith.constant 6 : i32
    %dma_wait3A_3431 = tpu.memref_slice %arg3[%dma_wait3A_3430] : memref<8x!tpu.dma_semaphore, #tpu.memory_space<semaphore_mem>> -> memref<1x!tpu.dma_semaphore, #tpu.memory_space<semaphore_mem>>
    %dma_wait3A_3432 = tpu.memref_squeeze %dma_wait3A_3431 : memref<1x!tpu.dma_semaphore, #tpu.memory_space<semaphore_mem>> -> memref<!tpu.dma_semaphore, #tpu.memory_space<semaphore_mem>>
    %dma_wait3A_3433 = arith.constant 944 : i32
    %dma_wait3A_3434 = arith.constant 0 : i32
    %dma_wait3A_3435 = arith.constant 0 : i32
    %dma_wait3A_3436 = tpu.memref_slice %arg1[%dma_wait3A_3433, %dma_wait3A_3434, %dma_wait3A_3435] : memref<1024x1024x128xf32, #tpu.memory_space<any>> -> memref<8x1024x128xf32, #tpu.memory_space<any>>
    %dma_wait3A_3437 = arith.constant 0 : i32
    %dma_wait3A_3438 = arith.constant 112 : i32
    %dma_wait3A_3439 = arith.constant 0 : i32
    %dma_wait3A_3440 = tpu.memref_slice %arg2[%dma_wait3A_3437, %dma_wait3A_3438, %dma_wait3A_3439] : memref<8x2120x128xf32, #tpu.memory_space<vmem>> -> memref<8x1024x128xf32, #tpu.memory_space<vmem>>
    tpu.wait_dma2 semaphore(%dma_wait3A_3432 : memref<!tpu.dma_semaphore, #tpu.memory_space<semaphore_mem>>) src(%dma_wait3A_3440 : memref<8x1024x128xf32, #tpu.memory_space<vmem>>) dst(%dma_wait3A_3436 : memref<8x1024x128xf32, #tpu.memory_space<any>>)
    %dma_start3A_3441 = arith.constant 6 : i32
    %dma_start3A_3442 = tpu.memref_slice %arg3[%dma_start3A_3441] : memref<8x!tpu.dma_semaphore, #tpu.memory_space<semaphore_mem>> -> memref<1x!tpu.dma_semaphore, #tpu.memory_space<semaphore_mem>>
    %dma_start3A_3443 = tpu.memref_squeeze %dma_start3A_3442 : memref<1x!tpu.dma_semaphore, #tpu.memory_space<semaphore_mem>> -> memref<!tpu.dma_semaphore, #tpu.memory_space<semaphore_mem>>
    %dma_start3A_3444 = arith.constant 1008 : i32
    %dma_start3A_3445 = arith.constant 0 : i32
    %dma_start3A_3446 = arith.constant 0 : i32
    %dma_start3A_3447 = tpu.memref_slice %arg1[%dma_start3A_3444, %dma_start3A_3445, %dma_start3A_3446] : memref<1024x1024x128xf32, #tpu.memory_space<any>> -> memref<8x1024x128xf32, #tpu.memory_space<any>>
    %dma_start3A_3448 = arith.constant 0 : i32
    %dma_start3A_3449 = arith.constant 48 : i32
    %dma_start3A_3450 = arith.constant 0 : i32
    %dma_start3A_3451 = tpu.memref_slice %arg2[%dma_start3A_3448, %dma_start3A_3449, %dma_start3A_3450] : memref<8x2120x128xf32, #tpu.memory_space<vmem>> -> memref<8x1024x128xf32, #tpu.memory_space<vmem>>
    tpu.enqueue_dma source(%dma_start3A_3451 : memref<8x1024x128xf32, #tpu.memory_space<vmem>>) target(%dma_start3A_3447 : memref<8x1024x128xf32, #tpu.memory_space<any>>) target_semaphore(%dma_start3A_3443 : memref<!tpu.dma_semaphore, #tpu.memory_space<semaphore_mem>>)
    %dma_wait3A_3452 = arith.constant 7 : i32
    %dma_wait3A_3453 = tpu.memref_slice %arg3[%dma_wait3A_3452] : memref<8x!tpu.dma_semaphore, #tpu.memory_space<semaphore_mem>> -> memref<1x!tpu.dma_semaphore, #tpu.memory_space<semaphore_mem>>
    %dma_wait3A_3454 = tpu.memref_squeeze %dma_wait3A_3453 : memref<1x!tpu.dma_semaphore, #tpu.memory_space<semaphore_mem>> -> memref<!tpu.dma_semaphore, #tpu.memory_space<semaphore_mem>>
    %dma_wait3A_3455 = arith.constant 952 : i32
    %dma_wait3A_3456 = arith.constant 0 : i32
    %dma_wait3A_3457 = arith.constant 0 : i32
    %dma_wait3A_3458 = tpu.memref_slice %arg1[%dma_wait3A_3455, %dma_wait3A_3456, %dma_wait3A_3457] : memref<1024x1024x128xf32, #tpu.memory_space<any>> -> memref<8x1024x128xf32, #tpu.memory_space<any>>
    %dma_wait3A_3459 = arith.constant 0 : i32
    %dma_wait3A_3460 = arith.constant 104 : i32
    %dma_wait3A_3461 = arith.constant 0 : i32
    %dma_wait3A_3462 = tpu.memref_slice %arg2[%dma_wait3A_3459, %dma_wait3A_3460, %dma_wait3A_3461] : memref<8x2120x128xf32, #tpu.memory_space<vmem>> -> memref<8x1024x128xf32, #tpu.memory_space<vmem>>
    tpu.wait_dma2 semaphore(%dma_wait3A_3454 : memref<!tpu.dma_semaphore, #tpu.memory_space<semaphore_mem>>) src(%dma_wait3A_3462 : memref<8x1024x128xf32, #tpu.memory_space<vmem>>) dst(%dma_wait3A_3458 : memref<8x1024x128xf32, #tpu.memory_space<any>>)
    %dma_start3A_3463 = arith.constant 7 : i32
    %dma_start3A_3464 = tpu.memref_slice %arg3[%dma_start3A_3463] : memref<8x!tpu.dma_semaphore, #tpu.memory_space<semaphore_mem>> -> memref<1x!tpu.dma_semaphore, #tpu.memory_space<semaphore_mem>>
    %dma_start3A_3465 = tpu.memref_squeeze %dma_start3A_3464 : memref<1x!tpu.dma_semaphore, #tpu.memory_space<semaphore_mem>> -> memref<!tpu.dma_semaphore, #tpu.memory_space<semaphore_mem>>
    %dma_start3A_3466 = arith.constant 1016 : i32
    %dma_start3A_3467 = arith.constant 0 : i32
    %dma_start3A_3468 = arith.constant 0 : i32
    %dma_start3A_3469 = tpu.memref_slice %arg1[%dma_start3A_3466, %dma_start3A_3467, %dma_start3A_3468] : memref<1024x1024x128xf32, #tpu.memory_space<any>> -> memref<8x1024x128xf32, #tpu.memory_space<any>>
    %dma_start3A_3470 = arith.constant 0 : i32
    %dma_start3A_3471 = arith.constant 40 : i32
    %dma_start3A_3472 = arith.constant 0 : i32
    %dma_start3A_3473 = tpu.memref_slice %arg2[%dma_start3A_3470, %dma_start3A_3471, %dma_start3A_3472] : memref<8x2120x128xf32, #tpu.memory_space<vmem>> -> memref<8x1024x128xf32, #tpu.memory_space<vmem>>
    tpu.enqueue_dma source(%dma_start3A_3473 : memref<8x1024x128xf32, #tpu.memory_space<vmem>>) target(%dma_start3A_3469 : memref<8x1024x128xf32, #tpu.memory_space<any>>) target_semaphore(%dma_start3A_3465 : memref<!tpu.dma_semaphore, #tpu.memory_space<semaphore_mem>>)
    %dma_wait3A_3474 = arith.constant 0 : i32
    %dma_wait3A_3475 = tpu.memref_slice %arg3[%dma_wait3A_3474] : memref<8x!tpu.dma_semaphore, #tpu.memory_space<semaphore_mem>> -> memref<1x!tpu.dma_semaphore, #tpu.memory_space<semaphore_mem>>
    %dma_wait3A_3476 = tpu.memref_squeeze %dma_wait3A_3475 : memref<1x!tpu.dma_semaphore, #tpu.memory_space<semaphore_mem>> -> memref<!tpu.dma_semaphore, #tpu.memory_space<semaphore_mem>>
    %dma_wait3A_3477 = arith.constant 960 : i32
    %dma_wait3A_3478 = arith.constant 0 : i32
    %dma_wait3A_3479 = arith.constant 0 : i32
    %dma_wait3A_3480 = tpu.memref_slice %arg1[%dma_wait3A_3477, %dma_wait3A_3478, %dma_wait3A_3479] : memref<1024x1024x128xf32, #tpu.memory_space<any>> -> memref<8x1024x128xf32, #tpu.memory_space<any>>
    %dma_wait3A_3481 = arith.constant 0 : i32
    %dma_wait3A_3482 = arith.constant 96 : i32
    %dma_wait3A_3483 = arith.constant 0 : i32
    %dma_wait3A_3484 = tpu.memref_slice %arg2[%dma_wait3A_3481, %dma_wait3A_3482, %dma_wait3A_3483] : memref<8x2120x128xf32, #tpu.memory_space<vmem>> -> memref<8x1024x128xf32, #tpu.memory_space<vmem>>
    tpu.wait_dma2 semaphore(%dma_wait3A_3476 : memref<!tpu.dma_semaphore, #tpu.memory_space<semaphore_mem>>) src(%dma_wait3A_3484 : memref<8x1024x128xf32, #tpu.memory_space<vmem>>) dst(%dma_wait3A_3480 : memref<8x1024x128xf32, #tpu.memory_space<any>>)
    %dma_wait3A_3485 = arith.constant 1 : i32
    %dma_wait3A_3486 = tpu.memref_slice %arg3[%dma_wait3A_3485] : memref<8x!tpu.dma_semaphore, #tpu.memory_space<semaphore_mem>> -> memref<1x!tpu.dma_semaphore, #tpu.memory_space<semaphore_mem>>
    %dma_wait3A_3487 = tpu.memref_squeeze %dma_wait3A_3486 : memref<1x!tpu.dma_semaphore, #tpu.memory_space<semaphore_mem>> -> memref<!tpu.dma_semaphore, #tpu.memory_space<semaphore_mem>>
    %dma_wait3A_3488 = arith.constant 968 : i32
    %dma_wait3A_3489 = arith.constant 0 : i32
    %dma_wait3A_3490 = arith.constant 0 : i32
    %dma_wait3A_3491 = tpu.memref_slice %arg1[%dma_wait3A_3488, %dma_wait3A_3489, %dma_wait3A_3490] : memref<1024x1024x128xf32, #tpu.memory_space<any>> -> memref<8x1024x128xf32, #tpu.memory_space<any>>
    %dma_wait3A_3492 = arith.constant 0 : i32
    %dma_wait3A_3493 = arith.constant 88 : i32
    %dma_wait3A_3494 = arith.constant 0 : i32
    %dma_wait3A_3495 = tpu.memref_slice %arg2[%dma_wait3A_3492, %dma_wait3A_3493, %dma_wait3A_3494] : memref<8x2120x128xf32, #tpu.memory_space<vmem>> -> memref<8x1024x128xf32, #tpu.memory_space<vmem>>
    tpu.wait_dma2 semaphore(%dma_wait3A_3487 : memref<!tpu.dma_semaphore, #tpu.memory_space<semaphore_mem>>) src(%dma_wait3A_3495 : memref<8x1024x128xf32, #tpu.memory_space<vmem>>) dst(%dma_wait3A_3491 : memref<8x1024x128xf32, #tpu.memory_space<any>>)
    %dma_wait3A_3496 = arith.constant 2 : i32
    %dma_wait3A_3497 = tpu.memref_slice %arg3[%dma_wait3A_3496] : memref<8x!tpu.dma_semaphore, #tpu.memory_space<semaphore_mem>> -> memref<1x!tpu.dma_semaphore, #tpu.memory_space<semaphore_mem>>
    %dma_wait3A_3498 = tpu.memref_squeeze %dma_wait3A_3497 : memref<1x!tpu.dma_semaphore, #tpu.memory_space<semaphore_mem>> -> memref<!tpu.dma_semaphore, #tpu.memory_space<semaphore_mem>>
    %dma_wait3A_3499 = arith.constant 976 : i32
    %dma_wait3A_3500 = arith.constant 0 : i32
    %dma_wait3A_3501 = arith.constant 0 : i32
    %dma_wait3A_3502 = tpu.memref_slice %arg1[%dma_wait3A_3499, %dma_wait3A_3500, %dma_wait3A_3501] : memref<1024x1024x128xf32, #tpu.memory_space<any>> -> memref<8x1024x128xf32, #tpu.memory_space<any>>
    %dma_wait3A_3503 = arith.constant 0 : i32
    %dma_wait3A_3504 = arith.constant 80 : i32
    %dma_wait3A_3505 = arith.constant 0 : i32
    %dma_wait3A_3506 = tpu.memref_slice %arg2[%dma_wait3A_3503, %dma_wait3A_3504, %dma_wait3A_3505] : memref<8x2120x128xf32, #tpu.memory_space<vmem>> -> memref<8x1024x128xf32, #tpu.memory_space<vmem>>
    tpu.wait_dma2 semaphore(%dma_wait3A_3498 : memref<!tpu.dma_semaphore, #tpu.memory_space<semaphore_mem>>) src(%dma_wait3A_3506 : memref<8x1024x128xf32, #tpu.memory_space<vmem>>) dst(%dma_wait3A_3502 : memref<8x1024x128xf32, #tpu.memory_space<any>>)
    %dma_wait3A_3507 = arith.constant 3 : i32
    %dma_wait3A_3508 = tpu.memref_slice %arg3[%dma_wait3A_3507] : memref<8x!tpu.dma_semaphore, #tpu.memory_space<semaphore_mem>> -> memref<1x!tpu.dma_semaphore, #tpu.memory_space<semaphore_mem>>
    %dma_wait3A_3509 = tpu.memref_squeeze %dma_wait3A_3508 : memref<1x!tpu.dma_semaphore, #tpu.memory_space<semaphore_mem>> -> memref<!tpu.dma_semaphore, #tpu.memory_space<semaphore_mem>>
    %dma_wait3A_3510 = arith.constant 984 : i32
    %dma_wait3A_3511 = arith.constant 0 : i32
    %dma_wait3A_3512 = arith.constant 0 : i32
    %dma_wait3A_3513 = tpu.memref_slice %arg1[%dma_wait3A_3510, %dma_wait3A_3511, %dma_wait3A_3512] : memref<1024x1024x128xf32, #tpu.memory_space<any>> -> memref<8x1024x128xf32, #tpu.memory_space<any>>
    %dma_wait3A_3514 = arith.constant 0 : i32
    %dma_wait3A_3515 = arith.constant 72 : i32
    %dma_wait3A_3516 = arith.constant 0 : i32
    %dma_wait3A_3517 = tpu.memref_slice %arg2[%dma_wait3A_3514, %dma_wait3A_3515, %dma_wait3A_3516] : memref<8x2120x128xf32, #tpu.memory_space<vmem>> -> memref<8x1024x128xf32, #tpu.memory_space<vmem>>
    tpu.wait_dma2 semaphore(%dma_wait3A_3509 : memref<!tpu.dma_semaphore, #tpu.memory_space<semaphore_mem>>) src(%dma_wait3A_3517 : memref<8x1024x128xf32, #tpu.memory_space<vmem>>) dst(%dma_wait3A_3513 : memref<8x1024x128xf32, #tpu.memory_space<any>>)
    %dma_wait3A_3518 = arith.constant 4 : i32
    %dma_wait3A_3519 = tpu.memref_slice %arg3[%dma_wait3A_3518] : memref<8x!tpu.dma_semaphore, #tpu.memory_space<semaphore_mem>> -> memref<1x!tpu.dma_semaphore, #tpu.memory_space<semaphore_mem>>
    %dma_wait3A_3520 = tpu.memref_squeeze %dma_wait3A_3519 : memref<1x!tpu.dma_semaphore, #tpu.memory_space<semaphore_mem>> -> memref<!tpu.dma_semaphore, #tpu.memory_space<semaphore_mem>>
    %dma_wait3A_3521 = arith.constant 992 : i32
    %dma_wait3A_3522 = arith.constant 0 : i32
    %dma_wait3A_3523 = arith.constant 0 : i32
    %dma_wait3A_3524 = tpu.memref_slice %arg1[%dma_wait3A_3521, %dma_wait3A_3522, %dma_wait3A_3523] : memref<1024x1024x128xf32, #tpu.memory_space<any>> -> memref<8x1024x128xf32, #tpu.memory_space<any>>
    %dma_wait3A_3525 = arith.constant 0 : i32
    %dma_wait3A_3526 = arith.constant 64 : i32
    %dma_wait3A_3527 = arith.constant 0 : i32
    %dma_wait3A_3528 = tpu.memref_slice %arg2[%dma_wait3A_3525, %dma_wait3A_3526, %dma_wait3A_3527] : memref<8x2120x128xf32, #tpu.memory_space<vmem>> -> memref<8x1024x128xf32, #tpu.memory_space<vmem>>
    tpu.wait_dma2 semaphore(%dma_wait3A_3520 : memref<!tpu.dma_semaphore, #tpu.memory_space<semaphore_mem>>) src(%dma_wait3A_3528 : memref<8x1024x128xf32, #tpu.memory_space<vmem>>) dst(%dma_wait3A_3524 : memref<8x1024x128xf32, #tpu.memory_space<any>>)
    %dma_wait3A_3529 = arith.constant 5 : i32
    %dma_wait3A_3530 = tpu.memref_slice %arg3[%dma_wait3A_3529] : memref<8x!tpu.dma_semaphore, #tpu.memory_space<semaphore_mem>> -> memref<1x!tpu.dma_semaphore, #tpu.memory_space<semaphore_mem>>
    %dma_wait3A_3531 = tpu.memref_squeeze %dma_wait3A_3530 : memref<1x!tpu.dma_semaphore, #tpu.memory_space<semaphore_mem>> -> memref<!tpu.dma_semaphore, #tpu.memory_space<semaphore_mem>>
    %dma_wait3A_3532 = arith.constant 1000 : i32
    %dma_wait3A_3533 = arith.constant 0 : i32
    %dma_wait3A_3534 = arith.constant 0 : i32
    %dma_wait3A_3535 = tpu.memref_slice %arg1[%dma_wait3A_3532, %dma_wait3A_3533, %dma_wait3A_3534] : memref<1024x1024x128xf32, #tpu.memory_space<any>> -> memref<8x1024x128xf32, #tpu.memory_space<any>>
    %dma_wait3A_3536 = arith.constant 0 : i32
    %dma_wait3A_3537 = arith.constant 56 : i32
    %dma_wait3A_3538 = arith.constant 0 : i32
    %dma_wait3A_3539 = tpu.memref_slice %arg2[%dma_wait3A_3536, %dma_wait3A_3537, %dma_wait3A_3538] : memref<8x2120x128xf32, #tpu.memory_space<vmem>> -> memref<8x1024x128xf32, #tpu.memory_space<vmem>>
    tpu.wait_dma2 semaphore(%dma_wait3A_3531 : memref<!tpu.dma_semaphore, #tpu.memory_space<semaphore_mem>>) src(%dma_wait3A_3539 : memref<8x1024x128xf32, #tpu.memory_space<vmem>>) dst(%dma_wait3A_3535 : memref<8x1024x128xf32, #tpu.memory_space<any>>)
    %dma_wait3A_3540 = arith.constant 6 : i32
    %dma_wait3A_3541 = tpu.memref_slice %arg3[%dma_wait3A_3540] : memref<8x!tpu.dma_semaphore, #tpu.memory_space<semaphore_mem>> -> memref<1x!tpu.dma_semaphore, #tpu.memory_space<semaphore_mem>>
    %dma_wait3A_3542 = tpu.memref_squeeze %dma_wait3A_3541 : memref<1x!tpu.dma_semaphore, #tpu.memory_space<semaphore_mem>> -> memref<!tpu.dma_semaphore, #tpu.memory_space<semaphore_mem>>
    %dma_wait3A_3543 = arith.constant 1008 : i32
    %dma_wait3A_3544 = arith.constant 0 : i32
    %dma_wait3A_3545 = arith.constant 0 : i32
    %dma_wait3A_3546 = tpu.memref_slice %arg1[%dma_wait3A_3543, %dma_wait3A_3544, %dma_wait3A_3545] : memref<1024x1024x128xf32, #tpu.memory_space<any>> -> memref<8x1024x128xf32, #tpu.memory_space<any>>
    %dma_wait3A_3547 = arith.constant 0 : i32
    %dma_wait3A_3548 = arith.constant 48 : i32
    %dma_wait3A_3549 = arith.constant 0 : i32
    %dma_wait3A_3550 = tpu.memref_slice %arg2[%dma_wait3A_3547, %dma_wait3A_3548, %dma_wait3A_3549] : memref<8x2120x128xf32, #tpu.memory_space<vmem>> -> memref<8x1024x128xf32, #tpu.memory_space<vmem>>
    tpu.wait_dma2 semaphore(%dma_wait3A_3542 : memref<!tpu.dma_semaphore, #tpu.memory_space<semaphore_mem>>) src(%dma_wait3A_3550 : memref<8x1024x128xf32, #tpu.memory_space<vmem>>) dst(%dma_wait3A_3546 : memref<8x1024x128xf32, #tpu.memory_space<any>>)
    %dma_wait3A_3551 = arith.constant 7 : i32
    %dma_wait3A_3552 = tpu.memref_slice %arg3[%dma_wait3A_3551] : memref<8x!tpu.dma_semaphore, #tpu.memory_space<semaphore_mem>> -> memref<1x!tpu.dma_semaphore, #tpu.memory_space<semaphore_mem>>
    %dma_wait3A_3553 = tpu.memref_squeeze %dma_wait3A_3552 : memref<1x!tpu.dma_semaphore, #tpu.memory_space<semaphore_mem>> -> memref<!tpu.dma_semaphore, #tpu.memory_space<semaphore_mem>>
    %dma_wait3A_3554 = arith.constant 1016 : i32
    %dma_wait3A_3555 = arith.constant 0 : i32
    %dma_wait3A_3556 = arith.constant 0 : i32
    %dma_wait3A_3557 = tpu.memref_slice %arg1[%dma_wait3A_3554, %dma_wait3A_3555, %dma_wait3A_3556] : memref<1024x1024x128xf32, #tpu.memory_space<any>> -> memref<8x1024x128xf32, #tpu.memory_space<any>>
    %dma_wait3A_3558 = arith.constant 0 : i32
    %dma_wait3A_3559 = arith.constant 40 : i32
    %dma_wait3A_3560 = arith.constant 0 : i32
    %dma_wait3A_3561 = tpu.memref_slice %arg2[%dma_wait3A_3558, %dma_wait3A_3559, %dma_wait3A_3560] : memref<8x2120x128xf32, #tpu.memory_space<vmem>> -> memref<8x1024x128xf32, #tpu.memory_space<vmem>>
    tpu.wait_dma2 semaphore(%dma_wait3A_3553 : memref<!tpu.dma_semaphore, #tpu.memory_space<semaphore_mem>>) src(%dma_wait3A_3561 : memref<8x1024x128xf32, #tpu.memory_space<vmem>>) dst(%dma_wait3A_3557 : memref<8x1024x128xf32, #tpu.memory_space<any>>)
    return
  }
}

</mosaic_0001>

<sc_bundles>
// kernel: kernel.4.cloned.1.call-start
scs
__scs_entry_jumppad:
0x0: {  	(pc) =	sbr.rel $0x88, $3  }
0x1: {  	(tag) =	ssettag $0x0;
	lr =	simm.s32 $0x1  }
0x2: {  	[smem:$0x3F9D] =	sst lr;
	_ =	strace $0xD0000000  }
0x3: {  	_ = 	snop  }
0x4: {  	_ = 	snop  }
0x5: {  	_ = 	snop  }
0x6: {  	_ = 	snop  }
0x7: {  	_ = 	snop  }
__scs_overlays_trampoline_lowered:
0x8: {  	[smem:$0x3FAC] =	sst s0  }
0x9: {  	[smem:$0x3FAD] =	sst s1  }
0xa: {  	[smem:$0x3FAE] =	sst s2  }
0xb: {  	[smem:$0x3FAF] =	sst s3  }
0xc: {  	[smem:$0x3FB0] =	sst s4  }
0xd: {  	[smem:$0x3FB1] =	sst s5  }
0xe: {  	[smem:$0x3FB2] =	sst s6  }
0xf: {  	[smem:$0x3FB3] =	sst s7  }
0x10: {  	[smem:$0x3FB4] =	sst s8  }
0x11: {  	[smem:$0x3FB5] =	sst s9;
	s0 =	simm.s32 @!p0 $0x0  }
0x12: {  	s1 =	sld [smem:$0x3F9B];
	s0 =	simm.s32 @p0 $0x1  }
0x13: {  	[smem:$0x3FB6] =	sst s0;
	s0 =	simm.s32 @!p1 $0x0  }
0x14: {  	s2 =	sld [smem:$0x3F9A];
	s0 =	simm.s32 @p1 $0x1  }
0x15: {  	[smem:$0x3FB7] =	sst s0;
	s0 =	simm.s32 @!p2 $0x0  }
0x16: {  	s3 =	sld [smem:$0x3FDB];
	s0 =	simm.s32 @p2 $0x1  }
0x17: {  	s4 =	simm.s32 $0x1BF5;
	[smem:$0x3FB9] =	sst s0  }
0x18: {  	s0 =	sld [smem:$0x3F9C];
	_ =	swait.ge [sflag:s4], $0x0  }
0x19: {  	s7 =	sld [smem:$0x3F9D]  }
0x1a: {  	s8 =	sadd.s32 $0xFFFFE003, lr  }
0x1b: {  	s9 =	sadd.s32 $0xFFFFFEF7, lr;
	s5 =	simm.s32 $0xFFFFFFFF;
	p2 =	slt.u32 s8, $0xFFFFF086  }
0x1c: {  	p1 =	slt.u32 s9, $0xF7A;
	s5 =	simm.s32 @!p2 $0x0  }
0x1d: {  	s5 =	simm.s32 @p1 $0x1;
	p0 =	seq.s32 s7, s2  }
0x1e: {  	s7 =	smul.u32 @!p0 $0xF7A, s2;
	p2 =	seq.s32 @!p0 s5, $0x0  }
0x1f: {  	s9 =	smul.u32 $0xF7A, s1;
	s8 =	simm.s32 @!p0 $0x1BF5;
	p2 =	por !p2, p0  }
0x20: {  	[sflag:s8] =	ssyncset.s32 @!p0 $0xFFFFF086;
	s6 =	sadd.s32 @!p0 s3, s7;
	s7 =	simm.s32 @!p0 $0x108  }
0x21: {  	s3 =	sadd.s32 s3, s9;
	s6 =	sadd.s32 @!p0 $0x88, s6;
	s7 =	simm.s32 @p2 $0x1082  }
0x22: {  	[simem:s7], [sflag:s8] =	dma.local @!p0 [hbm:s6], $0xF7A  }
0x23: {  	s9 =	sor.u32 $0xD0000000, s2;
	s6 =	simm.s32 $0x108;
	_ =	swait.ge @!p0 [sflag:s8], $0x0  }
0x24: {  	s3 =	sadd.s32 $0x88, s3;
	s6 =	simm.s32 @!p1 $0x1082;
	[sflag:s4] =	ssyncset.s32 $0xFFFFF086  }
0x25: {  	[simem:s6], [sflag:s4] =	dma.local [hbm:s3], $0xF7A  }
0x26: {  	[smem:$0x3F9D] =	sst s1;
	(tag) =	ssettag s2;
	_ =	strace s9  }
0x27: {  	s1 =	sld [smem:$0x3FAD]  }
0x28: {  	s2 =	sld [smem:$0x3FAE]  }
0x29: {  	s4 =	sld [smem:$0x3FB0]  }
0x2a: {  	p0 =	seq.s32 s5, $0x0;
	s5 =	sld [smem:$0x3FB1]  }
0x2b: {  	s6 =	sld [smem:$0x3FB2]  }
0x2c: {  	s7 =	sld [smem:$0x3FB3]  }
0x2d: {  	s3 =	simm.s32 $0x108;
	s8 =	sld [smem:$0x3FB4]  }
0x2e: {  	s3 =	simm.s32 @!p0 $0x1082;
	s9 =	sld [smem:$0x3FB5]  }
0x2f: {  	lr =	sadd.s32 s0, s3;
	s0 =	sld [smem:$0x3FAC]  }
0x30: {  	s3 =	sld [smem:$0x3FAF]  }
0x31: {  	[smem:$0x3FB8] =	sst s10  }
0x32: {  	s10 =	sld [smem:$0x3FB6];
	_ =	sdelay $0x3  }
0x33: {  	p0 =	seq.s32 s10, $0x1;
	s10 =	sld [smem:$0x3FB8];
	_ =	sdelay $0x3  }
0x34: {  	[smem:$0x3FB8] =	sst s10  }
0x35: {  	s10 =	sld [smem:$0x3FB7];
	_ =	sdelay $0x3  }
0x36: {  	p1 =	seq.s32 s10, $0x1;
	s10 =	sld [smem:$0x3FB8];
	_ =	sdelay $0x3  }
0x37: {  	[smem:$0x3FB8] =	sst s10  }
0x38: {  	s10 =	sld [smem:$0x3FB9]  }
0x39: {  	_ = 	snop;
	(pc) =	sbr.ind lr, $3  }
0x3a: {  	_ = 	snop  }
0x3b: {  	_ = 	snop  }
0x3c: {  	p2 =	seq.s32 s10, $0x1;
	s10 =	sld [smem:$0x3FB8]  }
0x3d: {  	_ =	shalt  }
0x3e: {  	_ =	shalt  }
0x3f: {  	_ =	shalt  }
0x40: {  	_ =	shalt  }
0x41: {  	_ =	shalt  }
0x42: {  	_ =	shalt  }
0x43: {  	_ =	shalt  }
0x44: {  	_ =	shalt  }
0x45: {  	_ =	shalt  }
0x46: {  	_ =	shalt  }
0x47: {  	_ =	shalt  }
0x48: {  	_ =	shalt  }
0x49: {  	_ =	shalt  }
0x4a: {  	_ =	shalt  }
0x4b: {  	_ =	shalt  }
0x4c: {  	_ =	shalt  }
0x4d: {  	_ =	shalt  }
0x4e: {  	_ =	shalt  }
0x4f: {  	_ =	shalt  }
0x50: {  	_ =	shalt  }
0x51: {  	_ =	shalt  }
0x52: {  	_ =	shalt  }
0x53: {  	_ =	shalt  }
0x54: {  	_ =	shalt  }
0x55: {  	_ =	shalt  }
0x56: {  	_ =	shalt  }
0x57: {  	_ =	shalt  }
0x58: {  	_ =	shalt  }
0x59: {  	_ =	shalt  }
0x5a: {  	_ =	shalt  }
0x5b: {  	_ =	shalt  }
0x5c: {  	_ =	shalt  }
0x5d: {  	_ =	shalt  }
0x5e: {  	_ =	shalt  }
0x5f: {  	_ =	shalt  }
0x60: {  	_ =	shalt  }
0x61: {  	_ =	shalt  }
0x62: {  	_ =	shalt  }
0x63: {  	_ =	shalt  }
0x64: {  	_ =	shalt  }
0x65: {  	_ =	shalt  }
0x66: {  	_ =	shalt  }
0x67: {  	_ =	shalt  }
0x68: {  	_ =	shalt  }
0x69: {  	_ =	shalt  }
0x6a: {  	_ =	shalt  }
0x6b: {  	_ =	shalt  }
0x6c: {  	_ =	shalt  }
0x6d: {  	_ =	shalt  }
0x6e: {  	_ =	shalt  }
0x6f: {  	_ =	shalt  }
0x70: {  	_ =	shalt  }
0x71: {  	_ =	shalt  }
0x72: {  	_ =	shalt  }
0x73: {  	_ =	shalt  }
0x74: {  	_ =	shalt  }
0x75: {  	_ =	shalt  }
0x76: {  	_ =	shalt  }
0x77: {  	_ =	shalt  }
0x78: {  	_ =	shalt  }
0x79: {  	_ =	shalt  }
0x7a: {  	_ =	shalt  }
0x7b: {  	_ =	shalt  }
0x7c: {  	_ =	shalt  }
0x7d: {  	_ =	shalt  }
0x7e: {  	_ =	shalt  }
0x7f: {  	_ =	shalt  }
0x80: {  	_ =	shalt  }
0x81: {  	_ =	shalt  }
0x82: {  	_ =	shalt  }
0x83: {  	_ =	shalt  }
0x84: {  	_ =	shalt  }
0x85: {  	_ =	shalt  }
0x86: {  	_ =	shalt  }
0x87: {  	_ =	shalt  }
.Lfunc_end0:
.L_simem_size_0:
called_computation_lowered:
.L_overlay_start_0:
0x88: {  	s2 =	sld [smem:$0x3FD9]  }
0x89: {  	s3 =	sld [smem:$0x3FFE];
	_ =	sdelay $0x1  }
0x8a: {  	s1 =	srdreg.scid  }
0x8b: {  	s0 =	sand.u32 $0x1, s1  }
0x8c: {  	s14 =	sshll.u32 s0, $0xA;
	s2 =	sadd.s32 s3, s2  }
0x8d: {  	s2 =	sadd.s32 s2, s14  }
0x8e: {  	[smem:$0x3FC4] =	sst s2  }
0x8f: {  	_ = 	snop  }
0x90: {  	s2 =	sld [smem:$0x3FD0];
	_ =	sdelay $0x2  }
0x91: {  	s4 =	simm.s32 $0xA;
	s5 =	simm.s32 $0x10;
	s15 =	sld [smem:$0x3FC9]  }
0x92: {  	[smem:s5], [sflag:s4] =	dma.local [hbm:s2], $0x1  }
0x93: {  	_ =	swait.eq [sflag:s4], $0x1  }
0x94: {  	[sflag:s4] =	ssyncset.done $0x0  }
0x95: {  	[sflag:s4] =	ssyncadd.s32 $0xFFFFFFFF  }
0x96: {  	s16 =	sld [smem:$0x10];
	(tm) =	ssettm $0x1  }
0x97: {  	s17 =	sld [smem:$0x3FFB];
	_ =	sdelay $0x3  }
0x98: {  	_ =	strace s17  }
0x99: {  	s4 =	sld [smem:$0x3FFC];
	_ =	sdelay $0x3  }
0x9a: {  	_ =	strace s4  }
0x9b: {  	s4 =	sld [smem:$0x3FFD];
	_ =	sdelay $0x3  }
0x9c: {  	_ =	strace s4  }
0x9d: {  	_ =	strace $0x8FFFFFFF  }
0x9e: {  	s18 =	sld [smem:$0x3FDB];
	_ =	sdelay $0x1  }
0x9f: {  	s19 =	simm.s32 $_scs_section_size  }
0xa0: {  	s6 =	simm.s32 $_size__tile_overlayer_lowered;
	s7 =	simm.s32 $_tile_overlayer_lowered  }
0xa1: {  	s22 =	simm.s32 $0x1BFF;
	s21 =	sshll.u32 s7, $0x1;
	s4 =	sadd.s32 s19, s18  }
0xa2: {  	s8 =	simm.s32 $0x0;
	s20 =	sshll.u32 s6, $0x1;
	s6 =	sadd.s32 s21, s4  }
0xa3: {  	[timem:s8], [sflag:s22] =	dma.local [hbm:s6], s20  }
0xa4: {  	_ =	swait.ge [sflag:s22], s20  }
0xa5: {  	s5 =	ssub.s32 $0x0, s20;
	[sflag:s22] =	ssyncset.done $0x0  }
0xa6: {  	[sflag:s22] =	ssyncadd.s32 s5;
	_ =	sdelay $0x1  }
0xa7: {  	s23 =	simm.s32 $0x1B8B  }
0xa8: {  	_ =	swait.ge [sflag:s23], $0x1  }
0xa9: {  	[sflag:s23] =	ssyncset.done $0x0  }
0xaa: {  	s25 =	simm.s32 $0x1B8E;
	s24 =	sld [smem:$0x3FFE];
	[sflag:s23] =	ssyncadd.s32 $0xFFFFFFFF  }
0xab: {  	s26 =	simm.s32 $execute0_lowered;
	[smem:$0x3FD2] =	sst s25  }
0xac: {  	s6 =	sshll.u32 s26, $0x1;
	_ =	strace $0x80000046;
	[dreg:$0x1] =	wrdreg $0xFFFFFFFF  }
0xad: {  	s28 =	simm.s32 $_size_execute0_lowered;
	s4 =	sadd.s32 s4, s6;
	[dreg:$0x0] =	wrdreg $0x0  }
0xae: {  	s6 =	sshll.u32 s28, $0x1;
	[dreg:$0x2] =	wrdreg s4  }
0xaf: {  	[dreg:$0x3] =	wrdreg s6  }
0xb0: {  	[dreg:$0x4] =	wrdreg $0xC0  }
0xb1: {  	_ =	task [dreg:s8], $0x5FFFF  }
0xb2: {  	[dreg:$0x1] =	wrdreg $0xFFFFFFFF  }
0xb3: {  	[dreg:$0x0] =	wrdreg $0x60  }
0xb4: {  	[dreg:$0x2] =	wrdreg s24  }
0xb5: {  	[dreg:$0x3] =	wrdreg s15  }
0xb6: {  	[dreg:$0x4] =	wrdreg s16  }
0xb7: {  	[dreg:$0x5] =	wrdreg $0x9  }
0xb8: {  	_ =	task.clear_ibuf [dreg:s8], $0x6FFFF;
	_ =	strace $0x90000046  }
0xb9: {  	s29 =	simm.s32 $0x9;
	_ =	strace $0x80000048  }
0xba: {  	_ =	swait.ge [sflag:s29], $0x1  }
0xbb: {  	[sflag:s29] =	ssyncadd.s32 $0xFFFFFFFF  }
0xbc: {  	_ =	strace $0x90000048  }
0xbd: {  	_ =	sfence  }
0xbe: {  	s30 =	sld [smem:$0x0];
	_ =	sdelay $0x2  }
0xbf: {  	s31 =	sshll.u32 s1, $0xD;
	s1 =	sshrl.u32 s1, $0x2  }
0xc0: {  	s3 =	sand.u32 $0x4000, s31;
	s1 =	sadd.s32 s1, s30  }
0xc1: {  	s0 =	sor.u32 s3, s0;
	s1 =	sshll.u32 s1, $0x11  }
0xc2: {  	s0 =	sor.u32 s1, s0  }
0xc3: {  	s0 =	sadd.s32 $0x8F2B, s0  }
0xc4: {  	[sflag:s0] =	ssyncadd.remote.s32 $0x1  }
0xc5: {  	_ =	sfence.sel $0xFFFF  }
0xc6: {  	[dreg:$0x0] =	wrdreg $0xFFFFFFFF;
	(pc) =	sbr.abs _section_cstart, $3  }
0xc7: {  	[dreg:$0x1] =	wrdreg $0xFFFFFFFF  }
0xc8: {  	_ =	task.clear_ibuf [dreg:s8], $0x2FFFF;
	_ =	strace $0x9FFFFFFF  }
0xc9: {  	(tm) =	ssettm $0x7FFFFFFF  }
tec
execute0_lowered:
.L_overlay_start_1:
0x0: {  	(tag) =	ssettag $0x1  }
0x1: {  	s5 =	rddreg [dreg:$0x0]  }
0x2: {  	s4 =	rddreg [dreg:$0x1]  }
0x3: {  	s6 =	rddreg [dreg:$0x2]  }
0x4: {  	s0 =	rddreg [dreg:$0x3];
	s3 =	srdreg.scid  }
0x5: {  	s2 =	simm.s32 $0x0;
	s1 =	stileid.u32;
	s11 =	simm.s32 $0xC80  }
0x6: {  	s12 =	simm.s32 $0x1480;
	s13 =	simm.s32 $0x1880;
	s14 =	simm.s32 $0x2080  }
0x7: {  	s15 =	simm.s32 $0x2480;
	s16 =	simm.s32 $0x2C80;
	s17 =	simm.s32 $0x1  }
0x8: {  	s3 =	sand.u32 $0x1, s3;
	[smem:$0x7FF] =	sst s2;
	s7 =	sshll.u32 s1, $0x3  }
0x9: {  	s8 =	sshll.u32 s3, $0x2;
	_ =	strace $0x80000047;
	s9 =	ssub.s32 $0x2, s3  }
0xa: {  	s3 =	sadd.s32 $0x600, s5;
	s7 =	sor.u32 s8, s7;
	s31 =	sshrl.u32 s9, $0x1  }
0xb: {  	v2 =	vlaneseq.u32;
	s5 =	sadd.s32 $0x700, s5;
	s10 =	smul.u32 $0x180, s7;
	s8 =	ssub.s32 s9, s31  }
0xc: {  	vm0 =	vmmov $0xffff;
	vm1 =	vmmov $0xff;
	v1 =	vshrl.u32 v2, $0x3;
	s4 =	sadd.s32 s4, s7;
	s9 =	simm.s32 $0x80;
	s7 =	smax.u32 s8, $0x1  }
0xd: {  	v0 =	vand.u32 $0x7, v2;
	v2 =	vor.u32 $0x8, v2;
	v1 =	vmul.u32 $0x8, v1;
	s8 =	simm.s32 $0x2;
	s6 =	sadd.s32 s6, s10;
	s10 =	simm.s32 $0x880  }
.LBB2_1:
0xe: {  	[tilespmem:s2], [sflag:$0x2] =	stream.linear.gather [hbm4b:s4+s2], $0x20, $0x38;
	[tilespmem:$0x3080] =	vst v63  }
0xf: {  	_ =	swait.ge [sflag:s8], $0x20  }
0x10: {  	[sflag:s8] =	ssyncset.done $0x0  }
0x11: {  	[sflag:s8] =	ssyncadd.s32 $0xFFFFFFE0  }
0x12: {  	v3 =	vld [tilespmem:$0x0];
	_ =	sdelay $0x4  }
0x13: {  	v4 =	vshrl.u32 v3, $0x3  }
0x14: {  	v4 =	vmul.u32 $0x18, v4  }
0x15: {  	v3 =	vand.u32 $0x7, v3  }
0x16: {  	v3 =	vor.u32 v3, v4  }
0x17: {  	v4 =	vperm.xlane v3, v0;
	_ =	sdelay $0x1  }
0x18: {  	v4 =	vadd.s32 v1, v4;
	_ =	sdelay $0x1  }
0x19: {  	v3 =	vperm.xlane v3, v2;
	_ =	sdelay $0x1  }
0x1a: {  	v3 =	vadd.s32 v1, v3  }
0x1b: {  	[tilespmem:s9], [sflag:$0x1] =	stream.indirect_vreg.gather [hbm4b:s3+s2], $0x80, v4, vm0, $0xb8;
	[tilespmem:$0x3080] =	vst v63  }
0x1c: {  	_ = 	snop  }
0x1d: {  	[tilespmem:s10], [sflag:$0x1] =	stream.indirect_vreg.gather [hbm4b:s5+s2], $0x80, v4, vm1, $0xb8;
	[tilespmem:$0x3080] =	vst v63  }
0x1e: {  	_ = 	snop  }
0x1f: {  	[tilespmem:s11], [sflag:$0x1] =	stream.indirect_vreg.gather [hbm4b:s3+s2], $0x80, v3, vm0, $0xb8;
	[tilespmem:$0x3080] =	vst v63  }
0x20: {  	_ = 	snop  }
0x21: {  	[tilespmem:s12], [sflag:$0x1] =	stream.indirect_vreg.gather [hbm4b:s5+s2], $0x80, v3, vm1, $0xb8;
	[tilespmem:$0x3080] =	vst v63  }
0x22: {  	v3 =	vld [tilespmem:$0x10];
	_ =	sdelay $0x4  }
0x23: {  	v63 =	vshrl.u32 v3, $0x3  }
0x24: {  	v4 =	vmul.u32 $0x18, v63  }
0x25: {  	v3 =	vand.u32 $0x7, v3  }
0x26: {  	v3 =	vor.u32 v3, v4  }
0x27: {  	v4 =	vperm.xlane v3, v0;
	_ =	sdelay $0x1  }
0x28: {  	v4 =	vadd.s32 v1, v4;
	_ =	sdelay $0x1  }
0x29: {  	v3 =	vperm.xlane v3, v2;
	_ =	sdelay $0x1  }
0x2a: {  	v3 =	vadd.s32 v1, v3  }
0x2b: {  	[tilespmem:s13], [sflag:$0x1] =	stream.indirect_vreg.gather [hbm4b:s3+s2], $0x80, v4, vm0, $0xb8;
	[tilespmem:$0x3080] =	vst v63  }
0x2c: {  	_ = 	snop  }
0x2d: {  	[tilespmem:s14], [sflag:$0x1] =	stream.indirect_vreg.gather [hbm4b:s5+s2], $0x80, v4, vm1, $0xb8;
	[tilespmem:$0x3080] =	vst v63  }
0x2e: {  	_ = 	snop  }
0x2f: {  	[tilespmem:s15], [sflag:$0x1] =	stream.indirect_vreg.gather [hbm4b:s3+s2], $0x80, v3, vm0, $0xb8;
	[tilespmem:$0x3080] =	vst v63  }
0x30: {  	_ = 	snop  }
0x31: {  	[tilespmem:s16], [sflag:$0x1] =	stream.indirect_vreg.gather [hbm4b:s5+s2], $0x80, v3, vm1, $0xb8;
	[tilespmem:$0x3080] =	vst v63  }
0x32: {  	_ =	swait.ge [sflag:s17], $0x3000  }
0x33: {  	p0 =	sne.s32 s7, $0x1;
	[sflag:s17] =	ssyncset.done $0x0  }
.Ltmp0:
0x34: {  	[sflag:s17] =	ssyncadd.s32 $0xFFFFD000;
	(pc) =	sbr.rel @p0 .LBB2_1-.Ltmp0, $4  }
0x35: {  	[hbm4b:s6+s2] =	stream.linear.scatter [tilespmem:s9], [sflag:$0x2], $0x3000, $0x38;
	[tilespmem:$0x3080] =	vst v63  }
0x36: {  	_ =	swait.ge [sflag:s8], $0x3000  }
0x37: {  	[sflag:s8] =	ssyncset.done $0x0  }
0x38: {  	s7 =	sadd.s32 $0xFFFFFFFF, s7;
	[sflag:s8] =	ssyncadd.s32 $0xFFFFD000  }
0x39: {  	_ =	sfence.sel $0x180000  }
0x3a: {  	[bflag:$0x0] =	sbarrier.arrive $0xFFFF  }
0x3b: {  	p0 =	sne.s32 s1, $0x0;
	_ =	strace $0x90000047  }
0x3c: {  	s0 =	sadd.s32 @!p0 $0x100000, s0;
	[bflag:$0x2] =	sbarrier.arrive $0xFFFF  }
0x3d: {  	[sflag:s0] =	ssyncadd.tile.s32 @!p0 $0x1;
	_ =	shalt  }
.Lfunc_end2:
_tile_overlayer_lowered:
.L_overlay_start_2:
0x3e: {  	(tag) =	ssettag $0x2  }
0x3f: {  	s0 =	rddreg [dreg:$0x0];
	s2 =	stileid.u32  }
0x40: {  	s1 =	rddreg [dreg:$0x1];
	p0 =	sne.s32 s2, $0x0  }
0x41: {  	s3 =	rddreg [dreg:$0x2];
	[bflag:$0x3] =	sbarrier.arrive $0xFFFF;
	s2 =	simm.s32 @!p0 $0x1C02  }
0x42: {  	[timem:s3], [sflag:s2] =	dma.local @!p0 [hbm:s0], s1  }
0x43: {  	s0 =	simm.s32 @!p0 $0x2  }
0x44: {  	_ =	swait.ge @!p0 [sflag:s0], s1  }
0x45: {  	s1 =	ssub.s32 @!p0 $0x0, s1;
	[sflag:s0] =	ssyncset.done @!p0 $0x0  }
0x46: {  	[sflag:s0] =	ssyncadd.s32 @!p0 s1  }
0x47: {  	[bflag:$0x3] =	sbarrier.arrive $0xFFFF  }
0x48: {  	_ =	shalt  }

</sc_bundles>
